<compile_context>
chip_gen: v7x
topology: tpu7x:2x2x1
jax: 0.10.2.dev20260603
libtpu: 0.0.44.dev20260713+nightly
codegen_flags: <defaults>
</compile_context>

<pallas_src>
import functools

import jax
import jax.numpy as jnp
from jax import lax
from jax.experimental import pallas as pl
from jax.experimental.pallas import tpu as pltpu
from jax.experimental.pallas import tpu_sc as plsc

N_NODES = 10000
N_EDGES = 320000
D = 128
BOND = 16

NC = 2
NS = 16
NW = NC * NS
EPW = N_EDGES // NW
CHUNK = 40
NCHUNK = EPW // CHUNK
IB = 25
NBLK = NCHUNK // IB
NPAD = 10240
RPT = NPAD // NS
BE = EPW
BE2 = BE // 2
D2 = D // 2
NSUPER = BE2 // CHUNK


def _prelude_body(e_ref, w_ref, b_ref, x_ref, ew_ref, xs_ref, xd_ref):
    ew = (
        jnp.dot(e_ref[...].astype(jnp.bfloat16),
                w_ref[2 * D:, :].astype(jnp.bfloat16),
                preferred_element_type=jnp.float32)
        + b_ref[...]
    )
    bits = jax.lax.bitcast_convert_type(ew, jnp.uint32)
    bf = bits & jnp.uint32(0xFFFF0000)
    word = (bf[:, 0:D2] >> jnp.uint32(16)) | bf[:, D2:D]
    ew_ref[...] = jax.lax.bitcast_convert_type(
        jnp.concatenate([word[0:BE2, :], word[BE2:BE, :]], axis=1), jnp.int32)

    @pl.when(pl.program_id(0) == 0)
    def _():
        xv = x_ref[...]
        xs_ref[...] = jnp.dot(xv, w_ref[0:D, :],
                              preferred_element_type=jnp.float32)
        xd_ref[...] = jnp.dot(xv, w_ref[D:2 * D, :],
                              preferred_element_type=jnp.float32)


def _sc_edge_body(xs_hbm, xd_hbm, ew_hbm, ei_hbm, out_hbm,
                  i0s, i0d, i1s, i1d,
                  a0, b0, a1, b1, e0, e1,
                  agg_sh,
                  sa0, sb0, sa1, sb1, se0, se1):
    cid = lax.axis_index("c")
    sid = lax.axis_index("s")
    wid = sid * NC + cid
    rowbase = wid * BE2

    z = jnp.zeros((16,), jnp.float32)

    def zvec(r, carry):
        for k in range(8):
            a0[r, pl.ds(k * 16, 16)] = z
        return carry
    lax.fori_loop(0, CHUNK, zvec, 0)

    def zcopy(j, carry):
        pltpu.sync_copy(a0, agg_sh.at[pl.ds(sid * RPT + j * CHUNK, CHUNK)])
        return carry
    lax.fori_loop(0, RPT // CHUNK, zcopy, 0)
    plsc.subcore_barrier()

    gsets = ((a0, b0, sa0, sb0), (a1, b1, sa1, sb1))
    ebufs = ((e0, se0), (e1, se1))
    iblocks = ((i0s, i0d), (i1s, i1d))

    def fetch_block(b, p):
        ibs, ibd = iblocks[p]
        pltpu.sync_copy(ei_hbm.at[0, wid, b], ibs)
        pltpu.sync_copy(ei_hbm.at[1, wid, b], ibd)

    def ew_desc(j, p):
        e, se = ebufs[p]
        return pltpu.make_async_copy(
            ew_hbm.at[pl.ds(rowbase + j * CHUNK, CHUNK)], e, se)

    def start1(t, s, p):
        a, b, sa, sb = gsets[s]
        ibs, ibd = iblocks[p]
        off = t % IB
        pltpu.make_async_copy(xs_hbm.at[ibs.at[off]], a, sa).start()
        pltpu.make_async_copy(xd_hbm.at[ibd.at[off]], b, sb).start()

    def start(t, s):
        par = (t // IB) % 2

        @pl.when(par == 0)
        def _():
            start1(t, s, 0)

        @pl.when(par == 1)
        def _():
            start1(t, s, 1)

    def compute(s, ep):
        a, b, sa, sb = gsets[s]
        e, se = ebufs[ep]

        def rowfn(r, carry):
            for g in range(4):
                w16 = e[r, pl.ds(D2 * s + 16 * g, 16)]
                lo = jax.lax.bitcast_convert_type(
                    jnp.left_shift(w16, 16), jnp.float32)
                hi = jax.lax.bitcast_convert_type(
                    jnp.bitwise_and(w16, jnp.int32(-65536)), jnp.float32)
                sll = pl.ds(16 * g, 16)
                slh = pl.ds(D2 + 16 * g, 16)
                a[r, sll] = jnp.maximum(a[r, sll] + b[r, sll] + lo, 0.0)
                a[r, slh] = jnp.maximum(a[r, slh] + b[r, slh] + hi, 0.0)
            return carry
        lax.fori_loop(0, CHUNK, rowfn, 0)

    def finish1(t, s, p):
        a, b, sa, sb = gsets[s]
        ibs, ibd = iblocks[p]
        off = t % IB
        pltpu.make_async_copy(xs_hbm.at[ibs.at[off]], a, sa).wait()
        pltpu.make_async_copy(xd_hbm.at[ibd.at[off]], b, sb).wait()
        j = t // 2

        @pl.when(j % 2 == 0)
        def _():
            if s == 0:
                ew_desc(j, 0).wait()
            compute(s, 0)

        @pl.when(j % 2 == 1)
        def _():
            if s == 0:
                ew_desc(j, 1).wait()
            compute(s, 1)

        pltpu.sync_copy(a, agg_sh.at[ibd.at[off]], add=True)

    def finish(t, s):
        par = (t // IB) % 2

        @pl.when(par == 0)
        def _():
            finish1(t, s, 0)

        @pl.when(par == 1)
        def _():
            finish1(t, s, 1)

    fetch_block(0, 0)
    ew_desc(0, 0).start()
    start(0, 0)

    def body(t, carry):
        @pl.when(t % IB == 0)
        def _():
            nb = t // IB + 1

            @pl.when(jnp.logical_and(nb < NBLK, nb % 2 == 0))
            def _():
                fetch_block(nb, 0)

            @pl.when(jnp.logical_and(nb < NBLK, nb % 2 == 1))
            def _():
                fetch_block(nb, 1)

        @pl.when(t % 2 == 0)
        def _():
            nj = t // 2 + 1

            @pl.when(jnp.logical_and(nj < NSUPER, nj % 2 == 0))
            def _():
                ew_desc(nj, 0).start()

            @pl.when(jnp.logical_and(nj < NSUPER, nj % 2 == 1))
            def _():
                ew_desc(nj, 1).start()

        nxt = t + 1
        even = (t % 2) == 0

        @pl.when(jnp.logical_and(nxt < NCHUNK, jnp.logical_not(even)))
        def _():
            start(nxt, 0)

        @pl.when(jnp.logical_and(nxt < NCHUNK, even))
        def _():
            start(nxt, 1)

        @pl.when(even)
        def _():
            finish(t, 0)

        @pl.when(jnp.logical_not(even))
        def _():
            finish(t, 1)
        return carry
    lax.fori_loop(0, NCHUNK, body, 0)

    plsc.subcore_barrier()
    pltpu.sync_copy(agg_sh.at[pl.ds(sid * RPT, RPT)],
                    out_hbm.at[cid, pl.ds(sid * RPT, RPT)])


def _update_body(x_ref, agg_ref, w_ref, b_ref, h_ref, p_ref):
    agg = (agg_ref[0] + agg_ref[1])[0:N_NODES, :]
    u = (jnp.dot(x_ref[...], w_ref[0:D, :], preferred_element_type=jnp.float32)
         + jnp.dot(agg, w_ref[D:, :], preferred_element_type=jnp.float32)
         + b_ref[...])
    h = jnp.maximum(u, 0.0)
    h_ref[...] = h
    p_ref[...] = jnp.sum(h, axis=0, keepdims=True)


def kernel(x, edge_index, edge_attr, W_msg, b_msg, W_upd, b_upd):
    ei = (edge_index.astype(jnp.int32)
          .reshape(2, NW, 2, NSUPER, CHUNK)
          .transpose(0, 1, 3, 2, 4)
          .reshape(2, NW, NBLK, IB, CHUNK))

    ew, xs, xd = pl.pallas_call(
        _prelude_body,
        grid=(N_EDGES // BE,),
        in_specs=[
            pl.BlockSpec((BE, BOND), lambda i: (i, 0)),
            pl.BlockSpec((2 * D + BOND, D), lambda i: (0, 0)),
            pl.BlockSpec((1, D), lambda i: (0, 0)),
            pl.BlockSpec((N_NODES, D), lambda i: (0, 0)),
        ],
        out_specs=(
            pl.BlockSpec((BE2, D), lambda i: (i, 0)),
            pl.BlockSpec((N_NODES, D), lambda i: (0, 0)),
            pl.BlockSpec((N_NODES, D), lambda i: (0, 0)),
        ),
        out_shape=(
            jax.ShapeDtypeStruct((N_EDGES // 2, D), jnp.int32),
            jax.ShapeDtypeStruct((N_NODES, D), jnp.float32),
            jax.ShapeDtypeStruct((N_NODES, D), jnp.float32),
        ),
    )(edge_attr, W_msg, b_msg.reshape(1, D), x)

    sc_edge = functools.partial(
        pl.kernel,
        out_type=jax.ShapeDtypeStruct((NC, NPAD, D), jnp.float32),
        mesh=plsc.VectorSubcoreMesh(core_axis_name="c", subcore_axis_name="s"),
        scratch_types=(
            [pltpu.VMEM((IB, CHUNK), jnp.int32)] * 4
            + [pltpu.VMEM((CHUNK, D), jnp.float32)] * 4
            + [pltpu.VMEM((CHUNK, D), jnp.int32)] * 2
            + [pltpu.VMEM_SHARED((NPAD, D), jnp.float32)]
            + [pltpu.SemaphoreType.DMA] * 6
        ),
    )(_sc_edge_body)
    agg2 = sc_edge(xs, xd, ew, ei)

    h, pooled = pl.pallas_call(
        _update_body,
        out_shape=(
            jax.ShapeDtypeStruct((N_NODES, D), jnp.float32),
            jax.ShapeDtypeStruct((1, D), jnp.float32),
        ),
    )(x, agg2, W_upd, b_upd.reshape(1, D))
    return (h, pooled)

# --- scband reference (transcript-rebuilt; emitter-appended) ---
"""Pipeline reference for scband-battaglia-nmp-40484361732766 (READ-ONLY COPY).

The authoritative reference and input builder live on the scoring server;
editing this copy changes nothing except your own understanding.
"""

import jax, jax.numpy as jnp
import numpy as np

N_NODES = 10000
N_EDGES = 320000
ATOM_DIM = 128
BOND_DIM = 16
HID_DIM = 128


def setup_inputs(seed: int = 0) -> dict:
    key = jax.random.key(seed)
    ks = jax.random.split(key, 8)
    x = jax.random.normal(ks[0], (N_NODES, ATOM_DIM), dtype=jnp.float32)
    edge_index = jax.random.randint(ks[1], (2, N_EDGES), 0, N_NODES)
    edge_attr = jax.random.normal(ks[2], (N_EDGES, BOND_DIM), dtype=jnp.float32)
    # BattagliaMsg: Linear(atom_dim + atom_dim + bond_dim -> hid) applied to [h_src, h_dst, e]
    msg_in = ATOM_DIM + ATOM_DIM + BOND_DIM
    W_msg = jax.random.normal(ks[3], (msg_in, HID_DIM), dtype=jnp.float32) / np.sqrt(msg_in)
    b_msg = jnp.zeros((HID_DIM,), dtype=jnp.float32)
    # BattagliaUpdate: Linear(atom_dim + hid -> hid) applied to [h, agg_msg] (x_dim=0)
    upd_in = ATOM_DIM + HID_DIM
    W_upd = jax.random.normal(ks[4], (upd_in, HID_DIM), dtype=jnp.float32) / np.sqrt(upd_in)
    b_upd = jnp.zeros((HID_DIM,), dtype=jnp.float32)
    return {"x": x, "edge_index": edge_index, "edge_attr": edge_attr,
            "W_msg": W_msg, "b_msg": b_msg, "W_upd": W_upd, "b_upd": b_upd}


def reference(x, edge_index, edge_attr, W_msg, b_msg, W_upd, b_upd):
    # pack_graph: batched graph treated as one graph of N_NODES nodes.
    # _update_nodes / _scale_dim: in_size == ft_size -> identity (no size_matcher)
    h = x
    src = edge_index[0]
    dst = edge_index[1]
    # single update block (n_update = 1)
    # message: BattagliaMsg over concat([h_src, h_dst, e_attr])
    h_src = jnp.take(h, src, axis=0)
    h_dst = jnp.take(h, dst, axis=0)
    m_in = jnp.concatenate([h_src, h_dst, edge_attr], axis=-1)
    m = jax.nn.relu(m_in @ W_msg + b_msg)
    # reduce: sum messages into destination nodes (scatter-add)
    agg = jax.ops.segment_sum(m, dst, num_segments=N_NODES)
    # node update: BattagliaUpdate over concat([h, agg]) (x_dim = 0)
    u_in = jnp.concatenate([h, agg], axis=-1)
    h_new = jax.nn.relu(u_in @ W_upd + b_upd)
    # gather: dgl.sum_nodes over the (single) graph
    pooled = jnp.sum(h_new, axis=0, keepdims=True)
    return (h_new, pooled)

if __name__ == "__main__":
    import jax
    _d = setup_inputs()
    print(jax.jit(kernel)(*tuple(_d.values())))

</pallas_src>

<mosaic_0001>
#map = affine_map<(d0, d1) -> (0, 0)>
#map1 = affine_map<(d0, d1) -> (0, 0, 0, 0, 0)>
#map2 = affine_map<(d0, d1) -> (0, 0, 0)>
module attributes {stable_mosaic.version = 14 : i64} {
  func.func @_sc_edge_body(%arg0: i32, %arg1: i32, %arg2: memref<10000x128xf32, #tpu.memory_space<hbm>>, %arg3: memref<10000x128xf32, #tpu.memory_space<hbm>>, %arg4: memref<160000x128xi32, #tpu.memory_space<hbm>>, %arg5: memref<2x32x10x25x40xi32, #tpu.memory_space<hbm>>, %arg6: memref<2x10240x128xf32, #tpu.memory_space<hbm>>, %arg7: memref<25x40xi32, #tpu.memory_space<vmem>>, %arg8: memref<25x40xi32, #tpu.memory_space<vmem>>, %arg9: memref<25x40xi32, #tpu.memory_space<vmem>>, %arg10: memref<25x40xi32, #tpu.memory_space<vmem>>, %arg11: memref<40x128xf32, #tpu.memory_space<vmem>>, %arg12: memref<40x128xf32, #tpu.memory_space<vmem>>, %arg13: memref<40x128xf32, #tpu.memory_space<vmem>>, %arg14: memref<40x128xf32, #tpu.memory_space<vmem>>, %arg15: memref<40x128xi32, #tpu.memory_space<vmem>>, %arg16: memref<40x128xi32, #tpu.memory_space<vmem>>, %arg17: memref<10240x128xf32, #tpu.memory_space<vmem_shared>>, %arg18: memref<!tpu.dma_semaphore, #tpu.memory_space<semaphore_mem>>, %arg19: memref<!tpu.dma_semaphore, #tpu.memory_space<semaphore_mem>>, %arg20: memref<!tpu.dma_semaphore, #tpu.memory_space<semaphore_mem>>, %arg21: memref<!tpu.dma_semaphore, #tpu.memory_space<semaphore_mem>>, %arg22: memref<!tpu.dma_semaphore, #tpu.memory_space<semaphore_mem>>, %arg23: memref<!tpu.dma_semaphore, #tpu.memory_space<semaphore_mem>>) attributes {dimension_semantics = [#tpu.dimension_semantics<core_parallel>, #tpu.dimension_semantics<subcore_parallel>], iteration_bounds = array<i64: 2, 16>, scalar_prefetch = 0 : i64, scratch_operands = 17 : i64, tpu.core_type = #tpu.core_type<sc_vector_subcore>, window_params = [{transform_indices = #map}, {transform_indices = #map}, {transform_indices = #map}, {transform_indices = #map1}, {transform_indices = #map2}]} {
    %mul3A = arith.constant 2 : i32
    %mul3A_0 = arith.muli %arg1, %mul3A : i32
    %add3A = arith.addi %mul3A_0, %arg0 : i32
    %mul3A_1 = arith.constant 5000 : i32
    %mul3A_2 = arith.muli %add3A, %mul3A_1 : i32
    %broadcast_in_dim3A = arith.constant 0.000000e+00 : f32
    %broadcast_in_dim3A_3 = vector.broadcast %broadcast_in_dim3A : f32 to vector<16xf32>
    %scan3A = arith.constant 0 : i32
    %scan3A_4 = arith.constant 0 : i32
    %scan3A_5 = arith.constant 40 : i32
    %scan3A_6 = arith.addi %scan3A_4, %scan3A_5 : i32
    %scan3A_7 = arith.constant 1 : i32
    scf.for %scan3A_48 = %scan3A_4 to %scan3A_6 step %scan3A_7  : i32 {
      %swap3A = arith.index_cast %scan3A_48 : i32 to index
      %swap3A_49 = arith.constant 0 : index
      %swap3A_50 = tpu.vector_load %arg11[%swap3A, %swap3A_49] {strides = array<i32>} : memref<40x128xf32, #tpu.memory_space<vmem>>, vector<1x16xf32>,
      %swap3A_51 = vector.shape_cast %swap3A_50 : vector<1x16xf32> to vector<16xf32>
      %swap3A_52 = vector.shape_cast %broadcast_in_dim3A_3 : vector<16xf32> to vector<1x16xf32>
      tpu.vector_store %arg11[%swap3A, %swap3A_49], %swap3A_52 {strides = array<i32>} : memref<40x128xf32, #tpu.memory_space<vmem>>, vector<1x16xf32>,
      %swap3A_53 = arith.index_cast %scan3A_48 : i32 to index
      %swap3A_54 = arith.constant 16 : index
      %swap3A_55 = tpu.vector_load %arg11[%swap3A_53, %swap3A_54] {strides = array<i32>} : memref<40x128xf32, #tpu.memory_space<vmem>>, vector<1x16xf32>,
      %swap3A_56 = vector.shape_cast %swap3A_55 : vector<1x16xf32> to vector<16xf32>
      %swap3A_57 = vector.shape_cast %broadcast_in_dim3A_3 : vector<16xf32> to vector<1x16xf32>
      tpu.vector_store %arg11[%swap3A_53, %swap3A_54], %swap3A_57 {strides = array<i32>} : memref<40x128xf32, #tpu.memory_space<vmem>>, vector<1x16xf32>,
      %swap3A_58 = arith.index_cast %scan3A_48 : i32 to index
      %swap3A_59 = arith.constant 32 : index
      %swap3A_60 = tpu.vector_load %arg11[%swap3A_58, %swap3A_59] {strides = array<i32>} : memref<40x128xf32, #tpu.memory_space<vmem>>, vector<1x16xf32>,
      %swap3A_61 = vector.shape_cast %swap3A_60 : vector<1x16xf32> to vector<16xf32>
      %swap3A_62 = vector.shape_cast %broadcast_in_dim3A_3 : vector<16xf32> to vector<1x16xf32>
      tpu.vector_store %arg11[%swap3A_58, %swap3A_59], %swap3A_62 {strides = array<i32>} : memref<40x128xf32, #tpu.memory_space<vmem>>, vector<1x16xf32>,
      %swap3A_63 = arith.index_cast %scan3A_48 : i32 to index
      %swap3A_64 = arith.constant 48 : index
      %swap3A_65 = tpu.vector_load %arg11[%swap3A_63, %swap3A_64] {strides = array<i32>} : memref<40x128xf32, #tpu.memory_space<vmem>>, vector<1x16xf32>,
      %swap3A_66 = vector.shape_cast %swap3A_65 : vector<1x16xf32> to vector<16xf32>
      %swap3A_67 = vector.shape_cast %broadcast_in_dim3A_3 : vector<16xf32> to vector<1x16xf32>
      tpu.vector_store %arg11[%swap3A_63, %swap3A_64], %swap3A_67 {strides = array<i32>} : memref<40x128xf32, #tpu.memory_space<vmem>>, vector<1x16xf32>,
      %swap3A_68 = arith.index_cast %scan3A_48 : i32 to index
      %swap3A_69 = arith.constant 64 : index
      %swap3A_70 = tpu.vector_load %arg11[%swap3A_68, %swap3A_69] {strides = array<i32>} : memref<40x128xf32, #tpu.memory_space<vmem>>, vector<1x16xf32>,
      %swap3A_71 = vector.shape_cast %swap3A_70 : vector<1x16xf32> to vector<16xf32>
      %swap3A_72 = vector.shape_cast %broadcast_in_dim3A_3 : vector<16xf32> to vector<1x16xf32>
      tpu.vector_store %arg11[%swap3A_68, %swap3A_69], %swap3A_72 {strides = array<i32>} : memref<40x128xf32, #tpu.memory_space<vmem>>, vector<1x16xf32>,
      %swap3A_73 = arith.index_cast %scan3A_48 : i32 to index
      %swap3A_74 = arith.constant 80 : index
      %swap3A_75 = tpu.vector_load %arg11[%swap3A_73, %swap3A_74] {strides = array<i32>} : memref<40x128xf32, #tpu.memory_space<vmem>>, vector<1x16xf32>,
      %swap3A_76 = vector.shape_cast %swap3A_75 : vector<1x16xf32> to vector<16xf32>
      %swap3A_77 = vector.shape_cast %broadcast_in_dim3A_3 : vector<16xf32> to vector<1x16xf32>
      tpu.vector_store %arg11[%swap3A_73, %swap3A_74], %swap3A_77 {strides = array<i32>} : memref<40x128xf32, #tpu.memory_space<vmem>>, vector<1x16xf32>,
      %swap3A_78 = arith.index_cast %scan3A_48 : i32 to index
      %swap3A_79 = arith.constant 96 : index
      %swap3A_80 = tpu.vector_load %arg11[%swap3A_78, %swap3A_79] {strides = array<i32>} : memref<40x128xf32, #tpu.memory_space<vmem>>, vector<1x16xf32>,
      %swap3A_81 = vector.shape_cast %swap3A_80 : vector<1x16xf32> to vector<16xf32>
      %swap3A_82 = vector.shape_cast %broadcast_in_dim3A_3 : vector<16xf32> to vector<1x16xf32>
      tpu.vector_store %arg11[%swap3A_78, %swap3A_79], %swap3A_82 {strides = array<i32>} : memref<40x128xf32, #tpu.memory_space<vmem>>, vector<1x16xf32>,
      %swap3A_83 = arith.index_cast %scan3A_48 : i32 to index
      %swap3A_84 = arith.constant 112 : index
      %swap3A_85 = tpu.vector_load %arg11[%swap3A_83, %swap3A_84] {strides = array<i32>} : memref<40x128xf32, #tpu.memory_space<vmem>>, vector<1x16xf32>,
      %swap3A_86 = vector.shape_cast %swap3A_85 : vector<1x16xf32> to vector<16xf32>
      %swap3A_87 = vector.shape_cast %broadcast_in_dim3A_3 : vector<16xf32> to vector<1x16xf32>
      tpu.vector_store %arg11[%swap3A_83, %swap3A_84], %swap3A_87 {strides = array<i32>} : memref<40x128xf32, #tpu.memory_space<vmem>>, vector<1x16xf32>,
    }
    %scan3A_8 = arith.constant 40 : i32
    %scan3A_9 = arith.constant 0 : i32
    %scan3A_10 = arith.constant 0 : i32
    %scan3A_11 = arith.constant 16 : i32
    %scan3A_12 = arith.addi %scan3A_10, %scan3A_11 : i32
    %scan3A_13 = arith.constant 1 : i32
    scf.for %scan3A_48 = %scan3A_10 to %scan3A_12 step %scan3A_13  : i32 {
      %mul3A_49 = arith.constant 640 : i32
      %mul3A_50 = arith.muli %arg1, %mul3A_49 : i32
      %mul3A_51 = arith.constant 40 : i32
      %mul3A_52 = arith.muli %scan3A_48, %mul3A_51 : i32
      %add3A_53 = arith.addi %mul3A_50, %mul3A_52 : i32
      "tpu.region"() ({
        %run_scoped3A_54 = tpu.sem_alloc : memref<!tpu.dma_semaphore, #tpu.memory_space<semaphore_mem>>
        %dma_start3A_55 = arith.constant 0 : i32
        %dma_start3A_56 = tpu.memref_slice %arg17[%add3A_53, %dma_start3A_55] : memref<10240x128xf32, #tpu.memory_space<vmem_shared>> -> memref<40x128xf32, #tpu.memory_space<vmem_shared>>
        %dma_start3A_57 = arith.constant 0 : i32
        %dma_start3A_58 = tpu.memref_slice %arg17[%add3A_53, %dma_start3A_57] : memref<10240x128xf32, #tpu.memory_space<vmem_shared>> -> memref<40x128xf32, #tpu.memory_space<vmem_shared>>
        tpu.enqueue_dma source(%arg11 : memref<40x128xf32, #tpu.memory_space<vmem>>) target(%dma_start3A_58 : memref<40x128xf32, #tpu.memory_space<vmem_shared>>) target_semaphore(%run_scoped3A_54 : memref<!tpu.dma_semaphore, #tpu.memory_space<semaphore_mem>>)
        %dma_wait3A = arith.constant 0 : i32
        %dma_wait3A_59 = tpu.memref_slice %arg17[%add3A_53, %dma_wait3A] : memref<10240x128xf32, #tpu.memory_space<vmem_shared>> -> memref<40x128xf32, #tpu.memory_space<vmem_shared>>
        %dma_wait3A_60 = arith.constant 0 : i32
        %dma_wait3A_61 = tpu.memref_slice %arg17[%add3A_53, %dma_wait3A_60] : memref<10240x128xf32, #tpu.memory_space<vmem_shared>> -> memref<40x128xf32, #tpu.memory_space<vmem_shared>>
        tpu.wait_dma2 semaphore(%run_scoped3A_54 : memref<!tpu.dma_semaphore, #tpu.memory_space<semaphore_mem>>) src(%arg11 : memref<40x128xf32, #tpu.memory_space<vmem>>) dst(%dma_wait3A_61 : memref<40x128xf32, #tpu.memory_space<vmem_shared>>)
        tpu.yield
      }) : () -> ()
    }
    %scan3A_14 = arith.constant 16 : i32
    %barrier3A = arith.constant 0 : index
    tpu.barrier barrier_id(%barrier3A)
    %run_scoped3A = arith.constant 0 : i32
    %run_scoped3A_15 = arith.constant 0 : i32
    "tpu.region"() ({
      %run_scoped3A_48 = tpu.sem_alloc : memref<!tpu.dma_semaphore, #tpu.memory_space<semaphore_mem>>
      %dma_start3A_49 = arith.constant 0 : i32
      %dma_start3A_50 = arith.constant 0 : i32
      %dma_start3A_51 = tpu.memref_slice %arg5[%run_scoped3A, %add3A, %run_scoped3A_15, %dma_start3A_49, %dma_start3A_50] : memref<2x32x10x25x40xi32, #tpu.memory_space<hbm>> -> memref<1x1x1x25x40xi32, #tpu.memory_space<hbm>>
      %dma_start3A_52 = tpu.memref_squeeze %dma_start3A_51 : memref<1x1x1x25x40xi32, #tpu.memory_space<hbm>> -> memref<25x40xi32, #tpu.memory_space<hbm>>
      %dma_start3A_53 = arith.constant 0 : i32
      %dma_start3A_54 = arith.constant 0 : i32
      %dma_start3A_55 = tpu.memref_slice %arg5[%run_scoped3A, %add3A, %run_scoped3A_15, %dma_start3A_53, %dma_start3A_54] : memref<2x32x10x25x40xi32, #tpu.memory_space<hbm>> -> memref<1x1x1x25x40xi32, #tpu.memory_space<hbm>>
      %dma_start3A_56 = tpu.memref_squeeze %dma_start3A_55 : memref<1x1x1x25x40xi32, #tpu.memory_space<hbm>> -> memref<25x40xi32, #tpu.memory_space<hbm>>
      tpu.enqueue_dma source(%dma_start3A_56 : memref<25x40xi32, #tpu.memory_space<hbm>>) target(%arg7 : memref<25x40xi32, #tpu.memory_space<vmem>>) target_semaphore(%run_scoped3A_48 : memref<!tpu.dma_semaphore, #tpu.memory_space<semaphore_mem>>)
      %dma_wait3A = arith.constant 0 : i32
      %dma_wait3A_57 = arith.constant 0 : i32
      %dma_wait3A_58 = tpu.memref_slice %arg5[%run_scoped3A, %add3A, %run_scoped3A_15, %dma_wait3A, %dma_wait3A_57] : memref<2x32x10x25x40xi32, #tpu.memory_space<hbm>> -> memref<1x1x1x25x40xi32, #tpu.memory_space<hbm>>
      %dma_wait3A_59 = tpu.memref_squeeze %dma_wait3A_58 : memref<1x1x1x25x40xi32, #tpu.memory_space<hbm>> -> memref<25x40xi32, #tpu.memory_space<hbm>>
      %dma_wait3A_60 = arith.constant 0 : i32
      %dma_wait3A_61 = arith.constant 0 : i32
      %dma_wait3A_62 = tpu.memref_slice %arg5[%run_scoped3A, %add3A, %run_scoped3A_15, %dma_wait3A_60, %dma_wait3A_61] : memref<2x32x10x25x40xi32, #tpu.memory_space<hbm>> -> memref<1x1x1x25x40xi32, #tpu.memory_space<hbm>>
      %dma_wait3A_63 = tpu.memref_squeeze %dma_wait3A_62 : memref<1x1x1x25x40xi32, #tpu.memory_space<hbm>> -> memref<25x40xi32, #tpu.memory_space<hbm>>
      tpu.wait_dma2 semaphore(%run_scoped3A_48 : memref<!tpu.dma_semaphore, #tpu.memory_space<semaphore_mem>>) src(%dma_wait3A_63 : memref<25x40xi32, #tpu.memory_space<hbm>>) dst(%arg7 : memref<25x40xi32, #tpu.memory_space<vmem>>)
      tpu.yield
    }) : () -> ()
    %run_scoped3A_16 = arith.constant 1 : i32
    %run_scoped3A_17 = arith.constant 0 : i32
    "tpu.region"() ({
      %run_scoped3A_48 = tpu.sem_alloc : memref<!tpu.dma_semaphore, #tpu.memory_space<semaphore_mem>>
      %dma_start3A_49 = arith.constant 0 : i32
      %dma_start3A_50 = arith.constant 0 : i32
      %dma_start3A_51 = tpu.memref_slice %arg5[%run_scoped3A_16, %add3A, %run_scoped3A_17, %dma_start3A_49, %dma_start3A_50] : memref<2x32x10x25x40xi32, #tpu.memory_space<hbm>> -> memref<1x1x1x25x40xi32, #tpu.memory_space<hbm>>
      %dma_start3A_52 = tpu.memref_squeeze %dma_start3A_51 : memref<1x1x1x25x40xi32, #tpu.memory_space<hbm>> -> memref<25x40xi32, #tpu.memory_space<hbm>>
      %dma_start3A_53 = arith.constant 0 : i32
      %dma_start3A_54 = arith.constant 0 : i32
      %dma_start3A_55 = tpu.memref_slice %arg5[%run_scoped3A_16, %add3A, %run_scoped3A_17, %dma_start3A_53, %dma_start3A_54] : memref<2x32x10x25x40xi32, #tpu.memory_space<hbm>> -> memref<1x1x1x25x40xi32, #tpu.memory_space<hbm>>
      %dma_start3A_56 = tpu.memref_squeeze %dma_start3A_55 : memref<1x1x1x25x40xi32, #tpu.memory_space<hbm>> -> memref<25x40xi32, #tpu.memory_space<hbm>>
      tpu.enqueue_dma source(%dma_start3A_56 : memref<25x40xi32, #tpu.memory_space<hbm>>) target(%arg8 : memref<25x40xi32, #tpu.memory_space<vmem>>) target_semaphore(%run_scoped3A_48 : memref<!tpu.dma_semaphore, #tpu.memory_space<semaphore_mem>>)
      %dma_wait3A = arith.constant 0 : i32
      %dma_wait3A_57 = arith.constant 0 : i32
      %dma_wait3A_58 = tpu.memref_slice %arg5[%run_scoped3A_16, %add3A, %run_scoped3A_17, %dma_wait3A, %dma_wait3A_57] : memref<2x32x10x25x40xi32, #tpu.memory_space<hbm>> -> memref<1x1x1x25x40xi32, #tpu.memory_space<hbm>>
      %dma_wait3A_59 = tpu.memref_squeeze %dma_wait3A_58 : memref<1x1x1x25x40xi32, #tpu.memory_space<hbm>> -> memref<25x40xi32, #tpu.memory_space<hbm>>
      %dma_wait3A_60 = arith.constant 0 : i32
      %dma_wait3A_61 = arith.constant 0 : i32
      %dma_wait3A_62 = tpu.memref_slice %arg5[%run_scoped3A_16, %add3A, %run_scoped3A_17, %dma_wait3A_60, %dma_wait3A_61] : memref<2x32x10x25x40xi32, #tpu.memory_space<hbm>> -> memref<1x1x1x25x40xi32, #tpu.memory_space<hbm>>
      %dma_wait3A_63 = tpu.memref_squeeze %dma_wait3A_62 : memref<1x1x1x25x40xi32, #tpu.memory_space<hbm>> -> memref<25x40xi32, #tpu.memory_space<hbm>>
      tpu.wait_dma2 semaphore(%run_scoped3A_48 : memref<!tpu.dma_semaphore, #tpu.memory_space<semaphore_mem>>) src(%dma_wait3A_63 : memref<25x40xi32, #tpu.memory_space<hbm>>) dst(%arg8 : memref<25x40xi32, #tpu.memory_space<vmem>>)
      tpu.yield
    }) : () -> ()
    %add3A_18 = arith.constant 0 : i32
    %add3A_19 = arith.addi %mul3A_2, %add3A_18 : i32
    %dma_start3A = arith.constant 0 : i32
    %dma_start3A_20 = tpu.memref_slice %arg4[%add3A_19, %dma_start3A] : memref<160000x128xi32, #tpu.memory_space<hbm>> -> memref<40x128xi32, #tpu.memory_space<hbm>>
    %dma_start3A_21 = arith.constant 0 : i32
    %dma_start3A_22 = tpu.memref_slice %arg4[%add3A_19, %dma_start3A_21] : memref<160000x128xi32, #tpu.memory_space<hbm>> -> memref<40x128xi32, #tpu.memory_space<hbm>>
    tpu.enqueue_dma source(%dma_start3A_22 : memref<40x128xi32, #tpu.memory_space<hbm>>) target(%arg15 : memref<40x128xi32, #tpu.memory_space<vmem>>) target_semaphore(%arg22 : memref<!tpu.dma_semaphore, #tpu.memory_space<semaphore_mem>>)
    %dma_start3A_23 = arith.constant 0 : i32
    %dma_start3A_24 = arith.constant 0 : i32
    %dma_start3A_25 = tpu.memref_slice %arg7[%dma_start3A_23, %dma_start3A_24] : memref<25x40xi32, #tpu.memory_space<vmem>> -> memref<1x40xi32, #tpu.memory_space<vmem>>
    %dma_start3A_26 = tpu.memref_squeeze %dma_start3A_25 : memref<1x40xi32, #tpu.memory_space<vmem>> -> memref<40xi32, #tpu.memory_space<vmem>>
    %dma_start3A_27 = arith.constant 0 : i32
    %dma_start3A_28 = arith.constant 0 : i32
    %dma_start3A_29 = tpu.memref_slice %arg2[%dma_start3A_27, %dma_start3A_28] : memref<10000x128xf32, #tpu.memory_space<hbm>> -> memref<10000x128xf32, #tpu.memory_space<hbm>>
    tpu.enqueue_indirect_dma source(%dma_start3A_29 : memref<10000x128xf32, #tpu.memory_space<hbm>>) target(%arg11 : memref<40x128xf32, #tpu.memory_space<vmem>>) offsets(%dma_start3A_26 : memref<40xi32, #tpu.memory_space<vmem>>) semaphore(%arg18 : memref<!tpu.dma_semaphore, #tpu.memory_space<semaphore_mem>>)
    %dma_start3A_30 = arith.constant 0 : i32
    %dma_start3A_31 = arith.constant 0 : i32
    %dma_start3A_32 = tpu.memref_slice %arg8[%dma_start3A_30, %dma_start3A_31] : memref<25x40xi32, #tpu.memory_space<vmem>> -> memref<1x40xi32, #tpu.memory_space<vmem>>
    %dma_start3A_33 = tpu.memref_squeeze %dma_start3A_32 : memref<1x40xi32, #tpu.memory_space<vmem>> -> memref<40xi32, #tpu.memory_space<vmem>>
    %dma_start3A_34 = arith.constant 0 : i32
    %dma_start3A_35 = arith.constant 0 : i32
    %dma_start3A_36 = tpu.memref_slice %arg3[%dma_start3A_34, %dma_start3A_35] : memref<10000x128xf32, #tpu.memory_space<hbm>> -> memref<10000x128xf32, #tpu.memory_space<hbm>>
    tpu.enqueue_indirect_dma source(%dma_start3A_36 : memref<10000x128xf32, #tpu.memory_space<hbm>>) target(%arg12 : memref<40x128xf32, #tpu.memory_space<vmem>>) offsets(%dma_start3A_33 : memref<40xi32, #tpu.memory_space<vmem>>) semaphore(%arg19 : memref<!tpu.dma_semaphore, #tpu.memory_space<semaphore_mem>>)
    %scan3A_37 = arith.constant 0 : i32
    %scan3A_38 = arith.constant 0 : i32
    %scan3A_39 = arith.constant 250 : i32
    %scan3A_40 = arith.addi %scan3A_38, %scan3A_39 : i32
    %scan3A_41 = arith.constant 1 : i32
    scf.for %scan3A_48 = %scan3A_38 to %scan3A_40 step %scan3A_41  : i32 {
      %jit3A = arith.constant 25 : i32
      %eq3A = arith.constant 0 : i32
      %eq3A_49 = arith.cmpi eq, %jit3A, %eq3A : i32
      %jit3A_50 = arith.constant 1 : i32
      %select_n3A = arith.select %eq3A_49, %jit3A_50, %jit3A : i32
      %rem3A = arith.remsi %scan3A_48, %select_n3A : i32
      %ne3A = arith.constant 0 : i32
      %ne3A_51 = arith.cmpi ne, %rem3A, %ne3A : i32
      %lt3A = arith.constant 0 : i32
      %lt3A_52 = arith.cmpi slt, %rem3A, %lt3A : i32
      %lt3A_53 = arith.constant 0 : i32
      %lt3A_54 = arith.cmpi slt, %select_n3A, %lt3A_53 : i32
      %ne3A_55 = arith.xori %lt3A_52, %lt3A_54 : i1
      %and3A = arith.andi %ne3A_55, %ne3A_51 : i1
      %add3A_56 = arith.addi %rem3A, %select_n3A : i32
      %select_n3A_57 = arith.select %and3A, %add3A_56, %rem3A : i32
      %eq3A_58 = arith.constant 0 : i32
      %eq3A_59 = arith.cmpi eq, %select_n3A_57, %eq3A_58 : i32
      %convert_element_type3A = arith.extui %eq3A_59 : i1 to i32
      %cond3A = arith.constant 0 : i32
      %cond3A_60 = arith.cmpi ne, %convert_element_type3A, %cond3A : i32
      scf.if %cond3A_60 {
        %jit3A_123 = arith.constant 25 : i32
        %div3A = arith.divsi %scan3A_48, %jit3A_123 : i32
        %sign3A = arith.constant 0 : i32
        %sign3A_124 = arith.cmpi sgt, %scan3A_48, %sign3A : i32
        %sign3A_125 = arith.extui %sign3A_124 : i1 to i32
        %sign3A_126 = arith.constant 0 : i32
        %sign3A_127 = arith.cmpi slt, %scan3A_48, %sign3A_126 : i32
        %sign3A_128 = arith.extui %sign3A_127 : i1 to i32
        %sign3A_129 = arith.subi %sign3A_125, %sign3A_128 : i32
        %sign3A_130 = arith.constant 0 : i32
        %sign3A_131 = arith.cmpi sgt, %jit3A_123, %sign3A_130 : i32
        %sign3A_132 = arith.extui %sign3A_131 : i1 to i32
        %sign3A_133 = arith.constant 0 : i32
        %sign3A_134 = arith.cmpi slt, %jit3A_123, %sign3A_133 : i32
        %sign3A_135 = arith.extui %sign3A_134 : i1 to i32
        %sign3A_136 = arith.subi %sign3A_132, %sign3A_135 : i32
        %ne3A_137 = arith.cmpi ne, %sign3A_129, %sign3A_136 : i32
        %rem3A_138 = arith.remsi %scan3A_48, %jit3A_123 : i32
        %ne3A_139 = arith.constant 0 : i32
        %ne3A_140 = arith.cmpi ne, %rem3A_138, %ne3A_139 : i32
        %and3A_141 = arith.andi %ne3A_137, %ne3A_140 : i1
        %sub3A = arith.constant 1 : i32
        %sub3A_142 = arith.subi %div3A, %sub3A : i32
        %select_n3A_143 = arith.select %and3A_141, %sub3A_142, %div3A : i32
        %add3A_144 = arith.constant 1 : i32
        %add3A_145 = arith.addi %select_n3A_143, %add3A_144 : i32
        %lt3A_146 = arith.constant 10 : i32
        %lt3A_147 = arith.cmpi slt, %add3A_145, %lt3A_146 : i32
        %jit3A_148 = arith.constant 2 : i32
        %eq3A_149 = arith.constant 0 : i32
        %eq3A_150 = arith.cmpi eq, %jit3A_148, %eq3A_149 : i32
        %jit3A_151 = arith.constant 1 : i32
        %select_n3A_152 = arith.select %eq3A_150, %jit3A_151, %jit3A_148 : i32
        %rem3A_153 = arith.remsi %add3A_145, %select_n3A_152 : i32
        %ne3A_154 = arith.constant 0 : i32
        %ne3A_155 = arith.cmpi ne, %rem3A_153, %ne3A_154 : i32
        %lt3A_156 = arith.constant 0 : i32
        %lt3A_157 = arith.cmpi slt, %rem3A_153, %lt3A_156 : i32
        %lt3A_158 = arith.constant 0 : i32
        %lt3A_159 = arith.cmpi slt, %select_n3A_152, %lt3A_158 : i32
        %ne3A_160 = arith.xori %lt3A_157, %lt3A_159 : i1
        %and3A_161 = arith.andi %ne3A_160, %ne3A_155 : i1
        %add3A_162 = arith.addi %rem3A_153, %select_n3A_152 : i32
        %select_n3A_163 = arith.select %and3A_161, %add3A_162, %rem3A_153 : i32
        %eq3A_164 = arith.constant 0 : i32
        %eq3A_165 = arith.cmpi eq, %select_n3A_163, %eq3A_164 : i32
        %and3A_166 = arith.andi %lt3A_147, %eq3A_165 : i1
        %convert_element_type3A_167 = arith.extui %and3A_166 : i1 to i32
        %cond3A_168 = arith.constant 0 : i32
        %cond3A_169 = arith.cmpi ne, %convert_element_type3A_167, %cond3A_168 : i32
        scf.if %cond3A_169 {
          %run_scoped3A_194 = arith.constant 0 : i32
          "tpu.region"() ({
            %run_scoped3A_196 = tpu.sem_alloc : memref<!tpu.dma_semaphore, #tpu.memory_space<semaphore_mem>>
            %dma_start3A_197 = arith.constant 0 : i32
            %dma_start3A_198 = arith.constant 0 : i32
            %dma_start3A_199 = tpu.memref_slice %arg5[%run_scoped3A_194, %add3A, %add3A_145, %dma_start3A_197, %dma_start3A_198] : memref<2x32x10x25x40xi32, #tpu.memory_space<hbm>> -> memref<1x1x1x25x40xi32, #tpu.memory_space<hbm>>
            %dma_start3A_200 = tpu.memref_squeeze %dma_start3A_199 : memref<1x1x1x25x40xi32, #tpu.memory_space<hbm>> -> memref<25x40xi32, #tpu.memory_space<hbm>>
            %dma_start3A_201 = arith.constant 0 : i32
            %dma_start3A_202 = arith.constant 0 : i32
            %dma_start3A_203 = tpu.memref_slice %arg5[%run_scoped3A_194, %add3A, %add3A_145, %dma_start3A_201, %dma_start3A_202] : memref<2x32x10x25x40xi32, #tpu.memory_space<hbm>> -> memref<1x1x1x25x40xi32, #tpu.memory_space<hbm>>
            %dma_start3A_204 = tpu.memref_squeeze %dma_start3A_203 : memref<1x1x1x25x40xi32, #tpu.memory_space<hbm>> -> memref<25x40xi32, #tpu.memory_space<hbm>>
            tpu.enqueue_dma source(%dma_start3A_204 : memref<25x40xi32, #tpu.memory_space<hbm>>) target(%arg7 : memref<25x40xi32, #tpu.memory_space<vmem>>) target_semaphore(%run_scoped3A_196 : memref<!tpu.dma_semaphore, #tpu.memory_space<semaphore_mem>>)
            %dma_wait3A = arith.constant 0 : i32
            %dma_wait3A_205 = arith.constant 0 : i32
            %dma_wait3A_206 = tpu.memref_slice %arg5[%run_scoped3A_194, %add3A, %add3A_145, %dma_wait3A, %dma_wait3A_205] : memref<2x32x10x25x40xi32, #tpu.memory_space<hbm>> -> memref<1x1x1x25x40xi32, #tpu.memory_space<hbm>>
            %dma_wait3A_207 = tpu.memref_squeeze %dma_wait3A_206 : memref<1x1x1x25x40xi32, #tpu.memory_space<hbm>> -> memref<25x40xi32, #tpu.memory_space<hbm>>
            %dma_wait3A_208 = arith.constant 0 : i32
            %dma_wait3A_209 = arith.constant 0 : i32
            %dma_wait3A_210 = tpu.memref_slice %arg5[%run_scoped3A_194, %add3A, %add3A_145, %dma_wait3A_208, %dma_wait3A_209] : memref<2x32x10x25x40xi32, #tpu.memory_space<hbm>> -> memref<1x1x1x25x40xi32, #tpu.memory_space<hbm>>
            %dma_wait3A_211 = tpu.memref_squeeze %dma_wait3A_210 : memref<1x1x1x25x40xi32, #tpu.memory_space<hbm>> -> memref<25x40xi32, #tpu.memory_space<hbm>>
            tpu.wait_dma2 semaphore(%run_scoped3A_196 : memref<!tpu.dma_semaphore, #tpu.memory_space<semaphore_mem>>) src(%dma_wait3A_211 : memref<25x40xi32, #tpu.memory_space<hbm>>) dst(%arg7 : memref<25x40xi32, #tpu.memory_space<vmem>>)
            tpu.yield
          }) : () -> ()
          %run_scoped3A_195 = arith.constant 1 : i32
          "tpu.region"() ({
            %run_scoped3A_196 = tpu.sem_alloc : memref<!tpu.dma_semaphore, #tpu.memory_space<semaphore_mem>>
            %dma_start3A_197 = arith.constant 0 : i32
            %dma_start3A_198 = arith.constant 0 : i32
            %dma_start3A_199 = tpu.memref_slice %arg5[%run_scoped3A_195, %add3A, %add3A_145, %dma_start3A_197, %dma_start3A_198] : memref<2x32x10x25x40xi32, #tpu.memory_space<hbm>> -> memref<1x1x1x25x40xi32, #tpu.memory_space<hbm>>
            %dma_start3A_200 = tpu.memref_squeeze %dma_start3A_199 : memref<1x1x1x25x40xi32, #tpu.memory_space<hbm>> -> memref<25x40xi32, #tpu.memory_space<hbm>>
            %dma_start3A_201 = arith.constant 0 : i32
            %dma_start3A_202 = arith.constant 0 : i32
            %dma_start3A_203 = tpu.memref_slice %arg5[%run_scoped3A_195, %add3A, %add3A_145, %dma_start3A_201, %dma_start3A_202] : memref<2x32x10x25x40xi32, #tpu.memory_space<hbm>> -> memref<1x1x1x25x40xi32, #tpu.memory_space<hbm>>
            %dma_start3A_204 = tpu.memref_squeeze %dma_start3A_203 : memref<1x1x1x25x40xi32, #tpu.memory_space<hbm>> -> memref<25x40xi32, #tpu.memory_space<hbm>>
            tpu.enqueue_dma source(%dma_start3A_204 : memref<25x40xi32, #tpu.memory_space<hbm>>) target(%arg8 : memref<25x40xi32, #tpu.memory_space<vmem>>) target_semaphore(%run_scoped3A_196 : memref<!tpu.dma_semaphore, #tpu.memory_space<semaphore_mem>>)
            %dma_wait3A = arith.constant 0 : i32
            %dma_wait3A_205 = arith.constant 0 : i32
            %dma_wait3A_206 = tpu.memref_slice %arg5[%run_scoped3A_195, %add3A, %add3A_145, %dma_wait3A, %dma_wait3A_205] : memref<2x32x10x25x40xi32, #tpu.memory_space<hbm>> -> memref<1x1x1x25x40xi32, #tpu.memory_space<hbm>>
            %dma_wait3A_207 = tpu.memref_squeeze %dma_wait3A_206 : memref<1x1x1x25x40xi32, #tpu.memory_space<hbm>> -> memref<25x40xi32, #tpu.memory_space<hbm>>
            %dma_wait3A_208 = arith.constant 0 : i32
            %dma_wait3A_209 = arith.constant 0 : i32
            %dma_wait3A_210 = tpu.memref_slice %arg5[%run_scoped3A_195, %add3A, %add3A_145, %dma_wait3A_208, %dma_wait3A_209] : memref<2x32x10x25x40xi32, #tpu.memory_space<hbm>> -> memref<1x1x1x25x40xi32, #tpu.memory_space<hbm>>
            %dma_wait3A_211 = tpu.memref_squeeze %dma_wait3A_210 : memref<1x1x1x25x40xi32, #tpu.memory_space<hbm>> -> memref<25x40xi32, #tpu.memory_space<hbm>>
            tpu.wait_dma2 semaphore(%run_scoped3A_196 : memref<!tpu.dma_semaphore, #tpu.memory_space<semaphore_mem>>) src(%dma_wait3A_211 : memref<25x40xi32, #tpu.memory_space<hbm>>) dst(%arg8 : memref<25x40xi32, #tpu.memory_space<vmem>>)
            tpu.yield
          }) : () -> ()
        } else {
        }
        %lt3A_170 = arith.constant 10 : i32
        %lt3A_171 = arith.cmpi slt, %add3A_145, %lt3A_170 : i32
        %jit3A_172 = arith.constant 2 : i32
        %eq3A_173 = arith.constant 0 : i32
        %eq3A_174 = arith.cmpi eq, %jit3A_172, %eq3A_173 : i32
        %jit3A_175 = arith.constant 1 : i32
        %select_n3A_176 = arith.select %eq3A_174, %jit3A_175, %jit3A_172 : i32
        %rem3A_177 = arith.remsi %add3A_145, %select_n3A_176 : i32
        %ne3A_178 = arith.constant 0 : i32
        %ne3A_179 = arith.cmpi ne, %rem3A_177, %ne3A_178 : i32
        %lt3A_180 = arith.constant 0 : i32
        %lt3A_181 = arith.cmpi slt, %rem3A_177, %lt3A_180 : i32
        %lt3A_182 = arith.constant 0 : i32
        %lt3A_183 = arith.cmpi slt, %select_n3A_176, %lt3A_182 : i32
        %ne3A_184 = arith.xori %lt3A_181, %lt3A_183 : i1
        %and3A_185 = arith.andi %ne3A_184, %ne3A_179 : i1
        %add3A_186 = arith.addi %rem3A_177, %select_n3A_176 : i32
        %select_n3A_187 = arith.select %and3A_185, %add3A_186, %rem3A_177 : i32
        %eq3A_188 = arith.constant 1 : i32
        %eq3A_189 = arith.cmpi eq, %select_n3A_187, %eq3A_188 : i32
        %and3A_190 = arith.andi %lt3A_171, %eq3A_189 : i1
        %convert_element_type3A_191 = arith.extui %and3A_190 : i1 to i32
        %cond3A_192 = arith.constant 0 : i32
        %cond3A_193 = arith.cmpi ne, %convert_element_type3A_191, %cond3A_192 : i32
        scf.if %cond3A_193 {
          %run_scoped3A_194 = arith.constant 0 : i32
          "tpu.region"() ({
            %run_scoped3A_196 = tpu.sem_alloc : memref<!tpu.dma_semaphore, #tpu.memory_space<semaphore_mem>>
            %dma_start3A_197 = arith.constant 0 : i32
            %dma_start3A_198 = arith.constant 0 : i32
            %dma_start3A_199 = tpu.memref_slice %arg5[%run_scoped3A_194, %add3A, %add3A_145, %dma_start3A_197, %dma_start3A_198] : memref<2x32x10x25x40xi32, #tpu.memory_space<hbm>> -> memref<1x1x1x25x40xi32, #tpu.memory_space<hbm>>
            %dma_start3A_200 = tpu.memref_squeeze %dma_start3A_199 : memref<1x1x1x25x40xi32, #tpu.memory_space<hbm>> -> memref<25x40xi32, #tpu.memory_space<hbm>>
            %dma_start3A_201 = arith.constant 0 : i32
            %dma_start3A_202 = arith.constant 0 : i32
            %dma_start3A_203 = tpu.memref_slice %arg5[%run_scoped3A_194, %add3A, %add3A_145, %dma_start3A_201, %dma_start3A_202] : memref<2x32x10x25x40xi32, #tpu.memory_space<hbm>> -> memref<1x1x1x25x40xi32, #tpu.memory_space<hbm>>
            %dma_start3A_204 = tpu.memref_squeeze %dma_start3A_203 : memref<1x1x1x25x40xi32, #tpu.memory_space<hbm>> -> memref<25x40xi32, #tpu.memory_space<hbm>>
            tpu.enqueue_dma source(%dma_start3A_204 : memref<25x40xi32, #tpu.memory_space<hbm>>) target(%arg9 : memref<25x40xi32, #tpu.memory_space<vmem>>) target_semaphore(%run_scoped3A_196 : memref<!tpu.dma_semaphore, #tpu.memory_space<semaphore_mem>>)
            %dma_wait3A = arith.constant 0 : i32
            %dma_wait3A_205 = arith.constant 0 : i32
            %dma_wait3A_206 = tpu.memref_slice %arg5[%run_scoped3A_194, %add3A, %add3A_145, %dma_wait3A, %dma_wait3A_205] : memref<2x32x10x25x40xi32, #tpu.memory_space<hbm>> -> memref<1x1x1x25x40xi32, #tpu.memory_space<hbm>>
            %dma_wait3A_207 = tpu.memref_squeeze %dma_wait3A_206 : memref<1x1x1x25x40xi32, #tpu.memory_space<hbm>> -> memref<25x40xi32, #tpu.memory_space<hbm>>
            %dma_wait3A_208 = arith.constant 0 : i32
            %dma_wait3A_209 = arith.constant 0 : i32
            %dma_wait3A_210 = tpu.memref_slice %arg5[%run_scoped3A_194, %add3A, %add3A_145, %dma_wait3A_208, %dma_wait3A_209] : memref<2x32x10x25x40xi32, #tpu.memory_space<hbm>> -> memref<1x1x1x25x40xi32, #tpu.memory_space<hbm>>
            %dma_wait3A_211 = tpu.memref_squeeze %dma_wait3A_210 : memref<1x1x1x25x40xi32, #tpu.memory_space<hbm>> -> memref<25x40xi32, #tpu.memory_space<hbm>>
            tpu.wait_dma2 semaphore(%run_scoped3A_196 : memref<!tpu.dma_semaphore, #tpu.memory_space<semaphore_mem>>) src(%dma_wait3A_211 : memref<25x40xi32, #tpu.memory_space<hbm>>) dst(%arg9 : memref<25x40xi32, #tpu.memory_space<vmem>>)
            tpu.yield
          }) : () -> ()
          %run_scoped3A_195 = arith.constant 1 : i32
          "tpu.region"() ({
            %run_scoped3A_196 = tpu.sem_alloc : memref<!tpu.dma_semaphore, #tpu.memory_space<semaphore_mem>>
            %dma_start3A_197 = arith.constant 0 : i32
            %dma_start3A_198 = arith.constant 0 : i32
            %dma_start3A_199 = tpu.memref_slice %arg5[%run_scoped3A_195, %add3A, %add3A_145, %dma_start3A_197, %dma_start3A_198] : memref<2x32x10x25x40xi32, #tpu.memory_space<hbm>> -> memref<1x1x1x25x40xi32, #tpu.memory_space<hbm>>
            %dma_start3A_200 = tpu.memref_squeeze %dma_start3A_199 : memref<1x1x1x25x40xi32, #tpu.memory_space<hbm>> -> memref<25x40xi32, #tpu.memory_space<hbm>>
            %dma_start3A_201 = arith.constant 0 : i32
            %dma_start3A_202 = arith.constant 0 : i32
            %dma_start3A_203 = tpu.memref_slice %arg5[%run_scoped3A_195, %add3A, %add3A_145, %dma_start3A_201, %dma_start3A_202] : memref<2x32x10x25x40xi32, #tpu.memory_space<hbm>> -> memref<1x1x1x25x40xi32, #tpu.memory_space<hbm>>
            %dma_start3A_204 = tpu.memref_squeeze %dma_start3A_203 : memref<1x1x1x25x40xi32, #tpu.memory_space<hbm>> -> memref<25x40xi32, #tpu.memory_space<hbm>>
            tpu.enqueue_dma source(%dma_start3A_204 : memref<25x40xi32, #tpu.memory_space<hbm>>) target(%arg10 : memref<25x40xi32, #tpu.memory_space<vmem>>) target_semaphore(%run_scoped3A_196 : memref<!tpu.dma_semaphore, #tpu.memory_space<semaphore_mem>>)
            %dma_wait3A = arith.constant 0 : i32
            %dma_wait3A_205 = arith.constant 0 : i32
            %dma_wait3A_206 = tpu.memref_slice %arg5[%run_scoped3A_195, %add3A, %add3A_145, %dma_wait3A, %dma_wait3A_205] : memref<2x32x10x25x40xi32, #tpu.memory_space<hbm>> -> memref<1x1x1x25x40xi32, #tpu.memory_space<hbm>>
            %dma_wait3A_207 = tpu.memref_squeeze %dma_wait3A_206 : memref<1x1x1x25x40xi32, #tpu.memory_space<hbm>> -> memref<25x40xi32, #tpu.memory_space<hbm>>
            %dma_wait3A_208 = arith.constant 0 : i32
            %dma_wait3A_209 = arith.constant 0 : i32
            %dma_wait3A_210 = tpu.memref_slice %arg5[%run_scoped3A_195, %add3A, %add3A_145, %dma_wait3A_208, %dma_wait3A_209] : memref<2x32x10x25x40xi32, #tpu.memory_space<hbm>> -> memref<1x1x1x25x40xi32, #tpu.memory_space<hbm>>
            %dma_wait3A_211 = tpu.memref_squeeze %dma_wait3A_210 : memref<1x1x1x25x40xi32, #tpu.memory_space<hbm>> -> memref<25x40xi32, #tpu.memory_space<hbm>>
            tpu.wait_dma2 semaphore(%run_scoped3A_196 : memref<!tpu.dma_semaphore, #tpu.memory_space<semaphore_mem>>) src(%dma_wait3A_211 : memref<25x40xi32, #tpu.memory_space<hbm>>) dst(%arg10 : memref<25x40xi32, #tpu.memory_space<vmem>>)
            tpu.yield
          }) : () -> ()
        } else {
        }
      } else {
      }
      %jit3A_61 = arith.constant 2 : i32
      %eq3A_62 = arith.constant 0 : i32
      %eq3A_63 = arith.cmpi eq, %jit3A_61, %eq3A_62 : i32
      %jit3A_64 = arith.constant 1 : i32
      %select_n3A_65 = arith.select %eq3A_63, %jit3A_64, %jit3A_61 : i32
      %rem3A_66 = arith.remsi %scan3A_48, %select_n3A_65 : i32
      %ne3A_67 = arith.constant 0 : i32
      %ne3A_68 = arith.cmpi ne, %rem3A_66, %ne3A_67 : i32
      %lt3A_69 = arith.constant 0 : i32
      %lt3A_70 = arith.cmpi slt, %rem3A_66, %lt3A_69 : i32
      %lt3A_71 = arith.constant 0 : i32
      %lt3A_72 = arith.cmpi slt, %select_n3A_65, %lt3A_71 : i32
      %ne3A_73 = arith.xori %lt3A_70, %lt3A_72 : i1
      %and3A_74 = arith.andi %ne3A_73, %ne3A_68 : i1
      %add3A_75 = arith.addi %rem3A_66, %select_n3A_65 : i32
      %select_n3A_76 = arith.select %and3A_74, %add3A_75, %rem3A_66 : i32
      %eq3A_77 = arith.constant 0 : i32
      %eq3A_78 = arith.cmpi eq, %select_n3A_76, %eq3A_77 : i32
      %convert_element_type3A_79 = arith.extui %eq3A_78 : i1 to i32
      %cond3A_80 = arith.constant 0 : i32
      %cond3A_81 = arith.cmpi ne, %convert_element_type3A_79, %cond3A_80 : i32
      scf.if %cond3A_81 {
        %jit3A_123 = arith.constant 2 : i32
        %div3A = arith.divsi %scan3A_48, %jit3A_123 : i32
        %sign3A = arith.constant 0 : i32
        %sign3A_124 = arith.cmpi sgt, %scan3A_48, %sign3A : i32
        %sign3A_125 = arith.extui %sign3A_124 : i1 to i32
        %sign3A_126 = arith.constant 0 : i32
        %sign3A_127 = arith.cmpi slt, %scan3A_48, %sign3A_126 : i32
        %sign3A_128 = arith.extui %sign3A_127 : i1 to i32
        %sign3A_129 = arith.subi %sign3A_125, %sign3A_128 : i32
        %sign3A_130 = arith.constant 0 : i32
        %sign3A_131 = arith.cmpi sgt, %jit3A_123, %sign3A_130 : i32
        %sign3A_132 = arith.extui %sign3A_131 : i1 to i32
        %sign3A_133 = arith.constant 0 : i32
        %sign3A_134 = arith.cmpi slt, %jit3A_123, %sign3A_133 : i32
        %sign3A_135 = arith.extui %sign3A_134 : i1 to i32
        %sign3A_136 = arith.subi %sign3A_132, %sign3A_135 : i32
        %ne3A_137 = arith.cmpi ne, %sign3A_129, %sign3A_136 : i32
        %rem3A_138 = arith.remsi %scan3A_48, %jit3A_123 : i32
        %ne3A_139 = arith.constant 0 : i32
        %ne3A_140 = arith.cmpi ne, %rem3A_138, %ne3A_139 : i32
        %and3A_141 = arith.andi %ne3A_137, %ne3A_140 : i1
        %sub3A = arith.constant 1 : i32
        %sub3A_142 = arith.subi %div3A, %sub3A : i32
        %select_n3A_143 = arith.select %and3A_141, %sub3A_142, %div3A : i32
        %add3A_144 = arith.constant 1 : i32
        %add3A_145 = arith.addi %select_n3A_143, %add3A_144 : i32
        %lt3A_146 = arith.constant 125 : i32
        %lt3A_147 = arith.cmpi slt, %add3A_145, %lt3A_146 : i32
        %jit3A_148 = arith.constant 2 : i32
        %eq3A_149 = arith.constant 0 : i32
        %eq3A_150 = arith.cmpi eq, %jit3A_148, %eq3A_149 : i32
        %jit3A_151 = arith.constant 1 : i32
        %select_n3A_152 = arith.select %eq3A_150, %jit3A_151, %jit3A_148 : i32
        %rem3A_153 = arith.remsi %add3A_145, %select_n3A_152 : i32
        %ne3A_154 = arith.constant 0 : i32
        %ne3A_155 = arith.cmpi ne, %rem3A_153, %ne3A_154 : i32
        %lt3A_156 = arith.constant 0 : i32
        %lt3A_157 = arith.cmpi slt, %rem3A_153, %lt3A_156 : i32
        %lt3A_158 = arith.constant 0 : i32
        %lt3A_159 = arith.cmpi slt, %select_n3A_152, %lt3A_158 : i32
        %ne3A_160 = arith.xori %lt3A_157, %lt3A_159 : i1
        %and3A_161 = arith.andi %ne3A_160, %ne3A_155 : i1
        %add3A_162 = arith.addi %rem3A_153, %select_n3A_152 : i32
        %select_n3A_163 = arith.select %and3A_161, %add3A_162, %rem3A_153 : i32
        %eq3A_164 = arith.constant 0 : i32
        %eq3A_165 = arith.cmpi eq, %select_n3A_163, %eq3A_164 : i32
        %and3A_166 = arith.andi %lt3A_147, %eq3A_165 : i1
        %convert_element_type3A_167 = arith.extui %and3A_166 : i1 to i32
        %cond3A_168 = arith.constant 0 : i32
        %cond3A_169 = arith.cmpi ne, %convert_element_type3A_167, %cond3A_168 : i32
        scf.if %cond3A_169 {
          %mul3A_194 = arith.constant 40 : i32
          %mul3A_195 = arith.muli %add3A_145, %mul3A_194 : i32
          %add3A_196 = arith.addi %mul3A_2, %mul3A_195 : i32
          %dma_start3A_197 = arith.constant 0 : i32
          %dma_start3A_198 = tpu.memref_slice %arg4[%add3A_196, %dma_start3A_197] : memref<160000x128xi32, #tpu.memory_space<hbm>> -> memref<40x128xi32, #tpu.memory_space<hbm>>
          %dma_start3A_199 = arith.constant 0 : i32
          %dma_start3A_200 = tpu.memref_slice %arg4[%add3A_196, %dma_start3A_199] : memref<160000x128xi32, #tpu.memory_space<hbm>> -> memref<40x128xi32, #tpu.memory_space<hbm>>
          tpu.enqueue_dma source(%dma_start3A_200 : memref<40x128xi32, #tpu.memory_space<hbm>>) target(%arg15 : memref<40x128xi32, #tpu.memory_space<vmem>>) target_semaphore(%arg22 : memref<!tpu.dma_semaphore, #tpu.memory_space<semaphore_mem>>)
        } else {
        }
        %lt3A_170 = arith.constant 125 : i32
        %lt3A_171 = arith.cmpi slt, %add3A_145, %lt3A_170 : i32
        %jit3A_172 = arith.constant 2 : i32
        %eq3A_173 = arith.constant 0 : i32
        %eq3A_174 = arith.cmpi eq, %jit3A_172, %eq3A_173 : i32
        %jit3A_175 = arith.constant 1 : i32
        %select_n3A_176 = arith.select %eq3A_174, %jit3A_175, %jit3A_172 : i32
        %rem3A_177 = arith.remsi %add3A_145, %select_n3A_176 : i32
        %ne3A_178 = arith.constant 0 : i32
        %ne3A_179 = arith.cmpi ne, %rem3A_177, %ne3A_178 : i32
        %lt3A_180 = arith.constant 0 : i32
        %lt3A_181 = arith.cmpi slt, %rem3A_177, %lt3A_180 : i32
        %lt3A_182 = arith.constant 0 : i32
        %lt3A_183 = arith.cmpi slt, %select_n3A_176, %lt3A_182 : i32
        %ne3A_184 = arith.xori %lt3A_181, %lt3A_183 : i1
        %and3A_185 = arith.andi %ne3A_184, %ne3A_179 : i1
        %add3A_186 = arith.addi %rem3A_177, %select_n3A_176 : i32
        %select_n3A_187 = arith.select %and3A_185, %add3A_186, %rem3A_177 : i32
        %eq3A_188 = arith.constant 1 : i32
        %eq3A_189 = arith.cmpi eq, %select_n3A_187, %eq3A_188 : i32
        %and3A_190 = arith.andi %lt3A_171, %eq3A_189 : i1
        %convert_element_type3A_191 = arith.extui %and3A_190 : i1 to i32
        %cond3A_192 = arith.constant 0 : i32
        %cond3A_193 = arith.cmpi ne, %convert_element_type3A_191, %cond3A_192 : i32
        scf.if %cond3A_193 {
          %mul3A_194 = arith.constant 40 : i32
          %mul3A_195 = arith.muli %add3A_145, %mul3A_194 : i32
          %add3A_196 = arith.addi %mul3A_2, %mul3A_195 : i32
          %dma_start3A_197 = arith.constant 0 : i32
          %dma_start3A_198 = tpu.memref_slice %arg4[%add3A_196, %dma_start3A_197] : memref<160000x128xi32, #tpu.memory_space<hbm>> -> memref<40x128xi32, #tpu.memory_space<hbm>>
          %dma_start3A_199 = arith.constant 0 : i32
          %dma_start3A_200 = tpu.memref_slice %arg4[%add3A_196, %dma_start3A_199] : memref<160000x128xi32, #tpu.memory_space<hbm>> -> memref<40x128xi32, #tpu.memory_space<hbm>>
          tpu.enqueue_dma source(%dma_start3A_200 : memref<40x128xi32, #tpu.memory_space<hbm>>) target(%arg16 : memref<40x128xi32, #tpu.memory_space<vmem>>) target_semaphore(%arg23 : memref<!tpu.dma_semaphore, #tpu.memory_space<semaphore_mem>>)
        } else {
        }
      } else {
      }
      %add3A_82 = arith.constant 1 : i32
      %add3A_83 = arith.addi %scan3A_48, %add3A_82 : i32
      %jit3A_84 = arith.constant 2 : i32
      %eq3A_85 = arith.constant 0 : i32
      %eq3A_86 = arith.cmpi eq, %jit3A_84, %eq3A_85 : i32
      %jit3A_87 = arith.constant 1 : i32
      %select_n3A_88 = arith.select %eq3A_86, %jit3A_87, %jit3A_84 : i32
      %rem3A_89 = arith.remsi %scan3A_48, %select_n3A_88 : i32
      %ne3A_90 = arith.constant 0 : i32
      %ne3A_91 = arith.cmpi ne, %rem3A_89, %ne3A_90 : i32
      %lt3A_92 = arith.constant 0 : i32
      %lt3A_93 = arith.cmpi slt, %rem3A_89, %lt3A_92 : i32
      %lt3A_94 = arith.constant 0 : i32
      %lt3A_95 = arith.cmpi slt, %select_n3A_88, %lt3A_94 : i32
      %ne3A_96 = arith.xori %lt3A_93, %lt3A_95 : i1
      %and3A_97 = arith.andi %ne3A_96, %ne3A_91 : i1
      %add3A_98 = arith.addi %rem3A_89, %select_n3A_88 : i32
      %select_n3A_99 = arith.select %and3A_97, %add3A_98, %rem3A_89 : i32
      %eq3A_100 = arith.constant 0 : i32
      %eq3A_101 = arith.cmpi eq, %select_n3A_99, %eq3A_100 : i32
      %lt3A_102 = arith.constant 250 : i32
      %lt3A_103 = arith.cmpi slt, %add3A_83, %lt3A_102 : i32
      %not3A = arith.constant true
      %not3A_104 = arith.xori %eq3A_101, %not3A : i1
      %and3A_105 = arith.andi %lt3A_103, %not3A_104 : i1
      %convert_element_type3A_106 = arith.extui %and3A_105 : i1 to i32
      %cond3A_107 = arith.constant 0 : i32
      %cond3A_108 = arith.cmpi ne, %convert_element_type3A_106, %cond3A_107 : i32
      scf.if %cond3A_108 {
        %jit3A_123 = arith.constant 25 : i32
        %div3A = arith.divsi %add3A_83, %jit3A_123 : i32
        %sign3A = arith.constant 0 : i32
        %sign3A_124 = arith.cmpi sgt, %add3A_83, %sign3A : i32
        %sign3A_125 = arith.extui %sign3A_124 : i1 to i32
        %sign3A_126 = arith.constant 0 : i32
        %sign3A_127 = arith.cmpi slt, %add3A_83, %sign3A_126 : i32
        %sign3A_128 = arith.extui %sign3A_127 : i1 to i32
        %sign3A_129 = arith.subi %sign3A_125, %sign3A_128 : i32
        %sign3A_130 = arith.constant 0 : i32
        %sign3A_131 = arith.cmpi sgt, %jit3A_123, %sign3A_130 : i32
        %sign3A_132 = arith.extui %sign3A_131 : i1 to i32
        %sign3A_133 = arith.constant 0 : i32
        %sign3A_134 = arith.cmpi slt, %jit3A_123, %sign3A_133 : i32
        %sign3A_135 = arith.extui %sign3A_134 : i1 to i32
        %sign3A_136 = arith.subi %sign3A_132, %sign3A_135 : i32
        %ne3A_137 = arith.cmpi ne, %sign3A_129, %sign3A_136 : i32
        %rem3A_138 = arith.remsi %add3A_83, %jit3A_123 : i32
        %ne3A_139 = arith.constant 0 : i32
        %ne3A_140 = arith.cmpi ne, %rem3A_138, %ne3A_139 : i32
        %and3A_141 = arith.andi %ne3A_137, %ne3A_140 : i1
        %sub3A = arith.constant 1 : i32
        %sub3A_142 = arith.subi %div3A, %sub3A : i32
        %select_n3A_143 = arith.select %and3A_141, %sub3A_142, %div3A : i32
        %jit3A_144 = arith.constant 2 : i32
        %eq3A_145 = arith.constant 0 : i32
        %eq3A_146 = arith.cmpi eq, %jit3A_144, %eq3A_145 : i32
        %jit3A_147 = arith.constant 1 : i32
        %select_n3A_148 = arith.select %eq3A_146, %jit3A_147, %jit3A_144 : i32
        %rem3A_149 = arith.remsi %select_n3A_143, %select_n3A_148 : i32
        %ne3A_150 = arith.constant 0 : i32
        %ne3A_151 = arith.cmpi ne, %rem3A_149, %ne3A_150 : i32
        %lt3A_152 = arith.constant 0 : i32
        %lt3A_153 = arith.cmpi slt, %rem3A_149, %lt3A_152 : i32
        %lt3A_154 = arith.constant 0 : i32
        %lt3A_155 = arith.cmpi slt, %select_n3A_148, %lt3A_154 : i32
        %ne3A_156 = arith.xori %lt3A_153, %lt3A_155 : i1
        %and3A_157 = arith.andi %ne3A_156, %ne3A_151 : i1
        %add3A_158 = arith.addi %rem3A_149, %select_n3A_148 : i32
        %select_n3A_159 = arith.select %and3A_157, %add3A_158, %rem3A_149 : i32
        %eq3A_160 = arith.constant 0 : i32
        %eq3A_161 = arith.cmpi eq, %select_n3A_159, %eq3A_160 : i32
        %convert_element_type3A_162 = arith.extui %eq3A_161 : i1 to i32
        %cond3A_163 = arith.constant 0 : i32
        %cond3A_164 = arith.cmpi ne, %convert_element_type3A_162, %cond3A_163 : i32
        scf.if %cond3A_164 {
          %jit3A_170 = arith.constant 25 : i32
          %eq3A_171 = arith.constant 0 : i32
          %eq3A_172 = arith.cmpi eq, %jit3A_170, %eq3A_171 : i32
          %jit3A_173 = arith.constant 1 : i32
          %select_n3A_174 = arith.select %eq3A_172, %jit3A_173, %jit3A_170 : i32
          %rem3A_175 = arith.remsi %add3A_83, %select_n3A_174 : i32
          %ne3A_176 = arith.constant 0 : i32
          %ne3A_177 = arith.cmpi ne, %rem3A_175, %ne3A_176 : i32
          %lt3A_178 = arith.constant 0 : i32
          %lt3A_179 = arith.cmpi slt, %rem3A_175, %lt3A_178 : i32
          %lt3A_180 = arith.constant 0 : i32
          %lt3A_181 = arith.cmpi slt, %select_n3A_174, %lt3A_180 : i32
          %ne3A_182 = arith.xori %lt3A_179, %lt3A_181 : i1
          %and3A_183 = arith.andi %ne3A_182, %ne3A_177 : i1
          %add3A_184 = arith.addi %rem3A_175, %select_n3A_174 : i32
          %select_n3A_185 = arith.select %and3A_183, %add3A_184, %rem3A_175 : i32
          %dma_start3A_186 = arith.constant 0 : i32
          %dma_start3A_187 = tpu.memref_slice %arg7[%select_n3A_185, %dma_start3A_186] : memref<25x40xi32, #tpu.memory_space<vmem>> -> memref<1x40xi32, #tpu.memory_space<vmem>>
          %dma_start3A_188 = tpu.memref_squeeze %dma_start3A_187 : memref<1x40xi32, #tpu.memory_space<vmem>> -> memref<40xi32, #tpu.memory_space<vmem>>
          %dma_start3A_189 = arith.constant 0 : i32
          %dma_start3A_190 = arith.constant 0 : i32
          %dma_start3A_191 = tpu.memref_slice %arg2[%dma_start3A_189, %dma_start3A_190] : memref<10000x128xf32, #tpu.memory_space<hbm>> -> memref<10000x128xf32, #tpu.memory_space<hbm>>
          tpu.enqueue_indirect_dma source(%dma_start3A_191 : memref<10000x128xf32, #tpu.memory_space<hbm>>) target(%arg11 : memref<40x128xf32, #tpu.memory_space<vmem>>) offsets(%dma_start3A_188 : memref<40xi32, #tpu.memory_space<vmem>>) semaphore(%arg18 : memref<!tpu.dma_semaphore, #tpu.memory_space<semaphore_mem>>)
          %dma_start3A_192 = arith.constant 0 : i32
          %dma_start3A_193 = tpu.memref_slice %arg8[%select_n3A_185, %dma_start3A_192] : memref<25x40xi32, #tpu.memory_space<vmem>> -> memref<1x40xi32, #tpu.memory_space<vmem>>
          %dma_start3A_194 = tpu.memref_squeeze %dma_start3A_193 : memref<1x40xi32, #tpu.memory_space<vmem>> -> memref<40xi32, #tpu.memory_space<vmem>>
          %dma_start3A_195 = arith.constant 0 : i32
          %dma_start3A_196 = arith.constant 0 : i32
          %dma_start3A_197 = tpu.memref_slice %arg3[%dma_start3A_195, %dma_start3A_196] : memref<10000x128xf32, #tpu.memory_space<hbm>> -> memref<10000x128xf32, #tpu.memory_space<hbm>>
          tpu.enqueue_indirect_dma source(%dma_start3A_197 : memref<10000x128xf32, #tpu.memory_space<hbm>>) target(%arg12 : memref<40x128xf32, #tpu.memory_space<vmem>>) offsets(%dma_start3A_194 : memref<40xi32, #tpu.memory_space<vmem>>) semaphore(%arg19 : memref<!tpu.dma_semaphore, #tpu.memory_space<semaphore_mem>>)
        } else {
        }
        %eq3A_165 = arith.constant 1 : i32
        %eq3A_166 = arith.cmpi eq, %select_n3A_159, %eq3A_165 : i32
        %convert_element_type3A_167 = arith.extui %eq3A_166 : i1 to i32
        %cond3A_168 = arith.constant 0 : i32
        %cond3A_169 = arith.cmpi ne, %convert_element_type3A_167, %cond3A_168 : i32
        scf.if %cond3A_169 {
          %jit3A_170 = arith.constant 25 : i32
          %eq3A_171 = arith.constant 0 : i32
          %eq3A_172 = arith.cmpi eq, %jit3A_170, %eq3A_171 : i32
          %jit3A_173 = arith.constant 1 : i32
          %select_n3A_174 = arith.select %eq3A_172, %jit3A_173, %jit3A_170 : i32
          %rem3A_175 = arith.remsi %add3A_83, %select_n3A_174 : i32
          %ne3A_176 = arith.constant 0 : i32
          %ne3A_177 = arith.cmpi ne, %rem3A_175, %ne3A_176 : i32
          %lt3A_178 = arith.constant 0 : i32
          %lt3A_179 = arith.cmpi slt, %rem3A_175, %lt3A_178 : i32
          %lt3A_180 = arith.constant 0 : i32
          %lt3A_181 = arith.cmpi slt, %select_n3A_174, %lt3A_180 : i32
          %ne3A_182 = arith.xori %lt3A_179, %lt3A_181 : i1
          %and3A_183 = arith.andi %ne3A_182, %ne3A_177 : i1
          %add3A_184 = arith.addi %rem3A_175, %select_n3A_174 : i32
          %select_n3A_185 = arith.select %and3A_183, %add3A_184, %rem3A_175 : i32
          %dma_start3A_186 = arith.constant 0 : i32
          %dma_start3A_187 = tpu.memref_slice %arg9[%select_n3A_185, %dma_start3A_186] : memref<25x40xi32, #tpu.memory_space<vmem>> -> memref<1x40xi32, #tpu.memory_space<vmem>>
          %dma_start3A_188 = tpu.memref_squeeze %dma_start3A_187 : memref<1x40xi32, #tpu.memory_space<vmem>> -> memref<40xi32, #tpu.memory_space<vmem>>
          %dma_start3A_189 = arith.constant 0 : i32
          %dma_start3A_190 = arith.constant 0 : i32
          %dma_start3A_191 = tpu.memref_slice %arg2[%dma_start3A_189, %dma_start3A_190] : memref<10000x128xf32, #tpu.memory_space<hbm>> -> memref<10000x128xf32, #tpu.memory_space<hbm>>
          tpu.enqueue_indirect_dma source(%dma_start3A_191 : memref<10000x128xf32, #tpu.memory_space<hbm>>) target(%arg11 : memref<40x128xf32, #tpu.memory_space<vmem>>) offsets(%dma_start3A_188 : memref<40xi32, #tpu.memory_space<vmem>>) semaphore(%arg18 : memref<!tpu.dma_semaphore, #tpu.memory_space<semaphore_mem>>)
          %dma_start3A_192 = arith.constant 0 : i32
          %dma_start3A_193 = tpu.memref_slice %arg10[%select_n3A_185, %dma_start3A_192] : memref<25x40xi32, #tpu.memory_space<vmem>> -> memref<1x40xi32, #tpu.memory_space<vmem>>
          %dma_start3A_194 = tpu.memref_squeeze %dma_start3A_193 : memref<1x40xi32, #tpu.memory_space<vmem>> -> memref<40xi32, #tpu.memory_space<vmem>>
          %dma_start3A_195 = arith.constant 0 : i32
          %dma_start3A_196 = arith.constant 0 : i32
          %dma_start3A_197 = tpu.memref_slice %arg3[%dma_start3A_195, %dma_start3A_196] : memref<10000x128xf32, #tpu.memory_space<hbm>> -> memref<10000x128xf32, #tpu.memory_space<hbm>>
          tpu.enqueue_indirect_dma source(%dma_start3A_197 : memref<10000x128xf32, #tpu.memory_space<hbm>>) target(%arg12 : memref<40x128xf32, #tpu.memory_space<vmem>>) offsets(%dma_start3A_194 : memref<40xi32, #tpu.memory_space<vmem>>) semaphore(%arg19 : memref<!tpu.dma_semaphore, #tpu.memory_space<semaphore_mem>>)
        } else {
        }
      } else {
      }
      %lt3A_109 = arith.constant 250 : i32
      %lt3A_110 = arith.cmpi slt, %add3A_83, %lt3A_109 : i32
      %and3A_111 = arith.andi %lt3A_110, %eq3A_101 : i1
      %convert_element_type3A_112 = arith.extui %and3A_111 : i1 to i32
      %cond3A_113 = arith.constant 0 : i32
      %cond3A_114 = arith.cmpi ne, %convert_element_type3A_112, %cond3A_113 : i32
      scf.if %cond3A_114 {
        %jit3A_123 = arith.constant 25 : i32
        %div3A = arith.divsi %add3A_83, %jit3A_123 : i32
        %sign3A = arith.constant 0 : i32
        %sign3A_124 = arith.cmpi sgt, %add3A_83, %sign3A : i32
        %sign3A_125 = arith.extui %sign3A_124 : i1 to i32
        %sign3A_126 = arith.constant 0 : i32
        %sign3A_127 = arith.cmpi slt, %add3A_83, %sign3A_126 : i32
        %sign3A_128 = arith.extui %sign3A_127 : i1 to i32
        %sign3A_129 = arith.subi %sign3A_125, %sign3A_128 : i32
        %sign3A_130 = arith.constant 0 : i32
        %sign3A_131 = arith.cmpi sgt, %jit3A_123, %sign3A_130 : i32
        %sign3A_132 = arith.extui %sign3A_131 : i1 to i32
        %sign3A_133 = arith.constant 0 : i32
        %sign3A_134 = arith.cmpi slt, %jit3A_123, %sign3A_133 : i32
        %sign3A_135 = arith.extui %sign3A_134 : i1 to i32
        %sign3A_136 = arith.subi %sign3A_132, %sign3A_135 : i32
        %ne3A_137 = arith.cmpi ne, %sign3A_129, %sign3A_136 : i32
        %rem3A_138 = arith.remsi %add3A_83, %jit3A_123 : i32
        %ne3A_139 = arith.constant 0 : i32
        %ne3A_140 = arith.cmpi ne, %rem3A_138, %ne3A_139 : i32
        %and3A_141 = arith.andi %ne3A_137, %ne3A_140 : i1
        %sub3A = arith.constant 1 : i32
        %sub3A_142 = arith.subi %div3A, %sub3A : i32
        %select_n3A_143 = arith.select %and3A_141, %sub3A_142, %div3A : i32
        %jit3A_144 = arith.constant 2 : i32
        %eq3A_145 = arith.constant 0 : i32
        %eq3A_146 = arith.cmpi eq, %jit3A_144, %eq3A_145 : i32
        %jit3A_147 = arith.constant 1 : i32
        %select_n3A_148 = arith.select %eq3A_146, %jit3A_147, %jit3A_144 : i32
        %rem3A_149 = arith.remsi %select_n3A_143, %select_n3A_148 : i32
        %ne3A_150 = arith.constant 0 : i32
        %ne3A_151 = arith.cmpi ne, %rem3A_149, %ne3A_150 : i32
        %lt3A_152 = arith.constant 0 : i32
        %lt3A_153 = arith.cmpi slt, %rem3A_149, %lt3A_152 : i32
        %lt3A_154 = arith.constant 0 : i32
        %lt3A_155 = arith.cmpi slt, %select_n3A_148, %lt3A_154 : i32
        %ne3A_156 = arith.xori %lt3A_153, %lt3A_155 : i1
        %and3A_157 = arith.andi %ne3A_156, %ne3A_151 : i1
        %add3A_158 = arith.addi %rem3A_149, %select_n3A_148 : i32
        %select_n3A_159 = arith.select %and3A_157, %add3A_158, %rem3A_149 : i32
        %eq3A_160 = arith.constant 0 : i32
        %eq3A_161 = arith.cmpi eq, %select_n3A_159, %eq3A_160 : i32
        %convert_element_type3A_162 = arith.extui %eq3A_161 : i1 to i32
        %cond3A_163 = arith.constant 0 : i32
        %cond3A_164 = arith.cmpi ne, %convert_element_type3A_162, %cond3A_163 : i32
        scf.if %cond3A_164 {
          %jit3A_170 = arith.constant 25 : i32
          %eq3A_171 = arith.constant 0 : i32
          %eq3A_172 = arith.cmpi eq, %jit3A_170, %eq3A_171 : i32
          %jit3A_173 = arith.constant 1 : i32
          %select_n3A_174 = arith.select %eq3A_172, %jit3A_173, %jit3A_170 : i32
          %rem3A_175 = arith.remsi %add3A_83, %select_n3A_174 : i32
          %ne3A_176 = arith.constant 0 : i32
          %ne3A_177 = arith.cmpi ne, %rem3A_175, %ne3A_176 : i32
          %lt3A_178 = arith.constant 0 : i32
          %lt3A_179 = arith.cmpi slt, %rem3A_175, %lt3A_178 : i32
          %lt3A_180 = arith.constant 0 : i32
          %lt3A_181 = arith.cmpi slt, %select_n3A_174, %lt3A_180 : i32
          %ne3A_182 = arith.xori %lt3A_179, %lt3A_181 : i1
          %and3A_183 = arith.andi %ne3A_182, %ne3A_177 : i1
          %add3A_184 = arith.addi %rem3A_175, %select_n3A_174 : i32
          %select_n3A_185 = arith.select %and3A_183, %add3A_184, %rem3A_175 : i32
          %dma_start3A_186 = arith.constant 0 : i32
          %dma_start3A_187 = tpu.memref_slice %arg7[%select_n3A_185, %dma_start3A_186] : memref<25x40xi32, #tpu.memory_space<vmem>> -> memref<1x40xi32, #tpu.memory_space<vmem>>
          %dma_start3A_188 = tpu.memref_squeeze %dma_start3A_187 : memref<1x40xi32, #tpu.memory_space<vmem>> -> memref<40xi32, #tpu.memory_space<vmem>>
          %dma_start3A_189 = arith.constant 0 : i32
          %dma_start3A_190 = arith.constant 0 : i32
          %dma_start3A_191 = tpu.memref_slice %arg2[%dma_start3A_189, %dma_start3A_190] : memref<10000x128xf32, #tpu.memory_space<hbm>> -> memref<10000x128xf32, #tpu.memory_space<hbm>>
          tpu.enqueue_indirect_dma source(%dma_start3A_191 : memref<10000x128xf32, #tpu.memory_space<hbm>>) target(%arg13 : memref<40x128xf32, #tpu.memory_space<vmem>>) offsets(%dma_start3A_188 : memref<40xi32, #tpu.memory_space<vmem>>) semaphore(%arg20 : memref<!tpu.dma_semaphore, #tpu.memory_space<semaphore_mem>>)
          %dma_start3A_192 = arith.constant 0 : i32
          %dma_start3A_193 = tpu.memref_slice %arg8[%select_n3A_185, %dma_start3A_192] : memref<25x40xi32, #tpu.memory_space<vmem>> -> memref<1x40xi32, #tpu.memory_space<vmem>>
          %dma_start3A_194 = tpu.memref_squeeze %dma_start3A_193 : memref<1x40xi32, #tpu.memory_space<vmem>> -> memref<40xi32, #tpu.memory_space<vmem>>
          %dma_start3A_195 = arith.constant 0 : i32
          %dma_start3A_196 = arith.constant 0 : i32
          %dma_start3A_197 = tpu.memref_slice %arg3[%dma_start3A_195, %dma_start3A_196] : memref<10000x128xf32, #tpu.memory_space<hbm>> -> memref<10000x128xf32, #tpu.memory_space<hbm>>
          tpu.enqueue_indirect_dma source(%dma_start3A_197 : memref<10000x128xf32, #tpu.memory_space<hbm>>) target(%arg14 : memref<40x128xf32, #tpu.memory_space<vmem>>) offsets(%dma_start3A_194 : memref<40xi32, #tpu.memory_space<vmem>>) semaphore(%arg21 : memref<!tpu.dma_semaphore, #tpu.memory_space<semaphore_mem>>)
        } else {
        }
        %eq3A_165 = arith.constant 1 : i32
        %eq3A_166 = arith.cmpi eq, %select_n3A_159, %eq3A_165 : i32
        %convert_element_type3A_167 = arith.extui %eq3A_166 : i1 to i32
        %cond3A_168 = arith.constant 0 : i32
        %cond3A_169 = arith.cmpi ne, %convert_element_type3A_167, %cond3A_168 : i32
        scf.if %cond3A_169 {
          %jit3A_170 = arith.constant 25 : i32
          %eq3A_171 = arith.constant 0 : i32
          %eq3A_172 = arith.cmpi eq, %jit3A_170, %eq3A_171 : i32
          %jit3A_173 = arith.constant 1 : i32
          %select_n3A_174 = arith.select %eq3A_172, %jit3A_173, %jit3A_170 : i32
          %rem3A_175 = arith.remsi %add3A_83, %select_n3A_174 : i32
          %ne3A_176 = arith.constant 0 : i32
          %ne3A_177 = arith.cmpi ne, %rem3A_175, %ne3A_176 : i32
          %lt3A_178 = arith.constant 0 : i32
          %lt3A_179 = arith.cmpi slt, %rem3A_175, %lt3A_178 : i32
          %lt3A_180 = arith.constant 0 : i32
          %lt3A_181 = arith.cmpi slt, %select_n3A_174, %lt3A_180 : i32
          %ne3A_182 = arith.xori %lt3A_179, %lt3A_181 : i1
          %and3A_183 = arith.andi %ne3A_182, %ne3A_177 : i1
          %add3A_184 = arith.addi %rem3A_175, %select_n3A_174 : i32
          %select_n3A_185 = arith.select %and3A_183, %add3A_184, %rem3A_175 : i32
          %dma_start3A_186 = arith.constant 0 : i32
          %dma_start3A_187 = tpu.memref_slice %arg9[%select_n3A_185, %dma_start3A_186] : memref<25x40xi32, #tpu.memory_space<vmem>> -> memref<1x40xi32, #tpu.memory_space<vmem>>
          %dma_start3A_188 = tpu.memref_squeeze %dma_start3A_187 : memref<1x40xi32, #tpu.memory_space<vmem>> -> memref<40xi32, #tpu.memory_space<vmem>>
          %dma_start3A_189 = arith.constant 0 : i32
          %dma_start3A_190 = arith.constant 0 : i32
          %dma_start3A_191 = tpu.memref_slice %arg2[%dma_start3A_189, %dma_start3A_190] : memref<10000x128xf32, #tpu.memory_space<hbm>> -> memref<10000x128xf32, #tpu.memory_space<hbm>>
          tpu.enqueue_indirect_dma source(%dma_start3A_191 : memref<10000x128xf32, #tpu.memory_space<hbm>>) target(%arg13 : memref<40x128xf32, #tpu.memory_space<vmem>>) offsets(%dma_start3A_188 : memref<40xi32, #tpu.memory_space<vmem>>) semaphore(%arg20 : memref<!tpu.dma_semaphore, #tpu.memory_space<semaphore_mem>>)
          %dma_start3A_192 = arith.constant 0 : i32
          %dma_start3A_193 = tpu.memref_slice %arg10[%select_n3A_185, %dma_start3A_192] : memref<25x40xi32, #tpu.memory_space<vmem>> -> memref<1x40xi32, #tpu.memory_space<vmem>>
          %dma_start3A_194 = tpu.memref_squeeze %dma_start3A_193 : memref<1x40xi32, #tpu.memory_space<vmem>> -> memref<40xi32, #tpu.memory_space<vmem>>
          %dma_start3A_195 = arith.constant 0 : i32
          %dma_start3A_196 = arith.constant 0 : i32
          %dma_start3A_197 = tpu.memref_slice %arg3[%dma_start3A_195, %dma_start3A_196] : memref<10000x128xf32, #tpu.memory_space<hbm>> -> memref<10000x128xf32, #tpu.memory_space<hbm>>
          tpu.enqueue_indirect_dma source(%dma_start3A_197 : memref<10000x128xf32, #tpu.memory_space<hbm>>) target(%arg14 : memref<40x128xf32, #tpu.memory_space<vmem>>) offsets(%dma_start3A_194 : memref<40xi32, #tpu.memory_space<vmem>>) semaphore(%arg21 : memref<!tpu.dma_semaphore, #tpu.memory_space<semaphore_mem>>)
        } else {
        }
      } else {
      }
      %convert_element_type3A_115 = arith.extui %eq3A_101 : i1 to i32
      %cond3A_116 = arith.constant 0 : i32
      %cond3A_117 = arith.cmpi ne, %convert_element_type3A_115, %cond3A_116 : i32
      scf.if %cond3A_117 {
        %jit3A_123 = arith.constant 25 : i32
        %div3A = arith.divsi %scan3A_48, %jit3A_123 : i32
        %sign3A = arith.constant 0 : i32
        %sign3A_124 = arith.cmpi sgt, %scan3A_48, %sign3A : i32
        %sign3A_125 = arith.extui %sign3A_124 : i1 to i32
        %sign3A_126 = arith.constant 0 : i32
        %sign3A_127 = arith.cmpi slt, %scan3A_48, %sign3A_126 : i32
        %sign3A_128 = arith.extui %sign3A_127 : i1 to i32
        %sign3A_129 = arith.subi %sign3A_125, %sign3A_128 : i32
        %sign3A_130 = arith.constant 0 : i32
        %sign3A_131 = arith.cmpi sgt, %jit3A_123, %sign3A_130 : i32
        %sign3A_132 = arith.extui %sign3A_131 : i1 to i32
        %sign3A_133 = arith.constant 0 : i32
        %sign3A_134 = arith.cmpi slt, %jit3A_123, %sign3A_133 : i32
        %sign3A_135 = arith.extui %sign3A_134 : i1 to i32
        %sign3A_136 = arith.subi %sign3A_132, %sign3A_135 : i32
        %ne3A_137 = arith.cmpi ne, %sign3A_129, %sign3A_136 : i32
        %rem3A_138 = arith.remsi %scan3A_48, %jit3A_123 : i32
        %ne3A_139 = arith.constant 0 : i32
        %ne3A_140 = arith.cmpi ne, %rem3A_138, %ne3A_139 : i32
        %and3A_141 = arith.andi %ne3A_137, %ne3A_140 : i1
        %sub3A = arith.constant 1 : i32
        %sub3A_142 = arith.subi %div3A, %sub3A : i32
        %select_n3A_143 = arith.select %and3A_141, %sub3A_142, %div3A : i32
        %jit3A_144 = arith.constant 2 : i32
        %eq3A_145 = arith.constant 0 : i32
        %eq3A_146 = arith.cmpi eq, %jit3A_144, %eq3A_145 : i32
        %jit3A_147 = arith.constant 1 : i32
        %select_n3A_148 = arith.select %eq3A_146, %jit3A_147, %jit3A_144 : i32
        %rem3A_149 = arith.remsi %select_n3A_143, %select_n3A_148 : i32
        %ne3A_150 = arith.constant 0 : i32
        %ne3A_151 = arith.cmpi ne, %rem3A_149, %ne3A_150 : i32
        %lt3A_152 = arith.constant 0 : i32
        %lt3A_153 = arith.cmpi slt, %rem3A_149, %lt3A_152 : i32
        %lt3A_154 = arith.constant 0 : i32
        %lt3A_155 = arith.cmpi slt, %select_n3A_148, %lt3A_154 : i32
        %ne3A_156 = arith.xori %lt3A_153, %lt3A_155 : i1
        %and3A_157 = arith.andi %ne3A_156, %ne3A_151 : i1
        %add3A_158 = arith.addi %rem3A_149, %select_n3A_148 : i32
        %select_n3A_159 = arith.select %and3A_157, %add3A_158, %rem3A_149 : i32
        %eq3A_160 = arith.constant 0 : i32
        %eq3A_161 = arith.cmpi eq, %select_n3A_159, %eq3A_160 : i32
        %convert_element_type3A_162 = arith.extui %eq3A_161 : i1 to i32
        %cond3A_163 = arith.constant 0 : i32
        %cond3A_164 = arith.cmpi ne, %convert_element_type3A_162, %cond3A_163 : i32
        scf.if %cond3A_164 {
          %jit3A_170 = arith.constant 25 : i32
          %eq3A_171 = arith.constant 0 : i32
          %eq3A_172 = arith.cmpi eq, %jit3A_170, %eq3A_171 : i32
          %jit3A_173 = arith.constant 1 : i32
          %select_n3A_174 = arith.select %eq3A_172, %jit3A_173, %jit3A_170 : i32
          %rem3A_175 = arith.remsi %scan3A_48, %select_n3A_174 : i32
          %ne3A_176 = arith.constant 0 : i32
          %ne3A_177 = arith.cmpi ne, %rem3A_175, %ne3A_176 : i32
          %lt3A_178 = arith.constant 0 : i32
          %lt3A_179 = arith.cmpi slt, %rem3A_175, %lt3A_178 : i32
          %lt3A_180 = arith.constant 0 : i32
          %lt3A_181 = arith.cmpi slt, %select_n3A_174, %lt3A_180 : i32
          %ne3A_182 = arith.xori %lt3A_179, %lt3A_181 : i1
          %and3A_183 = arith.andi %ne3A_182, %ne3A_177 : i1
          %add3A_184 = arith.addi %rem3A_175, %select_n3A_174 : i32
          %select_n3A_185 = arith.select %and3A_183, %add3A_184, %rem3A_175 : i32
          %dma_wait3A = arith.constant 0 : i32
          %dma_wait3A_186 = tpu.memref_slice %arg7[%select_n3A_185, %dma_wait3A] : memref<25x40xi32, #tpu.memory_space<vmem>> -> memref<1x40xi32, #tpu.memory_space<vmem>>
          %dma_wait3A_187 = tpu.memref_squeeze %dma_wait3A_186 : memref<1x40xi32, #tpu.memory_space<vmem>> -> memref<40xi32, #tpu.memory_space<vmem>>
          %dma_wait3A_188 = arith.constant 0 : i32
          %dma_wait3A_189 = arith.constant 0 : i32
          %dma_wait3A_190 = tpu.memref_slice %arg2[%dma_wait3A_188, %dma_wait3A_189] : memref<10000x128xf32, #tpu.memory_space<hbm>> -> memref<10000x128xf32, #tpu.memory_space<hbm>>
          tpu.wait_indirect_dma semaphore(%arg18 : memref<!tpu.dma_semaphore, #tpu.memory_space<semaphore_mem>>) src(%dma_wait3A_190 : memref<10000x128xf32, #tpu.memory_space<hbm>>) dst(%arg11 : memref<40x128xf32, #tpu.memory_space<vmem>>)
          %dma_wait3A_191 = arith.constant 0 : i32
          %dma_wait3A_192 = tpu.memref_slice %arg8[%select_n3A_185, %dma_wait3A_191] : memref<25x40xi32, #tpu.memory_space<vmem>> -> memref<1x40xi32, #tpu.memory_space<vmem>>
          %dma_wait3A_193 = tpu.memref_squeeze %dma_wait3A_192 : memref<1x40xi32, #tpu.memory_space<vmem>> -> memref<40xi32, #tpu.memory_space<vmem>>
          %dma_wait3A_194 = arith.constant 0 : i32
          %dma_wait3A_195 = arith.constant 0 : i32
          %dma_wait3A_196 = tpu.memref_slice %arg3[%dma_wait3A_194, %dma_wait3A_195] : memref<10000x128xf32, #tpu.memory_space<hbm>> -> memref<10000x128xf32, #tpu.memory_space<hbm>>
          tpu.wait_indirect_dma semaphore(%arg19 : memref<!tpu.dma_semaphore, #tpu.memory_space<semaphore_mem>>) src(%dma_wait3A_196 : memref<10000x128xf32, #tpu.memory_space<hbm>>) dst(%arg12 : memref<40x128xf32, #tpu.memory_space<vmem>>)
          %jit3A_197 = arith.constant 2 : i32
          %div3A_198 = arith.divsi %scan3A_48, %jit3A_197 : i32
          %sign3A_199 = arith.constant 0 : i32
          %sign3A_200 = arith.cmpi sgt, %scan3A_48, %sign3A_199 : i32
          %sign3A_201 = arith.extui %sign3A_200 : i1 to i32
          %sign3A_202 = arith.constant 0 : i32
          %sign3A_203 = arith.cmpi slt, %scan3A_48, %sign3A_202 : i32
          %sign3A_204 = arith.extui %sign3A_203 : i1 to i32
          %sign3A_205 = arith.subi %sign3A_201, %sign3A_204 : i32
          %sign3A_206 = arith.constant 0 : i32
          %sign3A_207 = arith.cmpi sgt, %jit3A_197, %sign3A_206 : i32
          %sign3A_208 = arith.extui %sign3A_207 : i1 to i32
          %sign3A_209 = arith.constant 0 : i32
          %sign3A_210 = arith.cmpi slt, %jit3A_197, %sign3A_209 : i32
          %sign3A_211 = arith.extui %sign3A_210 : i1 to i32
          %sign3A_212 = arith.subi %sign3A_208, %sign3A_211 : i32
          %ne3A_213 = arith.cmpi ne, %sign3A_205, %sign3A_212 : i32
          %rem3A_214 = arith.remsi %scan3A_48, %jit3A_197 : i32
          %ne3A_215 = arith.constant 0 : i32
          %ne3A_216 = arith.cmpi ne, %rem3A_214, %ne3A_215 : i32
          %and3A_217 = arith.andi %ne3A_213, %ne3A_216 : i1
          %sub3A_218 = arith.constant 1 : i32
          %sub3A_219 = arith.subi %div3A_198, %sub3A_218 : i32
          %select_n3A_220 = arith.select %and3A_217, %sub3A_219, %div3A_198 : i32
          %jit3A_221 = arith.constant 2 : i32
          %eq3A_222 = arith.constant 0 : i32
          %eq3A_223 = arith.cmpi eq, %jit3A_221, %eq3A_222 : i32
          %jit3A_224 = arith.constant 1 : i32
          %select_n3A_225 = arith.select %eq3A_223, %jit3A_224, %jit3A_221 : i32
          %rem3A_226 = arith.remsi %select_n3A_220, %select_n3A_225 : i32
          %ne3A_227 = arith.constant 0 : i32
          %ne3A_228 = arith.cmpi ne, %rem3A_226, %ne3A_227 : i32
          %lt3A_229 = arith.constant 0 : i32
          %lt3A_230 = arith.cmpi slt, %rem3A_226, %lt3A_229 : i32
          %lt3A_231 = arith.constant 0 : i32
          %lt3A_232 = arith.cmpi slt, %select_n3A_225, %lt3A_231 : i32
          %ne3A_233 = arith.xori %lt3A_230, %lt3A_232 : i1
          %and3A_234 = arith.andi %ne3A_233, %ne3A_228 : i1
          %add3A_235 = arith.addi %rem3A_226, %select_n3A_225 : i32
          %select_n3A_236 = arith.select %and3A_234, %add3A_235, %rem3A_226 : i32
          %eq3A_237 = arith.constant 0 : i32
          %eq3A_238 = arith.cmpi eq, %select_n3A_236, %eq3A_237 : i32
          %convert_element_type3A_239 = arith.extui %eq3A_238 : i1 to i32
          %cond3A_240 = arith.constant 0 : i32
          %cond3A_241 = arith.cmpi ne, %convert_element_type3A_239, %cond3A_240 : i32
          scf.if %cond3A_241 {
            %mul3A_263 = arith.constant 40 : i32
            %mul3A_264 = arith.muli %select_n3A_220, %mul3A_263 : i32
            %add3A_265 = arith.addi %mul3A_2, %mul3A_264 : i32
            %dma_wait3A_266 = arith.constant 0 : i32
            %dma_wait3A_267 = tpu.memref_slice %arg4[%add3A_265, %dma_wait3A_266] : memref<160000x128xi32, #tpu.memory_space<hbm>> -> memref<40x128xi32, #tpu.memory_space<hbm>>
            %dma_wait3A_268 = arith.constant 0 : i32
            %dma_wait3A_269 = tpu.memref_slice %arg4[%add3A_265, %dma_wait3A_268] : memref<160000x128xi32, #tpu.memory_space<hbm>> -> memref<40x128xi32, #tpu.memory_space<hbm>>
            tpu.wait_dma2 semaphore(%arg22 : memref<!tpu.dma_semaphore, #tpu.memory_space<semaphore_mem>>) src(%dma_wait3A_269 : memref<40x128xi32, #tpu.memory_space<hbm>>) dst(%arg15 : memref<40x128xi32, #tpu.memory_space<vmem>>)
            %scan3A_270 = arith.constant 0 : i32
            %scan3A_271 = arith.constant 0 : i32
            %scan3A_272 = arith.constant 40 : i32
            %scan3A_273 = arith.addi %scan3A_271, %scan3A_272 : i32
            %scan3A_274 = arith.constant 1 : i32
            scf.for %scan3A_276 = %scan3A_271 to %scan3A_273 step %scan3A_274  : i32 {
              %get3A = arith.index_cast %scan3A_276 : i32 to index
              %get3A_277 = arith.constant 0 : index
              %get3A_278 = tpu.vector_load %arg15[%get3A, %get3A_277] {strides = array<i32>} : memref<40x128xi32, #tpu.memory_space<vmem>>, vector<1x16xi32>,
              %get3A_279 = vector.shape_cast %get3A_278 : vector<1x16xi32> to vector<16xi32>
              %shift_left3A = arith.constant 16 : i32
              %shift_left3A_280 = vector.broadcast %shift_left3A : i32 to vector<16xi32>
              %shift_left3A_281 = arith.shli %get3A_279, %shift_left3A_280 : vector<16xi32>
              %bitcast_convert_type3A = tpu.bitcast %shift_left3A_281 : vector<16xi32> -> vector<16xf32>
              %and3A_282 = arith.constant -65536 : i32
              %and3A_283 = vector.broadcast %and3A_282 : i32 to vector<16xi32>
              %and3A_284 = arith.andi %get3A_279, %and3A_283 : vector<16xi32>
              %bitcast_convert_type3A_285 = tpu.bitcast %and3A_284 : vector<16xi32> -> vector<16xf32>
              %get3A_286 = arith.index_cast %scan3A_276 : i32 to index
              %get3A_287 = arith.constant 0 : index
              %get3A_288 = tpu.vector_load %arg11[%get3A_286, %get3A_287] {strides = array<i32>} : memref<40x128xf32, #tpu.memory_space<vmem>>, vector<1x16xf32>,
              %get3A_289 = vector.shape_cast %get3A_288 : vector<1x16xf32> to vector<16xf32>
              %get3A_290 = arith.index_cast %scan3A_276 : i32 to index
              %get3A_291 = arith.constant 0 : index
              %get3A_292 = tpu.vector_load %arg12[%get3A_290, %get3A_291] {strides = array<i32>} : memref<40x128xf32, #tpu.memory_space<vmem>>, vector<1x16xf32>,
              %get3A_293 = vector.shape_cast %get3A_292 : vector<1x16xf32> to vector<16xf32>
              %add3A_294 = arith.addf %get3A_289, %get3A_293 : vector<16xf32>
              %add3A_295 = arith.addf %add3A_294, %bitcast_convert_type3A : vector<16xf32>
              %max3A = arith.constant 0.000000e+00 : f32
              %max3A_296 = vector.broadcast %max3A : f32 to vector<16xf32>
              %max3A_297 = arith.maximumf %add3A_295, %max3A_296 : vector<16xf32>
              %swap3A = arith.index_cast %scan3A_276 : i32 to index
              %swap3A_298 = arith.constant 0 : index
              %swap3A_299 = tpu.vector_load %arg11[%swap3A, %swap3A_298] {strides = array<i32>} : memref<40x128xf32, #tpu.memory_space<vmem>>, vector<1x16xf32>,
              %swap3A_300 = vector.shape_cast %swap3A_299 : vector<1x16xf32> to vector<16xf32>
              %swap3A_301 = vector.shape_cast %max3A_297 : vector<16xf32> to vector<1x16xf32>
              tpu.vector_store %arg11[%swap3A, %swap3A_298], %swap3A_301 {strides = array<i32>} : memref<40x128xf32, #tpu.memory_space<vmem>>, vector<1x16xf32>,
              %get3A_302 = arith.index_cast %scan3A_276 : i32 to index
              %get3A_303 = arith.constant 64 : index
              %get3A_304 = tpu.vector_load %arg11[%get3A_302, %get3A_303] {strides = array<i32>} : memref<40x128xf32, #tpu.memory_space<vmem>>, vector<1x16xf32>,
              %get3A_305 = vector.shape_cast %get3A_304 : vector<1x16xf32> to vector<16xf32>
              %get3A_306 = arith.index_cast %scan3A_276 : i32 to index
              %get3A_307 = arith.constant 64 : index
              %get3A_308 = tpu.vector_load %arg12[%get3A_306, %get3A_307] {strides = array<i32>} : memref<40x128xf32, #tpu.memory_space<vmem>>, vector<1x16xf32>,
              %get3A_309 = vector.shape_cast %get3A_308 : vector<1x16xf32> to vector<16xf32>
              %add3A_310 = arith.addf %get3A_305, %get3A_309 : vector<16xf32>
              %add3A_311 = arith.addf %add3A_310, %bitcast_convert_type3A_285 : vector<16xf32>
              %max3A_312 = arith.constant 0.000000e+00 : f32
              %max3A_313 = vector.broadcast %max3A_312 : f32 to vector<16xf32>
              %max3A_314 = arith.maximumf %add3A_311, %max3A_313 : vector<16xf32>
              %swap3A_315 = arith.index_cast %scan3A_276 : i32 to index
              %swap3A_316 = arith.constant 64 : index
              %swap3A_317 = tpu.vector_load %arg11[%swap3A_315, %swap3A_316] {strides = array<i32>} : memref<40x128xf32, #tpu.memory_space<vmem>>, vector<1x16xf32>,
              %swap3A_318 = vector.shape_cast %swap3A_317 : vector<1x16xf32> to vector<16xf32>
              %swap3A_319 = vector.shape_cast %max3A_314 : vector<16xf32> to vector<1x16xf32>
              tpu.vector_store %arg11[%swap3A_315, %swap3A_316], %swap3A_319 {strides = array<i32>} : memref<40x128xf32, #tpu.memory_space<vmem>>, vector<1x16xf32>,
              %get3A_320 = arith.index_cast %scan3A_276 : i32 to index
              %get3A_321 = arith.constant 16 : index
              %get3A_322 = tpu.vector_load %arg15[%get3A_320, %get3A_321] {strides = array<i32>} : memref<40x128xi32, #tpu.memory_space<vmem>>, vector<1x16xi32>,
              %get3A_323 = vector.shape_cast %get3A_322 : vector<1x16xi32> to vector<16xi32>
              %shift_left3A_324 = arith.constant 16 : i32
              %shift_left3A_325 = vector.broadcast %shift_left3A_324 : i32 to vector<16xi32>
              %shift_left3A_326 = arith.shli %get3A_323, %shift_left3A_325 : vector<16xi32>
              %bitcast_convert_type3A_327 = tpu.bitcast %shift_left3A_326 : vector<16xi32> -> vector<16xf32>
              %and3A_328 = arith.constant -65536 : i32
              %and3A_329 = vector.broadcast %and3A_328 : i32 to vector<16xi32>
              %and3A_330 = arith.andi %get3A_323, %and3A_329 : vector<16xi32>
              %bitcast_convert_type3A_331 = tpu.bitcast %and3A_330 : vector<16xi32> -> vector<16xf32>
              %get3A_332 = arith.index_cast %scan3A_276 : i32 to index
              %get3A_333 = arith.constant 16 : index
              %get3A_334 = tpu.vector_load %arg11[%get3A_332, %get3A_333] {strides = array<i32>} : memref<40x128xf32, #tpu.memory_space<vmem>>, vector<1x16xf32>,
              %get3A_335 = vector.shape_cast %get3A_334 : vector<1x16xf32> to vector<16xf32>
              %get3A_336 = arith.index_cast %scan3A_276 : i32 to index
              %get3A_337 = arith.constant 16 : index
              %get3A_338 = tpu.vector_load %arg12[%get3A_336, %get3A_337] {strides = array<i32>} : memref<40x128xf32, #tpu.memory_space<vmem>>, vector<1x16xf32>,
              %get3A_339 = vector.shape_cast %get3A_338 : vector<1x16xf32> to vector<16xf32>
              %add3A_340 = arith.addf %get3A_335, %get3A_339 : vector<16xf32>
              %add3A_341 = arith.addf %add3A_340, %bitcast_convert_type3A_327 : vector<16xf32>
              %max3A_342 = arith.constant 0.000000e+00 : f32
              %max3A_343 = vector.broadcast %max3A_342 : f32 to vector<16xf32>
              %max3A_344 = arith.maximumf %add3A_341, %max3A_343 : vector<16xf32>
              %swap3A_345 = arith.index_cast %scan3A_276 : i32 to index
              %swap3A_346 = arith.constant 16 : index
              %swap3A_347 = tpu.vector_load %arg11[%swap3A_345, %swap3A_346] {strides = array<i32>} : memref<40x128xf32, #tpu.memory_space<vmem>>, vector<1x16xf32>,
              %swap3A_348 = vector.shape_cast %swap3A_347 : vector<1x16xf32> to vector<16xf32>
              %swap3A_349 = vector.shape_cast %max3A_344 : vector<16xf32> to vector<1x16xf32>
              tpu.vector_store %arg11[%swap3A_345, %swap3A_346], %swap3A_349 {strides = array<i32>} : memref<40x128xf32, #tpu.memory_space<vmem>>, vector<1x16xf32>,
              %get3A_350 = arith.index_cast %scan3A_276 : i32 to index
              %get3A_351 = arith.constant 80 : index
              %get3A_352 = tpu.vector_load %arg11[%get3A_350, %get3A_351] {strides = array<i32>} : memref<40x128xf32, #tpu.memory_space<vmem>>, vector<1x16xf32>,
              %get3A_353 = vector.shape_cast %get3A_352 : vector<1x16xf32> to vector<16xf32>
              %get3A_354 = arith.index_cast %scan3A_276 : i32 to index
              %get3A_355 = arith.constant 80 : index
              %get3A_356 = tpu.vector_load %arg12[%get3A_354, %get3A_355] {strides = array<i32>} : memref<40x128xf32, #tpu.memory_space<vmem>>, vector<1x16xf32>,
              %get3A_357 = vector.shape_cast %get3A_356 : vector<1x16xf32> to vector<16xf32>
              %add3A_358 = arith.addf %get3A_353, %get3A_357 : vector<16xf32>
              %add3A_359 = arith.addf %add3A_358, %bitcast_convert_type3A_331 : vector<16xf32>
              %max3A_360 = arith.constant 0.000000e+00 : f32
              %max3A_361 = vector.broadcast %max3A_360 : f32 to vector<16xf32>
              %max3A_362 = arith.maximumf %add3A_359, %max3A_361 : vector<16xf32>
              %swap3A_363 = arith.index_cast %scan3A_276 : i32 to index
              %swap3A_364 = arith.constant 80 : index
              %swap3A_365 = tpu.vector_load %arg11[%swap3A_363, %swap3A_364] {strides = array<i32>} : memref<40x128xf32, #tpu.memory_space<vmem>>, vector<1x16xf32>,
              %swap3A_366 = vector.shape_cast %swap3A_365 : vector<1x16xf32> to vector<16xf32>
              %swap3A_367 = vector.shape_cast %max3A_362 : vector<16xf32> to vector<1x16xf32>
              tpu.vector_store %arg11[%swap3A_363, %swap3A_364], %swap3A_367 {strides = array<i32>} : memref<40x128xf32, #tpu.memory_space<vmem>>, vector<1x16xf32>,
              %get3A_368 = arith.index_cast %scan3A_276 : i32 to index
              %get3A_369 = arith.constant 32 : index
              %get3A_370 = tpu.vector_load %arg15[%get3A_368, %get3A_369] {strides = array<i32>} : memref<40x128xi32, #tpu.memory_space<vmem>>, vector<1x16xi32>,
              %get3A_371 = vector.shape_cast %get3A_370 : vector<1x16xi32> to vector<16xi32>
              %shift_left3A_372 = arith.constant 16 : i32
              %shift_left3A_373 = vector.broadcast %shift_left3A_372 : i32 to vector<16xi32>
              %shift_left3A_374 = arith.shli %get3A_371, %shift_left3A_373 : vector<16xi32>
              %bitcast_convert_type3A_375 = tpu.bitcast %shift_left3A_374 : vector<16xi32> -> vector<16xf32>
              %and3A_376 = arith.constant -65536 : i32
              %and3A_377 = vector.broadcast %and3A_376 : i32 to vector<16xi32>
              %and3A_378 = arith.andi %get3A_371, %and3A_377 : vector<16xi32>
              %bitcast_convert_type3A_379 = tpu.bitcast %and3A_378 : vector<16xi32> -> vector<16xf32>
              %get3A_380 = arith.index_cast %scan3A_276 : i32 to index
              %get3A_381 = arith.constant 32 : index
              %get3A_382 = tpu.vector_load %arg11[%get3A_380, %get3A_381] {strides = array<i32>} : memref<40x128xf32, #tpu.memory_space<vmem>>, vector<1x16xf32>,
              %get3A_383 = vector.shape_cast %get3A_382 : vector<1x16xf32> to vector<16xf32>
              %get3A_384 = arith.index_cast %scan3A_276 : i32 to index
              %get3A_385 = arith.constant 32 : index
              %get3A_386 = tpu.vector_load %arg12[%get3A_384, %get3A_385] {strides = array<i32>} : memref<40x128xf32, #tpu.memory_space<vmem>>, vector<1x16xf32>,
              %get3A_387 = vector.shape_cast %get3A_386 : vector<1x16xf32> to vector<16xf32>
              %add3A_388 = arith.addf %get3A_383, %get3A_387 : vector<16xf32>
              %add3A_389 = arith.addf %add3A_388, %bitcast_convert_type3A_375 : vector<16xf32>
              %max3A_390 = arith.constant 0.000000e+00 : f32
              %max3A_391 = vector.broadcast %max3A_390 : f32 to vector<16xf32>
              %max3A_392 = arith.maximumf %add3A_389, %max3A_391 : vector<16xf32>
              %swap3A_393 = arith.index_cast %scan3A_276 : i32 to index
              %swap3A_394 = arith.constant 32 : index
              %swap3A_395 = tpu.vector_load %arg11[%swap3A_393, %swap3A_394] {strides = array<i32>} : memref<40x128xf32, #tpu.memory_space<vmem>>, vector<1x16xf32>,
              %swap3A_396 = vector.shape_cast %swap3A_395 : vector<1x16xf32> to vector<16xf32>
              %swap3A_397 = vector.shape_cast %max3A_392 : vector<16xf32> to vector<1x16xf32>
              tpu.vector_store %arg11[%swap3A_393, %swap3A_394], %swap3A_397 {strides = array<i32>} : memref<40x128xf32, #tpu.memory_space<vmem>>, vector<1x16xf32>,
              %get3A_398 = arith.index_cast %scan3A_276 : i32 to index
              %get3A_399 = arith.constant 96 : index
              %get3A_400 = tpu.vector_load %arg11[%get3A_398, %get3A_399] {strides = array<i32>} : memref<40x128xf32, #tpu.memory_space<vmem>>, vector<1x16xf32>,
              %get3A_401 = vector.shape_cast %get3A_400 : vector<1x16xf32> to vector<16xf32>
              %get3A_402 = arith.index_cast %scan3A_276 : i32 to index
              %get3A_403 = arith.constant 96 : index
              %get3A_404 = tpu.vector_load %arg12[%get3A_402, %get3A_403] {strides = array<i32>} : memref<40x128xf32, #tpu.memory_space<vmem>>, vector<1x16xf32>,
              %get3A_405 = vector.shape_cast %get3A_404 : vector<1x16xf32> to vector<16xf32>
              %add3A_406 = arith.addf %get3A_401, %get3A_405 : vector<16xf32>
              %add3A_407 = arith.addf %add3A_406, %bitcast_convert_type3A_379 : vector<16xf32>
              %max3A_408 = arith.constant 0.000000e+00 : f32
              %max3A_409 = vector.broadcast %max3A_408 : f32 to vector<16xf32>
              %max3A_410 = arith.maximumf %add3A_407, %max3A_409 : vector<16xf32>
              %swap3A_411 = arith.index_cast %scan3A_276 : i32 to index
              %swap3A_412 = arith.constant 96 : index
              %swap3A_413 = tpu.vector_load %arg11[%swap3A_411, %swap3A_412] {strides = array<i32>} : memref<40x128xf32, #tpu.memory_space<vmem>>, vector<1x16xf32>,
              %swap3A_414 = vector.shape_cast %swap3A_413 : vector<1x16xf32> to vector<16xf32>
              %swap3A_415 = vector.shape_cast %max3A_410 : vector<16xf32> to vector<1x16xf32>
              tpu.vector_store %arg11[%swap3A_411, %swap3A_412], %swap3A_415 {strides = array<i32>} : memref<40x128xf32, #tpu.memory_space<vmem>>, vector<1x16xf32>,
              %get3A_416 = arith.index_cast %scan3A_276 : i32 to index
              %get3A_417 = arith.constant 48 : index
              %get3A_418 = tpu.vector_load %arg15[%get3A_416, %get3A_417] {strides = array<i32>} : memref<40x128xi32, #tpu.memory_space<vmem>>, vector<1x16xi32>,
              %get3A_419 = vector.shape_cast %get3A_418 : vector<1x16xi32> to vector<16xi32>
              %shift_left3A_420 = arith.constant 16 : i32
              %shift_left3A_421 = vector.broadcast %shift_left3A_420 : i32 to vector<16xi32>
              %shift_left3A_422 = arith.shli %get3A_419, %shift_left3A_421 : vector<16xi32>
              %bitcast_convert_type3A_423 = tpu.bitcast %shift_left3A_422 : vector<16xi32> -> vector<16xf32>
              %and3A_424 = arith.constant -65536 : i32
              %and3A_425 = vector.broadcast %and3A_424 : i32 to vector<16xi32>
              %and3A_426 = arith.andi %get3A_419, %and3A_425 : vector<16xi32>
              %bitcast_convert_type3A_427 = tpu.bitcast %and3A_426 : vector<16xi32> -> vector<16xf32>
              %get3A_428 = arith.index_cast %scan3A_276 : i32 to index
              %get3A_429 = arith.constant 48 : index
              %get3A_430 = tpu.vector_load %arg11[%get3A_428, %get3A_429] {strides = array<i32>} : memref<40x128xf32, #tpu.memory_space<vmem>>, vector<1x16xf32>,
              %get3A_431 = vector.shape_cast %get3A_430 : vector<1x16xf32> to vector<16xf32>
              %get3A_432 = arith.index_cast %scan3A_276 : i32 to index
              %get3A_433 = arith.constant 48 : index
              %get3A_434 = tpu.vector_load %arg12[%get3A_432, %get3A_433] {strides = array<i32>} : memref<40x128xf32, #tpu.memory_space<vmem>>, vector<1x16xf32>,
              %get3A_435 = vector.shape_cast %get3A_434 : vector<1x16xf32> to vector<16xf32>
              %add3A_436 = arith.addf %get3A_431, %get3A_435 : vector<16xf32>
              %add3A_437 = arith.addf %add3A_436, %bitcast_convert_type3A_423 : vector<16xf32>
              %max3A_438 = arith.constant 0.000000e+00 : f32
              %max3A_439 = vector.broadcast %max3A_438 : f32 to vector<16xf32>
              %max3A_440 = arith.maximumf %add3A_437, %max3A_439 : vector<16xf32>
              %swap3A_441 = arith.index_cast %scan3A_276 : i32 to index
              %swap3A_442 = arith.constant 48 : index
              %swap3A_443 = tpu.vector_load %arg11[%swap3A_441, %swap3A_442] {strides = array<i32>} : memref<40x128xf32, #tpu.memory_space<vmem>>, vector<1x16xf32>,
              %swap3A_444 = vector.shape_cast %swap3A_443 : vector<1x16xf32> to vector<16xf32>
              %swap3A_445 = vector.shape_cast %max3A_440 : vector<16xf32> to vector<1x16xf32>
              tpu.vector_store %arg11[%swap3A_441, %swap3A_442], %swap3A_445 {strides = array<i32>} : memref<40x128xf32, #tpu.memory_space<vmem>>, vector<1x16xf32>,
              %get3A_446 = arith.index_cast %scan3A_276 : i32 to index
              %get3A_447 = arith.constant 112 : index
              %get3A_448 = tpu.vector_load %arg11[%get3A_446, %get3A_447] {strides = array<i32>} : memref<40x128xf32, #tpu.memory_space<vmem>>, vector<1x16xf32>,
              %get3A_449 = vector.shape_cast %get3A_448 : vector<1x16xf32> to vector<16xf32>
              %get3A_450 = arith.index_cast %scan3A_276 : i32 to index
              %get3A_451 = arith.constant 112 : index
              %get3A_452 = tpu.vector_load %arg12[%get3A_450, %get3A_451] {strides = array<i32>} : memref<40x128xf32, #tpu.memory_space<vmem>>, vector<1x16xf32>,
              %get3A_453 = vector.shape_cast %get3A_452 : vector<1x16xf32> to vector<16xf32>
              %add3A_454 = arith.addf %get3A_449, %get3A_453 : vector<16xf32>
              %add3A_455 = arith.addf %add3A_454, %bitcast_convert_type3A_427 : vector<16xf32>
              %max3A_456 = arith.constant 0.000000e+00 : f32
              %max3A_457 = vector.broadcast %max3A_456 : f32 to vector<16xf32>
              %max3A_458 = arith.maximumf %add3A_455, %max3A_457 : vector<16xf32>
              %swap3A_459 = arith.index_cast %scan3A_276 : i32 to index
              %swap3A_460 = arith.constant 112 : index
              %swap3A_461 = tpu.vector_load %arg11[%swap3A_459, %swap3A_460] {strides = array<i32>} : memref<40x128xf32, #tpu.memory_space<vmem>>, vector<1x16xf32>,
              %swap3A_462 = vector.shape_cast %swap3A_461 : vector<1x16xf32> to vector<16xf32>
              %swap3A_463 = vector.shape_cast %max3A_458 : vector<16xf32> to vector<1x16xf32>
              tpu.vector_store %arg11[%swap3A_459, %swap3A_460], %swap3A_463 {strides = array<i32>} : memref<40x128xf32, #tpu.memory_space<vmem>>, vector<1x16xf32>,
            }
            %scan3A_275 = arith.constant 40 : i32
          } else {
          }
          %jit3A_242 = arith.constant 2 : i32
          %eq3A_243 = arith.constant 0 : i32
          %eq3A_244 = arith.cmpi eq, %jit3A_242, %eq3A_243 : i32
          %jit3A_245 = arith.constant 1 : i32
          %select_n3A_246 = arith.select %eq3A_244, %jit3A_245, %jit3A_242 : i32
          %rem3A_247 = arith.remsi %select_n3A_220, %select_n3A_246 : i32
          %ne3A_248 = arith.constant 0 : i32
          %ne3A_249 = arith.cmpi ne, %rem3A_247, %ne3A_248 : i32
          %lt3A_250 = arith.constant 0 : i32
          %lt3A_251 = arith.cmpi slt, %rem3A_247, %lt3A_250 : i32
          %lt3A_252 = arith.constant 0 : i32
          %lt3A_253 = arith.cmpi slt, %select_n3A_246, %lt3A_252 : i32
          %ne3A_254 = arith.xori %lt3A_251, %lt3A_253 : i1
          %and3A_255 = arith.andi %ne3A_254, %ne3A_249 : i1
          %add3A_256 = arith.addi %rem3A_247, %select_n3A_246 : i32
          %select_n3A_257 = arith.select %and3A_255, %add3A_256, %rem3A_247 : i32
          %eq3A_258 = arith.constant 1 : i32
          %eq3A_259 = arith.cmpi eq, %select_n3A_257, %eq3A_258 : i32
          %convert_element_type3A_260 = arith.extui %eq3A_259 : i1 to i32
          %cond3A_261 = arith.constant 0 : i32
          %cond3A_262 = arith.cmpi ne, %convert_element_type3A_260, %cond3A_261 : i32
          scf.if %cond3A_262 {
            %mul3A_263 = arith.constant 40 : i32
            %mul3A_264 = arith.muli %select_n3A_220, %mul3A_263 : i32
            %add3A_265 = arith.addi %mul3A_2, %mul3A_264 : i32
            %dma_wait3A_266 = arith.constant 0 : i32
            %dma_wait3A_267 = tpu.memref_slice %arg4[%add3A_265, %dma_wait3A_266] : memref<160000x128xi32, #tpu.memory_space<hbm>> -> memref<40x128xi32, #tpu.memory_space<hbm>>
            %dma_wait3A_268 = arith.constant 0 : i32
            %dma_wait3A_269 = tpu.memref_slice %arg4[%add3A_265, %dma_wait3A_268] : memref<160000x128xi32, #tpu.memory_space<hbm>> -> memref<40x128xi32, #tpu.memory_space<hbm>>
            tpu.wait_dma2 semaphore(%arg23 : memref<!tpu.dma_semaphore, #tpu.memory_space<semaphore_mem>>) src(%dma_wait3A_269 : memref<40x128xi32, #tpu.memory_space<hbm>>) dst(%arg16 : memref<40x128xi32, #tpu.memory_space<vmem>>)
            %scan3A_270 = arith.constant 0 : i32
            %scan3A_271 = arith.constant 0 : i32
            %scan3A_272 = arith.constant 40 : i32
            %scan3A_273 = arith.addi %scan3A_271, %scan3A_272 : i32
            %scan3A_274 = arith.constant 1 : i32
            scf.for %scan3A_276 = %scan3A_271 to %scan3A_273 step %scan3A_274  : i32 {
              %get3A = arith.index_cast %scan3A_276 : i32 to index
              %get3A_277 = arith.constant 0 : index
              %get3A_278 = tpu.vector_load %arg16[%get3A, %get3A_277] {strides = array<i32>} : memref<40x128xi32, #tpu.memory_space<vmem>>, vector<1x16xi32>,
              %get3A_279 = vector.shape_cast %get3A_278 : vector<1x16xi32> to vector<16xi32>
              %shift_left3A = arith.constant 16 : i32
              %shift_left3A_280 = vector.broadcast %shift_left3A : i32 to vector<16xi32>
              %shift_left3A_281 = arith.shli %get3A_279, %shift_left3A_280 : vector<16xi32>
              %bitcast_convert_type3A = tpu.bitcast %shift_left3A_281 : vector<16xi32> -> vector<16xf32>
              %and3A_282 = arith.constant -65536 : i32
              %and3A_283 = vector.broadcast %and3A_282 : i32 to vector<16xi32>
              %and3A_284 = arith.andi %get3A_279, %and3A_283 : vector<16xi32>
              %bitcast_convert_type3A_285 = tpu.bitcast %and3A_284 : vector<16xi32> -> vector<16xf32>
              %get3A_286 = arith.index_cast %scan3A_276 : i32 to index
              %get3A_287 = arith.constant 0 : index
              %get3A_288 = tpu.vector_load %arg11[%get3A_286, %get3A_287] {strides = array<i32>} : memref<40x128xf32, #tpu.memory_space<vmem>>, vector<1x16xf32>,
              %get3A_289 = vector.shape_cast %get3A_288 : vector<1x16xf32> to vector<16xf32>
              %get3A_290 = arith.index_cast %scan3A_276 : i32 to index
              %get3A_291 = arith.constant 0 : index
              %get3A_292 = tpu.vector_load %arg12[%get3A_290, %get3A_291] {strides = array<i32>} : memref<40x128xf32, #tpu.memory_space<vmem>>, vector<1x16xf32>,
              %get3A_293 = vector.shape_cast %get3A_292 : vector<1x16xf32> to vector<16xf32>
              %add3A_294 = arith.addf %get3A_289, %get3A_293 : vector<16xf32>
              %add3A_295 = arith.addf %add3A_294, %bitcast_convert_type3A : vector<16xf32>
              %max3A = arith.constant 0.000000e+00 : f32
              %max3A_296 = vector.broadcast %max3A : f32 to vector<16xf32>
              %max3A_297 = arith.maximumf %add3A_295, %max3A_296 : vector<16xf32>
              %swap3A = arith.index_cast %scan3A_276 : i32 to index
              %swap3A_298 = arith.constant 0 : index
              %swap3A_299 = tpu.vector_load %arg11[%swap3A, %swap3A_298] {strides = array<i32>} : memref<40x128xf32, #tpu.memory_space<vmem>>, vector<1x16xf32>,
              %swap3A_300 = vector.shape_cast %swap3A_299 : vector<1x16xf32> to vector<16xf32>
              %swap3A_301 = vector.shape_cast %max3A_297 : vector<16xf32> to vector<1x16xf32>
              tpu.vector_store %arg11[%swap3A, %swap3A_298], %swap3A_301 {strides = array<i32>} : memref<40x128xf32, #tpu.memory_space<vmem>>, vector<1x16xf32>,
              %get3A_302 = arith.index_cast %scan3A_276 : i32 to index
              %get3A_303 = arith.constant 64 : index
              %get3A_304 = tpu.vector_load %arg11[%get3A_302, %get3A_303] {strides = array<i32>} : memref<40x128xf32, #tpu.memory_space<vmem>>, vector<1x16xf32>,
              %get3A_305 = vector.shape_cast %get3A_304 : vector<1x16xf32> to vector<16xf32>
              %get3A_306 = arith.index_cast %scan3A_276 : i32 to index
              %get3A_307 = arith.constant 64 : index
              %get3A_308 = tpu.vector_load %arg12[%get3A_306, %get3A_307] {strides = array<i32>} : memref<40x128xf32, #tpu.memory_space<vmem>>, vector<1x16xf32>,
              %get3A_309 = vector.shape_cast %get3A_308 : vector<1x16xf32> to vector<16xf32>
              %add3A_310 = arith.addf %get3A_305, %get3A_309 : vector<16xf32>
              %add3A_311 = arith.addf %add3A_310, %bitcast_convert_type3A_285 : vector<16xf32>
              %max3A_312 = arith.constant 0.000000e+00 : f32
              %max3A_313 = vector.broadcast %max3A_312 : f32 to vector<16xf32>
              %max3A_314 = arith.maximumf %add3A_311, %max3A_313 : vector<16xf32>
              %swap3A_315 = arith.index_cast %scan3A_276 : i32 to index
              %swap3A_316 = arith.constant 64 : index
              %swap3A_317 = tpu.vector_load %arg11[%swap3A_315, %swap3A_316] {strides = array<i32>} : memref<40x128xf32, #tpu.memory_space<vmem>>, vector<1x16xf32>,
              %swap3A_318 = vector.shape_cast %swap3A_317 : vector<1x16xf32> to vector<16xf32>
              %swap3A_319 = vector.shape_cast %max3A_314 : vector<16xf32> to vector<1x16xf32>
              tpu.vector_store %arg11[%swap3A_315, %swap3A_316], %swap3A_319 {strides = array<i32>} : memref<40x128xf32, #tpu.memory_space<vmem>>, vector<1x16xf32>,
              %get3A_320 = arith.index_cast %scan3A_276 : i32 to index
              %get3A_321 = arith.constant 16 : index
              %get3A_322 = tpu.vector_load %arg16[%get3A_320, %get3A_321] {strides = array<i32>} : memref<40x128xi32, #tpu.memory_space<vmem>>, vector<1x16xi32>,
              %get3A_323 = vector.shape_cast %get3A_322 : vector<1x16xi32> to vector<16xi32>
              %shift_left3A_324 = arith.constant 16 : i32
              %shift_left3A_325 = vector.broadcast %shift_left3A_324 : i32 to vector<16xi32>
              %shift_left3A_326 = arith.shli %get3A_323, %shift_left3A_325 : vector<16xi32>
              %bitcast_convert_type3A_327 = tpu.bitcast %shift_left3A_326 : vector<16xi32> -> vector<16xf32>
              %and3A_328 = arith.constant -65536 : i32
              %and3A_329 = vector.broadcast %and3A_328 : i32 to vector<16xi32>
              %and3A_330 = arith.andi %get3A_323, %and3A_329 : vector<16xi32>
              %bitcast_convert_type3A_331 = tpu.bitcast %and3A_330 : vector<16xi32> -> vector<16xf32>
              %get3A_332 = arith.index_cast %scan3A_276 : i32 to index
              %get3A_333 = arith.constant 16 : index
              %get3A_334 = tpu.vector_load %arg11[%get3A_332, %get3A_333] {strides = array<i32>} : memref<40x128xf32, #tpu.memory_space<vmem>>, vector<1x16xf32>,
              %get3A_335 = vector.shape_cast %get3A_334 : vector<1x16xf32> to vector<16xf32>
              %get3A_336 = arith.index_cast %scan3A_276 : i32 to index
              %get3A_337 = arith.constant 16 : index
              %get3A_338 = tpu.vector_load %arg12[%get3A_336, %get3A_337] {strides = array<i32>} : memref<40x128xf32, #tpu.memory_space<vmem>>, vector<1x16xf32>,
              %get3A_339 = vector.shape_cast %get3A_338 : vector<1x16xf32> to vector<16xf32>
              %add3A_340 = arith.addf %get3A_335, %get3A_339 : vector<16xf32>
              %add3A_341 = arith.addf %add3A_340, %bitcast_convert_type3A_327 : vector<16xf32>
              %max3A_342 = arith.constant 0.000000e+00 : f32
              %max3A_343 = vector.broadcast %max3A_342 : f32 to vector<16xf32>
              %max3A_344 = arith.maximumf %add3A_341, %max3A_343 : vector<16xf32>
              %swap3A_345 = arith.index_cast %scan3A_276 : i32 to index
              %swap3A_346 = arith.constant 16 : index
              %swap3A_347 = tpu.vector_load %arg11[%swap3A_345, %swap3A_346] {strides = array<i32>} : memref<40x128xf32, #tpu.memory_space<vmem>>, vector<1x16xf32>,
              %swap3A_348 = vector.shape_cast %swap3A_347 : vector<1x16xf32> to vector<16xf32>
              %swap3A_349 = vector.shape_cast %max3A_344 : vector<16xf32> to vector<1x16xf32>
              tpu.vector_store %arg11[%swap3A_345, %swap3A_346], %swap3A_349 {strides = array<i32>} : memref<40x128xf32, #tpu.memory_space<vmem>>, vector<1x16xf32>,
              %get3A_350 = arith.index_cast %scan3A_276 : i32 to index
              %get3A_351 = arith.constant 80 : index
              %get3A_352 = tpu.vector_load %arg11[%get3A_350, %get3A_351] {strides = array<i32>} : memref<40x128xf32, #tpu.memory_space<vmem>>, vector<1x16xf32>,
              %get3A_353 = vector.shape_cast %get3A_352 : vector<1x16xf32> to vector<16xf32>
              %get3A_354 = arith.index_cast %scan3A_276 : i32 to index
              %get3A_355 = arith.constant 80 : index
              %get3A_356 = tpu.vector_load %arg12[%get3A_354, %get3A_355] {strides = array<i32>} : memref<40x128xf32, #tpu.memory_space<vmem>>, vector<1x16xf32>,
              %get3A_357 = vector.shape_cast %get3A_356 : vector<1x16xf32> to vector<16xf32>
              %add3A_358 = arith.addf %get3A_353, %get3A_357 : vector<16xf32>
              %add3A_359 = arith.addf %add3A_358, %bitcast_convert_type3A_331 : vector<16xf32>
              %max3A_360 = arith.constant 0.000000e+00 : f32
              %max3A_361 = vector.broadcast %max3A_360 : f32 to vector<16xf32>
              %max3A_362 = arith.maximumf %add3A_359, %max3A_361 : vector<16xf32>
              %swap3A_363 = arith.index_cast %scan3A_276 : i32 to index
              %swap3A_364 = arith.constant 80 : index
              %swap3A_365 = tpu.vector_load %arg11[%swap3A_363, %swap3A_364] {strides = array<i32>} : memref<40x128xf32, #tpu.memory_space<vmem>>, vector<1x16xf32>,
              %swap3A_366 = vector.shape_cast %swap3A_365 : vector<1x16xf32> to vector<16xf32>
              %swap3A_367 = vector.shape_cast %max3A_362 : vector<16xf32> to vector<1x16xf32>
              tpu.vector_store %arg11[%swap3A_363, %swap3A_364], %swap3A_367 {strides = array<i32>} : memref<40x128xf32, #tpu.memory_space<vmem>>, vector<1x16xf32>,
              %get3A_368 = arith.index_cast %scan3A_276 : i32 to index
              %get3A_369 = arith.constant 32 : index
              %get3A_370 = tpu.vector_load %arg16[%get3A_368, %get3A_369] {strides = array<i32>} : memref<40x128xi32, #tpu.memory_space<vmem>>, vector<1x16xi32>,
              %get3A_371 = vector.shape_cast %get3A_370 : vector<1x16xi32> to vector<16xi32>
              %shift_left3A_372 = arith.constant 16 : i32
              %shift_left3A_373 = vector.broadcast %shift_left3A_372 : i32 to vector<16xi32>
              %shift_left3A_374 = arith.shli %get3A_371, %shift_left3A_373 : vector<16xi32>
              %bitcast_convert_type3A_375 = tpu.bitcast %shift_left3A_374 : vector<16xi32> -> vector<16xf32>
              %and3A_376 = arith.constant -65536 : i32
              %and3A_377 = vector.broadcast %and3A_376 : i32 to vector<16xi32>
              %and3A_378 = arith.andi %get3A_371, %and3A_377 : vector<16xi32>
              %bitcast_convert_type3A_379 = tpu.bitcast %and3A_378 : vector<16xi32> -> vector<16xf32>
              %get3A_380 = arith.index_cast %scan3A_276 : i32 to index
              %get3A_381 = arith.constant 32 : index
              %get3A_382 = tpu.vector_load %arg11[%get3A_380, %get3A_381] {strides = array<i32>} : memref<40x128xf32, #tpu.memory_space<vmem>>, vector<1x16xf32>,
              %get3A_383 = vector.shape_cast %get3A_382 : vector<1x16xf32> to vector<16xf32>
              %get3A_384 = arith.index_cast %scan3A_276 : i32 to index
              %get3A_385 = arith.constant 32 : index
              %get3A_386 = tpu.vector_load %arg12[%get3A_384, %get3A_385] {strides = array<i32>} : memref<40x128xf32, #tpu.memory_space<vmem>>, vector<1x16xf32>,
              %get3A_387 = vector.shape_cast %get3A_386 : vector<1x16xf32> to vector<16xf32>
              %add3A_388 = arith.addf %get3A_383, %get3A_387 : vector<16xf32>
              %add3A_389 = arith.addf %add3A_388, %bitcast_convert_type3A_375 : vector<16xf32>
              %max3A_390 = arith.constant 0.000000e+00 : f32
              %max3A_391 = vector.broadcast %max3A_390 : f32 to vector<16xf32>
              %max3A_392 = arith.maximumf %add3A_389, %max3A_391 : vector<16xf32>
              %swap3A_393 = arith.index_cast %scan3A_276 : i32 to index
              %swap3A_394 = arith.constant 32 : index
              %swap3A_395 = tpu.vector_load %arg11[%swap3A_393, %swap3A_394] {strides = array<i32>} : memref<40x128xf32, #tpu.memory_space<vmem>>, vector<1x16xf32>,
              %swap3A_396 = vector.shape_cast %swap3A_395 : vector<1x16xf32> to vector<16xf32>
              %swap3A_397 = vector.shape_cast %max3A_392 : vector<16xf32> to vector<1x16xf32>
              tpu.vector_store %arg11[%swap3A_393, %swap3A_394], %swap3A_397 {strides = array<i32>} : memref<40x128xf32, #tpu.memory_space<vmem>>, vector<1x16xf32>,
              %get3A_398 = arith.index_cast %scan3A_276 : i32 to index
              %get3A_399 = arith.constant 96 : index
              %get3A_400 = tpu.vector_load %arg11[%get3A_398, %get3A_399] {strides = array<i32>} : memref<40x128xf32, #tpu.memory_space<vmem>>, vector<1x16xf32>,
              %get3A_401 = vector.shape_cast %get3A_400 : vector<1x16xf32> to vector<16xf32>
              %get3A_402 = arith.index_cast %scan3A_276 : i32 to index
              %get3A_403 = arith.constant 96 : index
              %get3A_404 = tpu.vector_load %arg12[%get3A_402, %get3A_403] {strides = array<i32>} : memref<40x128xf32, #tpu.memory_space<vmem>>, vector<1x16xf32>,
              %get3A_405 = vector.shape_cast %get3A_404 : vector<1x16xf32> to vector<16xf32>
              %add3A_406 = arith.addf %get3A_401, %get3A_405 : vector<16xf32>
              %add3A_407 = arith.addf %add3A_406, %bitcast_convert_type3A_379 : vector<16xf32>
              %max3A_408 = arith.constant 0.000000e+00 : f32
              %max3A_409 = vector.broadcast %max3A_408 : f32 to vector<16xf32>
              %max3A_410 = arith.maximumf %add3A_407, %max3A_409 : vector<16xf32>
              %swap3A_411 = arith.index_cast %scan3A_276 : i32 to index
              %swap3A_412 = arith.constant 96 : index
              %swap3A_413 = tpu.vector_load %arg11[%swap3A_411, %swap3A_412] {strides = array<i32>} : memref<40x128xf32, #tpu.memory_space<vmem>>, vector<1x16xf32>,
              %swap3A_414 = vector.shape_cast %swap3A_413 : vector<1x16xf32> to vector<16xf32>
              %swap3A_415 = vector.shape_cast %max3A_410 : vector<16xf32> to vector<1x16xf32>
              tpu.vector_store %arg11[%swap3A_411, %swap3A_412], %swap3A_415 {strides = array<i32>} : memref<40x128xf32, #tpu.memory_space<vmem>>, vector<1x16xf32>,
              %get3A_416 = arith.index_cast %scan3A_276 : i32 to index
              %get3A_417 = arith.constant 48 : index
              %get3A_418 = tpu.vector_load %arg16[%get3A_416, %get3A_417] {strides = array<i32>} : memref<40x128xi32, #tpu.memory_space<vmem>>, vector<1x16xi32>,
              %get3A_419 = vector.shape_cast %get3A_418 : vector<1x16xi32> to vector<16xi32>
              %shift_left3A_420 = arith.constant 16 : i32
              %shift_left3A_421 = vector.broadcast %shift_left3A_420 : i32 to vector<16xi32>
              %shift_left3A_422 = arith.shli %get3A_419, %shift_left3A_421 : vector<16xi32>
              %bitcast_convert_type3A_423 = tpu.bitcast %shift_left3A_422 : vector<16xi32> -> vector<16xf32>
              %and3A_424 = arith.constant -65536 : i32
              %and3A_425 = vector.broadcast %and3A_424 : i32 to vector<16xi32>
              %and3A_426 = arith.andi %get3A_419, %and3A_425 : vector<16xi32>
              %bitcast_convert_type3A_427 = tpu.bitcast %and3A_426 : vector<16xi32> -> vector<16xf32>
              %get3A_428 = arith.index_cast %scan3A_276 : i32 to index
              %get3A_429 = arith.constant 48 : index
              %get3A_430 = tpu.vector_load %arg11[%get3A_428, %get3A_429] {strides = array<i32>} : memref<40x128xf32, #tpu.memory_space<vmem>>, vector<1x16xf32>,
              %get3A_431 = vector.shape_cast %get3A_430 : vector<1x16xf32> to vector<16xf32>
              %get3A_432 = arith.index_cast %scan3A_276 : i32 to index
              %get3A_433 = arith.constant 48 : index
              %get3A_434 = tpu.vector_load %arg12[%get3A_432, %get3A_433] {strides = array<i32>} : memref<40x128xf32, #tpu.memory_space<vmem>>, vector<1x16xf32>,
              %get3A_435 = vector.shape_cast %get3A_434 : vector<1x16xf32> to vector<16xf32>
              %add3A_436 = arith.addf %get3A_431, %get3A_435 : vector<16xf32>
              %add3A_437 = arith.addf %add3A_436, %bitcast_convert_type3A_423 : vector<16xf32>
              %max3A_438 = arith.constant 0.000000e+00 : f32
              %max3A_439 = vector.broadcast %max3A_438 : f32 to vector<16xf32>
              %max3A_440 = arith.maximumf %add3A_437, %max3A_439 : vector<16xf32>
              %swap3A_441 = arith.index_cast %scan3A_276 : i32 to index
              %swap3A_442 = arith.constant 48 : index
              %swap3A_443 = tpu.vector_load %arg11[%swap3A_441, %swap3A_442] {strides = array<i32>} : memref<40x128xf32, #tpu.memory_space<vmem>>, vector<1x16xf32>,
              %swap3A_444 = vector.shape_cast %swap3A_443 : vector<1x16xf32> to vector<16xf32>
              %swap3A_445 = vector.shape_cast %max3A_440 : vector<16xf32> to vector<1x16xf32>
              tpu.vector_store %arg11[%swap3A_441, %swap3A_442], %swap3A_445 {strides = array<i32>} : memref<40x128xf32, #tpu.memory_space<vmem>>, vector<1x16xf32>,
              %get3A_446 = arith.index_cast %scan3A_276 : i32 to index
              %get3A_447 = arith.constant 112 : index
              %get3A_448 = tpu.vector_load %arg11[%get3A_446, %get3A_447] {strides = array<i32>} : memref<40x128xf32, #tpu.memory_space<vmem>>, vector<1x16xf32>,
              %get3A_449 = vector.shape_cast %get3A_448 : vector<1x16xf32> to vector<16xf32>
              %get3A_450 = arith.index_cast %scan3A_276 : i32 to index
              %get3A_451 = arith.constant 112 : index
              %get3A_452 = tpu.vector_load %arg12[%get3A_450, %get3A_451] {strides = array<i32>} : memref<40x128xf32, #tpu.memory_space<vmem>>, vector<1x16xf32>,
              %get3A_453 = vector.shape_cast %get3A_452 : vector<1x16xf32> to vector<16xf32>
              %add3A_454 = arith.addf %get3A_449, %get3A_453 : vector<16xf32>
              %add3A_455 = arith.addf %add3A_454, %bitcast_convert_type3A_427 : vector<16xf32>
              %max3A_456 = arith.constant 0.000000e+00 : f32
              %max3A_457 = vector.broadcast %max3A_456 : f32 to vector<16xf32>
              %max3A_458 = arith.maximumf %add3A_455, %max3A_457 : vector<16xf32>
              %swap3A_459 = arith.index_cast %scan3A_276 : i32 to index
              %swap3A_460 = arith.constant 112 : index
              %swap3A_461 = tpu.vector_load %arg11[%swap3A_459, %swap3A_460] {strides = array<i32>} : memref<40x128xf32, #tpu.memory_space<vmem>>, vector<1x16xf32>,
              %swap3A_462 = vector.shape_cast %swap3A_461 : vector<1x16xf32> to vector<16xf32>
              %swap3A_463 = vector.shape_cast %max3A_458 : vector<16xf32> to vector<1x16xf32>
              tpu.vector_store %arg11[%swap3A_459, %swap3A_460], %swap3A_463 {strides = array<i32>} : memref<40x128xf32, #tpu.memory_space<vmem>>, vector<1x16xf32>,
            }
            %scan3A_275 = arith.constant 40 : i32
          } else {
          }
          "tpu.region"() ({
            %run_scoped3A_263 = tpu.sem_alloc : memref<!tpu.dma_semaphore, #tpu.memory_space<semaphore_mem>>
            %dma_start3A_264 = arith.constant 0 : i32
            %dma_start3A_265 = tpu.memref_slice %arg8[%select_n3A_185, %dma_start3A_264] : memref<25x40xi32, #tpu.memory_space<vmem>> -> memref<1x40xi32, #tpu.memory_space<vmem>>
            %dma_start3A_266 = tpu.memref_squeeze %dma_start3A_265 : memref<1x40xi32, #tpu.memory_space<vmem>> -> memref<40xi32, #tpu.memory_space<vmem>>
            %dma_start3A_267 = arith.constant 0 : i32
            %dma_start3A_268 = arith.constant 0 : i32
            %dma_start3A_269 = tpu.memref_slice %arg17[%dma_start3A_267, %dma_start3A_268] : memref<10240x128xf32, #tpu.memory_space<vmem_shared>> -> memref<10240x128xf32, #tpu.memory_space<vmem_shared>>
            tpu.enqueue_indirect_dma source(%arg11 : memref<40x128xf32, #tpu.memory_space<vmem>>) target(%dma_start3A_269 : memref<10240x128xf32, #tpu.memory_space<vmem_shared>>) offsets(%dma_start3A_266 : memref<40xi32, #tpu.memory_space<vmem>>) semaphore(%run_scoped3A_263 : memref<!tpu.dma_semaphore, #tpu.memory_space<semaphore_mem>>) {add = true}
            %dma_wait3A_270 = arith.constant 0 : i32
            %dma_wait3A_271 = tpu.memref_slice %arg8[%select_n3A_185, %dma_wait3A_270] : memref<25x40xi32, #tpu.memory_space<vmem>> -> memref<1x40xi32, #tpu.memory_space<vmem>>
            %dma_wait3A_272 = tpu.memref_squeeze %dma_wait3A_271 : memref<1x40xi32, #tpu.memory_space<vmem>> -> memref<40xi32, #tpu.memory_space<vmem>>
            %dma_wait3A_273 = arith.constant 0 : i32
            %dma_wait3A_274 = arith.constant 0 : i32
            %dma_wait3A_275 = tpu.memref_slice %arg17[%dma_wait3A_273, %dma_wait3A_274] : memref<10240x128xf32, #tpu.memory_space<vmem_shared>> -> memref<10240x128xf32, #tpu.memory_space<vmem_shared>>
            tpu.wait_indirect_dma semaphore(%run_scoped3A_263 : memref<!tpu.dma_semaphore, #tpu.memory_space<semaphore_mem>>) src(%arg11 : memref<40x128xf32, #tpu.memory_space<vmem>>) dst(%dma_wait3A_275 : memref<10240x128xf32, #tpu.memory_space<vmem_shared>>)
            tpu.yield
          }) : () -> ()
        } else {
        }
        %eq3A_165 = arith.constant 1 : i32
        %eq3A_166 = arith.cmpi eq, %select_n3A_159, %eq3A_165 : i32
        %convert_element_type3A_167 = arith.extui %eq3A_166 : i1 to i32
        %cond3A_168 = arith.constant 0 : i32
        %cond3A_169 = arith.cmpi ne, %convert_element_type3A_167, %cond3A_168 : i32
        scf.if %cond3A_169 {
          %jit3A_170 = arith.constant 25 : i32
          %eq3A_171 = arith.constant 0 : i32
          %eq3A_172 = arith.cmpi eq, %jit3A_170, %eq3A_171 : i32
          %jit3A_173 = arith.constant 1 : i32
          %select_n3A_174 = arith.select %eq3A_172, %jit3A_173, %jit3A_170 : i32
          %rem3A_175 = arith.remsi %scan3A_48, %select_n3A_174 : i32
          %ne3A_176 = arith.constant 0 : i32
          %ne3A_177 = arith.cmpi ne, %rem3A_175, %ne3A_176 : i32
          %lt3A_178 = arith.constant 0 : i32
          %lt3A_179 = arith.cmpi slt, %rem3A_175, %lt3A_178 : i32
          %lt3A_180 = arith.constant 0 : i32
          %lt3A_181 = arith.cmpi slt, %select_n3A_174, %lt3A_180 : i32
          %ne3A_182 = arith.xori %lt3A_179, %lt3A_181 : i1
          %and3A_183 = arith.andi %ne3A_182, %ne3A_177 : i1
          %add3A_184 = arith.addi %rem3A_175, %select_n3A_174 : i32
          %select_n3A_185 = arith.select %and3A_183, %add3A_184, %rem3A_175 : i32
          %dma_wait3A = arith.constant 0 : i32
          %dma_wait3A_186 = tpu.memref_slice %arg9[%select_n3A_185, %dma_wait3A] : memref<25x40xi32, #tpu.memory_space<vmem>> -> memref<1x40xi32, #tpu.memory_space<vmem>>
          %dma_wait3A_187 = tpu.memref_squeeze %dma_wait3A_186 : memref<1x40xi32, #tpu.memory_space<vmem>> -> memref<40xi32, #tpu.memory_space<vmem>>
          %dma_wait3A_188 = arith.constant 0 : i32
          %dma_wait3A_189 = arith.constant 0 : i32
          %dma_wait3A_190 = tpu.memref_slice %arg2[%dma_wait3A_188, %dma_wait3A_189] : memref<10000x128xf32, #tpu.memory_space<hbm>> -> memref<10000x128xf32, #tpu.memory_space<hbm>>
          tpu.wait_indirect_dma semaphore(%arg18 : memref<!tpu.dma_semaphore, #tpu.memory_space<semaphore_mem>>) src(%dma_wait3A_190 : memref<10000x128xf32, #tpu.memory_space<hbm>>) dst(%arg11 : memref<40x128xf32, #tpu.memory_space<vmem>>)
          %dma_wait3A_191 = arith.constant 0 : i32
          %dma_wait3A_192 = tpu.memref_slice %arg10[%select_n3A_185, %dma_wait3A_191] : memref<25x40xi32, #tpu.memory_space<vmem>> -> memref<1x40xi32, #tpu.memory_space<vmem>>
          %dma_wait3A_193 = tpu.memref_squeeze %dma_wait3A_192 : memref<1x40xi32, #tpu.memory_space<vmem>> -> memref<40xi32, #tpu.memory_space<vmem>>
          %dma_wait3A_194 = arith.constant 0 : i32
          %dma_wait3A_195 = arith.constant 0 : i32
          %dma_wait3A_196 = tpu.memref_slice %arg3[%dma_wait3A_194, %dma_wait3A_195] : memref<10000x128xf32, #tpu.memory_space<hbm>> -> memref<10000x128xf32, #tpu.memory_space<hbm>>
          tpu.wait_indirect_dma semaphore(%arg19 : memref<!tpu.dma_semaphore, #tpu.memory_space<semaphore_mem>>) src(%dma_wait3A_196 : memref<10000x128xf32, #tpu.memory_space<hbm>>) dst(%arg12 : memref<40x128xf32, #tpu.memory_space<vmem>>)
          %jit3A_197 = arith.constant 2 : i32
          %div3A_198 = arith.divsi %scan3A_48, %jit3A_197 : i32
          %sign3A_199 = arith.constant 0 : i32
          %sign3A_200 = arith.cmpi sgt, %scan3A_48, %sign3A_199 : i32
          %sign3A_201 = arith.extui %sign3A_200 : i1 to i32
          %sign3A_202 = arith.constant 0 : i32
          %sign3A_203 = arith.cmpi slt, %scan3A_48, %sign3A_202 : i32
          %sign3A_204 = arith.extui %sign3A_203 : i1 to i32
          %sign3A_205 = arith.subi %sign3A_201, %sign3A_204 : i32
          %sign3A_206 = arith.constant 0 : i32
          %sign3A_207 = arith.cmpi sgt, %jit3A_197, %sign3A_206 : i32
          %sign3A_208 = arith.extui %sign3A_207 : i1 to i32
          %sign3A_209 = arith.constant 0 : i32
          %sign3A_210 = arith.cmpi slt, %jit3A_197, %sign3A_209 : i32
          %sign3A_211 = arith.extui %sign3A_210 : i1 to i32
          %sign3A_212 = arith.subi %sign3A_208, %sign3A_211 : i32
          %ne3A_213 = arith.cmpi ne, %sign3A_205, %sign3A_212 : i32
          %rem3A_214 = arith.remsi %scan3A_48, %jit3A_197 : i32
          %ne3A_215 = arith.constant 0 : i32
          %ne3A_216 = arith.cmpi ne, %rem3A_214, %ne3A_215 : i32
          %and3A_217 = arith.andi %ne3A_213, %ne3A_216 : i1
          %sub3A_218 = arith.constant 1 : i32
          %sub3A_219 = arith.subi %div3A_198, %sub3A_218 : i32
          %select_n3A_220 = arith.select %and3A_217, %sub3A_219, %div3A_198 : i32
          %jit3A_221 = arith.constant 2 : i32
          %eq3A_222 = arith.constant 0 : i32
          %eq3A_223 = arith.cmpi eq, %jit3A_221, %eq3A_222 : i32
          %jit3A_224 = arith.constant 1 : i32
          %select_n3A_225 = arith.select %eq3A_223, %jit3A_224, %jit3A_221 : i32
          %rem3A_226 = arith.remsi %select_n3A_220, %select_n3A_225 : i32
          %ne3A_227 = arith.constant 0 : i32
          %ne3A_228 = arith.cmpi ne, %rem3A_226, %ne3A_227 : i32
          %lt3A_229 = arith.constant 0 : i32
          %lt3A_230 = arith.cmpi slt, %rem3A_226, %lt3A_229 : i32
          %lt3A_231 = arith.constant 0 : i32
          %lt3A_232 = arith.cmpi slt, %select_n3A_225, %lt3A_231 : i32
          %ne3A_233 = arith.xori %lt3A_230, %lt3A_232 : i1
          %and3A_234 = arith.andi %ne3A_233, %ne3A_228 : i1
          %add3A_235 = arith.addi %rem3A_226, %select_n3A_225 : i32
          %select_n3A_236 = arith.select %and3A_234, %add3A_235, %rem3A_226 : i32
          %eq3A_237 = arith.constant 0 : i32
          %eq3A_238 = arith.cmpi eq, %select_n3A_236, %eq3A_237 : i32
          %convert_element_type3A_239 = arith.extui %eq3A_238 : i1 to i32
          %cond3A_240 = arith.constant 0 : i32
          %cond3A_241 = arith.cmpi ne, %convert_element_type3A_239, %cond3A_240 : i32
          scf.if %cond3A_241 {
            %mul3A_263 = arith.constant 40 : i32
            %mul3A_264 = arith.muli %select_n3A_220, %mul3A_263 : i32
            %add3A_265 = arith.addi %mul3A_2, %mul3A_264 : i32
            %dma_wait3A_266 = arith.constant 0 : i32
            %dma_wait3A_267 = tpu.memref_slice %arg4[%add3A_265, %dma_wait3A_266] : memref<160000x128xi32, #tpu.memory_space<hbm>> -> memref<40x128xi32, #tpu.memory_space<hbm>>
            %dma_wait3A_268 = arith.constant 0 : i32
            %dma_wait3A_269 = tpu.memref_slice %arg4[%add3A_265, %dma_wait3A_268] : memref<160000x128xi32, #tpu.memory_space<hbm>> -> memref<40x128xi32, #tpu.memory_space<hbm>>
            tpu.wait_dma2 semaphore(%arg22 : memref<!tpu.dma_semaphore, #tpu.memory_space<semaphore_mem>>) src(%dma_wait3A_269 : memref<40x128xi32, #tpu.memory_space<hbm>>) dst(%arg15 : memref<40x128xi32, #tpu.memory_space<vmem>>)
            %scan3A_270 = arith.constant 0 : i32
            %scan3A_271 = arith.constant 0 : i32
            %scan3A_272 = arith.constant 40 : i32
            %scan3A_273 = arith.addi %scan3A_271, %scan3A_272 : i32
            %scan3A_274 = arith.constant 1 : i32
            scf.for %scan3A_276 = %scan3A_271 to %scan3A_273 step %scan3A_274  : i32 {
              %get3A = arith.index_cast %scan3A_276 : i32 to index
              %get3A_277 = arith.constant 0 : index
              %get3A_278 = tpu.vector_load %arg15[%get3A, %get3A_277] {strides = array<i32>} : memref<40x128xi32, #tpu.memory_space<vmem>>, vector<1x16xi32>,
              %get3A_279 = vector.shape_cast %get3A_278 : vector<1x16xi32> to vector<16xi32>
              %shift_left3A = arith.constant 16 : i32
              %shift_left3A_280 = vector.broadcast %shift_left3A : i32 to vector<16xi32>
              %shift_left3A_281 = arith.shli %get3A_279, %shift_left3A_280 : vector<16xi32>
              %bitcast_convert_type3A = tpu.bitcast %shift_left3A_281 : vector<16xi32> -> vector<16xf32>
              %and3A_282 = arith.constant -65536 : i32
              %and3A_283 = vector.broadcast %and3A_282 : i32 to vector<16xi32>
              %and3A_284 = arith.andi %get3A_279, %and3A_283 : vector<16xi32>
              %bitcast_convert_type3A_285 = tpu.bitcast %and3A_284 : vector<16xi32> -> vector<16xf32>
              %get3A_286 = arith.index_cast %scan3A_276 : i32 to index
              %get3A_287 = arith.constant 0 : index
              %get3A_288 = tpu.vector_load %arg11[%get3A_286, %get3A_287] {strides = array<i32>} : memref<40x128xf32, #tpu.memory_space<vmem>>, vector<1x16xf32>,
              %get3A_289 = vector.shape_cast %get3A_288 : vector<1x16xf32> to vector<16xf32>
              %get3A_290 = arith.index_cast %scan3A_276 : i32 to index
              %get3A_291 = arith.constant 0 : index
              %get3A_292 = tpu.vector_load %arg12[%get3A_290, %get3A_291] {strides = array<i32>} : memref<40x128xf32, #tpu.memory_space<vmem>>, vector<1x16xf32>,
              %get3A_293 = vector.shape_cast %get3A_292 : vector<1x16xf32> to vector<16xf32>
              %add3A_294 = arith.addf %get3A_289, %get3A_293 : vector<16xf32>
              %add3A_295 = arith.addf %add3A_294, %bitcast_convert_type3A : vector<16xf32>
              %max3A = arith.constant 0.000000e+00 : f32
              %max3A_296 = vector.broadcast %max3A : f32 to vector<16xf32>
              %max3A_297 = arith.maximumf %add3A_295, %max3A_296 : vector<16xf32>
              %swap3A = arith.index_cast %scan3A_276 : i32 to index
              %swap3A_298 = arith.constant 0 : index
              %swap3A_299 = tpu.vector_load %arg11[%swap3A, %swap3A_298] {strides = array<i32>} : memref<40x128xf32, #tpu.memory_space<vmem>>, vector<1x16xf32>,
              %swap3A_300 = vector.shape_cast %swap3A_299 : vector<1x16xf32> to vector<16xf32>
              %swap3A_301 = vector.shape_cast %max3A_297 : vector<16xf32> to vector<1x16xf32>
              tpu.vector_store %arg11[%swap3A, %swap3A_298], %swap3A_301 {strides = array<i32>} : memref<40x128xf32, #tpu.memory_space<vmem>>, vector<1x16xf32>,
              %get3A_302 = arith.index_cast %scan3A_276 : i32 to index
              %get3A_303 = arith.constant 64 : index
              %get3A_304 = tpu.vector_load %arg11[%get3A_302, %get3A_303] {strides = array<i32>} : memref<40x128xf32, #tpu.memory_space<vmem>>, vector<1x16xf32>,
              %get3A_305 = vector.shape_cast %get3A_304 : vector<1x16xf32> to vector<16xf32>
              %get3A_306 = arith.index_cast %scan3A_276 : i32 to index
              %get3A_307 = arith.constant 64 : index
              %get3A_308 = tpu.vector_load %arg12[%get3A_306, %get3A_307] {strides = array<i32>} : memref<40x128xf32, #tpu.memory_space<vmem>>, vector<1x16xf32>,
              %get3A_309 = vector.shape_cast %get3A_308 : vector<1x16xf32> to vector<16xf32>
              %add3A_310 = arith.addf %get3A_305, %get3A_309 : vector<16xf32>
              %add3A_311 = arith.addf %add3A_310, %bitcast_convert_type3A_285 : vector<16xf32>
              %max3A_312 = arith.constant 0.000000e+00 : f32
              %max3A_313 = vector.broadcast %max3A_312 : f32 to vector<16xf32>
              %max3A_314 = arith.maximumf %add3A_311, %max3A_313 : vector<16xf32>
              %swap3A_315 = arith.index_cast %scan3A_276 : i32 to index
              %swap3A_316 = arith.constant 64 : index
              %swap3A_317 = tpu.vector_load %arg11[%swap3A_315, %swap3A_316] {strides = array<i32>} : memref<40x128xf32, #tpu.memory_space<vmem>>, vector<1x16xf32>,
              %swap3A_318 = vector.shape_cast %swap3A_317 : vector<1x16xf32> to vector<16xf32>
              %swap3A_319 = vector.shape_cast %max3A_314 : vector<16xf32> to vector<1x16xf32>
              tpu.vector_store %arg11[%swap3A_315, %swap3A_316], %swap3A_319 {strides = array<i32>} : memref<40x128xf32, #tpu.memory_space<vmem>>, vector<1x16xf32>,
              %get3A_320 = arith.index_cast %scan3A_276 : i32 to index
              %get3A_321 = arith.constant 16 : index
              %get3A_322 = tpu.vector_load %arg15[%get3A_320, %get3A_321] {strides = array<i32>} : memref<40x128xi32, #tpu.memory_space<vmem>>, vector<1x16xi32>,
              %get3A_323 = vector.shape_cast %get3A_322 : vector<1x16xi32> to vector<16xi32>
              %shift_left3A_324 = arith.constant 16 : i32
              %shift_left3A_325 = vector.broadcast %shift_left3A_324 : i32 to vector<16xi32>
              %shift_left3A_326 = arith.shli %get3A_323, %shift_left3A_325 : vector<16xi32>
              %bitcast_convert_type3A_327 = tpu.bitcast %shift_left3A_326 : vector<16xi32> -> vector<16xf32>
              %and3A_328 = arith.constant -65536 : i32
              %and3A_329 = vector.broadcast %and3A_328 : i32 to vector<16xi32>
              %and3A_330 = arith.andi %get3A_323, %and3A_329 : vector<16xi32>
              %bitcast_convert_type3A_331 = tpu.bitcast %and3A_330 : vector<16xi32> -> vector<16xf32>
              %get3A_332 = arith.index_cast %scan3A_276 : i32 to index
              %get3A_333 = arith.constant 16 : index
              %get3A_334 = tpu.vector_load %arg11[%get3A_332, %get3A_333] {strides = array<i32>} : memref<40x128xf32, #tpu.memory_space<vmem>>, vector<1x16xf32>,
              %get3A_335 = vector.shape_cast %get3A_334 : vector<1x16xf32> to vector<16xf32>
              %get3A_336 = arith.index_cast %scan3A_276 : i32 to index
              %get3A_337 = arith.constant 16 : index
              %get3A_338 = tpu.vector_load %arg12[%get3A_336, %get3A_337] {strides = array<i32>} : memref<40x128xf32, #tpu.memory_space<vmem>>, vector<1x16xf32>,
              %get3A_339 = vector.shape_cast %get3A_338 : vector<1x16xf32> to vector<16xf32>
              %add3A_340 = arith.addf %get3A_335, %get3A_339 : vector<16xf32>
              %add3A_341 = arith.addf %add3A_340, %bitcast_convert_type3A_327 : vector<16xf32>
              %max3A_342 = arith.constant 0.000000e+00 : f32
              %max3A_343 = vector.broadcast %max3A_342 : f32 to vector<16xf32>
              %max3A_344 = arith.maximumf %add3A_341, %max3A_343 : vector<16xf32>
              %swap3A_345 = arith.index_cast %scan3A_276 : i32 to index
              %swap3A_346 = arith.constant 16 : index
              %swap3A_347 = tpu.vector_load %arg11[%swap3A_345, %swap3A_346] {strides = array<i32>} : memref<40x128xf32, #tpu.memory_space<vmem>>, vector<1x16xf32>,
              %swap3A_348 = vector.shape_cast %swap3A_347 : vector<1x16xf32> to vector<16xf32>
              %swap3A_349 = vector.shape_cast %max3A_344 : vector<16xf32> to vector<1x16xf32>
              tpu.vector_store %arg11[%swap3A_345, %swap3A_346], %swap3A_349 {strides = array<i32>} : memref<40x128xf32, #tpu.memory_space<vmem>>, vector<1x16xf32>,
              %get3A_350 = arith.index_cast %scan3A_276 : i32 to index
              %get3A_351 = arith.constant 80 : index
              %get3A_352 = tpu.vector_load %arg11[%get3A_350, %get3A_351] {strides = array<i32>} : memref<40x128xf32, #tpu.memory_space<vmem>>, vector<1x16xf32>,
              %get3A_353 = vector.shape_cast %get3A_352 : vector<1x16xf32> to vector<16xf32>
              %get3A_354 = arith.index_cast %scan3A_276 : i32 to index
              %get3A_355 = arith.constant 80 : index
              %get3A_356 = tpu.vector_load %arg12[%get3A_354, %get3A_355] {strides = array<i32>} : memref<40x128xf32, #tpu.memory_space<vmem>>, vector<1x16xf32>,
              %get3A_357 = vector.shape_cast %get3A_356 : vector<1x16xf32> to vector<16xf32>
              %add3A_358 = arith.addf %get3A_353, %get3A_357 : vector<16xf32>
              %add3A_359 = arith.addf %add3A_358, %bitcast_convert_type3A_331 : vector<16xf32>
              %max3A_360 = arith.constant 0.000000e+00 : f32
              %max3A_361 = vector.broadcast %max3A_360 : f32 to vector<16xf32>
              %max3A_362 = arith.maximumf %add3A_359, %max3A_361 : vector<16xf32>
              %swap3A_363 = arith.index_cast %scan3A_276 : i32 to index
              %swap3A_364 = arith.constant 80 : index
              %swap3A_365 = tpu.vector_load %arg11[%swap3A_363, %swap3A_364] {strides = array<i32>} : memref<40x128xf32, #tpu.memory_space<vmem>>, vector<1x16xf32>,
              %swap3A_366 = vector.shape_cast %swap3A_365 : vector<1x16xf32> to vector<16xf32>
              %swap3A_367 = vector.shape_cast %max3A_362 : vector<16xf32> to vector<1x16xf32>
              tpu.vector_store %arg11[%swap3A_363, %swap3A_364], %swap3A_367 {strides = array<i32>} : memref<40x128xf32, #tpu.memory_space<vmem>>, vector<1x16xf32>,
              %get3A_368 = arith.index_cast %scan3A_276 : i32 to index
              %get3A_369 = arith.constant 32 : index
              %get3A_370 = tpu.vector_load %arg15[%get3A_368, %get3A_369] {strides = array<i32>} : memref<40x128xi32, #tpu.memory_space<vmem>>, vector<1x16xi32>,
              %get3A_371 = vector.shape_cast %get3A_370 : vector<1x16xi32> to vector<16xi32>
              %shift_left3A_372 = arith.constant 16 : i32
              %shift_left3A_373 = vector.broadcast %shift_left3A_372 : i32 to vector<16xi32>
              %shift_left3A_374 = arith.shli %get3A_371, %shift_left3A_373 : vector<16xi32>
              %bitcast_convert_type3A_375 = tpu.bitcast %shift_left3A_374 : vector<16xi32> -> vector<16xf32>
              %and3A_376 = arith.constant -65536 : i32
              %and3A_377 = vector.broadcast %and3A_376 : i32 to vector<16xi32>
              %and3A_378 = arith.andi %get3A_371, %and3A_377 : vector<16xi32>
              %bitcast_convert_type3A_379 = tpu.bitcast %and3A_378 : vector<16xi32> -> vector<16xf32>
              %get3A_380 = arith.index_cast %scan3A_276 : i32 to index
              %get3A_381 = arith.constant 32 : index
              %get3A_382 = tpu.vector_load %arg11[%get3A_380, %get3A_381] {strides = array<i32>} : memref<40x128xf32, #tpu.memory_space<vmem>>, vector<1x16xf32>,
              %get3A_383 = vector.shape_cast %get3A_382 : vector<1x16xf32> to vector<16xf32>
              %get3A_384 = arith.index_cast %scan3A_276 : i32 to index
              %get3A_385 = arith.constant 32 : index
              %get3A_386 = tpu.vector_load %arg12[%get3A_384, %get3A_385] {strides = array<i32>} : memref<40x128xf32, #tpu.memory_space<vmem>>, vector<1x16xf32>,
              %get3A_387 = vector.shape_cast %get3A_386 : vector<1x16xf32> to vector<16xf32>
              %add3A_388 = arith.addf %get3A_383, %get3A_387 : vector<16xf32>
              %add3A_389 = arith.addf %add3A_388, %bitcast_convert_type3A_375 : vector<16xf32>
              %max3A_390 = arith.constant 0.000000e+00 : f32
              %max3A_391 = vector.broadcast %max3A_390 : f32 to vector<16xf32>
              %max3A_392 = arith.maximumf %add3A_389, %max3A_391 : vector<16xf32>
              %swap3A_393 = arith.index_cast %scan3A_276 : i32 to index
              %swap3A_394 = arith.constant 32 : index
              %swap3A_395 = tpu.vector_load %arg11[%swap3A_393, %swap3A_394] {strides = array<i32>} : memref<40x128xf32, #tpu.memory_space<vmem>>, vector<1x16xf32>,
              %swap3A_396 = vector.shape_cast %swap3A_395 : vector<1x16xf32> to vector<16xf32>
              %swap3A_397 = vector.shape_cast %max3A_392 : vector<16xf32> to vector<1x16xf32>
              tpu.vector_store %arg11[%swap3A_393, %swap3A_394], %swap3A_397 {strides = array<i32>} : memref<40x128xf32, #tpu.memory_space<vmem>>, vector<1x16xf32>,
              %get3A_398 = arith.index_cast %scan3A_276 : i32 to index
              %get3A_399 = arith.constant 96 : index
              %get3A_400 = tpu.vector_load %arg11[%get3A_398, %get3A_399] {strides = array<i32>} : memref<40x128xf32, #tpu.memory_space<vmem>>, vector<1x16xf32>,
              %get3A_401 = vector.shape_cast %get3A_400 : vector<1x16xf32> to vector<16xf32>
              %get3A_402 = arith.index_cast %scan3A_276 : i32 to index
              %get3A_403 = arith.constant 96 : index
              %get3A_404 = tpu.vector_load %arg12[%get3A_402, %get3A_403] {strides = array<i32>} : memref<40x128xf32, #tpu.memory_space<vmem>>, vector<1x16xf32>,
              %get3A_405 = vector.shape_cast %get3A_404 : vector<1x16xf32> to vector<16xf32>
              %add3A_406 = arith.addf %get3A_401, %get3A_405 : vector<16xf32>
              %add3A_407 = arith.addf %add3A_406, %bitcast_convert_type3A_379 : vector<16xf32>
              %max3A_408 = arith.constant 0.000000e+00 : f32
              %max3A_409 = vector.broadcast %max3A_408 : f32 to vector<16xf32>
              %max3A_410 = arith.maximumf %add3A_407, %max3A_409 : vector<16xf32>
              %swap3A_411 = arith.index_cast %scan3A_276 : i32 to index
              %swap3A_412 = arith.constant 96 : index
              %swap3A_413 = tpu.vector_load %arg11[%swap3A_411, %swap3A_412] {strides = array<i32>} : memref<40x128xf32, #tpu.memory_space<vmem>>, vector<1x16xf32>,
              %swap3A_414 = vector.shape_cast %swap3A_413 : vector<1x16xf32> to vector<16xf32>
              %swap3A_415 = vector.shape_cast %max3A_410 : vector<16xf32> to vector<1x16xf32>
              tpu.vector_store %arg11[%swap3A_411, %swap3A_412], %swap3A_415 {strides = array<i32>} : memref<40x128xf32, #tpu.memory_space<vmem>>, vector<1x16xf32>,
              %get3A_416 = arith.index_cast %scan3A_276 : i32 to index
              %get3A_417 = arith.constant 48 : index
              %get3A_418 = tpu.vector_load %arg15[%get3A_416, %get3A_417] {strides = array<i32>} : memref<40x128xi32, #tpu.memory_space<vmem>>, vector<1x16xi32>,
              %get3A_419 = vector.shape_cast %get3A_418 : vector<1x16xi32> to vector<16xi32>
              %shift_left3A_420 = arith.constant 16 : i32
              %shift_left3A_421 = vector.broadcast %shift_left3A_420 : i32 to vector<16xi32>
              %shift_left3A_422 = arith.shli %get3A_419, %shift_left3A_421 : vector<16xi32>
              %bitcast_convert_type3A_423 = tpu.bitcast %shift_left3A_422 : vector<16xi32> -> vector<16xf32>
              %and3A_424 = arith.constant -65536 : i32
              %and3A_425 = vector.broadcast %and3A_424 : i32 to vector<16xi32>
              %and3A_426 = arith.andi %get3A_419, %and3A_425 : vector<16xi32>
              %bitcast_convert_type3A_427 = tpu.bitcast %and3A_426 : vector<16xi32> -> vector<16xf32>
              %get3A_428 = arith.index_cast %scan3A_276 : i32 to index
              %get3A_429 = arith.constant 48 : index
              %get3A_430 = tpu.vector_load %arg11[%get3A_428, %get3A_429] {strides = array<i32>} : memref<40x128xf32, #tpu.memory_space<vmem>>, vector<1x16xf32>,
              %get3A_431 = vector.shape_cast %get3A_430 : vector<1x16xf32> to vector<16xf32>
              %get3A_432 = arith.index_cast %scan3A_276 : i32 to index
              %get3A_433 = arith.constant 48 : index
              %get3A_434 = tpu.vector_load %arg12[%get3A_432, %get3A_433] {strides = array<i32>} : memref<40x128xf32, #tpu.memory_space<vmem>>, vector<1x16xf32>,
              %get3A_435 = vector.shape_cast %get3A_434 : vector<1x16xf32> to vector<16xf32>
              %add3A_436 = arith.addf %get3A_431, %get3A_435 : vector<16xf32>
              %add3A_437 = arith.addf %add3A_436, %bitcast_convert_type3A_423 : vector<16xf32>
              %max3A_438 = arith.constant 0.000000e+00 : f32
              %max3A_439 = vector.broadcast %max3A_438 : f32 to vector<16xf32>
              %max3A_440 = arith.maximumf %add3A_437, %max3A_439 : vector<16xf32>
              %swap3A_441 = arith.index_cast %scan3A_276 : i32 to index
              %swap3A_442 = arith.constant 48 : index
              %swap3A_443 = tpu.vector_load %arg11[%swap3A_441, %swap3A_442] {strides = array<i32>} : memref<40x128xf32, #tpu.memory_space<vmem>>, vector<1x16xf32>,
              %swap3A_444 = vector.shape_cast %swap3A_443 : vector<1x16xf32> to vector<16xf32>
              %swap3A_445 = vector.shape_cast %max3A_440 : vector<16xf32> to vector<1x16xf32>
              tpu.vector_store %arg11[%swap3A_441, %swap3A_442], %swap3A_445 {strides = array<i32>} : memref<40x128xf32, #tpu.memory_space<vmem>>, vector<1x16xf32>,
              %get3A_446 = arith.index_cast %scan3A_276 : i32 to index
              %get3A_447 = arith.constant 112 : index
              %get3A_448 = tpu.vector_load %arg11[%get3A_446, %get3A_447] {strides = array<i32>} : memref<40x128xf32, #tpu.memory_space<vmem>>, vector<1x16xf32>,
              %get3A_449 = vector.shape_cast %get3A_448 : vector<1x16xf32> to vector<16xf32>
              %get3A_450 = arith.index_cast %scan3A_276 : i32 to index
              %get3A_451 = arith.constant 112 : index
              %get3A_452 = tpu.vector_load %arg12[%get3A_450, %get3A_451] {strides = array<i32>} : memref<40x128xf32, #tpu.memory_space<vmem>>, vector<1x16xf32>,
              %get3A_453 = vector.shape_cast %get3A_452 : vector<1x16xf32> to vector<16xf32>
              %add3A_454 = arith.addf %get3A_449, %get3A_453 : vector<16xf32>
              %add3A_455 = arith.addf %add3A_454, %bitcast_convert_type3A_427 : vector<16xf32>
              %max3A_456 = arith.constant 0.000000e+00 : f32
              %max3A_457 = vector.broadcast %max3A_456 : f32 to vector<16xf32>
              %max3A_458 = arith.maximumf %add3A_455, %max3A_457 : vector<16xf32>
              %swap3A_459 = arith.index_cast %scan3A_276 : i32 to index
              %swap3A_460 = arith.constant 112 : index
              %swap3A_461 = tpu.vector_load %arg11[%swap3A_459, %swap3A_460] {strides = array<i32>} : memref<40x128xf32, #tpu.memory_space<vmem>>, vector<1x16xf32>,
              %swap3A_462 = vector.shape_cast %swap3A_461 : vector<1x16xf32> to vector<16xf32>
              %swap3A_463 = vector.shape_cast %max3A_458 : vector<16xf32> to vector<1x16xf32>
              tpu.vector_store %arg11[%swap3A_459, %swap3A_460], %swap3A_463 {strides = array<i32>} : memref<40x128xf32, #tpu.memory_space<vmem>>, vector<1x16xf32>,
            }
            %scan3A_275 = arith.constant 40 : i32
          } else {
          }
          %jit3A_242 = arith.constant 2 : i32
          %eq3A_243 = arith.constant 0 : i32
          %eq3A_244 = arith.cmpi eq, %jit3A_242, %eq3A_243 : i32
          %jit3A_245 = arith.constant 1 : i32
          %select_n3A_246 = arith.select %eq3A_244, %jit3A_245, %jit3A_242 : i32
          %rem3A_247 = arith.remsi %select_n3A_220, %select_n3A_246 : i32
          %ne3A_248 = arith.constant 0 : i32
          %ne3A_249 = arith.cmpi ne, %rem3A_247, %ne3A_248 : i32
          %lt3A_250 = arith.constant 0 : i32
          %lt3A_251 = arith.cmpi slt, %rem3A_247, %lt3A_250 : i32
          %lt3A_252 = arith.constant 0 : i32
          %lt3A_253 = arith.cmpi slt, %select_n3A_246, %lt3A_252 : i32
          %ne3A_254 = arith.xori %lt3A_251, %lt3A_253 : i1
          %and3A_255 = arith.andi %ne3A_254, %ne3A_249 : i1
          %add3A_256 = arith.addi %rem3A_247, %select_n3A_246 : i32
          %select_n3A_257 = arith.select %and3A_255, %add3A_256, %rem3A_247 : i32
          %eq3A_258 = arith.constant 1 : i32
          %eq3A_259 = arith.cmpi eq, %select_n3A_257, %eq3A_258 : i32
          %convert_element_type3A_260 = arith.extui %eq3A_259 : i1 to i32
          %cond3A_261 = arith.constant 0 : i32
          %cond3A_262 = arith.cmpi ne, %convert_element_type3A_260, %cond3A_261 : i32
          scf.if %cond3A_262 {
            %mul3A_263 = arith.constant 40 : i32
            %mul3A_264 = arith.muli %select_n3A_220, %mul3A_263 : i32
            %add3A_265 = arith.addi %mul3A_2, %mul3A_264 : i32
            %dma_wait3A_266 = arith.constant 0 : i32
            %dma_wait3A_267 = tpu.memref_slice %arg4[%add3A_265, %dma_wait3A_266] : memref<160000x128xi32, #tpu.memory_space<hbm>> -> memref<40x128xi32, #tpu.memory_space<hbm>>
            %dma_wait3A_268 = arith.constant 0 : i32
            %dma_wait3A_269 = tpu.memref_slice %arg4[%add3A_265, %dma_wait3A_268] : memref<160000x128xi32, #tpu.memory_space<hbm>> -> memref<40x128xi32, #tpu.memory_space<hbm>>
            tpu.wait_dma2 semaphore(%arg23 : memref<!tpu.dma_semaphore, #tpu.memory_space<semaphore_mem>>) src(%dma_wait3A_269 : memref<40x128xi32, #tpu.memory_space<hbm>>) dst(%arg16 : memref<40x128xi32, #tpu.memory_space<vmem>>)
            %scan3A_270 = arith.constant 0 : i32
            %scan3A_271 = arith.constant 0 : i32
            %scan3A_272 = arith.constant 40 : i32
            %scan3A_273 = arith.addi %scan3A_271, %scan3A_272 : i32
            %scan3A_274 = arith.constant 1 : i32
            scf.for %scan3A_276 = %scan3A_271 to %scan3A_273 step %scan3A_274  : i32 {
              %get3A = arith.index_cast %scan3A_276 : i32 to index
              %get3A_277 = arith.constant 0 : index
              %get3A_278 = tpu.vector_load %arg16[%get3A, %get3A_277] {strides = array<i32>} : memref<40x128xi32, #tpu.memory_space<vmem>>, vector<1x16xi32>,
              %get3A_279 = vector.shape_cast %get3A_278 : vector<1x16xi32> to vector<16xi32>
              %shift_left3A = arith.constant 16 : i32
              %shift_left3A_280 = vector.broadcast %shift_left3A : i32 to vector<16xi32>
              %shift_left3A_281 = arith.shli %get3A_279, %shift_left3A_280 : vector<16xi32>
              %bitcast_convert_type3A = tpu.bitcast %shift_left3A_281 : vector<16xi32> -> vector<16xf32>
              %and3A_282 = arith.constant -65536 : i32
              %and3A_283 = vector.broadcast %and3A_282 : i32 to vector<16xi32>
              %and3A_284 = arith.andi %get3A_279, %and3A_283 : vector<16xi32>
              %bitcast_convert_type3A_285 = tpu.bitcast %and3A_284 : vector<16xi32> -> vector<16xf32>
              %get3A_286 = arith.index_cast %scan3A_276 : i32 to index
              %get3A_287 = arith.constant 0 : index
              %get3A_288 = tpu.vector_load %arg11[%get3A_286, %get3A_287] {strides = array<i32>} : memref<40x128xf32, #tpu.memory_space<vmem>>, vector<1x16xf32>,
              %get3A_289 = vector.shape_cast %get3A_288 : vector<1x16xf32> to vector<16xf32>
              %get3A_290 = arith.index_cast %scan3A_276 : i32 to index
              %get3A_291 = arith.constant 0 : index
              %get3A_292 = tpu.vector_load %arg12[%get3A_290, %get3A_291] {strides = array<i32>} : memref<40x128xf32, #tpu.memory_space<vmem>>, vector<1x16xf32>,
              %get3A_293 = vector.shape_cast %get3A_292 : vector<1x16xf32> to vector<16xf32>
              %add3A_294 = arith.addf %get3A_289, %get3A_293 : vector<16xf32>
              %add3A_295 = arith.addf %add3A_294, %bitcast_convert_type3A : vector<16xf32>
              %max3A = arith.constant 0.000000e+00 : f32
              %max3A_296 = vector.broadcast %max3A : f32 to vector<16xf32>
              %max3A_297 = arith.maximumf %add3A_295, %max3A_296 : vector<16xf32>
              %swap3A = arith.index_cast %scan3A_276 : i32 to index
              %swap3A_298 = arith.constant 0 : index
              %swap3A_299 = tpu.vector_load %arg11[%swap3A, %swap3A_298] {strides = array<i32>} : memref<40x128xf32, #tpu.memory_space<vmem>>, vector<1x16xf32>,
              %swap3A_300 = vector.shape_cast %swap3A_299 : vector<1x16xf32> to vector<16xf32>
              %swap3A_301 = vector.shape_cast %max3A_297 : vector<16xf32> to vector<1x16xf32>
              tpu.vector_store %arg11[%swap3A, %swap3A_298], %swap3A_301 {strides = array<i32>} : memref<40x128xf32, #tpu.memory_space<vmem>>, vector<1x16xf32>,
              %get3A_302 = arith.index_cast %scan3A_276 : i32 to index
              %get3A_303 = arith.constant 64 : index
              %get3A_304 = tpu.vector_load %arg11[%get3A_302, %get3A_303] {strides = array<i32>} : memref<40x128xf32, #tpu.memory_space<vmem>>, vector<1x16xf32>,
              %get3A_305 = vector.shape_cast %get3A_304 : vector<1x16xf32> to vector<16xf32>
              %get3A_306 = arith.index_cast %scan3A_276 : i32 to index
              %get3A_307 = arith.constant 64 : index
              %get3A_308 = tpu.vector_load %arg12[%get3A_306, %get3A_307] {strides = array<i32>} : memref<40x128xf32, #tpu.memory_space<vmem>>, vector<1x16xf32>,
              %get3A_309 = vector.shape_cast %get3A_308 : vector<1x16xf32> to vector<16xf32>
              %add3A_310 = arith.addf %get3A_305, %get3A_309 : vector<16xf32>
              %add3A_311 = arith.addf %add3A_310, %bitcast_convert_type3A_285 : vector<16xf32>
              %max3A_312 = arith.constant 0.000000e+00 : f32
              %max3A_313 = vector.broadcast %max3A_312 : f32 to vector<16xf32>
              %max3A_314 = arith.maximumf %add3A_311, %max3A_313 : vector<16xf32>
              %swap3A_315 = arith.index_cast %scan3A_276 : i32 to index
              %swap3A_316 = arith.constant 64 : index
              %swap3A_317 = tpu.vector_load %arg11[%swap3A_315, %swap3A_316] {strides = array<i32>} : memref<40x128xf32, #tpu.memory_space<vmem>>, vector<1x16xf32>,
              %swap3A_318 = vector.shape_cast %swap3A_317 : vector<1x16xf32> to vector<16xf32>
              %swap3A_319 = vector.shape_cast %max3A_314 : vector<16xf32> to vector<1x16xf32>
              tpu.vector_store %arg11[%swap3A_315, %swap3A_316], %swap3A_319 {strides = array<i32>} : memref<40x128xf32, #tpu.memory_space<vmem>>, vector<1x16xf32>,
              %get3A_320 = arith.index_cast %scan3A_276 : i32 to index
              %get3A_321 = arith.constant 16 : index
              %get3A_322 = tpu.vector_load %arg16[%get3A_320, %get3A_321] {strides = array<i32>} : memref<40x128xi32, #tpu.memory_space<vmem>>, vector<1x16xi32>,
              %get3A_323 = vector.shape_cast %get3A_322 : vector<1x16xi32> to vector<16xi32>
              %shift_left3A_324 = arith.constant 16 : i32
              %shift_left3A_325 = vector.broadcast %shift_left3A_324 : i32 to vector<16xi32>
              %shift_left3A_326 = arith.shli %get3A_323, %shift_left3A_325 : vector<16xi32>
              %bitcast_convert_type3A_327 = tpu.bitcast %shift_left3A_326 : vector<16xi32> -> vector<16xf32>
              %and3A_328 = arith.constant -65536 : i32
              %and3A_329 = vector.broadcast %and3A_328 : i32 to vector<16xi32>
              %and3A_330 = arith.andi %get3A_323, %and3A_329 : vector<16xi32>
              %bitcast_convert_type3A_331 = tpu.bitcast %and3A_330 : vector<16xi32> -> vector<16xf32>
              %get3A_332 = arith.index_cast %scan3A_276 : i32 to index
              %get3A_333 = arith.constant 16 : index
              %get3A_334 = tpu.vector_load %arg11[%get3A_332, %get3A_333] {strides = array<i32>} : memref<40x128xf32, #tpu.memory_space<vmem>>, vector<1x16xf32>,
              %get3A_335 = vector.shape_cast %get3A_334 : vector<1x16xf32> to vector<16xf32>
              %get3A_336 = arith.index_cast %scan3A_276 : i32 to index
              %get3A_337 = arith.constant 16 : index
              %get3A_338 = tpu.vector_load %arg12[%get3A_336, %get3A_337] {strides = array<i32>} : memref<40x128xf32, #tpu.memory_space<vmem>>, vector<1x16xf32>,
              %get3A_339 = vector.shape_cast %get3A_338 : vector<1x16xf32> to vector<16xf32>
              %add3A_340 = arith.addf %get3A_335, %get3A_339 : vector<16xf32>
              %add3A_341 = arith.addf %add3A_340, %bitcast_convert_type3A_327 : vector<16xf32>
              %max3A_342 = arith.constant 0.000000e+00 : f32
              %max3A_343 = vector.broadcast %max3A_342 : f32 to vector<16xf32>
              %max3A_344 = arith.maximumf %add3A_341, %max3A_343 : vector<16xf32>
              %swap3A_345 = arith.index_cast %scan3A_276 : i32 to index
              %swap3A_346 = arith.constant 16 : index
              %swap3A_347 = tpu.vector_load %arg11[%swap3A_345, %swap3A_346] {strides = array<i32>} : memref<40x128xf32, #tpu.memory_space<vmem>>, vector<1x16xf32>,
              %swap3A_348 = vector.shape_cast %swap3A_347 : vector<1x16xf32> to vector<16xf32>
              %swap3A_349 = vector.shape_cast %max3A_344 : vector<16xf32> to vector<1x16xf32>
              tpu.vector_store %arg11[%swap3A_345, %swap3A_346], %swap3A_349 {strides = array<i32>} : memref<40x128xf32, #tpu.memory_space<vmem>>, vector<1x16xf32>,
              %get3A_350 = arith.index_cast %scan3A_276 : i32 to index
              %get3A_351 = arith.constant 80 : index
              %get3A_352 = tpu.vector_load %arg11[%get3A_350, %get3A_351] {strides = array<i32>} : memref<40x128xf32, #tpu.memory_space<vmem>>, vector<1x16xf32>,
              %get3A_353 = vector.shape_cast %get3A_352 : vector<1x16xf32> to vector<16xf32>
              %get3A_354 = arith.index_cast %scan3A_276 : i32 to index
              %get3A_355 = arith.constant 80 : index
              %get3A_356 = tpu.vector_load %arg12[%get3A_354, %get3A_355] {strides = array<i32>} : memref<40x128xf32, #tpu.memory_space<vmem>>, vector<1x16xf32>,
              %get3A_357 = vector.shape_cast %get3A_356 : vector<1x16xf32> to vector<16xf32>
              %add3A_358 = arith.addf %get3A_353, %get3A_357 : vector<16xf32>
              %add3A_359 = arith.addf %add3A_358, %bitcast_convert_type3A_331 : vector<16xf32>
              %max3A_360 = arith.constant 0.000000e+00 : f32
              %max3A_361 = vector.broadcast %max3A_360 : f32 to vector<16xf32>
              %max3A_362 = arith.maximumf %add3A_359, %max3A_361 : vector<16xf32>
              %swap3A_363 = arith.index_cast %scan3A_276 : i32 to index
              %swap3A_364 = arith.constant 80 : index
              %swap3A_365 = tpu.vector_load %arg11[%swap3A_363, %swap3A_364] {strides = array<i32>} : memref<40x128xf32, #tpu.memory_space<vmem>>, vector<1x16xf32>,
              %swap3A_366 = vector.shape_cast %swap3A_365 : vector<1x16xf32> to vector<16xf32>
              %swap3A_367 = vector.shape_cast %max3A_362 : vector<16xf32> to vector<1x16xf32>
              tpu.vector_store %arg11[%swap3A_363, %swap3A_364], %swap3A_367 {strides = array<i32>} : memref<40x128xf32, #tpu.memory_space<vmem>>, vector<1x16xf32>,
              %get3A_368 = arith.index_cast %scan3A_276 : i32 to index
              %get3A_369 = arith.constant 32 : index
              %get3A_370 = tpu.vector_load %arg16[%get3A_368, %get3A_369] {strides = array<i32>} : memref<40x128xi32, #tpu.memory_space<vmem>>, vector<1x16xi32>,
              %get3A_371 = vector.shape_cast %get3A_370 : vector<1x16xi32> to vector<16xi32>
              %shift_left3A_372 = arith.constant 16 : i32
              %shift_left3A_373 = vector.broadcast %shift_left3A_372 : i32 to vector<16xi32>
              %shift_left3A_374 = arith.shli %get3A_371, %shift_left3A_373 : vector<16xi32>
              %bitcast_convert_type3A_375 = tpu.bitcast %shift_left3A_374 : vector<16xi32> -> vector<16xf32>
              %and3A_376 = arith.constant -65536 : i32
              %and3A_377 = vector.broadcast %and3A_376 : i32 to vector<16xi32>
              %and3A_378 = arith.andi %get3A_371, %and3A_377 : vector<16xi32>
              %bitcast_convert_type3A_379 = tpu.bitcast %and3A_378 : vector<16xi32> -> vector<16xf32>
              %get3A_380 = arith.index_cast %scan3A_276 : i32 to index
              %get3A_381 = arith.constant 32 : index
              %get3A_382 = tpu.vector_load %arg11[%get3A_380, %get3A_381] {strides = array<i32>} : memref<40x128xf32, #tpu.memory_space<vmem>>, vector<1x16xf32>,
              %get3A_383 = vector.shape_cast %get3A_382 : vector<1x16xf32> to vector<16xf32>
              %get3A_384 = arith.index_cast %scan3A_276 : i32 to index
              %get3A_385 = arith.constant 32 : index
              %get3A_386 = tpu.vector_load %arg12[%get3A_384, %get3A_385] {strides = array<i32>} : memref<40x128xf32, #tpu.memory_space<vmem>>, vector<1x16xf32>,
              %get3A_387 = vector.shape_cast %get3A_386 : vector<1x16xf32> to vector<16xf32>
              %add3A_388 = arith.addf %get3A_383, %get3A_387 : vector<16xf32>
              %add3A_389 = arith.addf %add3A_388, %bitcast_convert_type3A_375 : vector<16xf32>
              %max3A_390 = arith.constant 0.000000e+00 : f32
              %max3A_391 = vector.broadcast %max3A_390 : f32 to vector<16xf32>
              %max3A_392 = arith.maximumf %add3A_389, %max3A_391 : vector<16xf32>
              %swap3A_393 = arith.index_cast %scan3A_276 : i32 to index
              %swap3A_394 = arith.constant 32 : index
              %swap3A_395 = tpu.vector_load %arg11[%swap3A_393, %swap3A_394] {strides = array<i32>} : memref<40x128xf32, #tpu.memory_space<vmem>>, vector<1x16xf32>,
              %swap3A_396 = vector.shape_cast %swap3A_395 : vector<1x16xf32> to vector<16xf32>
              %swap3A_397 = vector.shape_cast %max3A_392 : vector<16xf32> to vector<1x16xf32>
              tpu.vector_store %arg11[%swap3A_393, %swap3A_394], %swap3A_397 {strides = array<i32>} : memref<40x128xf32, #tpu.memory_space<vmem>>, vector<1x16xf32>,
              %get3A_398 = arith.index_cast %scan3A_276 : i32 to index
              %get3A_399 = arith.constant 96 : index
              %get3A_400 = tpu.vector_load %arg11[%get3A_398, %get3A_399] {strides = array<i32>} : memref<40x128xf32, #tpu.memory_space<vmem>>, vector<1x16xf32>,
              %get3A_401 = vector.shape_cast %get3A_400 : vector<1x16xf32> to vector<16xf32>
              %get3A_402 = arith.index_cast %scan3A_276 : i32 to index
              %get3A_403 = arith.constant 96 : index
              %get3A_404 = tpu.vector_load %arg12[%get3A_402, %get3A_403] {strides = array<i32>} : memref<40x128xf32, #tpu.memory_space<vmem>>, vector<1x16xf32>,
              %get3A_405 = vector.shape_cast %get3A_404 : vector<1x16xf32> to vector<16xf32>
              %add3A_406 = arith.addf %get3A_401, %get3A_405 : vector<16xf32>
              %add3A_407 = arith.addf %add3A_406, %bitcast_convert_type3A_379 : vector<16xf32>
              %max3A_408 = arith.constant 0.000000e+00 : f32
              %max3A_409 = vector.broadcast %max3A_408 : f32 to vector<16xf32>
              %max3A_410 = arith.maximumf %add3A_407, %max3A_409 : vector<16xf32>
              %swap3A_411 = arith.index_cast %scan3A_276 : i32 to index
              %swap3A_412 = arith.constant 96 : index
              %swap3A_413 = tpu.vector_load %arg11[%swap3A_411, %swap3A_412] {strides = array<i32>} : memref<40x128xf32, #tpu.memory_space<vmem>>, vector<1x16xf32>,
              %swap3A_414 = vector.shape_cast %swap3A_413 : vector<1x16xf32> to vector<16xf32>
              %swap3A_415 = vector.shape_cast %max3A_410 : vector<16xf32> to vector<1x16xf32>
              tpu.vector_store %arg11[%swap3A_411, %swap3A_412], %swap3A_415 {strides = array<i32>} : memref<40x128xf32, #tpu.memory_space<vmem>>, vector<1x16xf32>,
              %get3A_416 = arith.index_cast %scan3A_276 : i32 to index
              %get3A_417 = arith.constant 48 : index
              %get3A_418 = tpu.vector_load %arg16[%get3A_416, %get3A_417] {strides = array<i32>} : memref<40x128xi32, #tpu.memory_space<vmem>>, vector<1x16xi32>,
              %get3A_419 = vector.shape_cast %get3A_418 : vector<1x16xi32> to vector<16xi32>
              %shift_left3A_420 = arith.constant 16 : i32
              %shift_left3A_421 = vector.broadcast %shift_left3A_420 : i32 to vector<16xi32>
              %shift_left3A_422 = arith.shli %get3A_419, %shift_left3A_421 : vector<16xi32>
              %bitcast_convert_type3A_423 = tpu.bitcast %shift_left3A_422 : vector<16xi32> -> vector<16xf32>
              %and3A_424 = arith.constant -65536 : i32
              %and3A_425 = vector.broadcast %and3A_424 : i32 to vector<16xi32>
              %and3A_426 = arith.andi %get3A_419, %and3A_425 : vector<16xi32>
              %bitcast_convert_type3A_427 = tpu.bitcast %and3A_426 : vector<16xi32> -> vector<16xf32>
              %get3A_428 = arith.index_cast %scan3A_276 : i32 to index
              %get3A_429 = arith.constant 48 : index
              %get3A_430 = tpu.vector_load %arg11[%get3A_428, %get3A_429] {strides = array<i32>} : memref<40x128xf32, #tpu.memory_space<vmem>>, vector<1x16xf32>,
              %get3A_431 = vector.shape_cast %get3A_430 : vector<1x16xf32> to vector<16xf32>
              %get3A_432 = arith.index_cast %scan3A_276 : i32 to index
              %get3A_433 = arith.constant 48 : index
              %get3A_434 = tpu.vector_load %arg12[%get3A_432, %get3A_433] {strides = array<i32>} : memref<40x128xf32, #tpu.memory_space<vmem>>, vector<1x16xf32>,
              %get3A_435 = vector.shape_cast %get3A_434 : vector<1x16xf32> to vector<16xf32>
              %add3A_436 = arith.addf %get3A_431, %get3A_435 : vector<16xf32>
              %add3A_437 = arith.addf %add3A_436, %bitcast_convert_type3A_423 : vector<16xf32>
              %max3A_438 = arith.constant 0.000000e+00 : f32
              %max3A_439 = vector.broadcast %max3A_438 : f32 to vector<16xf32>
              %max3A_440 = arith.maximumf %add3A_437, %max3A_439 : vector<16xf32>
              %swap3A_441 = arith.index_cast %scan3A_276 : i32 to index
              %swap3A_442 = arith.constant 48 : index
              %swap3A_443 = tpu.vector_load %arg11[%swap3A_441, %swap3A_442] {strides = array<i32>} : memref<40x128xf32, #tpu.memory_space<vmem>>, vector<1x16xf32>,
              %swap3A_444 = vector.shape_cast %swap3A_443 : vector<1x16xf32> to vector<16xf32>
              %swap3A_445 = vector.shape_cast %max3A_440 : vector<16xf32> to vector<1x16xf32>
              tpu.vector_store %arg11[%swap3A_441, %swap3A_442], %swap3A_445 {strides = array<i32>} : memref<40x128xf32, #tpu.memory_space<vmem>>, vector<1x16xf32>,
              %get3A_446 = arith.index_cast %scan3A_276 : i32 to index
              %get3A_447 = arith.constant 112 : index
              %get3A_448 = tpu.vector_load %arg11[%get3A_446, %get3A_447] {strides = array<i32>} : memref<40x128xf32, #tpu.memory_space<vmem>>, vector<1x16xf32>,
              %get3A_449 = vector.shape_cast %get3A_448 : vector<1x16xf32> to vector<16xf32>
              %get3A_450 = arith.index_cast %scan3A_276 : i32 to index
              %get3A_451 = arith.constant 112 : index
              %get3A_452 = tpu.vector_load %arg12[%get3A_450, %get3A_451] {strides = array<i32>} : memref<40x128xf32, #tpu.memory_space<vmem>>, vector<1x16xf32>,
              %get3A_453 = vector.shape_cast %get3A_452 : vector<1x16xf32> to vector<16xf32>
              %add3A_454 = arith.addf %get3A_449, %get3A_453 : vector<16xf32>
              %add3A_455 = arith.addf %add3A_454, %bitcast_convert_type3A_427 : vector<16xf32>
              %max3A_456 = arith.constant 0.000000e+00 : f32
              %max3A_457 = vector.broadcast %max3A_456 : f32 to vector<16xf32>
              %max3A_458 = arith.maximumf %add3A_455, %max3A_457 : vector<16xf32>
              %swap3A_459 = arith.index_cast %scan3A_276 : i32 to index
              %swap3A_460 = arith.constant 112 : index
              %swap3A_461 = tpu.vector_load %arg11[%swap3A_459, %swap3A_460] {strides = array<i32>} : memref<40x128xf32, #tpu.memory_space<vmem>>, vector<1x16xf32>,
              %swap3A_462 = vector.shape_cast %swap3A_461 : vector<1x16xf32> to vector<16xf32>
              %swap3A_463 = vector.shape_cast %max3A_458 : vector<16xf32> to vector<1x16xf32>
              tpu.vector_store %arg11[%swap3A_459, %swap3A_460], %swap3A_463 {strides = array<i32>} : memref<40x128xf32, #tpu.memory_space<vmem>>, vector<1x16xf32>,
            }
            %scan3A_275 = arith.constant 40 : i32
          } else {
          }
          "tpu.region"() ({
            %run_scoped3A_263 = tpu.sem_alloc : memref<!tpu.dma_semaphore, #tpu.memory_space<semaphore_mem>>
            %dma_start3A_264 = arith.constant 0 : i32
            %dma_start3A_265 = tpu.memref_slice %arg10[%select_n3A_185, %dma_start3A_264] : memref<25x40xi32, #tpu.memory_space<vmem>> -> memref<1x40xi32, #tpu.memory_space<vmem>>
            %dma_start3A_266 = tpu.memref_squeeze %dma_start3A_265 : memref<1x40xi32, #tpu.memory_space<vmem>> -> memref<40xi32, #tpu.memory_space<vmem>>
            %dma_start3A_267 = arith.constant 0 : i32
            %dma_start3A_268 = arith.constant 0 : i32
            %dma_start3A_269 = tpu.memref_slice %arg17[%dma_start3A_267, %dma_start3A_268] : memref<10240x128xf32, #tpu.memory_space<vmem_shared>> -> memref<10240x128xf32, #tpu.memory_space<vmem_shared>>
            tpu.enqueue_indirect_dma source(%arg11 : memref<40x128xf32, #tpu.memory_space<vmem>>) target(%dma_start3A_269 : memref<10240x128xf32, #tpu.memory_space<vmem_shared>>) offsets(%dma_start3A_266 : memref<40xi32, #tpu.memory_space<vmem>>) semaphore(%run_scoped3A_263 : memref<!tpu.dma_semaphore, #tpu.memory_space<semaphore_mem>>) {add = true}
            %dma_wait3A_270 = arith.constant 0 : i32
            %dma_wait3A_271 = tpu.memref_slice %arg10[%select_n3A_185, %dma_wait3A_270] : memref<25x40xi32, #tpu.memory_space<vmem>> -> memref<1x40xi32, #tpu.memory_space<vmem>>
            %dma_wait3A_272 = tpu.memref_squeeze %dma_wait3A_271 : memref<1x40xi32, #tpu.memory_space<vmem>> -> memref<40xi32, #tpu.memory_space<vmem>>
            %dma_wait3A_273 = arith.constant 0 : i32
            %dma_wait3A_274 = arith.constant 0 : i32
            %dma_wait3A_275 = tpu.memref_slice %arg17[%dma_wait3A_273, %dma_wait3A_274] : memref<10240x128xf32, #tpu.memory_space<vmem_shared>> -> memref<10240x128xf32, #tpu.memory_space<vmem_shared>>
            tpu.wait_indirect_dma semaphore(%run_scoped3A_263 : memref<!tpu.dma_semaphore, #tpu.memory_space<semaphore_mem>>) src(%arg11 : memref<40x128xf32, #tpu.memory_space<vmem>>) dst(%dma_wait3A_275 : memref<10240x128xf32, #tpu.memory_space<vmem_shared>>)
            tpu.yield
          }) : () -> ()
        } else {
        }
      } else {
      }
      %not3A_118 = arith.constant true
      %not3A_119 = arith.xori %eq3A_101, %not3A_118 : i1
      %convert_element_type3A_120 = arith.extui %not3A_119 : i1 to i32
      %cond3A_121 = arith.constant 0 : i32
      %cond3A_122 = arith.cmpi ne, %convert_element_type3A_120, %cond3A_121 : i32
      scf.if %cond3A_122 {
        %jit3A_123 = arith.constant 25 : i32
        %div3A = arith.divsi %scan3A_48, %jit3A_123 : i32
        %sign3A = arith.constant 0 : i32
        %sign3A_124 = arith.cmpi sgt, %scan3A_48, %sign3A : i32
        %sign3A_125 = arith.extui %sign3A_124 : i1 to i32
        %sign3A_126 = arith.constant 0 : i32
        %sign3A_127 = arith.cmpi slt, %scan3A_48, %sign3A_126 : i32
        %sign3A_128 = arith.extui %sign3A_127 : i1 to i32
        %sign3A_129 = arith.subi %sign3A_125, %sign3A_128 : i32
        %sign3A_130 = arith.constant 0 : i32
        %sign3A_131 = arith.cmpi sgt, %jit3A_123, %sign3A_130 : i32
        %sign3A_132 = arith.extui %sign3A_131 : i1 to i32
        %sign3A_133 = arith.constant 0 : i32
        %sign3A_134 = arith.cmpi slt, %jit3A_123, %sign3A_133 : i32
        %sign3A_135 = arith.extui %sign3A_134 : i1 to i32
        %sign3A_136 = arith.subi %sign3A_132, %sign3A_135 : i32
        %ne3A_137 = arith.cmpi ne, %sign3A_129, %sign3A_136 : i32
        %rem3A_138 = arith.remsi %scan3A_48, %jit3A_123 : i32
        %ne3A_139 = arith.constant 0 : i32
        %ne3A_140 = arith.cmpi ne, %rem3A_138, %ne3A_139 : i32
        %and3A_141 = arith.andi %ne3A_137, %ne3A_140 : i1
        %sub3A = arith.constant 1 : i32
        %sub3A_142 = arith.subi %div3A, %sub3A : i32
        %select_n3A_143 = arith.select %and3A_141, %sub3A_142, %div3A : i32
        %jit3A_144 = arith.constant 2 : i32
        %eq3A_145 = arith.constant 0 : i32
        %eq3A_146 = arith.cmpi eq, %jit3A_144, %eq3A_145 : i32
        %jit3A_147 = arith.constant 1 : i32
        %select_n3A_148 = arith.select %eq3A_146, %jit3A_147, %jit3A_144 : i32
        %rem3A_149 = arith.remsi %select_n3A_143, %select_n3A_148 : i32
        %ne3A_150 = arith.constant 0 : i32
        %ne3A_151 = arith.cmpi ne, %rem3A_149, %ne3A_150 : i32
        %lt3A_152 = arith.constant 0 : i32
        %lt3A_153 = arith.cmpi slt, %rem3A_149, %lt3A_152 : i32
        %lt3A_154 = arith.constant 0 : i32
        %lt3A_155 = arith.cmpi slt, %select_n3A_148, %lt3A_154 : i32
        %ne3A_156 = arith.xori %lt3A_153, %lt3A_155 : i1
        %and3A_157 = arith.andi %ne3A_156, %ne3A_151 : i1
        %add3A_158 = arith.addi %rem3A_149, %select_n3A_148 : i32
        %select_n3A_159 = arith.select %and3A_157, %add3A_158, %rem3A_149 : i32
        %eq3A_160 = arith.constant 0 : i32
        %eq3A_161 = arith.cmpi eq, %select_n3A_159, %eq3A_160 : i32
        %convert_element_type3A_162 = arith.extui %eq3A_161 : i1 to i32
        %cond3A_163 = arith.constant 0 : i32
        %cond3A_164 = arith.cmpi ne, %convert_element_type3A_162, %cond3A_163 : i32
        scf.if %cond3A_164 {
          %jit3A_170 = arith.constant 25 : i32
          %eq3A_171 = arith.constant 0 : i32
          %eq3A_172 = arith.cmpi eq, %jit3A_170, %eq3A_171 : i32
          %jit3A_173 = arith.constant 1 : i32
          %select_n3A_174 = arith.select %eq3A_172, %jit3A_173, %jit3A_170 : i32
          %rem3A_175 = arith.remsi %scan3A_48, %select_n3A_174 : i32
          %ne3A_176 = arith.constant 0 : i32
          %ne3A_177 = arith.cmpi ne, %rem3A_175, %ne3A_176 : i32
          %lt3A_178 = arith.constant 0 : i32
          %lt3A_179 = arith.cmpi slt, %rem3A_175, %lt3A_178 : i32
          %lt3A_180 = arith.constant 0 : i32
          %lt3A_181 = arith.cmpi slt, %select_n3A_174, %lt3A_180 : i32
          %ne3A_182 = arith.xori %lt3A_179, %lt3A_181 : i1
          %and3A_183 = arith.andi %ne3A_182, %ne3A_177 : i1
          %add3A_184 = arith.addi %rem3A_175, %select_n3A_174 : i32
          %select_n3A_185 = arith.select %and3A_183, %add3A_184, %rem3A_175 : i32
          %dma_wait3A = arith.constant 0 : i32
          %dma_wait3A_186 = tpu.memref_slice %arg7[%select_n3A_185, %dma_wait3A] : memref<25x40xi32, #tpu.memory_space<vmem>> -> memref<1x40xi32, #tpu.memory_space<vmem>>
          %dma_wait3A_187 = tpu.memref_squeeze %dma_wait3A_186 : memref<1x40xi32, #tpu.memory_space<vmem>> -> memref<40xi32, #tpu.memory_space<vmem>>
          %dma_wait3A_188 = arith.constant 0 : i32
          %dma_wait3A_189 = arith.constant 0 : i32
          %dma_wait3A_190 = tpu.memref_slice %arg2[%dma_wait3A_188, %dma_wait3A_189] : memref<10000x128xf32, #tpu.memory_space<hbm>> -> memref<10000x128xf32, #tpu.memory_space<hbm>>
          tpu.wait_indirect_dma semaphore(%arg20 : memref<!tpu.dma_semaphore, #tpu.memory_space<semaphore_mem>>) src(%dma_wait3A_190 : memref<10000x128xf32, #tpu.memory_space<hbm>>) dst(%arg13 : memref<40x128xf32, #tpu.memory_space<vmem>>)
          %dma_wait3A_191 = arith.constant 0 : i32
          %dma_wait3A_192 = tpu.memref_slice %arg8[%select_n3A_185, %dma_wait3A_191] : memref<25x40xi32, #tpu.memory_space<vmem>> -> memref<1x40xi32, #tpu.memory_space<vmem>>
          %dma_wait3A_193 = tpu.memref_squeeze %dma_wait3A_192 : memref<1x40xi32, #tpu.memory_space<vmem>> -> memref<40xi32, #tpu.memory_space<vmem>>
          %dma_wait3A_194 = arith.constant 0 : i32
          %dma_wait3A_195 = arith.constant 0 : i32
          %dma_wait3A_196 = tpu.memref_slice %arg3[%dma_wait3A_194, %dma_wait3A_195] : memref<10000x128xf32, #tpu.memory_space<hbm>> -> memref<10000x128xf32, #tpu.memory_space<hbm>>
          tpu.wait_indirect_dma semaphore(%arg21 : memref<!tpu.dma_semaphore, #tpu.memory_space<semaphore_mem>>) src(%dma_wait3A_196 : memref<10000x128xf32, #tpu.memory_space<hbm>>) dst(%arg14 : memref<40x128xf32, #tpu.memory_space<vmem>>)
          %jit3A_197 = arith.constant 2 : i32
          %div3A_198 = arith.divsi %scan3A_48, %jit3A_197 : i32
          %sign3A_199 = arith.constant 0 : i32
          %sign3A_200 = arith.cmpi sgt, %scan3A_48, %sign3A_199 : i32
          %sign3A_201 = arith.extui %sign3A_200 : i1 to i32
          %sign3A_202 = arith.constant 0 : i32
          %sign3A_203 = arith.cmpi slt, %scan3A_48, %sign3A_202 : i32
          %sign3A_204 = arith.extui %sign3A_203 : i1 to i32
          %sign3A_205 = arith.subi %sign3A_201, %sign3A_204 : i32
          %sign3A_206 = arith.constant 0 : i32
          %sign3A_207 = arith.cmpi sgt, %jit3A_197, %sign3A_206 : i32
          %sign3A_208 = arith.extui %sign3A_207 : i1 to i32
          %sign3A_209 = arith.constant 0 : i32
          %sign3A_210 = arith.cmpi slt, %jit3A_197, %sign3A_209 : i32
          %sign3A_211 = arith.extui %sign3A_210 : i1 to i32
          %sign3A_212 = arith.subi %sign3A_208, %sign3A_211 : i32
          %ne3A_213 = arith.cmpi ne, %sign3A_205, %sign3A_212 : i32
          %rem3A_214 = arith.remsi %scan3A_48, %jit3A_197 : i32
          %ne3A_215 = arith.constant 0 : i32
          %ne3A_216 = arith.cmpi ne, %rem3A_214, %ne3A_215 : i32
          %and3A_217 = arith.andi %ne3A_213, %ne3A_216 : i1
          %sub3A_218 = arith.constant 1 : i32
          %sub3A_219 = arith.subi %div3A_198, %sub3A_218 : i32
          %select_n3A_220 = arith.select %and3A_217, %sub3A_219, %div3A_198 : i32
          %jit3A_221 = arith.constant 2 : i32
          %eq3A_222 = arith.constant 0 : i32
          %eq3A_223 = arith.cmpi eq, %jit3A_221, %eq3A_222 : i32
          %jit3A_224 = arith.constant 1 : i32
          %select_n3A_225 = arith.select %eq3A_223, %jit3A_224, %jit3A_221 : i32
          %rem3A_226 = arith.remsi %select_n3A_220, %select_n3A_225 : i32
          %ne3A_227 = arith.constant 0 : i32
          %ne3A_228 = arith.cmpi ne, %rem3A_226, %ne3A_227 : i32
          %lt3A_229 = arith.constant 0 : i32
          %lt3A_230 = arith.cmpi slt, %rem3A_226, %lt3A_229 : i32
          %lt3A_231 = arith.constant 0 : i32
          %lt3A_232 = arith.cmpi slt, %select_n3A_225, %lt3A_231 : i32
          %ne3A_233 = arith.xori %lt3A_230, %lt3A_232 : i1
          %and3A_234 = arith.andi %ne3A_233, %ne3A_228 : i1
          %add3A_235 = arith.addi %rem3A_226, %select_n3A_225 : i32
          %select_n3A_236 = arith.select %and3A_234, %add3A_235, %rem3A_226 : i32
          %eq3A_237 = arith.constant 0 : i32
          %eq3A_238 = arith.cmpi eq, %select_n3A_236, %eq3A_237 : i32
          %convert_element_type3A_239 = arith.extui %eq3A_238 : i1 to i32
          %cond3A_240 = arith.constant 0 : i32
          %cond3A_241 = arith.cmpi ne, %convert_element_type3A_239, %cond3A_240 : i32
          scf.if %cond3A_241 {
            %scan3A_263 = arith.constant 0 : i32
            %scan3A_264 = arith.constant 0 : i32
            %scan3A_265 = arith.constant 40 : i32
            %scan3A_266 = arith.addi %scan3A_264, %scan3A_265 : i32
            %scan3A_267 = arith.constant 1 : i32
            scf.for %scan3A_269 = %scan3A_264 to %scan3A_266 step %scan3A_267  : i32 {
              %get3A = arith.index_cast %scan3A_269 : i32 to index
              %get3A_270 = arith.constant 64 : index
              %get3A_271 = tpu.vector_load %arg15[%get3A, %get3A_270] {strides = array<i32>} : memref<40x128xi32, #tpu.memory_space<vmem>>, vector<1x16xi32>,
              %get3A_272 = vector.shape_cast %get3A_271 : vector<1x16xi32> to vector<16xi32>
              %shift_left3A = arith.constant 16 : i32
              %shift_left3A_273 = vector.broadcast %shift_left3A : i32 to vector<16xi32>
              %shift_left3A_274 = arith.shli %get3A_272, %shift_left3A_273 : vector<16xi32>
              %bitcast_convert_type3A = tpu.bitcast %shift_left3A_274 : vector<16xi32> -> vector<16xf32>
              %and3A_275 = arith.constant -65536 : i32
              %and3A_276 = vector.broadcast %and3A_275 : i32 to vector<16xi32>
              %and3A_277 = arith.andi %get3A_272, %and3A_276 : vector<16xi32>
              %bitcast_convert_type3A_278 = tpu.bitcast %and3A_277 : vector<16xi32> -> vector<16xf32>
              %get3A_279 = arith.index_cast %scan3A_269 : i32 to index
              %get3A_280 = arith.constant 0 : index
              %get3A_281 = tpu.vector_load %arg13[%get3A_279, %get3A_280] {strides = array<i32>} : memref<40x128xf32, #tpu.memory_space<vmem>>, vector<1x16xf32>,
              %get3A_282 = vector.shape_cast %get3A_281 : vector<1x16xf32> to vector<16xf32>
              %get3A_283 = arith.index_cast %scan3A_269 : i32 to index
              %get3A_284 = arith.constant 0 : index
              %get3A_285 = tpu.vector_load %arg14[%get3A_283, %get3A_284] {strides = array<i32>} : memref<40x128xf32, #tpu.memory_space<vmem>>, vector<1x16xf32>,
              %get3A_286 = vector.shape_cast %get3A_285 : vector<1x16xf32> to vector<16xf32>
              %add3A_287 = arith.addf %get3A_282, %get3A_286 : vector<16xf32>
              %add3A_288 = arith.addf %add3A_287, %bitcast_convert_type3A : vector<16xf32>
              %max3A = arith.constant 0.000000e+00 : f32
              %max3A_289 = vector.broadcast %max3A : f32 to vector<16xf32>
              %max3A_290 = arith.maximumf %add3A_288, %max3A_289 : vector<16xf32>
              %swap3A = arith.index_cast %scan3A_269 : i32 to index
              %swap3A_291 = arith.constant 0 : index
              %swap3A_292 = tpu.vector_load %arg13[%swap3A, %swap3A_291] {strides = array<i32>} : memref<40x128xf32, #tpu.memory_space<vmem>>, vector<1x16xf32>,
              %swap3A_293 = vector.shape_cast %swap3A_292 : vector<1x16xf32> to vector<16xf32>
              %swap3A_294 = vector.shape_cast %max3A_290 : vector<16xf32> to vector<1x16xf32>
              tpu.vector_store %arg13[%swap3A, %swap3A_291], %swap3A_294 {strides = array<i32>} : memref<40x128xf32, #tpu.memory_space<vmem>>, vector<1x16xf32>,
              %get3A_295 = arith.index_cast %scan3A_269 : i32 to index
              %get3A_296 = arith.constant 64 : index
              %get3A_297 = tpu.vector_load %arg13[%get3A_295, %get3A_296] {strides = array<i32>} : memref<40x128xf32, #tpu.memory_space<vmem>>, vector<1x16xf32>,
              %get3A_298 = vector.shape_cast %get3A_297 : vector<1x16xf32> to vector<16xf32>
              %get3A_299 = arith.index_cast %scan3A_269 : i32 to index
              %get3A_300 = arith.constant 64 : index
              %get3A_301 = tpu.vector_load %arg14[%get3A_299, %get3A_300] {strides = array<i32>} : memref<40x128xf32, #tpu.memory_space<vmem>>, vector<1x16xf32>,
              %get3A_302 = vector.shape_cast %get3A_301 : vector<1x16xf32> to vector<16xf32>
              %add3A_303 = arith.addf %get3A_298, %get3A_302 : vector<16xf32>
              %add3A_304 = arith.addf %add3A_303, %bitcast_convert_type3A_278 : vector<16xf32>
              %max3A_305 = arith.constant 0.000000e+00 : f32
              %max3A_306 = vector.broadcast %max3A_305 : f32 to vector<16xf32>
              %max3A_307 = arith.maximumf %add3A_304, %max3A_306 : vector<16xf32>
              %swap3A_308 = arith.index_cast %scan3A_269 : i32 to index
              %swap3A_309 = arith.constant 64 : index
              %swap3A_310 = tpu.vector_load %arg13[%swap3A_308, %swap3A_309] {strides = array<i32>} : memref<40x128xf32, #tpu.memory_space<vmem>>, vector<1x16xf32>,
              %swap3A_311 = vector.shape_cast %swap3A_310 : vector<1x16xf32> to vector<16xf32>
              %swap3A_312 = vector.shape_cast %max3A_307 : vector<16xf32> to vector<1x16xf32>
              tpu.vector_store %arg13[%swap3A_308, %swap3A_309], %swap3A_312 {strides = array<i32>} : memref<40x128xf32, #tpu.memory_space<vmem>>, vector<1x16xf32>,
              %get3A_313 = arith.index_cast %scan3A_269 : i32 to index
              %get3A_314 = arith.constant 80 : index
              %get3A_315 = tpu.vector_load %arg15[%get3A_313, %get3A_314] {strides = array<i32>} : memref<40x128xi32, #tpu.memory_space<vmem>>, vector<1x16xi32>,
              %get3A_316 = vector.shape_cast %get3A_315 : vector<1x16xi32> to vector<16xi32>
              %shift_left3A_317 = arith.constant 16 : i32
              %shift_left3A_318 = vector.broadcast %shift_left3A_317 : i32 to vector<16xi32>
              %shift_left3A_319 = arith.shli %get3A_316, %shift_left3A_318 : vector<16xi32>
              %bitcast_convert_type3A_320 = tpu.bitcast %shift_left3A_319 : vector<16xi32> -> vector<16xf32>
              %and3A_321 = arith.constant -65536 : i32
              %and3A_322 = vector.broadcast %and3A_321 : i32 to vector<16xi32>
              %and3A_323 = arith.andi %get3A_316, %and3A_322 : vector<16xi32>
              %bitcast_convert_type3A_324 = tpu.bitcast %and3A_323 : vector<16xi32> -> vector<16xf32>
              %get3A_325 = arith.index_cast %scan3A_269 : i32 to index
              %get3A_326 = arith.constant 16 : index
              %get3A_327 = tpu.vector_load %arg13[%get3A_325, %get3A_326] {strides = array<i32>} : memref<40x128xf32, #tpu.memory_space<vmem>>, vector<1x16xf32>,
              %get3A_328 = vector.shape_cast %get3A_327 : vector<1x16xf32> to vector<16xf32>
              %get3A_329 = arith.index_cast %scan3A_269 : i32 to index
              %get3A_330 = arith.constant 16 : index
              %get3A_331 = tpu.vector_load %arg14[%get3A_329, %get3A_330] {strides = array<i32>} : memref<40x128xf32, #tpu.memory_space<vmem>>, vector<1x16xf32>,
              %get3A_332 = vector.shape_cast %get3A_331 : vector<1x16xf32> to vector<16xf32>
              %add3A_333 = arith.addf %get3A_328, %get3A_332 : vector<16xf32>
              %add3A_334 = arith.addf %add3A_333, %bitcast_convert_type3A_320 : vector<16xf32>
              %max3A_335 = arith.constant 0.000000e+00 : f32
              %max3A_336 = vector.broadcast %max3A_335 : f32 to vector<16xf32>
              %max3A_337 = arith.maximumf %add3A_334, %max3A_336 : vector<16xf32>
              %swap3A_338 = arith.index_cast %scan3A_269 : i32 to index
              %swap3A_339 = arith.constant 16 : index
              %swap3A_340 = tpu.vector_load %arg13[%swap3A_338, %swap3A_339] {strides = array<i32>} : memref<40x128xf32, #tpu.memory_space<vmem>>, vector<1x16xf32>,
              %swap3A_341 = vector.shape_cast %swap3A_340 : vector<1x16xf32> to vector<16xf32>
              %swap3A_342 = vector.shape_cast %max3A_337 : vector<16xf32> to vector<1x16xf32>
              tpu.vector_store %arg13[%swap3A_338, %swap3A_339], %swap3A_342 {strides = array<i32>} : memref<40x128xf32, #tpu.memory_space<vmem>>, vector<1x16xf32>,
              %get3A_343 = arith.index_cast %scan3A_269 : i32 to index
              %get3A_344 = arith.constant 80 : index
              %get3A_345 = tpu.vector_load %arg13[%get3A_343, %get3A_344] {strides = array<i32>} : memref<40x128xf32, #tpu.memory_space<vmem>>, vector<1x16xf32>,
              %get3A_346 = vector.shape_cast %get3A_345 : vector<1x16xf32> to vector<16xf32>
              %get3A_347 = arith.index_cast %scan3A_269 : i32 to index
              %get3A_348 = arith.constant 80 : index
              %get3A_349 = tpu.vector_load %arg14[%get3A_347, %get3A_348] {strides = array<i32>} : memref<40x128xf32, #tpu.memory_space<vmem>>, vector<1x16xf32>,
              %get3A_350 = vector.shape_cast %get3A_349 : vector<1x16xf32> to vector<16xf32>
              %add3A_351 = arith.addf %get3A_346, %get3A_350 : vector<16xf32>
              %add3A_352 = arith.addf %add3A_351, %bitcast_convert_type3A_324 : vector<16xf32>
              %max3A_353 = arith.constant 0.000000e+00 : f32
              %max3A_354 = vector.broadcast %max3A_353 : f32 to vector<16xf32>
              %max3A_355 = arith.maximumf %add3A_352, %max3A_354 : vector<16xf32>
              %swap3A_356 = arith.index_cast %scan3A_269 : i32 to index
              %swap3A_357 = arith.constant 80 : index
              %swap3A_358 = tpu.vector_load %arg13[%swap3A_356, %swap3A_357] {strides = array<i32>} : memref<40x128xf32, #tpu.memory_space<vmem>>, vector<1x16xf32>,
              %swap3A_359 = vector.shape_cast %swap3A_358 : vector<1x16xf32> to vector<16xf32>
              %swap3A_360 = vector.shape_cast %max3A_355 : vector<16xf32> to vector<1x16xf32>
              tpu.vector_store %arg13[%swap3A_356, %swap3A_357], %swap3A_360 {strides = array<i32>} : memref<40x128xf32, #tpu.memory_space<vmem>>, vector<1x16xf32>,
              %get3A_361 = arith.index_cast %scan3A_269 : i32 to index
              %get3A_362 = arith.constant 96 : index
              %get3A_363 = tpu.vector_load %arg15[%get3A_361, %get3A_362] {strides = array<i32>} : memref<40x128xi32, #tpu.memory_space<vmem>>, vector<1x16xi32>,
              %get3A_364 = vector.shape_cast %get3A_363 : vector<1x16xi32> to vector<16xi32>
              %shift_left3A_365 = arith.constant 16 : i32
              %shift_left3A_366 = vector.broadcast %shift_left3A_365 : i32 to vector<16xi32>
              %shift_left3A_367 = arith.shli %get3A_364, %shift_left3A_366 : vector<16xi32>
              %bitcast_convert_type3A_368 = tpu.bitcast %shift_left3A_367 : vector<16xi32> -> vector<16xf32>
              %and3A_369 = arith.constant -65536 : i32
              %and3A_370 = vector.broadcast %and3A_369 : i32 to vector<16xi32>
              %and3A_371 = arith.andi %get3A_364, %and3A_370 : vector<16xi32>
              %bitcast_convert_type3A_372 = tpu.bitcast %and3A_371 : vector<16xi32> -> vector<16xf32>
              %get3A_373 = arith.index_cast %scan3A_269 : i32 to index
              %get3A_374 = arith.constant 32 : index
              %get3A_375 = tpu.vector_load %arg13[%get3A_373, %get3A_374] {strides = array<i32>} : memref<40x128xf32, #tpu.memory_space<vmem>>, vector<1x16xf32>,
              %get3A_376 = vector.shape_cast %get3A_375 : vector<1x16xf32> to vector<16xf32>
              %get3A_377 = arith.index_cast %scan3A_269 : i32 to index
              %get3A_378 = arith.constant 32 : index
              %get3A_379 = tpu.vector_load %arg14[%get3A_377, %get3A_378] {strides = array<i32>} : memref<40x128xf32, #tpu.memory_space<vmem>>, vector<1x16xf32>,
              %get3A_380 = vector.shape_cast %get3A_379 : vector<1x16xf32> to vector<16xf32>
              %add3A_381 = arith.addf %get3A_376, %get3A_380 : vector<16xf32>
              %add3A_382 = arith.addf %add3A_381, %bitcast_convert_type3A_368 : vector<16xf32>
              %max3A_383 = arith.constant 0.000000e+00 : f32
              %max3A_384 = vector.broadcast %max3A_383 : f32 to vector<16xf32>
              %max3A_385 = arith.maximumf %add3A_382, %max3A_384 : vector<16xf32>
              %swap3A_386 = arith.index_cast %scan3A_269 : i32 to index
              %swap3A_387 = arith.constant 32 : index
              %swap3A_388 = tpu.vector_load %arg13[%swap3A_386, %swap3A_387] {strides = array<i32>} : memref<40x128xf32, #tpu.memory_space<vmem>>, vector<1x16xf32>,
              %swap3A_389 = vector.shape_cast %swap3A_388 : vector<1x16xf32> to vector<16xf32>
              %swap3A_390 = vector.shape_cast %max3A_385 : vector<16xf32> to vector<1x16xf32>
              tpu.vector_store %arg13[%swap3A_386, %swap3A_387], %swap3A_390 {strides = array<i32>} : memref<40x128xf32, #tpu.memory_space<vmem>>, vector<1x16xf32>,
              %get3A_391 = arith.index_cast %scan3A_269 : i32 to index
              %get3A_392 = arith.constant 96 : index
              %get3A_393 = tpu.vector_load %arg13[%get3A_391, %get3A_392] {strides = array<i32>} : memref<40x128xf32, #tpu.memory_space<vmem>>, vector<1x16xf32>,
              %get3A_394 = vector.shape_cast %get3A_393 : vector<1x16xf32> to vector<16xf32>
              %get3A_395 = arith.index_cast %scan3A_269 : i32 to index
              %get3A_396 = arith.constant 96 : index
              %get3A_397 = tpu.vector_load %arg14[%get3A_395, %get3A_396] {strides = array<i32>} : memref<40x128xf32, #tpu.memory_space<vmem>>, vector<1x16xf32>,
              %get3A_398 = vector.shape_cast %get3A_397 : vector<1x16xf32> to vector<16xf32>
              %add3A_399 = arith.addf %get3A_394, %get3A_398 : vector<16xf32>
              %add3A_400 = arith.addf %add3A_399, %bitcast_convert_type3A_372 : vector<16xf32>
              %max3A_401 = arith.constant 0.000000e+00 : f32
              %max3A_402 = vector.broadcast %max3A_401 : f32 to vector<16xf32>
              %max3A_403 = arith.maximumf %add3A_400, %max3A_402 : vector<16xf32>
              %swap3A_404 = arith.index_cast %scan3A_269 : i32 to index
              %swap3A_405 = arith.constant 96 : index
              %swap3A_406 = tpu.vector_load %arg13[%swap3A_404, %swap3A_405] {strides = array<i32>} : memref<40x128xf32, #tpu.memory_space<vmem>>, vector<1x16xf32>,
              %swap3A_407 = vector.shape_cast %swap3A_406 : vector<1x16xf32> to vector<16xf32>
              %swap3A_408 = vector.shape_cast %max3A_403 : vector<16xf32> to vector<1x16xf32>
              tpu.vector_store %arg13[%swap3A_404, %swap3A_405], %swap3A_408 {strides = array<i32>} : memref<40x128xf32, #tpu.memory_space<vmem>>, vector<1x16xf32>,
              %get3A_409 = arith.index_cast %scan3A_269 : i32 to index
              %get3A_410 = arith.constant 112 : index
              %get3A_411 = tpu.vector_load %arg15[%get3A_409, %get3A_410] {strides = array<i32>} : memref<40x128xi32, #tpu.memory_space<vmem>>, vector<1x16xi32>,
              %get3A_412 = vector.shape_cast %get3A_411 : vector<1x16xi32> to vector<16xi32>
              %shift_left3A_413 = arith.constant 16 : i32
              %shift_left3A_414 = vector.broadcast %shift_left3A_413 : i32 to vector<16xi32>
              %shift_left3A_415 = arith.shli %get3A_412, %shift_left3A_414 : vector<16xi32>
              %bitcast_convert_type3A_416 = tpu.bitcast %shift_left3A_415 : vector<16xi32> -> vector<16xf32>
              %and3A_417 = arith.constant -65536 : i32
              %and3A_418 = vector.broadcast %and3A_417 : i32 to vector<16xi32>
              %and3A_419 = arith.andi %get3A_412, %and3A_418 : vector<16xi32>
              %bitcast_convert_type3A_420 = tpu.bitcast %and3A_419 : vector<16xi32> -> vector<16xf32>
              %get3A_421 = arith.index_cast %scan3A_269 : i32 to index
              %get3A_422 = arith.constant 48 : index
              %get3A_423 = tpu.vector_load %arg13[%get3A_421, %get3A_422] {strides = array<i32>} : memref<40x128xf32, #tpu.memory_space<vmem>>, vector<1x16xf32>,
              %get3A_424 = vector.shape_cast %get3A_423 : vector<1x16xf32> to vector<16xf32>
              %get3A_425 = arith.index_cast %scan3A_269 : i32 to index
              %get3A_426 = arith.constant 48 : index
              %get3A_427 = tpu.vector_load %arg14[%get3A_425, %get3A_426] {strides = array<i32>} : memref<40x128xf32, #tpu.memory_space<vmem>>, vector<1x16xf32>,
              %get3A_428 = vector.shape_cast %get3A_427 : vector<1x16xf32> to vector<16xf32>
              %add3A_429 = arith.addf %get3A_424, %get3A_428 : vector<16xf32>
              %add3A_430 = arith.addf %add3A_429, %bitcast_convert_type3A_416 : vector<16xf32>
              %max3A_431 = arith.constant 0.000000e+00 : f32
              %max3A_432 = vector.broadcast %max3A_431 : f32 to vector<16xf32>
              %max3A_433 = arith.maximumf %add3A_430, %max3A_432 : vector<16xf32>
              %swap3A_434 = arith.index_cast %scan3A_269 : i32 to index
              %swap3A_435 = arith.constant 48 : index
              %swap3A_436 = tpu.vector_load %arg13[%swap3A_434, %swap3A_435] {strides = array<i32>} : memref<40x128xf32, #tpu.memory_space<vmem>>, vector<1x16xf32>,
              %swap3A_437 = vector.shape_cast %swap3A_436 : vector<1x16xf32> to vector<16xf32>
              %swap3A_438 = vector.shape_cast %max3A_433 : vector<16xf32> to vector<1x16xf32>
              tpu.vector_store %arg13[%swap3A_434, %swap3A_435], %swap3A_438 {strides = array<i32>} : memref<40x128xf32, #tpu.memory_space<vmem>>, vector<1x16xf32>,
              %get3A_439 = arith.index_cast %scan3A_269 : i32 to index
              %get3A_440 = arith.constant 112 : index
              %get3A_441 = tpu.vector_load %arg13[%get3A_439, %get3A_440] {strides = array<i32>} : memref<40x128xf32, #tpu.memory_space<vmem>>, vector<1x16xf32>,
              %get3A_442 = vector.shape_cast %get3A_441 : vector<1x16xf32> to vector<16xf32>
              %get3A_443 = arith.index_cast %scan3A_269 : i32 to index
              %get3A_444 = arith.constant 112 : index
              %get3A_445 = tpu.vector_load %arg14[%get3A_443, %get3A_444] {strides = array<i32>} : memref<40x128xf32, #tpu.memory_space<vmem>>, vector<1x16xf32>,
              %get3A_446 = vector.shape_cast %get3A_445 : vector<1x16xf32> to vector<16xf32>
              %add3A_447 = arith.addf %get3A_442, %get3A_446 : vector<16xf32>
              %add3A_448 = arith.addf %add3A_447, %bitcast_convert_type3A_420 : vector<16xf32>
              %max3A_449 = arith.constant 0.000000e+00 : f32
              %max3A_450 = vector.broadcast %max3A_449 : f32 to vector<16xf32>
              %max3A_451 = arith.maximumf %add3A_448, %max3A_450 : vector<16xf32>
              %swap3A_452 = arith.index_cast %scan3A_269 : i32 to index
              %swap3A_453 = arith.constant 112 : index
              %swap3A_454 = tpu.vector_load %arg13[%swap3A_452, %swap3A_453] {strides = array<i32>} : memref<40x128xf32, #tpu.memory_space<vmem>>, vector<1x16xf32>,
              %swap3A_455 = vector.shape_cast %swap3A_454 : vector<1x16xf32> to vector<16xf32>
              %swap3A_456 = vector.shape_cast %max3A_451 : vector<16xf32> to vector<1x16xf32>
              tpu.vector_store %arg13[%swap3A_452, %swap3A_453], %swap3A_456 {strides = array<i32>} : memref<40x128xf32, #tpu.memory_space<vmem>>, vector<1x16xf32>,
            }
            %scan3A_268 = arith.constant 40 : i32
          } else {
          }
          %jit3A_242 = arith.constant 2 : i32
          %eq3A_243 = arith.constant 0 : i32
          %eq3A_244 = arith.cmpi eq, %jit3A_242, %eq3A_243 : i32
          %jit3A_245 = arith.constant 1 : i32
          %select_n3A_246 = arith.select %eq3A_244, %jit3A_245, %jit3A_242 : i32
          %rem3A_247 = arith.remsi %select_n3A_220, %select_n3A_246 : i32
          %ne3A_248 = arith.constant 0 : i32
          %ne3A_249 = arith.cmpi ne, %rem3A_247, %ne3A_248 : i32
          %lt3A_250 = arith.constant 0 : i32
          %lt3A_251 = arith.cmpi slt, %rem3A_247, %lt3A_250 : i32
          %lt3A_252 = arith.constant 0 : i32
          %lt3A_253 = arith.cmpi slt, %select_n3A_246, %lt3A_252 : i32
          %ne3A_254 = arith.xori %lt3A_251, %lt3A_253 : i1
          %and3A_255 = arith.andi %ne3A_254, %ne3A_249 : i1
          %add3A_256 = arith.addi %rem3A_247, %select_n3A_246 : i32
          %select_n3A_257 = arith.select %and3A_255, %add3A_256, %rem3A_247 : i32
          %eq3A_258 = arith.constant 1 : i32
          %eq3A_259 = arith.cmpi eq, %select_n3A_257, %eq3A_258 : i32
          %convert_element_type3A_260 = arith.extui %eq3A_259 : i1 to i32
          %cond3A_261 = arith.constant 0 : i32
          %cond3A_262 = arith.cmpi ne, %convert_element_type3A_260, %cond3A_261 : i32
          scf.if %cond3A_262 {
            %scan3A_263 = arith.constant 0 : i32
            %scan3A_264 = arith.constant 0 : i32
            %scan3A_265 = arith.constant 40 : i32
            %scan3A_266 = arith.addi %scan3A_264, %scan3A_265 : i32
            %scan3A_267 = arith.constant 1 : i32
            scf.for %scan3A_269 = %scan3A_264 to %scan3A_266 step %scan3A_267  : i32 {
              %get3A = arith.index_cast %scan3A_269 : i32 to index
              %get3A_270 = arith.constant 64 : index
              %get3A_271 = tpu.vector_load %arg16[%get3A, %get3A_270] {strides = array<i32>} : memref<40x128xi32, #tpu.memory_space<vmem>>, vector<1x16xi32>,
              %get3A_272 = vector.shape_cast %get3A_271 : vector<1x16xi32> to vector<16xi32>
              %shift_left3A = arith.constant 16 : i32
              %shift_left3A_273 = vector.broadcast %shift_left3A : i32 to vector<16xi32>
              %shift_left3A_274 = arith.shli %get3A_272, %shift_left3A_273 : vector<16xi32>
              %bitcast_convert_type3A = tpu.bitcast %shift_left3A_274 : vector<16xi32> -> vector<16xf32>
              %and3A_275 = arith.constant -65536 : i32
              %and3A_276 = vector.broadcast %and3A_275 : i32 to vector<16xi32>
              %and3A_277 = arith.andi %get3A_272, %and3A_276 : vector<16xi32>
              %bitcast_convert_type3A_278 = tpu.bitcast %and3A_277 : vector<16xi32> -> vector<16xf32>
              %get3A_279 = arith.index_cast %scan3A_269 : i32 to index
              %get3A_280 = arith.constant 0 : index
              %get3A_281 = tpu.vector_load %arg13[%get3A_279, %get3A_280] {strides = array<i32>} : memref<40x128xf32, #tpu.memory_space<vmem>>, vector<1x16xf32>,
              %get3A_282 = vector.shape_cast %get3A_281 : vector<1x16xf32> to vector<16xf32>
              %get3A_283 = arith.index_cast %scan3A_269 : i32 to index
              %get3A_284 = arith.constant 0 : index
              %get3A_285 = tpu.vector_load %arg14[%get3A_283, %get3A_284] {strides = array<i32>} : memref<40x128xf32, #tpu.memory_space<vmem>>, vector<1x16xf32>,
              %get3A_286 = vector.shape_cast %get3A_285 : vector<1x16xf32> to vector<16xf32>
              %add3A_287 = arith.addf %get3A_282, %get3A_286 : vector<16xf32>
              %add3A_288 = arith.addf %add3A_287, %bitcast_convert_type3A : vector<16xf32>
              %max3A = arith.constant 0.000000e+00 : f32
              %max3A_289 = vector.broadcast %max3A : f32 to vector<16xf32>
              %max3A_290 = arith.maximumf %add3A_288, %max3A_289 : vector<16xf32>
              %swap3A = arith.index_cast %scan3A_269 : i32 to index
              %swap3A_291 = arith.constant 0 : index
              %swap3A_292 = tpu.vector_load %arg13[%swap3A, %swap3A_291] {strides = array<i32>} : memref<40x128xf32, #tpu.memory_space<vmem>>, vector<1x16xf32>,
              %swap3A_293 = vector.shape_cast %swap3A_292 : vector<1x16xf32> to vector<16xf32>
              %swap3A_294 = vector.shape_cast %max3A_290 : vector<16xf32> to vector<1x16xf32>
              tpu.vector_store %arg13[%swap3A, %swap3A_291], %swap3A_294 {strides = array<i32>} : memref<40x128xf32, #tpu.memory_space<vmem>>, vector<1x16xf32>,
              %get3A_295 = arith.index_cast %scan3A_269 : i32 to index
              %get3A_296 = arith.constant 64 : index
              %get3A_297 = tpu.vector_load %arg13[%get3A_295, %get3A_296] {strides = array<i32>} : memref<40x128xf32, #tpu.memory_space<vmem>>, vector<1x16xf32>,
              %get3A_298 = vector.shape_cast %get3A_297 : vector<1x16xf32> to vector<16xf32>
              %get3A_299 = arith.index_cast %scan3A_269 : i32 to index
              %get3A_300 = arith.constant 64 : index
              %get3A_301 = tpu.vector_load %arg14[%get3A_299, %get3A_300] {strides = array<i32>} : memref<40x128xf32, #tpu.memory_space<vmem>>, vector<1x16xf32>,
              %get3A_302 = vector.shape_cast %get3A_301 : vector<1x16xf32> to vector<16xf32>
              %add3A_303 = arith.addf %get3A_298, %get3A_302 : vector<16xf32>
              %add3A_304 = arith.addf %add3A_303, %bitcast_convert_type3A_278 : vector<16xf32>
              %max3A_305 = arith.constant 0.000000e+00 : f32
              %max3A_306 = vector.broadcast %max3A_305 : f32 to vector<16xf32>
              %max3A_307 = arith.maximumf %add3A_304, %max3A_306 : vector<16xf32>
              %swap3A_308 = arith.index_cast %scan3A_269 : i32 to index
              %swap3A_309 = arith.constant 64 : index
              %swap3A_310 = tpu.vector_load %arg13[%swap3A_308, %swap3A_309] {strides = array<i32>} : memref<40x128xf32, #tpu.memory_space<vmem>>, vector<1x16xf32>,
              %swap3A_311 = vector.shape_cast %swap3A_310 : vector<1x16xf32> to vector<16xf32>
              %swap3A_312 = vector.shape_cast %max3A_307 : vector<16xf32> to vector<1x16xf32>
              tpu.vector_store %arg13[%swap3A_308, %swap3A_309], %swap3A_312 {strides = array<i32>} : memref<40x128xf32, #tpu.memory_space<vmem>>, vector<1x16xf32>,
              %get3A_313 = arith.index_cast %scan3A_269 : i32 to index
              %get3A_314 = arith.constant 80 : index
              %get3A_315 = tpu.vector_load %arg16[%get3A_313, %get3A_314] {strides = array<i32>} : memref<40x128xi32, #tpu.memory_space<vmem>>, vector<1x16xi32>,
              %get3A_316 = vector.shape_cast %get3A_315 : vector<1x16xi32> to vector<16xi32>
              %shift_left3A_317 = arith.constant 16 : i32
              %shift_left3A_318 = vector.broadcast %shift_left3A_317 : i32 to vector<16xi32>
              %shift_left3A_319 = arith.shli %get3A_316, %shift_left3A_318 : vector<16xi32>
              %bitcast_convert_type3A_320 = tpu.bitcast %shift_left3A_319 : vector<16xi32> -> vector<16xf32>
              %and3A_321 = arith.constant -65536 : i32
              %and3A_322 = vector.broadcast %and3A_321 : i32 to vector<16xi32>
              %and3A_323 = arith.andi %get3A_316, %and3A_322 : vector<16xi32>
              %bitcast_convert_type3A_324 = tpu.bitcast %and3A_323 : vector<16xi32> -> vector<16xf32>
              %get3A_325 = arith.index_cast %scan3A_269 : i32 to index
              %get3A_326 = arith.constant 16 : index
              %get3A_327 = tpu.vector_load %arg13[%get3A_325, %get3A_326] {strides = array<i32>} : memref<40x128xf32, #tpu.memory_space<vmem>>, vector<1x16xf32>,
              %get3A_328 = vector.shape_cast %get3A_327 : vector<1x16xf32> to vector<16xf32>
              %get3A_329 = arith.index_cast %scan3A_269 : i32 to index
              %get3A_330 = arith.constant 16 : index
              %get3A_331 = tpu.vector_load %arg14[%get3A_329, %get3A_330] {strides = array<i32>} : memref<40x128xf32, #tpu.memory_space<vmem>>, vector<1x16xf32>,
              %get3A_332 = vector.shape_cast %get3A_331 : vector<1x16xf32> to vector<16xf32>
              %add3A_333 = arith.addf %get3A_328, %get3A_332 : vector<16xf32>
              %add3A_334 = arith.addf %add3A_333, %bitcast_convert_type3A_320 : vector<16xf32>
              %max3A_335 = arith.constant 0.000000e+00 : f32
              %max3A_336 = vector.broadcast %max3A_335 : f32 to vector<16xf32>
              %max3A_337 = arith.maximumf %add3A_334, %max3A_336 : vector<16xf32>
              %swap3A_338 = arith.index_cast %scan3A_269 : i32 to index
              %swap3A_339 = arith.constant 16 : index
              %swap3A_340 = tpu.vector_load %arg13[%swap3A_338, %swap3A_339] {strides = array<i32>} : memref<40x128xf32, #tpu.memory_space<vmem>>, vector<1x16xf32>,
              %swap3A_341 = vector.shape_cast %swap3A_340 : vector<1x16xf32> to vector<16xf32>
              %swap3A_342 = vector.shape_cast %max3A_337 : vector<16xf32> to vector<1x16xf32>
              tpu.vector_store %arg13[%swap3A_338, %swap3A_339], %swap3A_342 {strides = array<i32>} : memref<40x128xf32, #tpu.memory_space<vmem>>, vector<1x16xf32>,
              %get3A_343 = arith.index_cast %scan3A_269 : i32 to index
              %get3A_344 = arith.constant 80 : index
              %get3A_345 = tpu.vector_load %arg13[%get3A_343, %get3A_344] {strides = array<i32>} : memref<40x128xf32, #tpu.memory_space<vmem>>, vector<1x16xf32>,
              %get3A_346 = vector.shape_cast %get3A_345 : vector<1x16xf32> to vector<16xf32>
              %get3A_347 = arith.index_cast %scan3A_269 : i32 to index
              %get3A_348 = arith.constant 80 : index
              %get3A_349 = tpu.vector_load %arg14[%get3A_347, %get3A_348] {strides = array<i32>} : memref<40x128xf32, #tpu.memory_space<vmem>>, vector<1x16xf32>,
              %get3A_350 = vector.shape_cast %get3A_349 : vector<1x16xf32> to vector<16xf32>
              %add3A_351 = arith.addf %get3A_346, %get3A_350 : vector<16xf32>
              %add3A_352 = arith.addf %add3A_351, %bitcast_convert_type3A_324 : vector<16xf32>
              %max3A_353 = arith.constant 0.000000e+00 : f32
              %max3A_354 = vector.broadcast %max3A_353 : f32 to vector<16xf32>
              %max3A_355 = arith.maximumf %add3A_352, %max3A_354 : vector<16xf32>
              %swap3A_356 = arith.index_cast %scan3A_269 : i32 to index
              %swap3A_357 = arith.constant 80 : index
              %swap3A_358 = tpu.vector_load %arg13[%swap3A_356, %swap3A_357] {strides = array<i32>} : memref<40x128xf32, #tpu.memory_space<vmem>>, vector<1x16xf32>,
              %swap3A_359 = vector.shape_cast %swap3A_358 : vector<1x16xf32> to vector<16xf32>
              %swap3A_360 = vector.shape_cast %max3A_355 : vector<16xf32> to vector<1x16xf32>
              tpu.vector_store %arg13[%swap3A_356, %swap3A_357], %swap3A_360 {strides = array<i32>} : memref<40x128xf32, #tpu.memory_space<vmem>>, vector<1x16xf32>,
              %get3A_361 = arith.index_cast %scan3A_269 : i32 to index
              %get3A_362 = arith.constant 96 : index
              %get3A_363 = tpu.vector_load %arg16[%get3A_361, %get3A_362] {strides = array<i32>} : memref<40x128xi32, #tpu.memory_space<vmem>>, vector<1x16xi32>,
              %get3A_364 = vector.shape_cast %get3A_363 : vector<1x16xi32> to vector<16xi32>
              %shift_left3A_365 = arith.constant 16 : i32
              %shift_left3A_366 = vector.broadcast %shift_left3A_365 : i32 to vector<16xi32>
              %shift_left3A_367 = arith.shli %get3A_364, %shift_left3A_366 : vector<16xi32>
              %bitcast_convert_type3A_368 = tpu.bitcast %shift_left3A_367 : vector<16xi32> -> vector<16xf32>
              %and3A_369 = arith.constant -65536 : i32
              %and3A_370 = vector.broadcast %and3A_369 : i32 to vector<16xi32>
              %and3A_371 = arith.andi %get3A_364, %and3A_370 : vector<16xi32>
              %bitcast_convert_type3A_372 = tpu.bitcast %and3A_371 : vector<16xi32> -> vector<16xf32>
              %get3A_373 = arith.index_cast %scan3A_269 : i32 to index
              %get3A_374 = arith.constant 32 : index
              %get3A_375 = tpu.vector_load %arg13[%get3A_373, %get3A_374] {strides = array<i32>} : memref<40x128xf32, #tpu.memory_space<vmem>>, vector<1x16xf32>,
              %get3A_376 = vector.shape_cast %get3A_375 : vector<1x16xf32> to vector<16xf32>
              %get3A_377 = arith.index_cast %scan3A_269 : i32 to index
              %get3A_378 = arith.constant 32 : index
              %get3A_379 = tpu.vector_load %arg14[%get3A_377, %get3A_378] {strides = array<i32>} : memref<40x128xf32, #tpu.memory_space<vmem>>, vector<1x16xf32>,
              %get3A_380 = vector.shape_cast %get3A_379 : vector<1x16xf32> to vector<16xf32>
              %add3A_381 = arith.addf %get3A_376, %get3A_380 : vector<16xf32>
              %add3A_382 = arith.addf %add3A_381, %bitcast_convert_type3A_368 : vector<16xf32>
              %max3A_383 = arith.constant 0.000000e+00 : f32
              %max3A_384 = vector.broadcast %max3A_383 : f32 to vector<16xf32>
              %max3A_385 = arith.maximumf %add3A_382, %max3A_384 : vector<16xf32>
              %swap3A_386 = arith.index_cast %scan3A_269 : i32 to index
              %swap3A_387 = arith.constant 32 : index
              %swap3A_388 = tpu.vector_load %arg13[%swap3A_386, %swap3A_387] {strides = array<i32>} : memref<40x128xf32, #tpu.memory_space<vmem>>, vector<1x16xf32>,
              %swap3A_389 = vector.shape_cast %swap3A_388 : vector<1x16xf32> to vector<16xf32>
              %swap3A_390 = vector.shape_cast %max3A_385 : vector<16xf32> to vector<1x16xf32>
              tpu.vector_store %arg13[%swap3A_386, %swap3A_387], %swap3A_390 {strides = array<i32>} : memref<40x128xf32, #tpu.memory_space<vmem>>, vector<1x16xf32>,
              %get3A_391 = arith.index_cast %scan3A_269 : i32 to index
              %get3A_392 = arith.constant 96 : index
              %get3A_393 = tpu.vector_load %arg13[%get3A_391, %get3A_392] {strides = array<i32>} : memref<40x128xf32, #tpu.memory_space<vmem>>, vector<1x16xf32>,
              %get3A_394 = vector.shape_cast %get3A_393 : vector<1x16xf32> to vector<16xf32>
              %get3A_395 = arith.index_cast %scan3A_269 : i32 to index
              %get3A_396 = arith.constant 96 : index
              %get3A_397 = tpu.vector_load %arg14[%get3A_395, %get3A_396] {strides = array<i32>} : memref<40x128xf32, #tpu.memory_space<vmem>>, vector<1x16xf32>,
              %get3A_398 = vector.shape_cast %get3A_397 : vector<1x16xf32> to vector<16xf32>
              %add3A_399 = arith.addf %get3A_394, %get3A_398 : vector<16xf32>
              %add3A_400 = arith.addf %add3A_399, %bitcast_convert_type3A_372 : vector<16xf32>
              %max3A_401 = arith.constant 0.000000e+00 : f32
              %max3A_402 = vector.broadcast %max3A_401 : f32 to vector<16xf32>
              %max3A_403 = arith.maximumf %add3A_400, %max3A_402 : vector<16xf32>
              %swap3A_404 = arith.index_cast %scan3A_269 : i32 to index
              %swap3A_405 = arith.constant 96 : index
              %swap3A_406 = tpu.vector_load %arg13[%swap3A_404, %swap3A_405] {strides = array<i32>} : memref<40x128xf32, #tpu.memory_space<vmem>>, vector<1x16xf32>,
              %swap3A_407 = vector.shape_cast %swap3A_406 : vector<1x16xf32> to vector<16xf32>
              %swap3A_408 = vector.shape_cast %max3A_403 : vector<16xf32> to vector<1x16xf32>
              tpu.vector_store %arg13[%swap3A_404, %swap3A_405], %swap3A_408 {strides = array<i32>} : memref<40x128xf32, #tpu.memory_space<vmem>>, vector<1x16xf32>,
              %get3A_409 = arith.index_cast %scan3A_269 : i32 to index
              %get3A_410 = arith.constant 112 : index
              %get3A_411 = tpu.vector_load %arg16[%get3A_409, %get3A_410] {strides = array<i32>} : memref<40x128xi32, #tpu.memory_space<vmem>>, vector<1x16xi32>,
              %get3A_412 = vector.shape_cast %get3A_411 : vector<1x16xi32> to vector<16xi32>
              %shift_left3A_413 = arith.constant 16 : i32
              %shift_left3A_414 = vector.broadcast %shift_left3A_413 : i32 to vector<16xi32>
              %shift_left3A_415 = arith.shli %get3A_412, %shift_left3A_414 : vector<16xi32>
              %bitcast_convert_type3A_416 = tpu.bitcast %shift_left3A_415 : vector<16xi32> -> vector<16xf32>
              %and3A_417 = arith.constant -65536 : i32
              %and3A_418 = vector.broadcast %and3A_417 : i32 to vector<16xi32>
              %and3A_419 = arith.andi %get3A_412, %and3A_418 : vector<16xi32>
              %bitcast_convert_type3A_420 = tpu.bitcast %and3A_419 : vector<16xi32> -> vector<16xf32>
              %get3A_421 = arith.index_cast %scan3A_269 : i32 to index
              %get3A_422 = arith.constant 48 : index
              %get3A_423 = tpu.vector_load %arg13[%get3A_421, %get3A_422] {strides = array<i32>} : memref<40x128xf32, #tpu.memory_space<vmem>>, vector<1x16xf32>,
              %get3A_424 = vector.shape_cast %get3A_423 : vector<1x16xf32> to vector<16xf32>
              %get3A_425 = arith.index_cast %scan3A_269 : i32 to index
              %get3A_426 = arith.constant 48 : index
              %get3A_427 = tpu.vector_load %arg14[%get3A_425, %get3A_426] {strides = array<i32>} : memref<40x128xf32, #tpu.memory_space<vmem>>, vector<1x16xf32>,
              %get3A_428 = vector.shape_cast %get3A_427 : vector<1x16xf32> to vector<16xf32>
              %add3A_429 = arith.addf %get3A_424, %get3A_428 : vector<16xf32>
              %add3A_430 = arith.addf %add3A_429, %bitcast_convert_type3A_416 : vector<16xf32>
              %max3A_431 = arith.constant 0.000000e+00 : f32
              %max3A_432 = vector.broadcast %max3A_431 : f32 to vector<16xf32>
              %max3A_433 = arith.maximumf %add3A_430, %max3A_432 : vector<16xf32>
              %swap3A_434 = arith.index_cast %scan3A_269 : i32 to index
              %swap3A_435 = arith.constant 48 : index
              %swap3A_436 = tpu.vector_load %arg13[%swap3A_434, %swap3A_435] {strides = array<i32>} : memref<40x128xf32, #tpu.memory_space<vmem>>, vector<1x16xf32>,
              %swap3A_437 = vector.shape_cast %swap3A_436 : vector<1x16xf32> to vector<16xf32>
              %swap3A_438 = vector.shape_cast %max3A_433 : vector<16xf32> to vector<1x16xf32>
              tpu.vector_store %arg13[%swap3A_434, %swap3A_435], %swap3A_438 {strides = array<i32>} : memref<40x128xf32, #tpu.memory_space<vmem>>, vector<1x16xf32>,
              %get3A_439 = arith.index_cast %scan3A_269 : i32 to index
              %get3A_440 = arith.constant 112 : index
              %get3A_441 = tpu.vector_load %arg13[%get3A_439, %get3A_440] {strides = array<i32>} : memref<40x128xf32, #tpu.memory_space<vmem>>, vector<1x16xf32>,
              %get3A_442 = vector.shape_cast %get3A_441 : vector<1x16xf32> to vector<16xf32>
              %get3A_443 = arith.index_cast %scan3A_269 : i32 to index
              %get3A_444 = arith.constant 112 : index
              %get3A_445 = tpu.vector_load %arg14[%get3A_443, %get3A_444] {strides = array<i32>} : memref<40x128xf32, #tpu.memory_space<vmem>>, vector<1x16xf32>,
              %get3A_446 = vector.shape_cast %get3A_445 : vector<1x16xf32> to vector<16xf32>
              %add3A_447 = arith.addf %get3A_442, %get3A_446 : vector<16xf32>
              %add3A_448 = arith.addf %add3A_447, %bitcast_convert_type3A_420 : vector<16xf32>
              %max3A_449 = arith.constant 0.000000e+00 : f32
              %max3A_450 = vector.broadcast %max3A_449 : f32 to vector<16xf32>
              %max3A_451 = arith.maximumf %add3A_448, %max3A_450 : vector<16xf32>
              %swap3A_452 = arith.index_cast %scan3A_269 : i32 to index
              %swap3A_453 = arith.constant 112 : index
              %swap3A_454 = tpu.vector_load %arg13[%swap3A_452, %swap3A_453] {strides = array<i32>} : memref<40x128xf32, #tpu.memory_space<vmem>>, vector<1x16xf32>,
              %swap3A_455 = vector.shape_cast %swap3A_454 : vector<1x16xf32> to vector<16xf32>
              %swap3A_456 = vector.shape_cast %max3A_451 : vector<16xf32> to vector<1x16xf32>
              tpu.vector_store %arg13[%swap3A_452, %swap3A_453], %swap3A_456 {strides = array<i32>} : memref<40x128xf32, #tpu.memory_space<vmem>>, vector<1x16xf32>,
            }
            %scan3A_268 = arith.constant 40 : i32
          } else {
          }
          "tpu.region"() ({
            %run_scoped3A_263 = tpu.sem_alloc : memref<!tpu.dma_semaphore, #tpu.memory_space<semaphore_mem>>
            %dma_start3A_264 = arith.constant 0 : i32
            %dma_start3A_265 = tpu.memref_slice %arg8[%select_n3A_185, %dma_start3A_264] : memref<25x40xi32, #tpu.memory_space<vmem>> -> memref<1x40xi32, #tpu.memory_space<vmem>>
            %dma_start3A_266 = tpu.memref_squeeze %dma_start3A_265 : memref<1x40xi32, #tpu.memory_space<vmem>> -> memref<40xi32, #tpu.memory_space<vmem>>
            %dma_start3A_267 = arith.constant 0 : i32
            %dma_start3A_268 = arith.constant 0 : i32
            %dma_start3A_269 = tpu.memref_slice %arg17[%dma_start3A_267, %dma_start3A_268] : memref<10240x128xf32, #tpu.memory_space<vmem_shared>> -> memref<10240x128xf32, #tpu.memory_space<vmem_shared>>
            tpu.enqueue_indirect_dma source(%arg13 : memref<40x128xf32, #tpu.memory_space<vmem>>) target(%dma_start3A_269 : memref<10240x128xf32, #tpu.memory_space<vmem_shared>>) offsets(%dma_start3A_266 : memref<40xi32, #tpu.memory_space<vmem>>) semaphore(%run_scoped3A_263 : memref<!tpu.dma_semaphore, #tpu.memory_space<semaphore_mem>>) {add = true}
            %dma_wait3A_270 = arith.constant 0 : i32
            %dma_wait3A_271 = tpu.memref_slice %arg8[%select_n3A_185, %dma_wait3A_270] : memref<25x40xi32, #tpu.memory_space<vmem>> -> memref<1x40xi32, #tpu.memory_space<vmem>>
            %dma_wait3A_272 = tpu.memref_squeeze %dma_wait3A_271 : memref<1x40xi32, #tpu.memory_space<vmem>> -> memref<40xi32, #tpu.memory_space<vmem>>
            %dma_wait3A_273 = arith.constant 0 : i32
            %dma_wait3A_274 = arith.constant 0 : i32
            %dma_wait3A_275 = tpu.memref_slice %arg17[%dma_wait3A_273, %dma_wait3A_274] : memref<10240x128xf32, #tpu.memory_space<vmem_shared>> -> memref<10240x128xf32, #tpu.memory_space<vmem_shared>>
            tpu.wait_indirect_dma semaphore(%run_scoped3A_263 : memref<!tpu.dma_semaphore, #tpu.memory_space<semaphore_mem>>) src(%arg13 : memref<40x128xf32, #tpu.memory_space<vmem>>) dst(%dma_wait3A_275 : memref<10240x128xf32, #tpu.memory_space<vmem_shared>>)
            tpu.yield
          }) : () -> ()
        } else {
        }
        %eq3A_165 = arith.constant 1 : i32
        %eq3A_166 = arith.cmpi eq, %select_n3A_159, %eq3A_165 : i32
        %convert_element_type3A_167 = arith.extui %eq3A_166 : i1 to i32
        %cond3A_168 = arith.constant 0 : i32
        %cond3A_169 = arith.cmpi ne, %convert_element_type3A_167, %cond3A_168 : i32
        scf.if %cond3A_169 {
          %jit3A_170 = arith.constant 25 : i32
          %eq3A_171 = arith.constant 0 : i32
          %eq3A_172 = arith.cmpi eq, %jit3A_170, %eq3A_171 : i32
          %jit3A_173 = arith.constant 1 : i32
          %select_n3A_174 = arith.select %eq3A_172, %jit3A_173, %jit3A_170 : i32
          %rem3A_175 = arith.remsi %scan3A_48, %select_n3A_174 : i32
          %ne3A_176 = arith.constant 0 : i32
          %ne3A_177 = arith.cmpi ne, %rem3A_175, %ne3A_176 : i32
          %lt3A_178 = arith.constant 0 : i32
          %lt3A_179 = arith.cmpi slt, %rem3A_175, %lt3A_178 : i32
          %lt3A_180 = arith.constant 0 : i32
          %lt3A_181 = arith.cmpi slt, %select_n3A_174, %lt3A_180 : i32
          %ne3A_182 = arith.xori %lt3A_179, %lt3A_181 : i1
          %and3A_183 = arith.andi %ne3A_182, %ne3A_177 : i1
          %add3A_184 = arith.addi %rem3A_175, %select_n3A_174 : i32
          %select_n3A_185 = arith.select %and3A_183, %add3A_184, %rem3A_175 : i32
          %dma_wait3A = arith.constant 0 : i32
          %dma_wait3A_186 = tpu.memref_slice %arg9[%select_n3A_185, %dma_wait3A] : memref<25x40xi32, #tpu.memory_space<vmem>> -> memref<1x40xi32, #tpu.memory_space<vmem>>
          %dma_wait3A_187 = tpu.memref_squeeze %dma_wait3A_186 : memref<1x40xi32, #tpu.memory_space<vmem>> -> memref<40xi32, #tpu.memory_space<vmem>>
          %dma_wait3A_188 = arith.constant 0 : i32
          %dma_wait3A_189 = arith.constant 0 : i32
          %dma_wait3A_190 = tpu.memref_slice %arg2[%dma_wait3A_188, %dma_wait3A_189] : memref<10000x128xf32, #tpu.memory_space<hbm>> -> memref<10000x128xf32, #tpu.memory_space<hbm>>
          tpu.wait_indirect_dma semaphore(%arg20 : memref<!tpu.dma_semaphore, #tpu.memory_space<semaphore_mem>>) src(%dma_wait3A_190 : memref<10000x128xf32, #tpu.memory_space<hbm>>) dst(%arg13 : memref<40x128xf32, #tpu.memory_space<vmem>>)
          %dma_wait3A_191 = arith.constant 0 : i32
          %dma_wait3A_192 = tpu.memref_slice %arg10[%select_n3A_185, %dma_wait3A_191] : memref<25x40xi32, #tpu.memory_space<vmem>> -> memref<1x40xi32, #tpu.memory_space<vmem>>
          %dma_wait3A_193 = tpu.memref_squeeze %dma_wait3A_192 : memref<1x40xi32, #tpu.memory_space<vmem>> -> memref<40xi32, #tpu.memory_space<vmem>>
          %dma_wait3A_194 = arith.constant 0 : i32
          %dma_wait3A_195 = arith.constant 0 : i32
          %dma_wait3A_196 = tpu.memref_slice %arg3[%dma_wait3A_194, %dma_wait3A_195] : memref<10000x128xf32, #tpu.memory_space<hbm>> -> memref<10000x128xf32, #tpu.memory_space<hbm>>
          tpu.wait_indirect_dma semaphore(%arg21 : memref<!tpu.dma_semaphore, #tpu.memory_space<semaphore_mem>>) src(%dma_wait3A_196 : memref<10000x128xf32, #tpu.memory_space<hbm>>) dst(%arg14 : memref<40x128xf32, #tpu.memory_space<vmem>>)
          %jit3A_197 = arith.constant 2 : i32
          %div3A_198 = arith.divsi %scan3A_48, %jit3A_197 : i32
          %sign3A_199 = arith.constant 0 : i32
          %sign3A_200 = arith.cmpi sgt, %scan3A_48, %sign3A_199 : i32
          %sign3A_201 = arith.extui %sign3A_200 : i1 to i32
          %sign3A_202 = arith.constant 0 : i32
          %sign3A_203 = arith.cmpi slt, %scan3A_48, %sign3A_202 : i32
          %sign3A_204 = arith.extui %sign3A_203 : i1 to i32
          %sign3A_205 = arith.subi %sign3A_201, %sign3A_204 : i32
          %sign3A_206 = arith.constant 0 : i32
          %sign3A_207 = arith.cmpi sgt, %jit3A_197, %sign3A_206 : i32
          %sign3A_208 = arith.extui %sign3A_207 : i1 to i32
          %sign3A_209 = arith.constant 0 : i32
          %sign3A_210 = arith.cmpi slt, %jit3A_197, %sign3A_209 : i32
          %sign3A_211 = arith.extui %sign3A_210 : i1 to i32
          %sign3A_212 = arith.subi %sign3A_208, %sign3A_211 : i32
          %ne3A_213 = arith.cmpi ne, %sign3A_205, %sign3A_212 : i32
          %rem3A_214 = arith.remsi %scan3A_48, %jit3A_197 : i32
          %ne3A_215 = arith.constant 0 : i32
          %ne3A_216 = arith.cmpi ne, %rem3A_214, %ne3A_215 : i32
          %and3A_217 = arith.andi %ne3A_213, %ne3A_216 : i1
          %sub3A_218 = arith.constant 1 : i32
          %sub3A_219 = arith.subi %div3A_198, %sub3A_218 : i32
          %select_n3A_220 = arith.select %and3A_217, %sub3A_219, %div3A_198 : i32
          %jit3A_221 = arith.constant 2 : i32
          %eq3A_222 = arith.constant 0 : i32
          %eq3A_223 = arith.cmpi eq, %jit3A_221, %eq3A_222 : i32
          %jit3A_224 = arith.constant 1 : i32
          %select_n3A_225 = arith.select %eq3A_223, %jit3A_224, %jit3A_221 : i32
          %rem3A_226 = arith.remsi %select_n3A_220, %select_n3A_225 : i32
          %ne3A_227 = arith.constant 0 : i32
          %ne3A_228 = arith.cmpi ne, %rem3A_226, %ne3A_227 : i32
          %lt3A_229 = arith.constant 0 : i32
          %lt3A_230 = arith.cmpi slt, %rem3A_226, %lt3A_229 : i32
          %lt3A_231 = arith.constant 0 : i32
          %lt3A_232 = arith.cmpi slt, %select_n3A_225, %lt3A_231 : i32
          %ne3A_233 = arith.xori %lt3A_230, %lt3A_232 : i1
          %and3A_234 = arith.andi %ne3A_233, %ne3A_228 : i1
          %add3A_235 = arith.addi %rem3A_226, %select_n3A_225 : i32
          %select_n3A_236 = arith.select %and3A_234, %add3A_235, %rem3A_226 : i32
          %eq3A_237 = arith.constant 0 : i32
          %eq3A_238 = arith.cmpi eq, %select_n3A_236, %eq3A_237 : i32
          %convert_element_type3A_239 = arith.extui %eq3A_238 : i1 to i32
          %cond3A_240 = arith.constant 0 : i32
          %cond3A_241 = arith.cmpi ne, %convert_element_type3A_239, %cond3A_240 : i32
          scf.if %cond3A_241 {
            %scan3A_263 = arith.constant 0 : i32
            %scan3A_264 = arith.constant 0 : i32
            %scan3A_265 = arith.constant 40 : i32
            %scan3A_266 = arith.addi %scan3A_264, %scan3A_265 : i32
            %scan3A_267 = arith.constant 1 : i32
            scf.for %scan3A_269 = %scan3A_264 to %scan3A_266 step %scan3A_267  : i32 {
              %get3A = arith.index_cast %scan3A_269 : i32 to index
              %get3A_270 = arith.constant 64 : index
              %get3A_271 = tpu.vector_load %arg15[%get3A, %get3A_270] {strides = array<i32>} : memref<40x128xi32, #tpu.memory_space<vmem>>, vector<1x16xi32>,
              %get3A_272 = vector.shape_cast %get3A_271 : vector<1x16xi32> to vector<16xi32>
              %shift_left3A = arith.constant 16 : i32
              %shift_left3A_273 = vector.broadcast %shift_left3A : i32 to vector<16xi32>
              %shift_left3A_274 = arith.shli %get3A_272, %shift_left3A_273 : vector<16xi32>
              %bitcast_convert_type3A = tpu.bitcast %shift_left3A_274 : vector<16xi32> -> vector<16xf32>
              %and3A_275 = arith.constant -65536 : i32
              %and3A_276 = vector.broadcast %and3A_275 : i32 to vector<16xi32>
              %and3A_277 = arith.andi %get3A_272, %and3A_276 : vector<16xi32>
              %bitcast_convert_type3A_278 = tpu.bitcast %and3A_277 : vector<16xi32> -> vector<16xf32>
              %get3A_279 = arith.index_cast %scan3A_269 : i32 to index
              %get3A_280 = arith.constant 0 : index
              %get3A_281 = tpu.vector_load %arg13[%get3A_279, %get3A_280] {strides = array<i32>} : memref<40x128xf32, #tpu.memory_space<vmem>>, vector<1x16xf32>,
              %get3A_282 = vector.shape_cast %get3A_281 : vector<1x16xf32> to vector<16xf32>
              %get3A_283 = arith.index_cast %scan3A_269 : i32 to index
              %get3A_284 = arith.constant 0 : index
              %get3A_285 = tpu.vector_load %arg14[%get3A_283, %get3A_284] {strides = array<i32>} : memref<40x128xf32, #tpu.memory_space<vmem>>, vector<1x16xf32>,
              %get3A_286 = vector.shape_cast %get3A_285 : vector<1x16xf32> to vector<16xf32>
              %add3A_287 = arith.addf %get3A_282, %get3A_286 : vector<16xf32>
              %add3A_288 = arith.addf %add3A_287, %bitcast_convert_type3A : vector<16xf32>
              %max3A = arith.constant 0.000000e+00 : f32
              %max3A_289 = vector.broadcast %max3A : f32 to vector<16xf32>
              %max3A_290 = arith.maximumf %add3A_288, %max3A_289 : vector<16xf32>
              %swap3A = arith.index_cast %scan3A_269 : i32 to index
              %swap3A_291 = arith.constant 0 : index
              %swap3A_292 = tpu.vector_load %arg13[%swap3A, %swap3A_291] {strides = array<i32>} : memref<40x128xf32, #tpu.memory_space<vmem>>, vector<1x16xf32>,
              %swap3A_293 = vector.shape_cast %swap3A_292 : vector<1x16xf32> to vector<16xf32>
              %swap3A_294 = vector.shape_cast %max3A_290 : vector<16xf32> to vector<1x16xf32>
              tpu.vector_store %arg13[%swap3A, %swap3A_291], %swap3A_294 {strides = array<i32>} : memref<40x128xf32, #tpu.memory_space<vmem>>, vector<1x16xf32>,
              %get3A_295 = arith.index_cast %scan3A_269 : i32 to index
              %get3A_296 = arith.constant 64 : index
              %get3A_297 = tpu.vector_load %arg13[%get3A_295, %get3A_296] {strides = array<i32>} : memref<40x128xf32, #tpu.memory_space<vmem>>, vector<1x16xf32>,
              %get3A_298 = vector.shape_cast %get3A_297 : vector<1x16xf32> to vector<16xf32>
              %get3A_299 = arith.index_cast %scan3A_269 : i32 to index
              %get3A_300 = arith.constant 64 : index
              %get3A_301 = tpu.vector_load %arg14[%get3A_299, %get3A_300] {strides = array<i32>} : memref<40x128xf32, #tpu.memory_space<vmem>>, vector<1x16xf32>,
              %get3A_302 = vector.shape_cast %get3A_301 : vector<1x16xf32> to vector<16xf32>
              %add3A_303 = arith.addf %get3A_298, %get3A_302 : vector<16xf32>
              %add3A_304 = arith.addf %add3A_303, %bitcast_convert_type3A_278 : vector<16xf32>
              %max3A_305 = arith.constant 0.000000e+00 : f32
              %max3A_306 = vector.broadcast %max3A_305 : f32 to vector<16xf32>
              %max3A_307 = arith.maximumf %add3A_304, %max3A_306 : vector<16xf32>
              %swap3A_308 = arith.index_cast %scan3A_269 : i32 to index
              %swap3A_309 = arith.constant 64 : index
              %swap3A_310 = tpu.vector_load %arg13[%swap3A_308, %swap3A_309] {strides = array<i32>} : memref<40x128xf32, #tpu.memory_space<vmem>>, vector<1x16xf32>,
              %swap3A_311 = vector.shape_cast %swap3A_310 : vector<1x16xf32> to vector<16xf32>
              %swap3A_312 = vector.shape_cast %max3A_307 : vector<16xf32> to vector<1x16xf32>
              tpu.vector_store %arg13[%swap3A_308, %swap3A_309], %swap3A_312 {strides = array<i32>} : memref<40x128xf32, #tpu.memory_space<vmem>>, vector<1x16xf32>,
              %get3A_313 = arith.index_cast %scan3A_269 : i32 to index
              %get3A_314 = arith.constant 80 : index
              %get3A_315 = tpu.vector_load %arg15[%get3A_313, %get3A_314] {strides = array<i32>} : memref<40x128xi32, #tpu.memory_space<vmem>>, vector<1x16xi32>,
              %get3A_316 = vector.shape_cast %get3A_315 : vector<1x16xi32> to vector<16xi32>
              %shift_left3A_317 = arith.constant 16 : i32
              %shift_left3A_318 = vector.broadcast %shift_left3A_317 : i32 to vector<16xi32>
              %shift_left3A_319 = arith.shli %get3A_316, %shift_left3A_318 : vector<16xi32>
              %bitcast_convert_type3A_320 = tpu.bitcast %shift_left3A_319 : vector<16xi32> -> vector<16xf32>
              %and3A_321 = arith.constant -65536 : i32
              %and3A_322 = vector.broadcast %and3A_321 : i32 to vector<16xi32>
              %and3A_323 = arith.andi %get3A_316, %and3A_322 : vector<16xi32>
              %bitcast_convert_type3A_324 = tpu.bitcast %and3A_323 : vector<16xi32> -> vector<16xf32>
              %get3A_325 = arith.index_cast %scan3A_269 : i32 to index
              %get3A_326 = arith.constant 16 : index
              %get3A_327 = tpu.vector_load %arg13[%get3A_325, %get3A_326] {strides = array<i32>} : memref<40x128xf32, #tpu.memory_space<vmem>>, vector<1x16xf32>,
              %get3A_328 = vector.shape_cast %get3A_327 : vector<1x16xf32> to vector<16xf32>
              %get3A_329 = arith.index_cast %scan3A_269 : i32 to index
              %get3A_330 = arith.constant 16 : index
              %get3A_331 = tpu.vector_load %arg14[%get3A_329, %get3A_330] {strides = array<i32>} : memref<40x128xf32, #tpu.memory_space<vmem>>, vector<1x16xf32>,
              %get3A_332 = vector.shape_cast %get3A_331 : vector<1x16xf32> to vector<16xf32>
              %add3A_333 = arith.addf %get3A_328, %get3A_332 : vector<16xf32>
              %add3A_334 = arith.addf %add3A_333, %bitcast_convert_type3A_320 : vector<16xf32>
              %max3A_335 = arith.constant 0.000000e+00 : f32
              %max3A_336 = vector.broadcast %max3A_335 : f32 to vector<16xf32>
              %max3A_337 = arith.maximumf %add3A_334, %max3A_336 : vector<16xf32>
              %swap3A_338 = arith.index_cast %scan3A_269 : i32 to index
              %swap3A_339 = arith.constant 16 : index
              %swap3A_340 = tpu.vector_load %arg13[%swap3A_338, %swap3A_339] {strides = array<i32>} : memref<40x128xf32, #tpu.memory_space<vmem>>, vector<1x16xf32>,
              %swap3A_341 = vector.shape_cast %swap3A_340 : vector<1x16xf32> to vector<16xf32>
              %swap3A_342 = vector.shape_cast %max3A_337 : vector<16xf32> to vector<1x16xf32>
              tpu.vector_store %arg13[%swap3A_338, %swap3A_339], %swap3A_342 {strides = array<i32>} : memref<40x128xf32, #tpu.memory_space<vmem>>, vector<1x16xf32>,
              %get3A_343 = arith.index_cast %scan3A_269 : i32 to index
              %get3A_344 = arith.constant 80 : index
              %get3A_345 = tpu.vector_load %arg13[%get3A_343, %get3A_344] {strides = array<i32>} : memref<40x128xf32, #tpu.memory_space<vmem>>, vector<1x16xf32>,
              %get3A_346 = vector.shape_cast %get3A_345 : vector<1x16xf32> to vector<16xf32>
              %get3A_347 = arith.index_cast %scan3A_269 : i32 to index
              %get3A_348 = arith.constant 80 : index
              %get3A_349 = tpu.vector_load %arg14[%get3A_347, %get3A_348] {strides = array<i32>} : memref<40x128xf32, #tpu.memory_space<vmem>>, vector<1x16xf32>,
              %get3A_350 = vector.shape_cast %get3A_349 : vector<1x16xf32> to vector<16xf32>
              %add3A_351 = arith.addf %get3A_346, %get3A_350 : vector<16xf32>
              %add3A_352 = arith.addf %add3A_351, %bitcast_convert_type3A_324 : vector<16xf32>
              %max3A_353 = arith.constant 0.000000e+00 : f32
              %max3A_354 = vector.broadcast %max3A_353 : f32 to vector<16xf32>
              %max3A_355 = arith.maximumf %add3A_352, %max3A_354 : vector<16xf32>
              %swap3A_356 = arith.index_cast %scan3A_269 : i32 to index
              %swap3A_357 = arith.constant 80 : index
              %swap3A_358 = tpu.vector_load %arg13[%swap3A_356, %swap3A_357] {strides = array<i32>} : memref<40x128xf32, #tpu.memory_space<vmem>>, vector<1x16xf32>,
              %swap3A_359 = vector.shape_cast %swap3A_358 : vector<1x16xf32> to vector<16xf32>
              %swap3A_360 = vector.shape_cast %max3A_355 : vector<16xf32> to vector<1x16xf32>
              tpu.vector_store %arg13[%swap3A_356, %swap3A_357], %swap3A_360 {strides = array<i32>} : memref<40x128xf32, #tpu.memory_space<vmem>>, vector<1x16xf32>,
              %get3A_361 = arith.index_cast %scan3A_269 : i32 to index
              %get3A_362 = arith.constant 96 : index
              %get3A_363 = tpu.vector_load %arg15[%get3A_361, %get3A_362] {strides = array<i32>} : memref<40x128xi32, #tpu.memory_space<vmem>>, vector<1x16xi32>,
              %get3A_364 = vector.shape_cast %get3A_363 : vector<1x16xi32> to vector<16xi32>
              %shift_left3A_365 = arith.constant 16 : i32
              %shift_left3A_366 = vector.broadcast %shift_left3A_365 : i32 to vector<16xi32>
              %shift_left3A_367 = arith.shli %get3A_364, %shift_left3A_366 : vector<16xi32>
              %bitcast_convert_type3A_368 = tpu.bitcast %shift_left3A_367 : vector<16xi32> -> vector<16xf32>
              %and3A_369 = arith.constant -65536 : i32
              %and3A_370 = vector.broadcast %and3A_369 : i32 to vector<16xi32>
              %and3A_371 = arith.andi %get3A_364, %and3A_370 : vector<16xi32>
              %bitcast_convert_type3A_372 = tpu.bitcast %and3A_371 : vector<16xi32> -> vector<16xf32>
              %get3A_373 = arith.index_cast %scan3A_269 : i32 to index
              %get3A_374 = arith.constant 32 : index
              %get3A_375 = tpu.vector_load %arg13[%get3A_373, %get3A_374] {strides = array<i32>} : memref<40x128xf32, #tpu.memory_space<vmem>>, vector<1x16xf32>,
              %get3A_376 = vector.shape_cast %get3A_375 : vector<1x16xf32> to vector<16xf32>
              %get3A_377 = arith.index_cast %scan3A_269 : i32 to index
              %get3A_378 = arith.constant 32 : index
              %get3A_379 = tpu.vector_load %arg14[%get3A_377, %get3A_378] {strides = array<i32>} : memref<40x128xf32, #tpu.memory_space<vmem>>, vector<1x16xf32>,
              %get3A_380 = vector.shape_cast %get3A_379 : vector<1x16xf32> to vector<16xf32>
              %add3A_381 = arith.addf %get3A_376, %get3A_380 : vector<16xf32>
              %add3A_382 = arith.addf %add3A_381, %bitcast_convert_type3A_368 : vector<16xf32>
              %max3A_383 = arith.constant 0.000000e+00 : f32
              %max3A_384 = vector.broadcast %max3A_383 : f32 to vector<16xf32>
              %max3A_385 = arith.maximumf %add3A_382, %max3A_384 : vector<16xf32>
              %swap3A_386 = arith.index_cast %scan3A_269 : i32 to index
              %swap3A_387 = arith.constant 32 : index
              %swap3A_388 = tpu.vector_load %arg13[%swap3A_386, %swap3A_387] {strides = array<i32>} : memref<40x128xf32, #tpu.memory_space<vmem>>, vector<1x16xf32>,
              %swap3A_389 = vector.shape_cast %swap3A_388 : vector<1x16xf32> to vector<16xf32>
              %swap3A_390 = vector.shape_cast %max3A_385 : vector<16xf32> to vector<1x16xf32>
              tpu.vector_store %arg13[%swap3A_386, %swap3A_387], %swap3A_390 {strides = array<i32>} : memref<40x128xf32, #tpu.memory_space<vmem>>, vector<1x16xf32>,
              %get3A_391 = arith.index_cast %scan3A_269 : i32 to index
              %get3A_392 = arith.constant 96 : index
              %get3A_393 = tpu.vector_load %arg13[%get3A_391, %get3A_392] {strides = array<i32>} : memref<40x128xf32, #tpu.memory_space<vmem>>, vector<1x16xf32>,
              %get3A_394 = vector.shape_cast %get3A_393 : vector<1x16xf32> to vector<16xf32>
              %get3A_395 = arith.index_cast %scan3A_269 : i32 to index
              %get3A_396 = arith.constant 96 : index
              %get3A_397 = tpu.vector_load %arg14[%get3A_395, %get3A_396] {strides = array<i32>} : memref<40x128xf32, #tpu.memory_space<vmem>>, vector<1x16xf32>,
              %get3A_398 = vector.shape_cast %get3A_397 : vector<1x16xf32> to vector<16xf32>
              %add3A_399 = arith.addf %get3A_394, %get3A_398 : vector<16xf32>
              %add3A_400 = arith.addf %add3A_399, %bitcast_convert_type3A_372 : vector<16xf32>
              %max3A_401 = arith.constant 0.000000e+00 : f32
              %max3A_402 = vector.broadcast %max3A_401 : f32 to vector<16xf32>
              %max3A_403 = arith.maximumf %add3A_400, %max3A_402 : vector<16xf32>
              %swap3A_404 = arith.index_cast %scan3A_269 : i32 to index
              %swap3A_405 = arith.constant 96 : index
              %swap3A_406 = tpu.vector_load %arg13[%swap3A_404, %swap3A_405] {strides = array<i32>} : memref<40x128xf32, #tpu.memory_space<vmem>>, vector<1x16xf32>,
              %swap3A_407 = vector.shape_cast %swap3A_406 : vector<1x16xf32> to vector<16xf32>
              %swap3A_408 = vector.shape_cast %max3A_403 : vector<16xf32> to vector<1x16xf32>
              tpu.vector_store %arg13[%swap3A_404, %swap3A_405], %swap3A_408 {strides = array<i32>} : memref<40x128xf32, #tpu.memory_space<vmem>>, vector<1x16xf32>,
              %get3A_409 = arith.index_cast %scan3A_269 : i32 to index
              %get3A_410 = arith.constant 112 : index
              %get3A_411 = tpu.vector_load %arg15[%get3A_409, %get3A_410] {strides = array<i32>} : memref<40x128xi32, #tpu.memory_space<vmem>>, vector<1x16xi32>,
              %get3A_412 = vector.shape_cast %get3A_411 : vector<1x16xi32> to vector<16xi32>
              %shift_left3A_413 = arith.constant 16 : i32
              %shift_left3A_414 = vector.broadcast %shift_left3A_413 : i32 to vector<16xi32>
              %shift_left3A_415 = arith.shli %get3A_412, %shift_left3A_414 : vector<16xi32>
              %bitcast_convert_type3A_416 = tpu.bitcast %shift_left3A_415 : vector<16xi32> -> vector<16xf32>
              %and3A_417 = arith.constant -65536 : i32
              %and3A_418 = vector.broadcast %and3A_417 : i32 to vector<16xi32>
              %and3A_419 = arith.andi %get3A_412, %and3A_418 : vector<16xi32>
              %bitcast_convert_type3A_420 = tpu.bitcast %and3A_419 : vector<16xi32> -> vector<16xf32>
              %get3A_421 = arith.index_cast %scan3A_269 : i32 to index
              %get3A_422 = arith.constant 48 : index
              %get3A_423 = tpu.vector_load %arg13[%get3A_421, %get3A_422] {strides = array<i32>} : memref<40x128xf32, #tpu.memory_space<vmem>>, vector<1x16xf32>,
              %get3A_424 = vector.shape_cast %get3A_423 : vector<1x16xf32> to vector<16xf32>
              %get3A_425 = arith.index_cast %scan3A_269 : i32 to index
              %get3A_426 = arith.constant 48 : index
              %get3A_427 = tpu.vector_load %arg14[%get3A_425, %get3A_426] {strides = array<i32>} : memref<40x128xf32, #tpu.memory_space<vmem>>, vector<1x16xf32>,
              %get3A_428 = vector.shape_cast %get3A_427 : vector<1x16xf32> to vector<16xf32>
              %add3A_429 = arith.addf %get3A_424, %get3A_428 : vector<16xf32>
              %add3A_430 = arith.addf %add3A_429, %bitcast_convert_type3A_416 : vector<16xf32>
              %max3A_431 = arith.constant 0.000000e+00 : f32
              %max3A_432 = vector.broadcast %max3A_431 : f32 to vector<16xf32>
              %max3A_433 = arith.maximumf %add3A_430, %max3A_432 : vector<16xf32>
              %swap3A_434 = arith.index_cast %scan3A_269 : i32 to index
              %swap3A_435 = arith.constant 48 : index
              %swap3A_436 = tpu.vector_load %arg13[%swap3A_434, %swap3A_435] {strides = array<i32>} : memref<40x128xf32, #tpu.memory_space<vmem>>, vector<1x16xf32>,
              %swap3A_437 = vector.shape_cast %swap3A_436 : vector<1x16xf32> to vector<16xf32>
              %swap3A_438 = vector.shape_cast %max3A_433 : vector<16xf32> to vector<1x16xf32>
              tpu.vector_store %arg13[%swap3A_434, %swap3A_435], %swap3A_438 {strides = array<i32>} : memref<40x128xf32, #tpu.memory_space<vmem>>, vector<1x16xf32>,
              %get3A_439 = arith.index_cast %scan3A_269 : i32 to index
              %get3A_440 = arith.constant 112 : index
              %get3A_441 = tpu.vector_load %arg13[%get3A_439, %get3A_440] {strides = array<i32>} : memref<40x128xf32, #tpu.memory_space<vmem>>, vector<1x16xf32>,
              %get3A_442 = vector.shape_cast %get3A_441 : vector<1x16xf32> to vector<16xf32>
              %get3A_443 = arith.index_cast %scan3A_269 : i32 to index
              %get3A_444 = arith.constant 112 : index
              %get3A_445 = tpu.vector_load %arg14[%get3A_443, %get3A_444] {strides = array<i32>} : memref<40x128xf32, #tpu.memory_space<vmem>>, vector<1x16xf32>,
              %get3A_446 = vector.shape_cast %get3A_445 : vector<1x16xf32> to vector<16xf32>
              %add3A_447 = arith.addf %get3A_442, %get3A_446 : vector<16xf32>
              %add3A_448 = arith.addf %add3A_447, %bitcast_convert_type3A_420 : vector<16xf32>
              %max3A_449 = arith.constant 0.000000e+00 : f32
              %max3A_450 = vector.broadcast %max3A_449 : f32 to vector<16xf32>
              %max3A_451 = arith.maximumf %add3A_448, %max3A_450 : vector<16xf32>
              %swap3A_452 = arith.index_cast %scan3A_269 : i32 to index
              %swap3A_453 = arith.constant 112 : index
              %swap3A_454 = tpu.vector_load %arg13[%swap3A_452, %swap3A_453] {strides = array<i32>} : memref<40x128xf32, #tpu.memory_space<vmem>>, vector<1x16xf32>,
              %swap3A_455 = vector.shape_cast %swap3A_454 : vector<1x16xf32> to vector<16xf32>
              %swap3A_456 = vector.shape_cast %max3A_451 : vector<16xf32> to vector<1x16xf32>
              tpu.vector_store %arg13[%swap3A_452, %swap3A_453], %swap3A_456 {strides = array<i32>} : memref<40x128xf32, #tpu.memory_space<vmem>>, vector<1x16xf32>,
            }
            %scan3A_268 = arith.constant 40 : i32
          } else {
          }
          %jit3A_242 = arith.constant 2 : i32
          %eq3A_243 = arith.constant 0 : i32
          %eq3A_244 = arith.cmpi eq, %jit3A_242, %eq3A_243 : i32
          %jit3A_245 = arith.constant 1 : i32
          %select_n3A_246 = arith.select %eq3A_244, %jit3A_245, %jit3A_242 : i32
          %rem3A_247 = arith.remsi %select_n3A_220, %select_n3A_246 : i32
          %ne3A_248 = arith.constant 0 : i32
          %ne3A_249 = arith.cmpi ne, %rem3A_247, %ne3A_248 : i32
          %lt3A_250 = arith.constant 0 : i32
          %lt3A_251 = arith.cmpi slt, %rem3A_247, %lt3A_250 : i32
          %lt3A_252 = arith.constant 0 : i32
          %lt3A_253 = arith.cmpi slt, %select_n3A_246, %lt3A_252 : i32
          %ne3A_254 = arith.xori %lt3A_251, %lt3A_253 : i1
          %and3A_255 = arith.andi %ne3A_254, %ne3A_249 : i1
          %add3A_256 = arith.addi %rem3A_247, %select_n3A_246 : i32
          %select_n3A_257 = arith.select %and3A_255, %add3A_256, %rem3A_247 : i32
          %eq3A_258 = arith.constant 1 : i32
          %eq3A_259 = arith.cmpi eq, %select_n3A_257, %eq3A_258 : i32
          %convert_element_type3A_260 = arith.extui %eq3A_259 : i1 to i32
          %cond3A_261 = arith.constant 0 : i32
          %cond3A_262 = arith.cmpi ne, %convert_element_type3A_260, %cond3A_261 : i32
          scf.if %cond3A_262 {
            %scan3A_263 = arith.constant 0 : i32
            %scan3A_264 = arith.constant 0 : i32
            %scan3A_265 = arith.constant 40 : i32
            %scan3A_266 = arith.addi %scan3A_264, %scan3A_265 : i32
            %scan3A_267 = arith.constant 1 : i32
            scf.for %scan3A_269 = %scan3A_264 to %scan3A_266 step %scan3A_267  : i32 {
              %get3A = arith.index_cast %scan3A_269 : i32 to index
              %get3A_270 = arith.constant 64 : index
              %get3A_271 = tpu.vector_load %arg16[%get3A, %get3A_270] {strides = array<i32>} : memref<40x128xi32, #tpu.memory_space<vmem>>, vector<1x16xi32>,
              %get3A_272 = vector.shape_cast %get3A_271 : vector<1x16xi32> to vector<16xi32>
              %shift_left3A = arith.constant 16 : i32
              %shift_left3A_273 = vector.broadcast %shift_left3A : i32 to vector<16xi32>
              %shift_left3A_274 = arith.shli %get3A_272, %shift_left3A_273 : vector<16xi32>
              %bitcast_convert_type3A = tpu.bitcast %shift_left3A_274 : vector<16xi32> -> vector<16xf32>
              %and3A_275 = arith.constant -65536 : i32
              %and3A_276 = vector.broadcast %and3A_275 : i32 to vector<16xi32>
              %and3A_277 = arith.andi %get3A_272, %and3A_276 : vector<16xi32>
              %bitcast_convert_type3A_278 = tpu.bitcast %and3A_277 : vector<16xi32> -> vector<16xf32>
              %get3A_279 = arith.index_cast %scan3A_269 : i32 to index
              %get3A_280 = arith.constant 0 : index
              %get3A_281 = tpu.vector_load %arg13[%get3A_279, %get3A_280] {strides = array<i32>} : memref<40x128xf32, #tpu.memory_space<vmem>>, vector<1x16xf32>,
              %get3A_282 = vector.shape_cast %get3A_281 : vector<1x16xf32> to vector<16xf32>
              %get3A_283 = arith.index_cast %scan3A_269 : i32 to index
              %get3A_284 = arith.constant 0 : index
              %get3A_285 = tpu.vector_load %arg14[%get3A_283, %get3A_284] {strides = array<i32>} : memref<40x128xf32, #tpu.memory_space<vmem>>, vector<1x16xf32>,
              %get3A_286 = vector.shape_cast %get3A_285 : vector<1x16xf32> to vector<16xf32>
              %add3A_287 = arith.addf %get3A_282, %get3A_286 : vector<16xf32>
              %add3A_288 = arith.addf %add3A_287, %bitcast_convert_type3A : vector<16xf32>
              %max3A = arith.constant 0.000000e+00 : f32
              %max3A_289 = vector.broadcast %max3A : f32 to vector<16xf32>
              %max3A_290 = arith.maximumf %add3A_288, %max3A_289 : vector<16xf32>
              %swap3A = arith.index_cast %scan3A_269 : i32 to index
              %swap3A_291 = arith.constant 0 : index
              %swap3A_292 = tpu.vector_load %arg13[%swap3A, %swap3A_291] {strides = array<i32>} : memref<40x128xf32, #tpu.memory_space<vmem>>, vector<1x16xf32>,
              %swap3A_293 = vector.shape_cast %swap3A_292 : vector<1x16xf32> to vector<16xf32>
              %swap3A_294 = vector.shape_cast %max3A_290 : vector<16xf32> to vector<1x16xf32>
              tpu.vector_store %arg13[%swap3A, %swap3A_291], %swap3A_294 {strides = array<i32>} : memref<40x128xf32, #tpu.memory_space<vmem>>, vector<1x16xf32>,
              %get3A_295 = arith.index_cast %scan3A_269 : i32 to index
              %get3A_296 = arith.constant 64 : index
              %get3A_297 = tpu.vector_load %arg13[%get3A_295, %get3A_296] {strides = array<i32>} : memref<40x128xf32, #tpu.memory_space<vmem>>, vector<1x16xf32>,
              %get3A_298 = vector.shape_cast %get3A_297 : vector<1x16xf32> to vector<16xf32>
              %get3A_299 = arith.index_cast %scan3A_269 : i32 to index
              %get3A_300 = arith.constant 64 : index
              %get3A_301 = tpu.vector_load %arg14[%get3A_299, %get3A_300] {strides = array<i32>} : memref<40x128xf32, #tpu.memory_space<vmem>>, vector<1x16xf32>,
              %get3A_302 = vector.shape_cast %get3A_301 : vector<1x16xf32> to vector<16xf32>
              %add3A_303 = arith.addf %get3A_298, %get3A_302 : vector<16xf32>
              %add3A_304 = arith.addf %add3A_303, %bitcast_convert_type3A_278 : vector<16xf32>
              %max3A_305 = arith.constant 0.000000e+00 : f32
              %max3A_306 = vector.broadcast %max3A_305 : f32 to vector<16xf32>
              %max3A_307 = arith.maximumf %add3A_304, %max3A_306 : vector<16xf32>
              %swap3A_308 = arith.index_cast %scan3A_269 : i32 to index
              %swap3A_309 = arith.constant 64 : index
              %swap3A_310 = tpu.vector_load %arg13[%swap3A_308, %swap3A_309] {strides = array<i32>} : memref<40x128xf32, #tpu.memory_space<vmem>>, vector<1x16xf32>,
              %swap3A_311 = vector.shape_cast %swap3A_310 : vector<1x16xf32> to vector<16xf32>
              %swap3A_312 = vector.shape_cast %max3A_307 : vector<16xf32> to vector<1x16xf32>
              tpu.vector_store %arg13[%swap3A_308, %swap3A_309], %swap3A_312 {strides = array<i32>} : memref<40x128xf32, #tpu.memory_space<vmem>>, vector<1x16xf32>,
              %get3A_313 = arith.index_cast %scan3A_269 : i32 to index
              %get3A_314 = arith.constant 80 : index
              %get3A_315 = tpu.vector_load %arg16[%get3A_313, %get3A_314] {strides = array<i32>} : memref<40x128xi32, #tpu.memory_space<vmem>>, vector<1x16xi32>,
              %get3A_316 = vector.shape_cast %get3A_315 : vector<1x16xi32> to vector<16xi32>
              %shift_left3A_317 = arith.constant 16 : i32
              %shift_left3A_318 = vector.broadcast %shift_left3A_317 : i32 to vector<16xi32>
              %shift_left3A_319 = arith.shli %get3A_316, %shift_left3A_318 : vector<16xi32>
              %bitcast_convert_type3A_320 = tpu.bitcast %shift_left3A_319 : vector<16xi32> -> vector<16xf32>
              %and3A_321 = arith.constant -65536 : i32
              %and3A_322 = vector.broadcast %and3A_321 : i32 to vector<16xi32>
              %and3A_323 = arith.andi %get3A_316, %and3A_322 : vector<16xi32>
              %bitcast_convert_type3A_324 = tpu.bitcast %and3A_323 : vector<16xi32> -> vector<16xf32>
              %get3A_325 = arith.index_cast %scan3A_269 : i32 to index
              %get3A_326 = arith.constant 16 : index
              %get3A_327 = tpu.vector_load %arg13[%get3A_325, %get3A_326] {strides = array<i32>} : memref<40x128xf32, #tpu.memory_space<vmem>>, vector<1x16xf32>,
              %get3A_328 = vector.shape_cast %get3A_327 : vector<1x16xf32> to vector<16xf32>
              %get3A_329 = arith.index_cast %scan3A_269 : i32 to index
              %get3A_330 = arith.constant 16 : index
              %get3A_331 = tpu.vector_load %arg14[%get3A_329, %get3A_330] {strides = array<i32>} : memref<40x128xf32, #tpu.memory_space<vmem>>, vector<1x16xf32>,
              %get3A_332 = vector.shape_cast %get3A_331 : vector<1x16xf32> to vector<16xf32>
              %add3A_333 = arith.addf %get3A_328, %get3A_332 : vector<16xf32>
              %add3A_334 = arith.addf %add3A_333, %bitcast_convert_type3A_320 : vector<16xf32>
              %max3A_335 = arith.constant 0.000000e+00 : f32
              %max3A_336 = vector.broadcast %max3A_335 : f32 to vector<16xf32>
              %max3A_337 = arith.maximumf %add3A_334, %max3A_336 : vector<16xf32>
              %swap3A_338 = arith.index_cast %scan3A_269 : i32 to index
              %swap3A_339 = arith.constant 16 : index
              %swap3A_340 = tpu.vector_load %arg13[%swap3A_338, %swap3A_339] {strides = array<i32>} : memref<40x128xf32, #tpu.memory_space<vmem>>, vector<1x16xf32>,
              %swap3A_341 = vector.shape_cast %swap3A_340 : vector<1x16xf32> to vector<16xf32>
              %swap3A_342 = vector.shape_cast %max3A_337 : vector<16xf32> to vector<1x16xf32>
              tpu.vector_store %arg13[%swap3A_338, %swap3A_339], %swap3A_342 {strides = array<i32>} : memref<40x128xf32, #tpu.memory_space<vmem>>, vector<1x16xf32>,
              %get3A_343 = arith.index_cast %scan3A_269 : i32 to index
              %get3A_344 = arith.constant 80 : index
              %get3A_345 = tpu.vector_load %arg13[%get3A_343, %get3A_344] {strides = array<i32>} : memref<40x128xf32, #tpu.memory_space<vmem>>, vector<1x16xf32>,
              %get3A_346 = vector.shape_cast %get3A_345 : vector<1x16xf32> to vector<16xf32>
              %get3A_347 = arith.index_cast %scan3A_269 : i32 to index
              %get3A_348 = arith.constant 80 : index
              %get3A_349 = tpu.vector_load %arg14[%get3A_347, %get3A_348] {strides = array<i32>} : memref<40x128xf32, #tpu.memory_space<vmem>>, vector<1x16xf32>,
              %get3A_350 = vector.shape_cast %get3A_349 : vector<1x16xf32> to vector<16xf32>
              %add3A_351 = arith.addf %get3A_346, %get3A_350 : vector<16xf32>
              %add3A_352 = arith.addf %add3A_351, %bitcast_convert_type3A_324 : vector<16xf32>
              %max3A_353 = arith.constant 0.000000e+00 : f32
              %max3A_354 = vector.broadcast %max3A_353 : f32 to vector<16xf32>
              %max3A_355 = arith.maximumf %add3A_352, %max3A_354 : vector<16xf32>
              %swap3A_356 = arith.index_cast %scan3A_269 : i32 to index
              %swap3A_357 = arith.constant 80 : index
              %swap3A_358 = tpu.vector_load %arg13[%swap3A_356, %swap3A_357] {strides = array<i32>} : memref<40x128xf32, #tpu.memory_space<vmem>>, vector<1x16xf32>,
              %swap3A_359 = vector.shape_cast %swap3A_358 : vector<1x16xf32> to vector<16xf32>
              %swap3A_360 = vector.shape_cast %max3A_355 : vector<16xf32> to vector<1x16xf32>
              tpu.vector_store %arg13[%swap3A_356, %swap3A_357], %swap3A_360 {strides = array<i32>} : memref<40x128xf32, #tpu.memory_space<vmem>>, vector<1x16xf32>,
              %get3A_361 = arith.index_cast %scan3A_269 : i32 to index
              %get3A_362 = arith.constant 96 : index
              %get3A_363 = tpu.vector_load %arg16[%get3A_361, %get3A_362] {strides = array<i32>} : memref<40x128xi32, #tpu.memory_space<vmem>>, vector<1x16xi32>,
              %get3A_364 = vector.shape_cast %get3A_363 : vector<1x16xi32> to vector<16xi32>
              %shift_left3A_365 = arith.constant 16 : i32
              %shift_left3A_366 = vector.broadcast %shift_left3A_365 : i32 to vector<16xi32>
              %shift_left3A_367 = arith.shli %get3A_364, %shift_left3A_366 : vector<16xi32>
              %bitcast_convert_type3A_368 = tpu.bitcast %shift_left3A_367 : vector<16xi32> -> vector<16xf32>
              %and3A_369 = arith.constant -65536 : i32
              %and3A_370 = vector.broadcast %and3A_369 : i32 to vector<16xi32>
              %and3A_371 = arith.andi %get3A_364, %and3A_370 : vector<16xi32>
              %bitcast_convert_type3A_372 = tpu.bitcast %and3A_371 : vector<16xi32> -> vector<16xf32>
              %get3A_373 = arith.index_cast %scan3A_269 : i32 to index
              %get3A_374 = arith.constant 32 : index
              %get3A_375 = tpu.vector_load %arg13[%get3A_373, %get3A_374] {strides = array<i32>} : memref<40x128xf32, #tpu.memory_space<vmem>>, vector<1x16xf32>,
              %get3A_376 = vector.shape_cast %get3A_375 : vector<1x16xf32> to vector<16xf32>
              %get3A_377 = arith.index_cast %scan3A_269 : i32 to index
              %get3A_378 = arith.constant 32 : index
              %get3A_379 = tpu.vector_load %arg14[%get3A_377, %get3A_378] {strides = array<i32>} : memref<40x128xf32, #tpu.memory_space<vmem>>, vector<1x16xf32>,
              %get3A_380 = vector.shape_cast %get3A_379 : vector<1x16xf32> to vector<16xf32>
              %add3A_381 = arith.addf %get3A_376, %get3A_380 : vector<16xf32>
              %add3A_382 = arith.addf %add3A_381, %bitcast_convert_type3A_368 : vector<16xf32>
              %max3A_383 = arith.constant 0.000000e+00 : f32
              %max3A_384 = vector.broadcast %max3A_383 : f32 to vector<16xf32>
              %max3A_385 = arith.maximumf %add3A_382, %max3A_384 : vector<16xf32>
              %swap3A_386 = arith.index_cast %scan3A_269 : i32 to index
              %swap3A_387 = arith.constant 32 : index
              %swap3A_388 = tpu.vector_load %arg13[%swap3A_386, %swap3A_387] {strides = array<i32>} : memref<40x128xf32, #tpu.memory_space<vmem>>, vector<1x16xf32>,
              %swap3A_389 = vector.shape_cast %swap3A_388 : vector<1x16xf32> to vector<16xf32>
              %swap3A_390 = vector.shape_cast %max3A_385 : vector<16xf32> to vector<1x16xf32>
              tpu.vector_store %arg13[%swap3A_386, %swap3A_387], %swap3A_390 {strides = array<i32>} : memref<40x128xf32, #tpu.memory_space<vmem>>, vector<1x16xf32>,
              %get3A_391 = arith.index_cast %scan3A_269 : i32 to index
              %get3A_392 = arith.constant 96 : index
              %get3A_393 = tpu.vector_load %arg13[%get3A_391, %get3A_392] {strides = array<i32>} : memref<40x128xf32, #tpu.memory_space<vmem>>, vector<1x16xf32>,
              %get3A_394 = vector.shape_cast %get3A_393 : vector<1x16xf32> to vector<16xf32>
              %get3A_395 = arith.index_cast %scan3A_269 : i32 to index
              %get3A_396 = arith.constant 96 : index
              %get3A_397 = tpu.vector_load %arg14[%get3A_395, %get3A_396] {strides = array<i32>} : memref<40x128xf32, #tpu.memory_space<vmem>>, vector<1x16xf32>,
              %get3A_398 = vector.shape_cast %get3A_397 : vector<1x16xf32> to vector<16xf32>
              %add3A_399 = arith.addf %get3A_394, %get3A_398 : vector<16xf32>
              %add3A_400 = arith.addf %add3A_399, %bitcast_convert_type3A_372 : vector<16xf32>
              %max3A_401 = arith.constant 0.000000e+00 : f32
              %max3A_402 = vector.broadcast %max3A_401 : f32 to vector<16xf32>
              %max3A_403 = arith.maximumf %add3A_400, %max3A_402 : vector<16xf32>
              %swap3A_404 = arith.index_cast %scan3A_269 : i32 to index
              %swap3A_405 = arith.constant 96 : index
              %swap3A_406 = tpu.vector_load %arg13[%swap3A_404, %swap3A_405] {strides = array<i32>} : memref<40x128xf32, #tpu.memory_space<vmem>>, vector<1x16xf32>,
              %swap3A_407 = vector.shape_cast %swap3A_406 : vector<1x16xf32> to vector<16xf32>
              %swap3A_408 = vector.shape_cast %max3A_403 : vector<16xf32> to vector<1x16xf32>
              tpu.vector_store %arg13[%swap3A_404, %swap3A_405], %swap3A_408 {strides = array<i32>} : memref<40x128xf32, #tpu.memory_space<vmem>>, vector<1x16xf32>,
              %get3A_409 = arith.index_cast %scan3A_269 : i32 to index
              %get3A_410 = arith.constant 112 : index
              %get3A_411 = tpu.vector_load %arg16[%get3A_409, %get3A_410] {strides = array<i32>} : memref<40x128xi32, #tpu.memory_space<vmem>>, vector<1x16xi32>,
              %get3A_412 = vector.shape_cast %get3A_411 : vector<1x16xi32> to vector<16xi32>
              %shift_left3A_413 = arith.constant 16 : i32
              %shift_left3A_414 = vector.broadcast %shift_left3A_413 : i32 to vector<16xi32>
              %shift_left3A_415 = arith.shli %get3A_412, %shift_left3A_414 : vector<16xi32>
              %bitcast_convert_type3A_416 = tpu.bitcast %shift_left3A_415 : vector<16xi32> -> vector<16xf32>
              %and3A_417 = arith.constant -65536 : i32
              %and3A_418 = vector.broadcast %and3A_417 : i32 to vector<16xi32>
              %and3A_419 = arith.andi %get3A_412, %and3A_418 : vector<16xi32>
              %bitcast_convert_type3A_420 = tpu.bitcast %and3A_419 : vector<16xi32> -> vector<16xf32>
              %get3A_421 = arith.index_cast %scan3A_269 : i32 to index
              %get3A_422 = arith.constant 48 : index
              %get3A_423 = tpu.vector_load %arg13[%get3A_421, %get3A_422] {strides = array<i32>} : memref<40x128xf32, #tpu.memory_space<vmem>>, vector<1x16xf32>,
              %get3A_424 = vector.shape_cast %get3A_423 : vector<1x16xf32> to vector<16xf32>
              %get3A_425 = arith.index_cast %scan3A_269 : i32 to index
              %get3A_426 = arith.constant 48 : index
              %get3A_427 = tpu.vector_load %arg14[%get3A_425, %get3A_426] {strides = array<i32>} : memref<40x128xf32, #tpu.memory_space<vmem>>, vector<1x16xf32>,
              %get3A_428 = vector.shape_cast %get3A_427 : vector<1x16xf32> to vector<16xf32>
              %add3A_429 = arith.addf %get3A_424, %get3A_428 : vector<16xf32>
              %add3A_430 = arith.addf %add3A_429, %bitcast_convert_type3A_416 : vector<16xf32>
              %max3A_431 = arith.constant 0.000000e+00 : f32
              %max3A_432 = vector.broadcast %max3A_431 : f32 to vector<16xf32>
              %max3A_433 = arith.maximumf %add3A_430, %max3A_432 : vector<16xf32>
              %swap3A_434 = arith.index_cast %scan3A_269 : i32 to index
              %swap3A_435 = arith.constant 48 : index
              %swap3A_436 = tpu.vector_load %arg13[%swap3A_434, %swap3A_435] {strides = array<i32>} : memref<40x128xf32, #tpu.memory_space<vmem>>, vector<1x16xf32>,
              %swap3A_437 = vector.shape_cast %swap3A_436 : vector<1x16xf32> to vector<16xf32>
              %swap3A_438 = vector.shape_cast %max3A_433 : vector<16xf32> to vector<1x16xf32>
              tpu.vector_store %arg13[%swap3A_434, %swap3A_435], %swap3A_438 {strides = array<i32>} : memref<40x128xf32, #tpu.memory_space<vmem>>, vector<1x16xf32>,
              %get3A_439 = arith.index_cast %scan3A_269 : i32 to index
              %get3A_440 = arith.constant 112 : index
              %get3A_441 = tpu.vector_load %arg13[%get3A_439, %get3A_440] {strides = array<i32>} : memref<40x128xf32, #tpu.memory_space<vmem>>, vector<1x16xf32>,
              %get3A_442 = vector.shape_cast %get3A_441 : vector<1x16xf32> to vector<16xf32>
              %get3A_443 = arith.index_cast %scan3A_269 : i32 to index
              %get3A_444 = arith.constant 112 : index
              %get3A_445 = tpu.vector_load %arg14[%get3A_443, %get3A_444] {strides = array<i32>} : memref<40x128xf32, #tpu.memory_space<vmem>>, vector<1x16xf32>,
              %get3A_446 = vector.shape_cast %get3A_445 : vector<1x16xf32> to vector<16xf32>
              %add3A_447 = arith.addf %get3A_442, %get3A_446 : vector<16xf32>
              %add3A_448 = arith.addf %add3A_447, %bitcast_convert_type3A_420 : vector<16xf32>
              %max3A_449 = arith.constant 0.000000e+00 : f32
              %max3A_450 = vector.broadcast %max3A_449 : f32 to vector<16xf32>
              %max3A_451 = arith.maximumf %add3A_448, %max3A_450 : vector<16xf32>
              %swap3A_452 = arith.index_cast %scan3A_269 : i32 to index
              %swap3A_453 = arith.constant 112 : index
              %swap3A_454 = tpu.vector_load %arg13[%swap3A_452, %swap3A_453] {strides = array<i32>} : memref<40x128xf32, #tpu.memory_space<vmem>>, vector<1x16xf32>,
              %swap3A_455 = vector.shape_cast %swap3A_454 : vector<1x16xf32> to vector<16xf32>
              %swap3A_456 = vector.shape_cast %max3A_451 : vector<16xf32> to vector<1x16xf32>
              tpu.vector_store %arg13[%swap3A_452, %swap3A_453], %swap3A_456 {strides = array<i32>} : memref<40x128xf32, #tpu.memory_space<vmem>>, vector<1x16xf32>,
            }
            %scan3A_268 = arith.constant 40 : i32
          } else {
          }
          "tpu.region"() ({
            %run_scoped3A_263 = tpu.sem_alloc : memref<!tpu.dma_semaphore, #tpu.memory_space<semaphore_mem>>
            %dma_start3A_264 = arith.constant 0 : i32
            %dma_start3A_265 = tpu.memref_slice %arg10[%select_n3A_185, %dma_start3A_264] : memref<25x40xi32, #tpu.memory_space<vmem>> -> memref<1x40xi32, #tpu.memory_space<vmem>>
            %dma_start3A_266 = tpu.memref_squeeze %dma_start3A_265 : memref<1x40xi32, #tpu.memory_space<vmem>> -> memref<40xi32, #tpu.memory_space<vmem>>
            %dma_start3A_267 = arith.constant 0 : i32
            %dma_start3A_268 = arith.constant 0 : i32
            %dma_start3A_269 = tpu.memref_slice %arg17[%dma_start3A_267, %dma_start3A_268] : memref<10240x128xf32, #tpu.memory_space<vmem_shared>> -> memref<10240x128xf32, #tpu.memory_space<vmem_shared>>
            tpu.enqueue_indirect_dma source(%arg13 : memref<40x128xf32, #tpu.memory_space<vmem>>) target(%dma_start3A_269 : memref<10240x128xf32, #tpu.memory_space<vmem_shared>>) offsets(%dma_start3A_266 : memref<40xi32, #tpu.memory_space<vmem>>) semaphore(%run_scoped3A_263 : memref<!tpu.dma_semaphore, #tpu.memory_space<semaphore_mem>>) {add = true}
            %dma_wait3A_270 = arith.constant 0 : i32
            %dma_wait3A_271 = tpu.memref_slice %arg10[%select_n3A_185, %dma_wait3A_270] : memref<25x40xi32, #tpu.memory_space<vmem>> -> memref<1x40xi32, #tpu.memory_space<vmem>>
            %dma_wait3A_272 = tpu.memref_squeeze %dma_wait3A_271 : memref<1x40xi32, #tpu.memory_space<vmem>> -> memref<40xi32, #tpu.memory_space<vmem>>
            %dma_wait3A_273 = arith.constant 0 : i32
            %dma_wait3A_274 = arith.constant 0 : i32
            %dma_wait3A_275 = tpu.memref_slice %arg17[%dma_wait3A_273, %dma_wait3A_274] : memref<10240x128xf32, #tpu.memory_space<vmem_shared>> -> memref<10240x128xf32, #tpu.memory_space<vmem_shared>>
            tpu.wait_indirect_dma semaphore(%run_scoped3A_263 : memref<!tpu.dma_semaphore, #tpu.memory_space<semaphore_mem>>) src(%arg13 : memref<40x128xf32, #tpu.memory_space<vmem>>) dst(%dma_wait3A_275 : memref<10240x128xf32, #tpu.memory_space<vmem_shared>>)
            tpu.yield
          }) : () -> ()
        } else {
        }
      } else {
      }
    }
    %scan3A_42 = arith.constant 250 : i32
    %barrier3A_43 = arith.constant 0 : index
    tpu.barrier barrier_id(%barrier3A_43)
    %mul3A_44 = arith.constant 640 : i32
    %mul3A_45 = arith.muli %arg1, %mul3A_44 : i32
    %mul3A_46 = arith.constant 640 : i32
    %mul3A_47 = arith.muli %arg1, %mul3A_46 : i32
    "tpu.region"() ({
      %run_scoped3A_48 = tpu.sem_alloc : memref<!tpu.dma_semaphore, #tpu.memory_space<semaphore_mem>>
      %dma_start3A_49 = arith.constant 0 : i32
      %dma_start3A_50 = tpu.memref_slice %arg6[%arg0, %mul3A_47, %dma_start3A_49] : memref<2x10240x128xf32, #tpu.memory_space<hbm>> -> memref<1x640x128xf32, #tpu.memory_space<hbm>>
      %dma_start3A_51 = tpu.memref_squeeze %dma_start3A_50 : memref<1x640x128xf32, #tpu.memory_space<hbm>> -> memref<640x128xf32, #tpu.memory_space<hbm>>
      %dma_start3A_52 = arith.constant 0 : i32
      %dma_start3A_53 = tpu.memref_slice %arg17[%mul3A_45, %dma_start3A_52] : memref<10240x128xf32, #tpu.memory_space<vmem_shared>> -> memref<640x128xf32, #tpu.memory_space<vmem_shared>>
      tpu.enqueue_dma source(%dma_start3A_53 : memref<640x128xf32, #tpu.memory_space<vmem_shared>>) target(%dma_start3A_51 : memref<640x128xf32, #tpu.memory_space<hbm>>) target_semaphore(%run_scoped3A_48 : memref<!tpu.dma_semaphore, #tpu.memory_space<semaphore_mem>>)
      %dma_wait3A = arith.constant 0 : i32
      %dma_wait3A_54 = tpu.memref_slice %arg6[%arg0, %mul3A_47, %dma_wait3A] : memref<2x10240x128xf32, #tpu.memory_space<hbm>> -> memref<1x640x128xf32, #tpu.memory_space<hbm>>
      %dma_wait3A_55 = tpu.memref_squeeze %dma_wait3A_54 : memref<1x640x128xf32, #tpu.memory_space<hbm>> -> memref<640x128xf32, #tpu.memory_space<hbm>>
      %dma_wait3A_56 = arith.constant 0 : i32
      %dma_wait3A_57 = tpu.memref_slice %arg17[%mul3A_45, %dma_wait3A_56] : memref<10240x128xf32, #tpu.memory_space<vmem_shared>> -> memref<640x128xf32, #tpu.memory_space<vmem_shared>>
      tpu.wait_dma2 semaphore(%run_scoped3A_48 : memref<!tpu.dma_semaphore, #tpu.memory_space<semaphore_mem>>) src(%dma_wait3A_57 : memref<640x128xf32, #tpu.memory_space<vmem_shared>>) dst(%dma_wait3A_55 : memref<640x128xf32, #tpu.memory_space<hbm>>)
      tpu.yield
    }) : () -> ()
    return
  }
}

module attributes {stable_mosaic.version = 14 : i64} {
  func.func @_prelude_body(%arg0: i32, %arg1: memref<10000x16xf32, #tpu.memory_space<vmem>>, %arg2: memref<272x128xf32, #tpu.memory_space<vmem>>, %arg3: memref<1x128xf32, #tpu.memory_space<vmem>>, %arg4: memref<10000x128xf32, #tpu.memory_space<vmem>>, %arg5: memref<5000x128xi32, #tpu.memory_space<vmem>>, %arg6: memref<10000x128xf32, #tpu.memory_space<vmem>>, %arg7: memref<10000x128xf32, #tpu.memory_space<vmem>>) attributes {dimension_semantics = [#tpu.dimension_semantics<arbitrary>], iteration_bounds = array<i64: 32>, scalar_prefetch = 0 : i64, scratch_operands = 0 : i64, tpu.core_type = #tpu.core_type<tc>, window_params = [{transform_indices = @transform_0, window_bounds = array<i64: 10000, 16>}, {pipeline_mode = #tpu.pipeline_mode<synchronous>, transform_indices = @transform_1, window_bounds = array<i64: 272, 128>}, {pipeline_mode = #tpu.pipeline_mode<synchronous>, transform_indices = @transform_2, window_bounds = array<i64: 1, 128>}, {pipeline_mode = #tpu.pipeline_mode<synchronous>, transform_indices = @transform_3, window_bounds = array<i64: 10000, 128>}, {transform_indices = @transform_4, window_bounds = array<i64: 5000, 128>}, {pipeline_mode = #tpu.pipeline_mode<synchronous>, transform_indices = @transform_5, window_bounds = array<i64: 10000, 128>}, {pipeline_mode = #tpu.pipeline_mode<synchronous>, transform_indices = @transform_6, window_bounds = array<i64: 10000, 128>}]} {
    %get3A = arith.constant 0 : index
    %get3A_0 = arith.constant 0 : index
    %get3A_1 = vector.load %arg1[%get3A, %get3A_0] : memref<10000x16xf32, #tpu.memory_space<vmem>>, vector<10000x16xf32>
    %convert_element_type3A = arith.truncf %get3A_1 : vector<10000x16xf32> to vector<10000x16xbf16>
    %get3A_2 = arith.constant 256 : index
    %get3A_3 = arith.constant 0 : index
    %get3A_4 = vector.load %arg2[%get3A_2, %get3A_3] : memref<272x128xf32, #tpu.memory_space<vmem>>, vector<16x128xf32>
    %convert_element_type3A_5 = arith.truncf %get3A_4 : vector<16x128xf32> to vector<16x128xbf16>
    %dot_general3A = arith.constant dense<0.000000e+00> : vector<10000x128xf32>
    %dot_general3A_6 = tpu.matmul %convert_element_type3A, %convert_element_type3A_5, %dot_general3A {dimension_numbers = #tpu.dot_dimension_numbers<[1], [0], [0], [1], [0, 0, 1, 1], [], []>, transpose_lhs_hint = false} : vector<10000x16xbf16>, vector<16x128xbf16>, vector<10000x128xf32> -> vector<10000x128xf32>
    %get3A_7 = arith.constant 0 : index
    %get3A_8 = arith.constant 0 : index
    %get3A_9 = vector.load %arg3[%get3A_7, %get3A_8] : memref<1x128xf32, #tpu.memory_space<vmem>>, vector<1x128xf32>
    %add3A = vector.broadcast %get3A_9 : vector<1x128xf32> to vector<10000x128xf32>
    %add3A_10 = arith.addf %dot_general3A_6, %add3A : vector<10000x128xf32>
    %bitcast_convert_type3A = tpu.bitcast %add3A_10 : vector<10000x128xf32> -> vector<10000x128xi32>
    %and3A = arith.constant -65536 : i32
    %and3A_11 = vector.broadcast %and3A : i32 to vector<10000x128xi32>
    %and3A_12 = arith.andi %bitcast_convert_type3A, %and3A_11 : vector<10000x128xi32>
    %slice3A = vector.extract_strided_slice %and3A_12 {offsets = [0, 0], sizes = [10000, 64], strides = [1, 1]} : vector<10000x128xi32> to vector<10000x64xi32>
    %shift_right_logical3A = arith.constant 16 : i32
    %shift_right_logical3A_13 = vector.broadcast %shift_right_logical3A : i32 to vector<10000x64xi32>
    %shift_right_logical3A_14 = arith.shrui %slice3A, %shift_right_logical3A_13 : vector<10000x64xi32>
    %slice3A_15 = vector.extract_strided_slice %and3A_12 {offsets = [0, 64], sizes = [10000, 64], strides = [1, 1]} : vector<10000x128xi32> to vector<10000x64xi32>
    %or3A = arith.ori %shift_right_logical3A_14, %slice3A_15 : vector<10000x64xi32>
    %slice3A_16 = vector.extract_strided_slice %or3A {offsets = [0, 0], sizes = [5000, 64], strides = [1, 1]} : vector<10000x64xi32> to vector<5000x64xi32>
    %slice3A_17 = vector.extract_strided_slice %or3A {offsets = [5000, 0], sizes = [5000, 64], strides = [1, 1]} : vector<10000x64xi32> to vector<5000x64xi32>
    %concatenate3A = tpu.concatenate %slice3A_16, %slice3A_17 in 1 : vector<5000x64xi32>, vector<5000x64xi32> -> vector<5000x128xi32>
    %bitcast_convert_type3A_18 = tpu.bitcast %concatenate3A : vector<5000x128xi32> -> vector<5000x128xi32>
    %swap3A = arith.constant 0 : index
    %swap3A_19 = arith.constant 0 : index
    %swap3A_20 = vector.load %arg5[%swap3A, %swap3A_19] : memref<5000x128xi32, #tpu.memory_space<vmem>>, vector<5000x128xi32>
    tpu.vector_store %arg5[%swap3A, %swap3A_19], %bitcast_convert_type3A_18 {strides = array<i32>} : memref<5000x128xi32, #tpu.memory_space<vmem>>, vector<5000x128xi32>,
    %eq3A = arith.constant 0 : i32
    %eq3A_21 = arith.cmpi eq, %arg0, %eq3A : i32
    %convert_element_type3A_22 = arith.extui %eq3A_21 : i1 to i32
    %cond3A = arith.constant 0 : i32
    %cond3A_23 = arith.cmpi ne, %convert_element_type3A_22, %cond3A : i32
    scf.if %cond3A_23 {
      %get3A_24 = arith.constant 0 : index
      %get3A_25 = arith.constant 0 : index
      %get3A_26 = vector.load %arg4[%get3A_24, %get3A_25] : memref<10000x128xf32, #tpu.memory_space<vmem>>, vector<10000x128xf32>
      %get3A_27 = arith.constant 0 : index
      %get3A_28 = arith.constant 0 : index
      %get3A_29 = vector.load %arg2[%get3A_27, %get3A_28] : memref<272x128xf32, #tpu.memory_space<vmem>>, vector<128x128xf32>
      %dot_general3A_30 = arith.constant dense<0.000000e+00> : vector<10000x128xf32>
      %dot_general3A_31 = tpu.matmul %get3A_26, %get3A_29, %dot_general3A_30 {dimension_numbers = #tpu.dot_dimension_numbers<[1], [0], [0], [1], [0, 0, 1, 1], [], []>, transpose_lhs_hint = false} : vector<10000x128xf32>, vector<128x128xf32>, vector<10000x128xf32> -> vector<10000x128xf32>
      %swap3A_32 = arith.constant 0 : index
      %swap3A_33 = arith.constant 0 : index
      %swap3A_34 = vector.load %arg6[%swap3A_32, %swap3A_33] : memref<10000x128xf32, #tpu.memory_space<vmem>>, vector<10000x128xf32>
      tpu.vector_store %arg6[%swap3A_32, %swap3A_33], %dot_general3A_31 {strides = array<i32>} : memref<10000x128xf32, #tpu.memory_space<vmem>>, vector<10000x128xf32>,
      %get3A_35 = arith.constant 128 : index
      %get3A_36 = arith.constant 0 : index
      %get3A_37 = vector.load %arg2[%get3A_35, %get3A_36] : memref<272x128xf32, #tpu.memory_space<vmem>>, vector<128x128xf32>
      %dot_general3A_38 = arith.constant dense<0.000000e+00> : vector<10000x128xf32>
      %dot_general3A_39 = tpu.matmul %get3A_26, %get3A_37, %dot_general3A_38 {dimension_numbers = #tpu.dot_dimension_numbers<[1], [0], [0], [1], [0, 0, 1, 1], [], []>, transpose_lhs_hint = false} : vector<10000x128xf32>, vector<128x128xf32>, vector<10000x128xf32> -> vector<10000x128xf32>
      %swap3A_40 = arith.constant 0 : index
      %swap3A_41 = arith.constant 0 : index
      %swap3A_42 = vector.load %arg7[%swap3A_40, %swap3A_41] : memref<10000x128xf32, #tpu.memory_space<vmem>>, vector<10000x128xf32>
      tpu.vector_store %arg7[%swap3A_40, %swap3A_41], %dot_general3A_39 {strides = array<i32>} : memref<10000x128xf32, #tpu.memory_space<vmem>>, vector<10000x128xf32>,
    } else {
    }
    return
  }
  func.func @transform_0(%arg0: i32) -> (i32, i32) {
    %c0_i32 = arith.constant 0 : i32
    %c0_i32_0 = arith.constant 0 : i32
    return %arg0, %c0_i32 : i32, i32
  }
  func.func @transform_1(%arg0: i32) -> (i32, i32) {
    %c0_i32 = arith.constant 0 : i32
    %c0_i32_0 = arith.constant 0 : i32
    %c0_i32_1 = arith.constant 0 : i32
    return %c0_i32, %c0_i32_0 : i32, i32
  }
  func.func @transform_2(%arg0: i32) -> (i32, i32) {
    %c0_i32 = arith.constant 0 : i32
    %c0_i32_0 = arith.constant 0 : i32
    %c0_i32_1 = arith.constant 0 : i32
    return %c0_i32, %c0_i32_0 : i32, i32
  }
  func.func @transform_3(%arg0: i32) -> (i32, i32) {
    %c0_i32 = arith.constant 0 : i32
    %c0_i32_0 = arith.constant 0 : i32
    %c0_i32_1 = arith.constant 0 : i32
    return %c0_i32, %c0_i32_0 : i32, i32
  }
  func.func @transform_4(%arg0: i32) -> (i32, i32) {
    %c0_i32 = arith.constant 0 : i32
    %c0_i32_0 = arith.constant 0 : i32
    return %arg0, %c0_i32 : i32, i32
  }
  func.func @transform_5(%arg0: i32) -> (i32, i32) {
    %c0_i32 = arith.constant 0 : i32
    %c0_i32_0 = arith.constant 0 : i32
    %c0_i32_1 = arith.constant 0 : i32
    return %c0_i32, %c0_i32_0 : i32, i32
  }
  func.func @transform_6(%arg0: i32) -> (i32, i32) {
    %c0_i32 = arith.constant 0 : i32
    %c0_i32_0 = arith.constant 0 : i32
    %c0_i32_1 = arith.constant 0 : i32
    return %c0_i32, %c0_i32_0 : i32, i32
  }
}

module attributes {stable_mosaic.version = 14 : i64} {
  func.func @_update_body(%arg0: memref<10000x128xf32, #tpu.memory_space<vmem>>, %arg1: memref<2x10240x128xf32, #tpu.memory_space<vmem>>, %arg2: memref<256x128xf32, #tpu.memory_space<vmem>>, %arg3: memref<1x128xf32, #tpu.memory_space<vmem>>, %arg4: memref<10000x128xf32, #tpu.memory_space<vmem>>, %arg5: memref<1x128xf32, #tpu.memory_space<vmem>>) attributes {dimension_semantics = [], scalar_prefetch = 0 : i64, scratch_operands = 0 : i64, tpu.core_type = #tpu.core_type<tc>} {
    %get3A = arith.constant 0 : index
    %get3A_0 = arith.constant 0 : index
    %get3A_1 = arith.constant 0 : index
    %get3A_2 = vector.load %arg1[%get3A, %get3A_0, %get3A_1] : memref<2x10240x128xf32, #tpu.memory_space<vmem>>, vector<1x10240x128xf32>
    %get3A_3 = vector.shape_cast %get3A_2 : vector<1x10240x128xf32> to vector<10240x128xf32>
    %get3A_4 = arith.constant 1 : index
    %get3A_5 = arith.constant 0 : index
    %get3A_6 = arith.constant 0 : index
    %get3A_7 = vector.load %arg1[%get3A_4, %get3A_5, %get3A_6] : memref<2x10240x128xf32, #tpu.memory_space<vmem>>, vector<1x10240x128xf32>
    %get3A_8 = vector.shape_cast %get3A_7 : vector<1x10240x128xf32> to vector<10240x128xf32>
    %add3A = arith.addf %get3A_3, %get3A_8 : vector<10240x128xf32>
    %slice3A = vector.extract_strided_slice %add3A {offsets = [0, 0], sizes = [10000, 128], strides = [1, 1]} : vector<10240x128xf32> to vector<10000x128xf32>
    %get3A_9 = arith.constant 0 : index
    %get3A_10 = arith.constant 0 : index
    %get3A_11 = vector.load %arg0[%get3A_9, %get3A_10] : memref<10000x128xf32, #tpu.memory_space<vmem>>, vector<10000x128xf32>
    %get3A_12 = arith.constant 0 : index
    %get3A_13 = arith.constant 0 : index
    %get3A_14 = vector.load %arg2[%get3A_12, %get3A_13] : memref<256x128xf32, #tpu.memory_space<vmem>>, vector<128x128xf32>
    %dot_general3A = arith.constant dense<0.000000e+00> : vector<10000x128xf32>
    %dot_general3A_15 = tpu.matmul %get3A_11, %get3A_14, %dot_general3A {dimension_numbers = #tpu.dot_dimension_numbers<[1], [0], [0], [1], [0, 0, 1, 1], [], []>, transpose_lhs_hint = false} : vector<10000x128xf32>, vector<128x128xf32>, vector<10000x128xf32> -> vector<10000x128xf32>
    %get3A_16 = arith.constant 128 : index
    %get3A_17 = arith.constant 0 : index
    %get3A_18 = vector.load %arg2[%get3A_16, %get3A_17] : memref<256x128xf32, #tpu.memory_space<vmem>>, vector<128x128xf32>
    %dot_general3A_19 = arith.constant dense<0.000000e+00> : vector<10000x128xf32>
    %dot_general3A_20 = tpu.matmul %slice3A, %get3A_18, %dot_general3A_19 {dimension_numbers = #tpu.dot_dimension_numbers<[1], [0], [0], [1], [0, 0, 1, 1], [], []>, transpose_lhs_hint = false} : vector<10000x128xf32>, vector<128x128xf32>, vector<10000x128xf32> -> vector<10000x128xf32>
    %add3A_21 = arith.addf %dot_general3A_15, %dot_general3A_20 : vector<10000x128xf32>
    %get3A_22 = arith.constant 0 : index
    %get3A_23 = arith.constant 0 : index
    %get3A_24 = vector.load %arg3[%get3A_22, %get3A_23] : memref<1x128xf32, #tpu.memory_space<vmem>>, vector<1x128xf32>
    %add3A_25 = vector.broadcast %get3A_24 : vector<1x128xf32> to vector<10000x128xf32>
    %add3A_26 = arith.addf %add3A_21, %add3A_25 : vector<10000x128xf32>
    %max3A = arith.constant 0.000000e+00 : f32
    %max3A_27 = vector.broadcast %max3A : f32 to vector<10000x128xf32>
    %max3A_28 = arith.maximumf %add3A_26, %max3A_27 : vector<10000x128xf32>
    %swap3A = arith.constant 0 : index
    %swap3A_29 = arith.constant 0 : index
    %swap3A_30 = vector.load %arg4[%swap3A, %swap3A_29] : memref<10000x128xf32, #tpu.memory_space<vmem>>, vector<10000x128xf32>
    tpu.vector_store %arg4[%swap3A, %swap3A_29], %max3A_28 {strides = array<i32>} : memref<10000x128xf32, #tpu.memory_space<vmem>>, vector<10000x128xf32>,
    %reduce_sum3A = arith.constant dense<0.000000e+00> : vector<128xf32>
    %reduce_sum3A_31 = vector.multi_reduction <add>, %max3A_28, %reduce_sum3A [0] : vector<10000x128xf32> to vector<128xf32>
    %broadcast_in_dim3A = vector.shape_cast %reduce_sum3A_31 : vector<128xf32> to vector<1x128xf32>
    %swap3A_32 = arith.constant 0 : index
    %swap3A_33 = arith.constant 0 : index
    %swap3A_34 = vector.load %arg5[%swap3A_32, %swap3A_33] : memref<1x128xf32, #tpu.memory_space<vmem>>, vector<1x128xf32>
    tpu.vector_store %arg5[%swap3A_32, %swap3A_33], %broadcast_in_dim3A {strides = array<i32>} : memref<1x128xf32, #tpu.memory_space<vmem>>, vector<1x128xf32>,
    return
  }
}

</mosaic_0001>

<sc_bundles>
// kernel: kernel.5.cloned.1.call-start
scs
__scs_entry_jumppad:
0x0: {  	(pc) =	sbr.rel $0x88, $3  }
0x1: {  	(tag) =	ssettag $0x0;
	lr =	simm.s32 $0x1  }
0x2: {  	[smem:$0x3F9A] =	sst lr;
	_ =	strace $0xD0000000  }
0x3: {  	_ = 	snop  }
0x4: {  	_ = 	snop  }
0x5: {  	_ = 	snop  }
0x6: {  	_ = 	snop  }
0x7: {  	_ = 	snop  }
__scs_overlays_trampoline_lowered:
0x8: {  	[smem:$0x3FA9] =	sst s0  }
0x9: {  	[smem:$0x3FAA] =	sst s1  }
0xa: {  	[smem:$0x3FAB] =	sst s2  }
0xb: {  	[smem:$0x3FAC] =	sst s3  }
0xc: {  	[smem:$0x3FAD] =	sst s4  }
0xd: {  	[smem:$0x3FAE] =	sst s5  }
0xe: {  	[smem:$0x3FAF] =	sst s6  }
0xf: {  	[smem:$0x3FB0] =	sst s7  }
0x10: {  	[smem:$0x3FB1] =	sst s8  }
0x11: {  	[smem:$0x3FB2] =	sst s9;
	s0 =	simm.s32 @!p0 $0x0  }
0x12: {  	s1 =	sld [smem:$0x3F98];
	s0 =	simm.s32 @p0 $0x1  }
0x13: {  	[smem:$0x3FB3] =	sst s0;
	s0 =	simm.s32 @!p1 $0x0  }
0x14: {  	s2 =	sld [smem:$0x3F97];
	s0 =	simm.s32 @p1 $0x1  }
0x15: {  	[smem:$0x3FB4] =	sst s0;
	s0 =	simm.s32 @!p2 $0x0  }
0x16: {  	s3 =	sld [smem:$0x3FDB];
	s0 =	simm.s32 @p2 $0x1  }
0x17: {  	s4 =	simm.s32 $0x1BF5;
	[smem:$0x3FB6] =	sst s0  }
0x18: {  	s0 =	sld [smem:$0x3F99];
	_ =	swait.ge [sflag:s4], $0x0  }
0x19: {  	s7 =	sld [smem:$0x3F9A]  }
0x1a: {  	s8 =	sadd.s32 $0xFFFFE003, lr  }
0x1b: {  	s9 =	sadd.s32 $0xFFFFFEF7, lr;
	s5 =	simm.s32 $0xFFFFFFFF;
	p2 =	slt.u32 s8, $0xFFFFF086  }
0x1c: {  	p1 =	slt.u32 s9, $0xF7A;
	s5 =	simm.s32 @!p2 $0x0  }
0x1d: {  	s5 =	simm.s32 @p1 $0x1;
	p0 =	seq.s32 s7, s2  }
0x1e: {  	s7 =	smul.u32 @!p0 $0xF7A, s2;
	p2 =	seq.s32 @!p0 s5, $0x0  }
0x1f: {  	s9 =	smul.u32 $0xF7A, s1;
	s8 =	simm.s32 @!p0 $0x1BF5;
	p2 =	por !p2, p0  }
0x20: {  	[sflag:s8] =	ssyncset.s32 @!p0 $0xFFFFF086;
	s6 =	sadd.s32 @!p0 s3, s7;
	s7 =	simm.s32 @!p0 $0x108  }
0x21: {  	s3 =	sadd.s32 s3, s9;
	s6 =	sadd.s32 @!p0 $0x88, s6;
	s7 =	simm.s32 @p2 $0x1082  }
0x22: {  	[simem:s7], [sflag:s8] =	dma.local @!p0 [hbm:s6], $0xF7A  }
0x23: {  	s9 =	sor.u32 $0xD0000000, s2;
	s6 =	simm.s32 $0x108;
	_ =	swait.ge @!p0 [sflag:s8], $0x0  }
0x24: {  	s3 =	sadd.s32 $0x88, s3;
	s6 =	simm.s32 @!p1 $0x1082;
	[sflag:s4] =	ssyncset.s32 $0xFFFFF086  }
0x25: {  	[simem:s6], [sflag:s4] =	dma.local [hbm:s3], $0xF7A  }
0x26: {  	[smem:$0x3F9A] =	sst s1;
	(tag) =	ssettag s2;
	_ =	strace s9  }
0x27: {  	s1 =	sld [smem:$0x3FAA]  }
0x28: {  	s2 =	sld [smem:$0x3FAB]  }
0x29: {  	s4 =	sld [smem:$0x3FAD]  }
0x2a: {  	p0 =	seq.s32 s5, $0x0;
	s5 =	sld [smem:$0x3FAE]  }
0x2b: {  	s6 =	sld [smem:$0x3FAF]  }
0x2c: {  	s7 =	sld [smem:$0x3FB0]  }
0x2d: {  	s3 =	simm.s32 $0x108;
	s8 =	sld [smem:$0x3FB1]  }
0x2e: {  	s3 =	simm.s32 @!p0 $0x1082;
	s9 =	sld [smem:$0x3FB2]  }
0x2f: {  	lr =	sadd.s32 s0, s3;
	s0 =	sld [smem:$0x3FA9]  }
0x30: {  	s3 =	sld [smem:$0x3FAC]  }
0x31: {  	[smem:$0x3FB5] =	sst s10  }
0x32: {  	s10 =	sld [smem:$0x3FB3];
	_ =	sdelay $0x3  }
0x33: {  	p0 =	seq.s32 s10, $0x1;
	s10 =	sld [smem:$0x3FB5];
	_ =	sdelay $0x3  }
0x34: {  	[smem:$0x3FB5] =	sst s10  }
0x35: {  	s10 =	sld [smem:$0x3FB4];
	_ =	sdelay $0x3  }
0x36: {  	p1 =	seq.s32 s10, $0x1;
	s10 =	sld [smem:$0x3FB5];
	_ =	sdelay $0x3  }
0x37: {  	[smem:$0x3FB5] =	sst s10  }
0x38: {  	s10 =	sld [smem:$0x3FB6]  }
0x39: {  	_ = 	snop;
	(pc) =	sbr.ind lr, $3  }
0x3a: {  	_ = 	snop  }
0x3b: {  	_ = 	snop  }
0x3c: {  	p2 =	seq.s32 s10, $0x1;
	s10 =	sld [smem:$0x3FB5]  }
0x3d: {  	_ =	shalt  }
0x3e: {  	_ =	shalt  }
0x3f: {  	_ =	shalt  }
0x40: {  	_ =	shalt  }
0x41: {  	_ =	shalt  }
0x42: {  	_ =	shalt  }
0x43: {  	_ =	shalt  }
0x44: {  	_ =	shalt  }
0x45: {  	_ =	shalt  }
0x46: {  	_ =	shalt  }
0x47: {  	_ =	shalt  }
0x48: {  	_ =	shalt  }
0x49: {  	_ =	shalt  }
0x4a: {  	_ =	shalt  }
0x4b: {  	_ =	shalt  }
0x4c: {  	_ =	shalt  }
0x4d: {  	_ =	shalt  }
0x4e: {  	_ =	shalt  }
0x4f: {  	_ =	shalt  }
0x50: {  	_ =	shalt  }
0x51: {  	_ =	shalt  }
0x52: {  	_ =	shalt  }
0x53: {  	_ =	shalt  }
0x54: {  	_ =	shalt  }
0x55: {  	_ =	shalt  }
0x56: {  	_ =	shalt  }
0x57: {  	_ =	shalt  }
0x58: {  	_ =	shalt  }
0x59: {  	_ =	shalt  }
0x5a: {  	_ =	shalt  }
0x5b: {  	_ =	shalt  }
0x5c: {  	_ =	shalt  }
0x5d: {  	_ =	shalt  }
0x5e: {  	_ =	shalt  }
0x5f: {  	_ =	shalt  }
0x60: {  	_ =	shalt  }
0x61: {  	_ =	shalt  }
0x62: {  	_ =	shalt  }
0x63: {  	_ =	shalt  }
0x64: {  	_ =	shalt  }
0x65: {  	_ =	shalt  }
0x66: {  	_ =	shalt  }
0x67: {  	_ =	shalt  }
0x68: {  	_ =	shalt  }
0x69: {  	_ =	shalt  }
0x6a: {  	_ =	shalt  }
0x6b: {  	_ =	shalt  }
0x6c: {  	_ =	shalt  }
0x6d: {  	_ =	shalt  }
0x6e: {  	_ =	shalt  }
0x6f: {  	_ =	shalt  }
0x70: {  	_ =	shalt  }
0x71: {  	_ =	shalt  }
0x72: {  	_ =	shalt  }
0x73: {  	_ =	shalt  }
0x74: {  	_ =	shalt  }
0x75: {  	_ =	shalt  }
0x76: {  	_ =	shalt  }
0x77: {  	_ =	shalt  }
0x78: {  	_ =	shalt  }
0x79: {  	_ =	shalt  }
0x7a: {  	_ =	shalt  }
0x7b: {  	_ =	shalt  }
0x7c: {  	_ =	shalt  }
0x7d: {  	_ =	shalt  }
0x7e: {  	_ =	shalt  }
0x7f: {  	_ =	shalt  }
0x80: {  	_ =	shalt  }
0x81: {  	_ =	shalt  }
0x82: {  	_ =	shalt  }
0x83: {  	_ =	shalt  }
0x84: {  	_ =	shalt  }
0x85: {  	_ =	shalt  }
0x86: {  	_ =	shalt  }
0x87: {  	_ =	shalt  }
.Lfunc_end0:
.L_simem_size_0:
called_computation_lowered:
.L_overlay_start_0:
0x88: {  	s2 =	sld [smem:$0x3FD9]  }
0x89: {  	s3 =	sld [smem:$0x3FFE];
	_ =	sdelay $0x1  }
0x8a: {  	s1 =	srdreg.scid  }
0x8b: {  	s0 =	sand.u32 $0x1, s1  }
0x8c: {  	s14 =	sshll.u32 s0, $0xA;
	s2 =	sadd.s32 s3, s2  }
0x8d: {  	s2 =	sadd.s32 s2, s14  }
0x8e: {  	[smem:$0x3FC1] =	sst s2  }
0x8f: {  	_ = 	snop  }
0x90: {  	s2 =	sld [smem:$0x3FD0];
	_ =	sdelay $0x2  }
0x91: {  	s15 =	simm.s32 $0xA;
	s4 =	simm.s32 $0x10  }
0x92: {  	[smem:s4], [sflag:s15] =	dma.local [hbm:s2], $0x1  }
0x93: {  	_ =	swait.eq [sflag:s15], $0x1  }
0x94: {  	[sflag:s15] =	ssyncset.done $0x0  }
0x95: {  	[sflag:s15] =	ssyncadd.s32 $0xFFFFFFFF  }
0x96: {  	s16 =	sld [smem:$0x10];
	(tm) =	ssettm $0x1  }
0x97: {  	s17 =	sld [smem:$0x3FFB];
	_ =	sdelay $0x3  }
0x98: {  	_ =	strace s17  }
0x99: {  	s3 =	sld [smem:$0x3FFC];
	_ =	sdelay $0x3  }
0x9a: {  	_ =	strace s3  }
0x9b: {  	s3 =	sld [smem:$0x3FFD];
	_ =	sdelay $0x3  }
0x9c: {  	_ =	strace s3  }
0x9d: {  	_ =	strace $0x8FFFFFFF  }
0x9e: {  	s18 =	sld [smem:$0x3FDB];
	_ =	sdelay $0x1  }
0x9f: {  	s19 =	simm.s32 $_scs_section_size  }
0xa0: {  	s5 =	simm.s32 $_size__tile_overlayer_lowered;
	s6 =	simm.s32 $_tile_overlayer_lowered  }
0xa1: {  	s22 =	simm.s32 $0x1BFF;
	s21 =	sshll.u32 s6, $0x1;
	s3 =	sadd.s32 s19, s18  }
0xa2: {  	s7 =	simm.s32 $0x0;
	s20 =	sshll.u32 s5, $0x1;
	s5 =	sadd.s32 s21, s3  }
0xa3: {  	[timem:s7], [sflag:s22] =	dma.local [hbm:s5], s20  }
0xa4: {  	_ =	swait.ge [sflag:s22], s20  }
0xa5: {  	s4 =	ssub.s32 $0x0, s20;
	[sflag:s22] =	ssyncset.done $0x0  }
0xa6: {  	[sflag:s22] =	ssyncadd.s32 s4;
	_ =	sdelay $0x1  }
0xa7: {  	s23 =	simm.s32 $0x1B8B  }
0xa8: {  	_ =	swait.ge [sflag:s23], $0x1  }
0xa9: {  	[sflag:s23] =	ssyncset.done $0x0  }
0xaa: {  	s25 =	simm.s32 $0x1B8E;
	s24 =	sld [smem:$0x3FFE];
	[sflag:s23] =	ssyncadd.s32 $0xFFFFFFFF  }
0xab: {  	s26 =	simm.s32 $execute0_lowered;
	[smem:$0x3FD2] =	sst s25  }
0xac: {  	s5 =	sshll.u32 s26, $0x1;
	_ =	strace $0x80000046;
	[dreg:$0x1] =	wrdreg $0xFFFFFFFF  }
0xad: {  	s28 =	simm.s32 $_size_execute0_lowered;
	s3 =	sadd.s32 s3, s5;
	[dreg:$0x0] =	wrdreg $0x0  }
0xae: {  	s5 =	sshll.u32 s28, $0x1;
	[dreg:$0x2] =	wrdreg s3  }
0xaf: {  	[dreg:$0x3] =	wrdreg s5  }
0xb0: {  	[dreg:$0x4] =	wrdreg $0xC0  }
0xb1: {  	_ =	task [dreg:s7], $0x5FFFF  }
0xb2: {  	[dreg:$0x1] =	wrdreg $0xFFFFFFFF  }
0xb3: {  	[dreg:$0x0] =	wrdreg $0x60  }
0xb4: {  	[dreg:$0x2] =	wrdreg s16  }
0xb5: {  	[dreg:$0x3] =	wrdreg s24  }
0xb6: {  	[dreg:$0x4] =	wrdreg $0xB8000  }
0xb7: {  	[dreg:$0x5] =	wrdreg $0x9  }
0xb8: {  	_ =	task.clear_ibuf [dreg:s7], $0x6FFFF;
	_ =	strace $0x90000046  }
0xb9: {  	s29 =	simm.s32 $0x9;
	_ =	strace $0x80000048  }
0xba: {  	_ =	swait.ge [sflag:s29], $0x1  }
0xbb: {  	[sflag:s29] =	ssyncadd.s32 $0xFFFFFFFF  }
0xbc: {  	_ =	strace $0x90000048  }
0xbd: {  	_ =	sfence  }
0xbe: {  	s30 =	sld [smem:$0x0];
	_ =	sdelay $0x2  }
0xbf: {  	s31 =	sshll.u32 s1, $0xD;
	s1 =	sshrl.u32 s1, $0x2  }
0xc0: {  	s3 =	sand.u32 $0x4000, s31;
	s1 =	sadd.s32 s1, s30  }
0xc1: {  	s0 =	sor.u32 s3, s0;
	s1 =	sshll.u32 s1, $0x11  }
0xc2: {  	s0 =	sor.u32 s1, s0  }
0xc3: {  	s0 =	sadd.s32 $0x8F2B, s0  }
0xc4: {  	[sflag:s0] =	ssyncadd.remote.s32 $0x1  }
0xc5: {  	_ =	sfence.sel $0xFFFF  }
0xc6: {  	[dreg:$0x0] =	wrdreg $0xFFFFFFFF;
	(pc) =	sbr.abs _section_cstart, $3  }
0xc7: {  	[dreg:$0x1] =	wrdreg $0xFFFFFFFF  }
0xc8: {  	_ =	task.clear_ibuf [dreg:s7], $0x2FFFF;
	_ =	strace $0x9FFFFFFF  }
0xc9: {  	(tm) =	ssettm $0x7FFFFFFF  }
tec
execute0_lowered:
.L_overlay_start_1:
0x0: {  	(tag) =	ssettag $0x1  }
0x1: {  	s1 =	rddreg [dreg:$0x0]  }
0x2: {  	s0 =	rddreg [dreg:$0x1];
	s13 =	stileid.u32  }
0x3: {  	s3 =	srdreg.scid;
	s8 =	smul.u32 $0x14000, s13  }
0x4: {  	s3 =	sand.u32 $0x1, s3;
	s9 =	sshll.u32 s13, $0x1;
	s13 =	smul.u32 $0x50000, s13  }
0x5: {  	s7 =	smul.u32 $0x140000, s3;
	s9 =	sor.u32 s3, s9;
	s3 =	ssub.s32 $0x2, s3  }
0x6: {  	s2 =	rddreg [dreg:$0x2];
	s30 =	sshrl.u32 s3, $0x1  }
0x7: {  	s4 =	simm.s32 $0x0;
	s14 =	sshrl.u32 s13, $0x2;
	s3 =	ssub.s32 s3, s30  }
0x8: {  	[smem:$0x7FF] =	sst s4;
	s14 =	sadd.s32 s14, s2;
	s15 =	smax.u32 s3, $0x1  }
0x9: {  	_ =	strace $0x80000047;
	s16 =	sadd.s32 $0x1400, s14;
	[dreg:$0x8] =	wrdreg s15  }
0xa: {  	s17 =	sadd.s32 $0x2800, s14;
	[dreg:$0x9] =	wrdreg s16  }
0xb: {  	s18 =	sadd.s32 $0x3C00, s14;
	[dreg:$0xa] =	wrdreg s17  }
0xc: {  	s19 =	sadd.s32 $0x5000, s14;
	[dreg:$0xb] =	wrdreg s18  }
0xd: {  	s5 =	sadd.s32 $0x1E00, s0;
	s20 =	sadd.s32 $0x6400, s14;
	[dreg:$0xc] =	wrdreg s19  }
0xe: {  	s6 =	sadd.s32 $0x533E00, s0;
	s21 =	sadd.s32 $0x7800, s14;
	[dreg:$0xd] =	wrdreg s20  }
0xf: {  	s11 =	smul.u32 $0x13880, s9;
	s22 =	sadd.s32 $0x8C00, s14;
	[dreg:$0xe] =	wrdreg s21  }
0x10: {  	s13 =	simm.s32 $0x7C00;
	s23 =	sadd.s32 $0xA000, s14;
	[dreg:$0xf] =	wrdreg s22  }
0x11: {  	s8 =	sadd.s32 s8, s7;
	s24 =	sadd.s32 $0xB400, s14;
	[dreg:$0x10] =	wrdreg s23  }
0x12: {  	s7 =	sadd.s32 $0x4E3E00, s0;
	s25 =	sadd.s32 $0xC800, s14;
	[dreg:$0x11] =	wrdreg s24  }
0x13: {  	s10 =	sshrl.u32 s8, $0x3;
	s26 =	sadd.s32 $0xDC00, s14;
	[dreg:$0x12] =	wrdreg s25  }
0x14: {  	s8 =	smul.u32 $0xA000, s9;
	s28 =	sadd.s32 $0xF000, s14;
	[dreg:$0x13] =	wrdreg s26  }
0x15: {  	s9 =	smul.u32 $0x1388, s9;
	s29 =	sadd.s32 $0x10400, s14;
	[dreg:$0x14] =	wrdreg s28  }
0x16: {  	s30 =	sadd.s32 $0x11800, s14;
	s3 =	simm.s32 $0x7;
	[dreg:$0x15] =	wrdreg s29  }
0x17: {  	s0 =	sadd.s32 s10, s0;
	[dreg:$0x16] =	wrdreg s30;
	s15 =	simm.s32 $0x1  }
0x18: {  	s16 =	simm.s32 $0x2;
	s17 =	simm.s32 $0x5;
	s18 =	simm.s32 $0x6  }
0x19: {  	s19 =	simm.s32 $0x8;
	s12 =	sshrl.u32 s8, $0x3;
	s0 =	sadd.s32 $0x29000, s0  }
.Ltmp0:
0x1a: {  	s31 =	sadd.s32 s7, s12;
	[dreg:$0x7] =	wrdreg s0;
	(pc) =	sbr.rel .LBB2_1-.Ltmp0, $4  }
0x1b: {  	s20 =	simm.s32 $0x3;
	s12 =	sadd.s32 s6, s11;
	[dreg:$0x4] =	wrdreg s31  }
0x1c: {  	s21 =	simm.s32 $0x4;
	s10 =	sadd.s32 $0x28000, s31;
	[dreg:$0x6] =	wrdreg s12  }
0x1d: {  	s0 =	simm.s32 $0x4000;
	s31 =	sadd.s32 $0x12C00, s14;
	[dreg:$0x5] =	wrdreg s10  }
0x1e: {  	v0 =	vimm.f32 $0.0e+00;
	s11 =	simm.s32 $0x28;
	s12 =	simm.s32 $0x6800;
	[dreg:$0x17] =	wrdreg s31  }
.LBB2_42:
0x1f: {  	s10 =	stileid.u32  }
0x20: {  	[bflag:$0x0] =	sbarrier.arrive $0xFFFF;
	s10 =	sshll.u32 s10, $0x6  }
0x21: {  	s22 =	sshrl.u32 s14, $0x3;
	s23 =	rddreg [dreg:$0x7];
	s10 =	sor.u32 $0x1C07, s10  }
0x22: {  	[hbm:s23], [sflag:s10] =	dma.local [spmem:s22], $0x2800  }
0x23: {  	_ =	swait.ge [sflag:s3], $0x2800  }
0x24: {  	s4 =	sadd.s32 $0x1, s4;
	s31 =	rddreg [dreg:$0x8]  }
0x25: {  	p0 =	sne.s32 s4, s31  }
.Ltmp1:
0x26: {  	_ = 	snop;
	(pc) =	sbr.rel @!p0 .LBB2_43-.Ltmp1, $3  }
0x27: {  	_ =	sdelay $0x1  }
0x28: {  	[sflag:s3] =	ssyncset.done $0x0  }
0x29: {  	[sflag:s3] =	ssyncadd.s32 $0xFFFFD800  }
.LBB2_1:
0x2a: {  	s22 =	simm.s32 $0x0;
	s23 =	simm.s32 $0x200  }
.LBB2_2:
0x2b: {  	p0 =	sne.s32 s23, $0x4E00;
	[tilespmem:s22+$0x4070] =	vst v0  }
0x2c: {  	[tilespmem:s22+$0x4000] =	vst v0  }
0x2d: {  	[tilespmem:s22+$0x4010] =	vst v0  }
.Ltmp2:
0x2e: {  	[tilespmem:s22+$0x4020] =	vst v0;
	(pc) =	sbr.rel @p0 .LBB2_2-.Ltmp2, $4  }
0x2f: {  	[tilespmem:s22+$0x4030] =	vst v0  }
0x30: {  	[tilespmem:s22+$0x4040] =	vst v0  }
0x31: {  	[tilespmem:s22+$0x4050] =	vst v0  }
0x32: {  	[tilespmem:s22+$0x4060] =	vst v0;
	s22 =	sshra.s32 s23, $0x2;
	s23 =	sadd.s32 $0x200, s23  }
0x33: {  	[tilespmem:s22+$0x4070] =	vst v0  }
0x34: {  	[tilespmem:s22+$0x4000] =	vst v0  }
0x35: {  	[tilespmem:s22+$0x4010] =	vst v0  }
0x36: {  	[tilespmem:s22+$0x4020] =	vst v0  }
0x37: {  	[tilespmem:s22+$0x4030] =	vst v0  }
0x38: {  	[tilespmem:s22+$0x4040] =	vst v0  }
0x39: {  	[tilespmem:s22+$0x4050] =	vst v0  }
0x3a: {  	[tilespmem:s22+$0x4060] =	vst v0  }
0x3b: {  	[spmem:s14] =	stream.linear.scatter [tilespmem:s0], [sflag:$0x7], $0x1400, $0x38;
	[tilespmem:$0x1F800] =	vst v63  }
0x3c: {  	_ =	swait.ge [sflag:s3], $0x1400  }
0x3d: {  	[sflag:s3] =	ssyncset.done $0x0  }
0x3e: {  	s10 =	rddreg [dreg:$0x9];
	[sflag:s3] =	ssyncadd.s32 $0xFFFFEC00  }
0x3f: {  	[spmem:s10] =	stream.linear.scatter [tilespmem:s0], [sflag:$0x7], $0x1400, $0x38;
	[tilespmem:$0x1F800] =	vst v63  }
0x40: {  	_ =	swait.ge [sflag:s3], $0x1400  }
0x41: {  	[sflag:s3] =	ssyncset.done $0x0  }
0x42: {  	s31 =	rddreg [dreg:$0xa];
	[sflag:s3] =	ssyncadd.s32 $0xFFFFEC00  }
0x43: {  	[spmem:s31] =	stream.linear.scatter [tilespmem:s0], [sflag:$0x7], $0x1400, $0x38;
	[tilespmem:$0x1F800] =	vst v63  }
0x44: {  	_ =	swait.ge [sflag:s3], $0x1400  }
0x45: {  	[sflag:s3] =	ssyncset.done $0x0  }
0x46: {  	s22 =	rddreg [dreg:$0xb];
	[sflag:s3] =	ssyncadd.s32 $0xFFFFEC00  }
0x47: {  	[spmem:s22] =	stream.linear.scatter [tilespmem:s0], [sflag:$0x7], $0x1400, $0x38;
	[tilespmem:$0x1F800] =	vst v63  }
0x48: {  	_ =	swait.ge [sflag:s3], $0x1400  }
0x49: {  	[sflag:s3] =	ssyncset.done $0x0  }
0x4a: {  	s23 =	rddreg [dreg:$0xc];
	[sflag:s3] =	ssyncadd.s32 $0xFFFFEC00  }
0x4b: {  	[spmem:s23] =	stream.linear.scatter [tilespmem:s0], [sflag:$0x7], $0x1400, $0x38;
	[tilespmem:$0x1F800] =	vst v63  }
0x4c: {  	_ =	swait.ge [sflag:s3], $0x1400  }
0x4d: {  	[sflag:s3] =	ssyncset.done $0x0  }
0x4e: {  	s24 =	rddreg [dreg:$0xd];
	[sflag:s3] =	ssyncadd.s32 $0xFFFFEC00  }
0x4f: {  	[spmem:s24] =	stream.linear.scatter [tilespmem:s0], [sflag:$0x7], $0x1400, $0x38;
	[tilespmem:$0x1F800] =	vst v63  }
0x50: {  	_ =	swait.ge [sflag:s3], $0x1400  }
0x51: {  	[sflag:s3] =	ssyncset.done $0x0  }
0x52: {  	s25 =	rddreg [dreg:$0xe];
	[sflag:s3] =	ssyncadd.s32 $0xFFFFEC00  }
0x53: {  	[spmem:s25] =	stream.linear.scatter [tilespmem:s0], [sflag:$0x7], $0x1400, $0x38;
	[tilespmem:$0x1F800] =	vst v63  }
0x54: {  	_ =	swait.ge [sflag:s3], $0x1400  }
0x55: {  	[sflag:s3] =	ssyncset.done $0x0  }
0x56: {  	s26 =	rddreg [dreg:$0xf];
	[sflag:s3] =	ssyncadd.s32 $0xFFFFEC00  }
0x57: {  	[spmem:s26] =	stream.linear.scatter [tilespmem:s0], [sflag:$0x7], $0x1400, $0x38;
	[tilespmem:$0x1F800] =	vst v63  }
0x58: {  	_ =	swait.ge [sflag:s3], $0x1400  }
0x59: {  	[sflag:s3] =	ssyncset.done $0x0  }
0x5a: {  	s28 =	rddreg [dreg:$0x10];
	[sflag:s3] =	ssyncadd.s32 $0xFFFFEC00  }
0x5b: {  	[spmem:s28] =	stream.linear.scatter [tilespmem:s0], [sflag:$0x7], $0x1400, $0x38;
	[tilespmem:$0x1F800] =	vst v63  }
0x5c: {  	_ =	swait.ge [sflag:s3], $0x1400  }
0x5d: {  	[sflag:s3] =	ssyncset.done $0x0  }
0x5e: {  	s29 =	rddreg [dreg:$0x11];
	[sflag:s3] =	ssyncadd.s32 $0xFFFFEC00  }
0x5f: {  	[spmem:s29] =	stream.linear.scatter [tilespmem:s0], [sflag:$0x7], $0x1400, $0x38;
	[tilespmem:$0x1F800] =	vst v63  }
0x60: {  	_ =	swait.ge [sflag:s3], $0x1400  }
0x61: {  	[sflag:s3] =	ssyncset.done $0x0  }
0x62: {  	s30 =	rddreg [dreg:$0x12];
	[sflag:s3] =	ssyncadd.s32 $0xFFFFEC00  }
0x63: {  	[spmem:s30] =	stream.linear.scatter [tilespmem:s0], [sflag:$0x7], $0x1400, $0x38;
	[tilespmem:$0x1F800] =	vst v63  }
0x64: {  	_ =	swait.ge [sflag:s3], $0x1400  }
0x65: {  	[sflag:s3] =	ssyncset.done $0x0  }
0x66: {  	s31 =	rddreg [dreg:$0x13];
	[sflag:s3] =	ssyncadd.s32 $0xFFFFEC00  }
0x67: {  	[spmem:s31] =	stream.linear.scatter [tilespmem:s0], [sflag:$0x7], $0x1400, $0x38;
	[tilespmem:$0x1F800] =	vst v63  }
0x68: {  	_ =	swait.ge [sflag:s3], $0x1400  }
0x69: {  	[sflag:s3] =	ssyncset.done $0x0  }
0x6a: {  	s22 =	rddreg [dreg:$0x14];
	[sflag:s3] =	ssyncadd.s32 $0xFFFFEC00  }
0x6b: {  	[spmem:s22] =	stream.linear.scatter [tilespmem:s0], [sflag:$0x7], $0x1400, $0x38;
	[tilespmem:$0x1F800] =	vst v63  }
0x6c: {  	_ =	swait.ge [sflag:s3], $0x1400  }
0x6d: {  	[sflag:s3] =	ssyncset.done $0x0  }
0x6e: {  	s23 =	rddreg [dreg:$0x15];
	[sflag:s3] =	ssyncadd.s32 $0xFFFFEC00  }
0x6f: {  	[spmem:s23] =	stream.linear.scatter [tilespmem:s0], [sflag:$0x7], $0x1400, $0x38;
	[tilespmem:$0x1F800] =	vst v63  }
0x70: {  	_ =	swait.ge [sflag:s3], $0x1400  }
0x71: {  	[sflag:s3] =	ssyncset.done $0x0  }
0x72: {  	s24 =	rddreg [dreg:$0x16];
	[sflag:s3] =	ssyncadd.s32 $0xFFFFEC00  }
0x73: {  	[spmem:s24] =	stream.linear.scatter [tilespmem:s0], [sflag:$0x7], $0x1400, $0x38;
	[tilespmem:$0x1F800] =	vst v63  }
0x74: {  	_ =	swait.ge [sflag:s3], $0x1400  }
0x75: {  	[sflag:s3] =	ssyncset.done $0x0  }
0x76: {  	s25 =	rddreg [dreg:$0x17];
	[sflag:s3] =	ssyncadd.s32 $0xFFFFEC00  }
0x77: {  	[spmem:s25] =	stream.linear.scatter [tilespmem:s0], [sflag:$0x7], $0x1400, $0x38;
	[tilespmem:$0x1F800] =	vst v63  }
0x78: {  	_ =	swait.ge [sflag:s3], $0x1400  }
0x79: {  	[sflag:s3] =	ssyncset.done $0x0  }
0x7a: {  	[sflag:s3] =	ssyncadd.s32 $0xFFFFEC00  }
0x7b: {  	[bflag:$0x0] =	sbarrier.arrive $0xFFFF  }
0x7c: {  	s23 =	simm.s32 $0x0;
	s26 =	rddreg [dreg:$0x4]  }
0x7d: {  	[tilespmem:s23], [sflag:$0x7] =	stream.linear.gather [hbm4b:s26+s23], $0xC80, $0x38;
	[tilespmem:$0x1F800] =	vst v63  }
0x7e: {  	_ =	swait.ge [sflag:s3], $0xC80  }
0x7f: {  	[sflag:s3] =	ssyncset.done $0x0  }
0x80: {  	s29 =	simm.s32 $0x1000;
	s28 =	rddreg [dreg:$0x5];
	[sflag:s3] =	ssyncadd.s32 $0xFFFFF380  }
0x81: {  	[tilespmem:s29], [sflag:$0x7] =	stream.linear.gather [hbm4b:s28+s23], $0xC80, $0x38;
	[tilespmem:$0x1F800] =	vst v63  }
0x82: {  	_ =	swait.ge [sflag:s3], $0xC80  }
0x83: {  	[sflag:s3] =	ssyncset.done $0x0  }
0x84: {  	s24 =	simm.s32 $0x9000;
	s30 =	rddreg [dreg:$0x6];
	[sflag:s3] =	ssyncadd.s32 $0xFFFFF380  }
0x85: {  	[tilespmem:s24], [sflag:$0x5] =	stream.linear.gather [hbm4b:s30+s23], $0x1400, $0x38;
	[tilespmem:$0x1F800] =	vst v63  }
.Ltmp3:
0x86: {  	_ = 	snop;
	(pc) =	sbr.rel .LBB2_4-.Ltmp3, $4  }
0x87: {  	_ = 	snop  }
0x88: {  	[tilespmem:s0], [sflag:$0x1] =	stream.indirect.gather [hbm4b:s1+s11], $0x80, s23, s11, $0xb8;
	[tilespmem:$0x1F800] =	vst v63  }
0x89: {  	s31 =	simm.s32 $0x5400  }
0x8a: {  	[tilespmem:s31], [sflag:$0x2] =	stream.indirect.gather [hbm4b:s5+s11], $0x80, s29, s11, $0xb8;
	[tilespmem:$0x1F800] =	vst v63  }
.LBB2_31:
0x8b: {  	v18 =	vadd.f32 v18, v20;
	v8 =	vadd.f32 v8, v16;
	v2 =	vand.u32 $0xFFFF0000, v2;
	v60 =	vld [tilespmem:s23+$0x6800]  }
0x8c: {  	v17 =	vadd.f32 v17, v19;
	v7 =	vadd.f32 v7, v13;
	v61 =	vshll.u32 v1, $0x10  }
0x8d: {  	v6 =	vadd.f32 v6, v12;
	v18 =	vmax.f32 v18, $0.0e+00;
	v8 =	vadd.f32 v15, v8  }
0x8e: {  	v5 =	vadd.f32 v5, v11;
	v62 =	vmax.f32 v17, $0.0e+00;
	v7 =	vadd.f32 v14, v7;
	[tilespmem:s23+$0x6790] =	vst v18  }
0x8f: {  	v4 =	vadd.f32 v4, v10;
	v6 =	vadd.f32 v9, v6;
	[tilespmem:s23+$0x67D0] =	vst v62;
	v8 =	vmax.f32 v8, $0.0e+00  }
0x90: {  	v2 =	vadd.f32 v2, v5;
	v7 =	vmax.f32 v7, $0.0e+00;
	[tilespmem:s23+$0x67A0] =	vst v8;
	v3 =	vadd.f32 v3, v60  }
0x91: {  	v1 =	vand.u32 $0xFFFF0000, v1;
	v4 =	vadd.f32 v61, v4;
	v63 =	vmax.f32 v6, $0.0e+00;
	[tilespmem:s23+$0x67E0] =	vst v7  }
0x92: {  	v2 =	vmax.f32 v2, $0.0e+00;
	[tilespmem:s23+$0x67B0] =	vst v63;
	v1 =	vadd.f32 v1, v3  }
0x93: {  	[tilespmem:s23+$0x67F0] =	vst v2;
	v2 =	vmax.f32 v4, $0.0e+00  }
0x94: {  	[tilespmem:s23+$0x67C0] =	vst v2;
	v1 =	vmax.f32 v1, $0.0e+00  }
0x95: {  	[tilespmem:s23+$0x6800] =	vst v1  }
.LBB2_32:
0x96: {  	s23 =	simm.s32 $0x8;
	s25 =	simm.s32 $0x1000  }
.LBB2_40:
0x97: {  	s10 =	sshll.u32 s22, $0x7  }
0x98: {  	s10 =	sadd.s32 s10, s25  }
0x99: {  	[spmem:s2] =	stream.indirect.scatter.add.f32 [tilespmem:s12], [sflag:s23], $0x80, s10, s11, $0xb8;
	[tilespmem:$0x1F800] =	vst v63  }
0x9a: {  	_ =	swait.ge [sflag:s23], $0x1400  }
0x9b: {  	[sflag:s23] =	ssyncset.done $0x0  }
0x9c: {  	[sflag:s23] =	ssyncadd.s32 $0xFFFFEC00  }
.LBB2_41:
0x9d: {  	p0 =	sne.s32 s24, $0xFA  }
.Ltmp4:
0x9e: {  	_ = 	snop;
	(pc) =	sbr.rel @!p0 .LBB2_42-.Ltmp4, $2  }
0x9f: {  	_ =	sdelay $0x2  }
0xa0: {  	s23 =	smov.u32 s24  }
.LBB2_4:
0xa1: {  	s22 =	smul.u32 $0x29, s23;
	_ =	sdelay $0x1  }
0xa2: {  	s22 =	sshrl.u32 s22, $0xA  }
0xa3: {  	s25 =	sand.u32 $0x3F, s22  }
0xa4: {  	s22 =	smul.u32 $0x19, s25;
	_ =	sdelay $0x1  }
0xa5: {  	s22 =	ssub.s32 s23, s22  }
0xa6: {  	s22 =	sand.u32 $0xFF, s22  }
0xa7: {  	p0 =	sne.s32 s22, $0x0  }
.Ltmp5:
0xa8: {  	_ = 	snop;
	(pc) =	sbr.rel @p0 .LBB2_6-.Ltmp5, $1  }
0xa9: {  	_ =	sdelay $0x3  }
0xaa: {  	s24 =	sand.u32 $0x1, s25  }
0xab: {  	p0 =	sgt.u32 s23, $0xE0;
	p1 =	seq.s32 s24, $0x1  }
0xac: {  	s24 =	sadd.s32 $0x1, s25;
	p1 =	por !p1, p0  }
0xad: {  	s26 =	sshll.u32 @!p1 s24, $0xC  }
0xae: {  	s26 =	sadd.s32 @!p1 s8, s26  }
0xaf: {  	s30 =	sand.u32 $0x1, s24;
	s28 =	simm.s32 @!p1 $0x0;
	s26 =	sshrl.u32 @!p1 s26, $0x3  }
0xb0: {  	s29 =	simm.s32 @!p1 $0x8;
	p2 =	seq.s32 s30, $0x1;
	s26 =	sadd.s32 @!p1 s7, s26  }
0xb1: {  	[tilespmem:s28], [sflag:$0x8] =	stream.linear.gather @!p1 [hbm4b:s26+s28], $0xC80, $0x38;
	[tilespmem:$0x1F800] =	vst v63  }
0xb2: {  	p0 =	por !p2, p0;
	_ =	swait.ge @!p1 [sflag:s29], $0xC80  }
0xb3: {  	s30 =	simm.s32 @!p1 $0x1000;
	s24 =	sshll.u32 @!p0 s24, $0xC;
	[sflag:s29] =	ssyncset.done @!p1 $0x0  }
0xb4: {  	s24 =	sadd.s32 @!p0 s8, s24;
	s26 =	sadd.s32 @!p1 $0x28000, s26;
	[sflag:s29] =	ssyncadd.s32 @!p1 $0xFFFFF380  }
0xb5: {  	[tilespmem:s30], [sflag:$0x8] =	stream.linear.gather @!p1 [hbm4b:s26+s28], $0xC80, $0x38;
	[tilespmem:$0x1F800] =	vst v63  }
0xb6: {  	s24 =	sshrl.u32 @!p0 s24, $0x3;
	_ =	swait.ge @!p1 [sflag:s29], $0xC80  }
0xb7: {  	s24 =	sadd.s32 @!p0 s7, s24;
	[sflag:s29] =	ssyncset.done @!p1 $0x0  }
0xb8: {  	s26 =	simm.s32 @!p0 $0x0;
	s28 =	simm.s32 @!p0 $0x2000;
	[sflag:s29] =	ssyncadd.s32 @!p1 $0xFFFFF380  }
0xb9: {  	[tilespmem:s28], [sflag:$0x8] =	stream.linear.gather @!p0 [hbm4b:s24+s26], $0xC80, $0x38;
	[tilespmem:$0x1F800] =	vst v63  }
0xba: {  	s28 =	simm.s32 @!p0 $0x8  }
0xbb: {  	_ =	swait.ge @!p0 [sflag:s28], $0xC80  }
0xbc: {  	[sflag:s28] =	ssyncset.done @!p0 $0x0  }
0xbd: {  	s29 =	simm.s32 @!p0 $0x3000;
	s24 =	sadd.s32 @!p0 $0x28000, s24;
	[sflag:s28] =	ssyncadd.s32 @!p0 $0xFFFFF380  }
0xbe: {  	[tilespmem:s29], [sflag:$0x8] =	stream.linear.gather @!p0 [hbm4b:s24+s26], $0xC80, $0x38;
	[tilespmem:$0x1F800] =	vst v63  }
0xbf: {  	_ =	swait.ge @!p0 [sflag:s28], $0xC80  }
0xc0: {  	[sflag:s28] =	ssyncset.done @!p0 $0x0  }
0xc1: {  	[sflag:s28] =	ssyncadd.s32 @!p0 $0xFFFFF380  }
.LBB2_6:
0xc2: {  	s26 =	sand.u32 $0x1, s23  }
0xc3: {  	p0 =	seq.s32 s26, $0x1  }
0xc4: {  	s24 =	sshrl.u32 @!p0 s23, $0x1  }
0xc5: {  	s28 =	sand.u32 @!p0 $0x1, s24  }
0xc6: {  	p1 =	sgt.u32 @!p0 s23, $0xF7;
	p2 =	seq.s32 @!p0 s28, $0x1  }
0xc7: {  	p2 =	por @!p0 !p2, p1  }
0xc8: {  	s24 =	sadd.s32 @!p0 $0x1, s24;
	p2 =	por p2, p0  }
0xc9: {  	s29 =	sand.u32 @!p0 $0x1, s24;
	s28 =	smul.u32 @!p2 $0x28, s24  }
0xca: {  	p3 =	seq.s32 @!p0 s29, $0x1  }
0xcb: {  	p1 =	por @!p0 !p3, p1;
	s28 =	sadd.s32 @!p2 s9, s28  }
0xcc: {  	p3 =	por p1, p0;
	s29 =	simm.s32 @!p2 $0x0;
	s28 =	sshll.u32 @!p2 s28, $0x4  }
0xcd: {  	s30 =	simm.s32 @!p2 $0x9000;
	s24 =	smul.u32 @!p3 $0x28, s24;
	s28 =	sadd.s32 @!p2 s6, s28  }
0xce: {  	[tilespmem:s30], [sflag:$0x5] =	stream.linear.gather @!p2 [hbm4b:s28+s29], $0x1400, $0x38;
	[tilespmem:$0x1F800] =	vst v63  }
0xcf: {  	s24 =	sadd.s32 @!p3 s9, s24;
	p2 =	seq.s32 s23, $0xF9  }
0xd0: {  	s28 =	sshll.u32 @!p3 s24, $0x4;
	s24 =	sadd.s32 $0x1, s23;
	p1 =	por !p0, p2  }
0xd1: {  	s31 =	simm.s32 @!p3 $0xA400;
	s29 =	sand.u32 @!p1 $0xFF, s24  }
0xd2: {  	s30 =	simm.s32 @!p3 $0x0;
	s28 =	sadd.s32 @!p3 s6, s28;
	s29 =	smul.u32 @!p1 $0x29, s29  }
0xd3: {  	[tilespmem:s31], [sflag:$0x6] =	stream.linear.gather @!p3 [hbm4b:s28+s30], $0x1400, $0x38;
	[tilespmem:$0x1F800] =	vst v63  }
0xd4: {  	s28 =	sshrl.u32 @!p1 s29, $0xA  }
0xd5: {  	s29 =	smul.u32 @!p1 $0x19, s28;
	s28 =	sand.u32 @!p1 $0x1, s28  }
0xd6: {  	p3 =	seq.s32 @!p1 s28, $0x1  }
0xd7: {  	s30 =	simm.s32 @!p1 $0x3000;
	s29 =	ssub.s32 @!p1 s24, s29;
	p3 =	por @!p2 !p3, !p0  }
0xd8: {  	s28 =	sand.u32 @!p1 $0xFF, s29;
	s29 =	simm.s32 @!p1 $0x2000;
	p2 =	por !p3, p2  }
0xd9: {  	s31 =	simm.s32 @!p1 $0x28;
	s28 =	sshll.u32 @!p1 s28, $0x7;
	s29 =	simm.s32 @!p2 $0x0  }
0xda: {  	s10 =	simm.s32 @!p1 $0x4000;
	s30 =	simm.s32 @!p2 $0x1000;
	s29 =	sor.u32 @!p1 s28, s29  }
0xdb: {  	[tilespmem:s10], [sflag:$0x1] =	stream.indirect.gather @!p1 [hbm4b:s1+s31], $0x80, s29, s31, $0xb8;
	[tilespmem:$0x1F800] =	vst v63  }
0xdc: {  	s10 =	sor.u32 @!p1 s28, s30;
	s28 =	simm.s32 @!p1 $0x5400  }
0xdd: {  	[tilespmem:s28], [sflag:$0x2] =	stream.indirect.gather @!p1 [hbm4b:s5+s31], $0x80, s10, s31, $0xb8;
	[tilespmem:$0x1F800] =	vst v63  }
0xde: {  	p1 =	sne.s32 s26, $0x0  }
.Ltmp6:
0xdf: {  	_ = 	snop;
	(pc) =	sbr.rel @p1 .LBB2_23-.Ltmp6, $1  }
0xe0: {  	_ =	sdelay $0x3  }
0xe1: {  	s10 =	smul.u32 $0x29, s24;
	_ =	sdelay $0x1  }
0xe2: {  	s10 =	sshrl.u32 s10, $0xA  }
0xe3: {  	s26 =	sand.u32 $0x3F, s10  }
0xe4: {  	s26 =	smul.u32 $0x19, s26;
	_ =	sdelay $0x1  }
0xe5: {  	s10 =	sand.u32 $0x1, s10;
	s26 =	ssub.s32 s24, s26  }
0xe6: {  	p1 =	seq.s32 s10, $0x1;
	s10 =	simm.s32 $0x2000;
	s26 =	sand.u32 $0xFF, s26  }
0xe7: {  	s28 =	simm.s32 $0x3000;
	s10 =	simm.s32 @!p1 $0x0;
	s26 =	sshll.u32 s26, $0x7  }
0xe8: {  	s28 =	simm.s32 @!p1 $0x1000;
	s10 =	sor.u32 s26, s10  }
0xe9: {  	[tilespmem:s12], [sflag:$0x3] =	stream.indirect.gather [hbm4b:s1+s11], $0x80, s10, s11, $0xb8;
	[tilespmem:$0x1F800] =	vst v63  }
0xea: {  	s30 =	sand.u32 $0x1, s25;
	s29 =	sor.u32 s26, s28  }
0xeb: {  	[tilespmem:s13], [sflag:$0x4] =	stream.indirect.gather [hbm4b:s5+s11], $0x80, s29, s11, $0xb8;
	[tilespmem:$0x1F800] =	vst v63  }
0xec: {  	p2 =	seq.s32 s30, $0x1;
	_ =	swait.ge [sflag:s15], $0x1400  }
.Ltmp7:
0xed: {  	[sflag:s15] =	ssyncset.done $0x0;
	(pc) =	sbr.rel @!p2 .LBB2_8-.Ltmp7, $4  }
0xee: {  	[sflag:s15] =	ssyncadd.s32 $0xFFFFEC00  }
0xef: {  	_ =	swait.ge [sflag:s16], $0x1400  }
0xf0: {  	s31 =	sand.u32 $0x2, s23;
	[sflag:s16] =	ssyncset.done $0x0  }
0xf1: {  	p1 =	sne.s32 s31, $0x0;
	[sflag:s16] =	ssyncadd.s32 $0xFFFFEC00  }
.Ltmp8:
0xf2: {  	(pc) =	sbr.rel @p1 .LBB2_19-.Ltmp8, $1  }
0xf3: {  	_ =	sdelay $0x3  }
0xf4: {  	_ =	swait.ge [sflag:s17], $0x1400  }
0xf5: {  	[sflag:s17] =	ssyncset.done $0x0  }
0xf6: {  	s25 =	simm.s32 $0x0;
	[sflag:s17] =	ssyncadd.s32 $0xFFFFEC00  }
0xf7: {  	v9 =	vld [tilespmem:s25+$0x9000]  }
0xf8: {  	v10 =	vld [tilespmem:s25+$0x9010]  }
0xf9: {  	v2 =	vld [tilespmem:s25+$0x9020]  }
0xfa: {  	v1 =	vld [tilespmem:s25+$0x9030]  }
0xfb: {  	v12 =	vld [tilespmem:s25+$0x5400]  }
0xfc: {  	v14 =	vld [tilespmem:s25+$0x5440]  }
0xfd: {  	v8 =	vld [tilespmem:s25+$0x5410]  }
0xfe: {  	v7 =	vld [tilespmem:s25+$0x5450]  }
0xff: {  	v6 =	vld [tilespmem:s25+$0x5420]  }
0x100: {  	v5 =	vld [tilespmem:s25+$0x5460]  }
0x101: {  	v4 =	vld [tilespmem:s25+$0x5430]  }
0x102: {  	v3 =	vld [tilespmem:s25+$0x5470]  }
0x103: {  	v15 =	vld [tilespmem:s25+$0x4000]  }
0x104: {  	p1 =	por $0x0, $0x0;
	v19 =	vld [tilespmem:s25+$0x4040]  }
.Ltmp9:
0x105: {  	v16 =	vld [tilespmem:s25+$0x4010];
	(pc) =	sbr.rel @p1 .LBB2_18-.Ltmp9, $4  }
0x106: {  	v13 =	vld [tilespmem:s25+$0x4050]  }
0x107: {  	v11 =	vld [tilespmem:s25+$0x4020];
	v18 =	vshll.u32 v9, $0x10  }
0x108: {  	v17 =	vand.u32 $0xFFFF0000, v9;
	v20 =	vadd.f32 v12, v15;
	v15 =	vshll.u32 v10, $0x10;
	v12 =	vld [tilespmem:s25+$0x4060]  }
0x109: {  	s26 =	simm.s32 $0x200;
	v19 =	vadd.f32 v14, v19;
	v14 =	vand.u32 $0xFFFF0000, v10;
	v9 =	vshll.u32 v2, $0x10;
	v10 =	vld [tilespmem:s25+$0x4030]  }
.LBB2_17:
0x10a: {  	s10 =	sshra.s32 s26, $0x2;
	p1 =	seq.s32 s26, $0x4E00;
	v18 =	vadd.f32 v18, v20;
	v8 =	vadd.f32 v8, v16;
	v16 =	vand.u32 $0xFFFF0000, v2;
	v20 =	vld [tilespmem:s25+$0x4070]  }
0x10b: {  	v21 =	vld [tilespmem:s10+$0x9000];
	v17 =	vadd.f32 v17, v19;
	v7 =	vadd.f32 v7, v13;
	v13 =	vshll.u32 v1, $0x10  }
0x10c: {  	v22 =	vld [tilespmem:s10+$0x9010];
	v18 =	vmax.f32 v18, $0.0e+00;
	v8 =	vadd.f32 v15, v8;
	v6 =	vadd.f32 v6, v11  }
0x10d: {  	v2 =	vld [tilespmem:s10+$0x9020];
	[tilespmem:s25+$0x4000] =	vst v18;
	v11 =	vmax.f32 v17, $0.0e+00;
	v7 =	vadd.f32 v14, v7;
	v5 =	vadd.f32 v5, v12  }
0x10e: {  	v12 =	vld [tilespmem:s10+$0x9030];
	[tilespmem:s25+$0x4040] =	vst v11;
	v8 =	vmax.f32 v8, $0.0e+00;
	v6 =	vadd.f32 v9, v6;
	v4 =	vadd.f32 v4, v10  }
0x10f: {  	v9 =	vld [tilespmem:s10+$0x5400];
	[tilespmem:s25+$0x4010] =	vst v8;
	v7 =	vmax.f32 v7, $0.0e+00;
	v5 =	vadd.f32 v16, v5;
	v3 =	vadd.f32 v3, v20  }
0x110: {  	v1 =	vand.u32 $0xFFFF0000, v1;
	v10 =	vld [tilespmem:s10+$0x5440];
	[tilespmem:s25+$0x4050] =	vst v7;
	v6 =	vmax.f32 v6, $0.0e+00;
	v4 =	vadd.f32 v13, v4  }
0x111: {  	v8 =	vld [tilespmem:s10+$0x5410];
	[tilespmem:s25+$0x4020] =	vst v6;
	v5 =	vmax.f32 v5, $0.0e+00;
	v11 =	vadd.f32 v1, v3  }
0x112: {  	v7 =	vld [tilespmem:s10+$0x5450];
	[tilespmem:s25+$0x4060] =	vst v5;
	v3 =	vmax.f32 v4, $0.0e+00  }
0x113: {  	v6 =	vld [tilespmem:s10+$0x5420];
	[tilespmem:s25+$0x4030] =	vst v3;
	v3 =	vmax.f32 v11, $0.0e+00;
	v1 =	vmov v12  }
0x114: {  	v5 =	vld [tilespmem:s10+$0x5460];
	[tilespmem:s25+$0x4070] =	vst v3;
	s25 =	smov.u32 s10  }
0x115: {  	v4 =	vld [tilespmem:s25+$0x5430]  }
0x116: {  	v3 =	vld [tilespmem:s25+$0x5470]  }
0x117: {  	v12 =	vld [tilespmem:s25+$0x4000]  }
0x118: {  	v14 =	vld [tilespmem:s25+$0x4040]  }
.Ltmp10:
0x119: {  	v16 =	vld [tilespmem:s25+$0x4010];
	(pc) =	sbr.rel @!p1 .LBB2_17-.Ltmp10, $4  }
0x11a: {  	v13 =	vld [tilespmem:s25+$0x4050]  }
0x11b: {  	v18 =	vshll.u32 v21, $0x10;
	v11 =	vld [tilespmem:s25+$0x4020]  }
0x11c: {  	v17 =	vand.u32 $0xFFFF0000, v21;
	v15 =	vshll.u32 v22, $0x10;
	v20 =	vadd.f32 v9, v12;
	v12 =	vld [tilespmem:s25+$0x4060]  }
0x11d: {  	s26 =	sadd.s32 $0x200, s26;
	v9 =	vshll.u32 v2, $0x10;
	v19 =	vadd.f32 v10, v14;
	v14 =	vand.u32 $0xFFFF0000, v22;
	v10 =	vld [tilespmem:s25+$0x4030]  }
.LBB2_18:
0x11e: {  	v18 =	vadd.f32 v18, v20;
	v8 =	vadd.f32 v8, v16;
	v2 =	vand.u32 $0xFFFF0000, v2;
	v60 =	vld [tilespmem:s25+$0x4070]  }
0x11f: {  	v61 =	vshll.u32 v1, $0x10;
	v17 =	vadd.f32 v17, v19;
	v7 =	vadd.f32 v7, v13  }
0x120: {  	v18 =	vmax.f32 v18, $0.0e+00;
	v8 =	vadd.f32 v15, v8;
	v6 =	vadd.f32 v6, v11  }
0x121: {  	[tilespmem:s25+$0x4000] =	vst v18;
	v62 =	vmax.f32 v17, $0.0e+00;
	v7 =	vadd.f32 v14, v7;
	v5 =	vadd.f32 v5, v12  }
0x122: {  	[tilespmem:s25+$0x4040] =	vst v62;
	v8 =	vmax.f32 v8, $0.0e+00;
	v6 =	vadd.f32 v9, v6;
	v4 =	vadd.f32 v4, v10  }
0x123: {  	[tilespmem:s25+$0x4010] =	vst v8;
	v7 =	vmax.f32 v7, $0.0e+00;
	v2 =	vadd.f32 v2, v5;
	v3 =	vadd.f32 v3, v60  }
.Ltmp11:
0x124: {  	v1 =	vand.u32 $0xFFFF0000, v1;
	[tilespmem:s25+$0x4050] =	vst v7;
	v63 =	vmax.f32 v6, $0.0e+00;
	v4 =	vadd.f32 v61, v4;
	(pc) =	sbr.rel .LBB2_22-.Ltmp11, $4  }
0x125: {  	[tilespmem:s25+$0x4020] =	vst v63;
	v2 =	vmax.f32 v2, $0.0e+00;
	v1 =	vadd.f32 v1, v3  }
0x126: {  	[tilespmem:s25+$0x4060] =	vst v2;
	v2 =	vmax.f32 v4, $0.0e+00  }
0x127: {  	[tilespmem:s25+$0x4030] =	vst v2;
	v1 =	vmax.f32 v1, $0.0e+00  }
0x128: {  	[tilespmem:s25+$0x4070] =	vst v1;
	s25 =	simm.s32 $0x3000  }
.LBB2_8:
.Ltmp12:
0x129: {  	(pc) =	sbr.rel @p1 .LBB2_12-.Ltmp12, $1  }
0x12a: {  	_ =	sdelay $0x3  }
0x12b: {  	_ =	swait.ge [sflag:s17], $0x1400  }
0x12c: {  	[sflag:s17] =	ssyncset.done $0x0  }
0x12d: {  	s25 =	simm.s32 $0x0;
	[sflag:s17] =	ssyncadd.s32 $0xFFFFEC00  }
0x12e: {  	v9 =	vld [tilespmem:s25+$0x9000]  }
0x12f: {  	v10 =	vld [tilespmem:s25+$0x9010]  }
0x130: {  	v2 =	vld [tilespmem:s25+$0x9020]  }
0x131: {  	v1 =	vld [tilespmem:s25+$0x9030]  }
0x132: {  	v12 =	vld [tilespmem:s25+$0x5400]  }
0x133: {  	v14 =	vld [tilespmem:s25+$0x5440]  }
0x134: {  	v8 =	vld [tilespmem:s25+$0x5410]  }
0x135: {  	v7 =	vld [tilespmem:s25+$0x5450]  }
0x136: {  	v6 =	vld [tilespmem:s25+$0x5420]  }
0x137: {  	v5 =	vld [tilespmem:s25+$0x5460]  }
0x138: {  	v4 =	vld [tilespmem:s25+$0x5430]  }
0x139: {  	v3 =	vld [tilespmem:s25+$0x5470]  }
0x13a: {  	v15 =	vld [tilespmem:s25+$0x4000]  }
0x13b: {  	p1 =	por $0x0, $0x0;
	v19 =	vld [tilespmem:s25+$0x4040]  }
.Ltmp13:
0x13c: {  	v16 =	vld [tilespmem:s25+$0x4010];
	(pc) =	sbr.rel @p1 .LBB2_11-.Ltmp13, $4  }
0x13d: {  	v13 =	vld [tilespmem:s25+$0x4050]  }
0x13e: {  	v11 =	vld [tilespmem:s25+$0x4020];
	v18 =	vshll.u32 v9, $0x10  }
0x13f: {  	v17 =	vand.u32 $0xFFFF0000, v9;
	v20 =	vadd.f32 v12, v15;
	v15 =	vshll.u32 v10, $0x10;
	v12 =	vld [tilespmem:s25+$0x4060]  }
0x140: {  	s26 =	simm.s32 $0x200;
	v19 =	vadd.f32 v14, v19;
	v14 =	vand.u32 $0xFFFF0000, v10;
	v9 =	vshll.u32 v2, $0x10;
	v10 =	vld [tilespmem:s25+$0x4030]  }
.LBB2_10:
0x141: {  	s10 =	sshra.s32 s26, $0x2;
	p1 =	seq.s32 s26, $0x4E00;
	v18 =	vadd.f32 v18, v20;
	v8 =	vadd.f32 v8, v16;
	v16 =	vand.u32 $0xFFFF0000, v2;
	v20 =	vld [tilespmem:s25+$0x4070]  }
0x142: {  	v21 =	vld [tilespmem:s10+$0x9000];
	v17 =	vadd.f32 v17, v19;
	v7 =	vadd.f32 v7, v13;
	v13 =	vshll.u32 v1, $0x10  }
0x143: {  	v22 =	vld [tilespmem:s10+$0x9010];
	v18 =	vmax.f32 v18, $0.0e+00;
	v8 =	vadd.f32 v15, v8;
	v6 =	vadd.f32 v6, v11  }
0x144: {  	v2 =	vld [tilespmem:s10+$0x9020];
	[tilespmem:s25+$0x4000] =	vst v18;
	v11 =	vmax.f32 v17, $0.0e+00;
	v7 =	vadd.f32 v14, v7;
	v5 =	vadd.f32 v5, v12  }
0x145: {  	v12 =	vld [tilespmem:s10+$0x9030];
	[tilespmem:s25+$0x4040] =	vst v11;
	v8 =	vmax.f32 v8, $0.0e+00;
	v6 =	vadd.f32 v9, v6;
	v4 =	vadd.f32 v4, v10  }
0x146: {  	v9 =	vld [tilespmem:s10+$0x5400];
	[tilespmem:s25+$0x4010] =	vst v8;
	v7 =	vmax.f32 v7, $0.0e+00;
	v5 =	vadd.f32 v16, v5;
	v3 =	vadd.f32 v3, v20  }
0x147: {  	v1 =	vand.u32 $0xFFFF0000, v1;
	v10 =	vld [tilespmem:s10+$0x5440];
	[tilespmem:s25+$0x4050] =	vst v7;
	v6 =	vmax.f32 v6, $0.0e+00;
	v4 =	vadd.f32 v13, v4  }
0x148: {  	v8 =	vld [tilespmem:s10+$0x5410];
	[tilespmem:s25+$0x4020] =	vst v6;
	v5 =	vmax.f32 v5, $0.0e+00;
	v11 =	vadd.f32 v1, v3  }
0x149: {  	v7 =	vld [tilespmem:s10+$0x5450];
	[tilespmem:s25+$0x4060] =	vst v5;
	v3 =	vmax.f32 v4, $0.0e+00  }
0x14a: {  	v6 =	vld [tilespmem:s10+$0x5420];
	[tilespmem:s25+$0x4030] =	vst v3;
	v3 =	vmax.f32 v11, $0.0e+00;
	v1 =	vmov v12  }
0x14b: {  	v5 =	vld [tilespmem:s10+$0x5460];
	[tilespmem:s25+$0x4070] =	vst v3;
	s25 =	smov.u32 s10  }
0x14c: {  	v4 =	vld [tilespmem:s25+$0x5430]  }
0x14d: {  	v3 =	vld [tilespmem:s25+$0x5470]  }
0x14e: {  	v12 =	vld [tilespmem:s25+$0x4000]  }
0x14f: {  	v14 =	vld [tilespmem:s25+$0x4040]  }
.Ltmp14:
0x150: {  	v16 =	vld [tilespmem:s25+$0x4010];
	(pc) =	sbr.rel @!p1 .LBB2_10-.Ltmp14, $4  }
0x151: {  	v13 =	vld [tilespmem:s25+$0x4050]  }
0x152: {  	v18 =	vshll.u32 v21, $0x10;
	v11 =	vld [tilespmem:s25+$0x4020]  }
0x153: {  	v17 =	vand.u32 $0xFFFF0000, v21;
	v15 =	vshll.u32 v22, $0x10;
	v20 =	vadd.f32 v9, v12;
	v12 =	vld [tilespmem:s25+$0x4060]  }
0x154: {  	s26 =	sadd.s32 $0x200, s26;
	v9 =	vshll.u32 v2, $0x10;
	v19 =	vadd.f32 v10, v14;
	v14 =	vand.u32 $0xFFFF0000, v22;
	v10 =	vld [tilespmem:s25+$0x4030]  }
.LBB2_11:
0x155: {  	v18 =	vadd.f32 v18, v20;
	v8 =	vadd.f32 v8, v16;
	v2 =	vand.u32 $0xFFFF0000, v2;
	v60 =	vld [tilespmem:s25+$0x4070]  }
0x156: {  	v61 =	vshll.u32 v1, $0x10;
	v17 =	vadd.f32 v17, v19;
	v7 =	vadd.f32 v7, v13  }
0x157: {  	v18 =	vmax.f32 v18, $0.0e+00;
	v8 =	vadd.f32 v15, v8;
	v6 =	vadd.f32 v6, v11  }
0x158: {  	[tilespmem:s25+$0x4000] =	vst v18;
	v62 =	vmax.f32 v17, $0.0e+00;
	v7 =	vadd.f32 v14, v7;
	v5 =	vadd.f32 v5, v12  }
0x159: {  	[tilespmem:s25+$0x4040] =	vst v62;
	v8 =	vmax.f32 v8, $0.0e+00;
	v6 =	vadd.f32 v9, v6;
	v4 =	vadd.f32 v4, v10  }
0x15a: {  	[tilespmem:s25+$0x4010] =	vst v8;
	v7 =	vmax.f32 v7, $0.0e+00;
	v2 =	vadd.f32 v2, v5;
	v3 =	vadd.f32 v3, v60  }
.Ltmp15:
0x15b: {  	v1 =	vand.u32 $0xFFFF0000, v1;
	[tilespmem:s25+$0x4050] =	vst v7;
	v63 =	vmax.f32 v6, $0.0e+00;
	v4 =	vadd.f32 v61, v4;
	(pc) =	sbr.rel .LBB2_22-.Ltmp15, $4  }
0x15c: {  	[tilespmem:s25+$0x4020] =	vst v63;
	v2 =	vmax.f32 v2, $0.0e+00;
	v1 =	vadd.f32 v1, v3  }
0x15d: {  	[tilespmem:s25+$0x4060] =	vst v2;
	v2 =	vmax.f32 v4, $0.0e+00  }
0x15e: {  	[tilespmem:s25+$0x4030] =	vst v2;
	v1 =	vmax.f32 v1, $0.0e+00  }
0x15f: {  	[tilespmem:s25+$0x4070] =	vst v1;
	s25 =	simm.s32 $0x1000  }
.LBB2_19:
0x160: {  	_ =	swait.ge [sflag:s18], $0x1400  }
0x161: {  	[sflag:s18] =	ssyncset.done $0x0  }
0x162: {  	s25 =	simm.s32 $0x0;
	[sflag:s18] =	ssyncadd.s32 $0xFFFFEC00  }
0x163: {  	v9 =	vld [tilespmem:s25+$0xA400]  }
0x164: {  	v10 =	vld [tilespmem:s25+$0xA410]  }
0x165: {  	v2 =	vld [tilespmem:s25+$0xA420]  }
0x166: {  	v1 =	vld [tilespmem:s25+$0xA430]  }
0x167: {  	v11 =	vld [tilespmem:s25+$0x5400]  }
0x168: {  	v14 =	vld [tilespmem:s25+$0x5440]  }
0x169: {  	v8 =	vld [tilespmem:s25+$0x5410]  }
0x16a: {  	v7 =	vld [tilespmem:s25+$0x5450]  }
0x16b: {  	v6 =	vld [tilespmem:s25+$0x5420]  }
0x16c: {  	v5 =	vld [tilespmem:s25+$0x5460]  }
0x16d: {  	v4 =	vld [tilespmem:s25+$0x5430]  }
0x16e: {  	v3 =	vld [tilespmem:s25+$0x5470]  }
0x16f: {  	v15 =	vld [tilespmem:s25+$0x4000]  }
0x170: {  	v19 =	vld [tilespmem:s25+$0x4040]  }
0x171: {  	v16 =	vld [tilespmem:s25+$0x4010]  }
0x172: {  	v13 =	vld [tilespmem:s25+$0x4050]  }
0x173: {  	v12 =	vld [tilespmem:s25+$0x4020];
	v18 =	vshll.u32 v9, $0x10  }
0x174: {  	v17 =	vand.u32 $0xFFFF0000, v9;
	v20 =	vadd.f32 v11, v15;
	v15 =	vshll.u32 v10, $0x10;
	v11 =	vld [tilespmem:s25+$0x4060]  }
0x175: {  	s26 =	simm.s32 $0x200;
	v19 =	vadd.f32 v14, v19;
	v14 =	vand.u32 $0xFFFF0000, v10;
	v9 =	vshll.u32 v2, $0x10;
	v10 =	vld [tilespmem:s25+$0x4030]  }
.LBB2_20:
0x176: {  	s10 =	sshra.s32 s26, $0x2;
	p1 =	sne.s32 s26, $0x4E00;
	v18 =	vadd.f32 v18, v20;
	v8 =	vadd.f32 v8, v16;
	v16 =	vand.u32 $0xFFFF0000, v2;
	v20 =	vld [tilespmem:s25+$0x4070]  }
0x177: {  	v21 =	vld [tilespmem:s10+$0xA400];
	v17 =	vadd.f32 v17, v19;
	v7 =	vadd.f32 v7, v13;
	v13 =	vshll.u32 v1, $0x10  }
0x178: {  	v22 =	vld [tilespmem:s10+$0xA410];
	v18 =	vmax.f32 v18, $0.0e+00;
	v8 =	vadd.f32 v15, v8;
	v6 =	vadd.f32 v6, v12  }
0x179: {  	v2 =	vld [tilespmem:s10+$0xA420];
	[tilespmem:s25+$0x4000] =	vst v18;
	v12 =	vmax.f32 v17, $0.0e+00;
	v7 =	vadd.f32 v14, v7;
	v5 =	vadd.f32 v5, v11  }
0x17a: {  	v11 =	vld [tilespmem:s10+$0xA430];
	[tilespmem:s25+$0x4040] =	vst v12;
	v8 =	vmax.f32 v8, $0.0e+00;
	v6 =	vadd.f32 v9, v6;
	v4 =	vadd.f32 v4, v10  }
0x17b: {  	v9 =	vld [tilespmem:s10+$0x5400];
	[tilespmem:s25+$0x4010] =	vst v8;
	v7 =	vmax.f32 v7, $0.0e+00;
	v5 =	vadd.f32 v16, v5;
	v3 =	vadd.f32 v3, v20  }
0x17c: {  	v1 =	vand.u32 $0xFFFF0000, v1;
	v10 =	vld [tilespmem:s10+$0x5440];
	[tilespmem:s25+$0x4050] =	vst v7;
	v6 =	vmax.f32 v6, $0.0e+00;
	v4 =	vadd.f32 v13, v4  }
0x17d: {  	v8 =	vld [tilespmem:s10+$0x5410];
	[tilespmem:s25+$0x4020] =	vst v6;
	v5 =	vmax.f32 v5, $0.0e+00;
	v12 =	vadd.f32 v1, v3  }
0x17e: {  	v7 =	vld [tilespmem:s10+$0x5450];
	[tilespmem:s25+$0x4060] =	vst v5;
	v3 =	vmax.f32 v4, $0.0e+00  }
0x17f: {  	v6 =	vld [tilespmem:s10+$0x5420];
	[tilespmem:s25+$0x4030] =	vst v3;
	v3 =	vmax.f32 v12, $0.0e+00;
	v1 =	vmov v11  }
0x180: {  	v5 =	vld [tilespmem:s10+$0x5460];
	[tilespmem:s25+$0x4070] =	vst v3;
	s25 =	smov.u32 s10  }
0x181: {  	v4 =	vld [tilespmem:s25+$0x5430]  }
0x182: {  	v3 =	vld [tilespmem:s25+$0x5470]  }
0x183: {  	v11 =	vld [tilespmem:s25+$0x4000]  }
0x184: {  	v14 =	vld [tilespmem:s25+$0x4040]  }
.Ltmp16:
0x185: {  	v16 =	vld [tilespmem:s25+$0x4010];
	(pc) =	sbr.rel @p1 .LBB2_20-.Ltmp16, $4  }
0x186: {  	v13 =	vld [tilespmem:s25+$0x4050]  }
0x187: {  	v18 =	vshll.u32 v21, $0x10;
	v12 =	vld [tilespmem:s25+$0x4020]  }
0x188: {  	v17 =	vand.u32 $0xFFFF0000, v21;
	v15 =	vshll.u32 v22, $0x10;
	v20 =	vadd.f32 v9, v11;
	v11 =	vld [tilespmem:s25+$0x4060]  }
0x189: {  	s26 =	sadd.s32 $0x200, s26;
	v9 =	vshll.u32 v2, $0x10;
	v19 =	vadd.f32 v10, v14;
	v14 =	vand.u32 $0xFFFF0000, v22;
	v10 =	vld [tilespmem:s25+$0x4030]  }
0x18a: {  	v18 =	vadd.f32 v18, v20;
	v8 =	vadd.f32 v8, v16;
	v2 =	vand.u32 $0xFFFF0000, v2;
	v60 =	vld [tilespmem:s25+$0x4070]  }
0x18b: {  	v61 =	vshll.u32 v1, $0x10;
	v17 =	vadd.f32 v17, v19;
	v7 =	vadd.f32 v7, v13  }
0x18c: {  	v18 =	vmax.f32 v18, $0.0e+00;
	v8 =	vadd.f32 v15, v8;
	v6 =	vadd.f32 v6, v12  }
0x18d: {  	[tilespmem:s25+$0x4000] =	vst v18;
	v62 =	vmax.f32 v17, $0.0e+00;
	v7 =	vadd.f32 v14, v7;
	v5 =	vadd.f32 v5, v11  }
0x18e: {  	[tilespmem:s25+$0x4040] =	vst v62;
	v8 =	vmax.f32 v8, $0.0e+00;
	v6 =	vadd.f32 v9, v6;
	v4 =	vadd.f32 v4, v10  }
0x18f: {  	[tilespmem:s25+$0x4010] =	vst v8;
	v7 =	vmax.f32 v7, $0.0e+00;
	v2 =	vadd.f32 v2, v5;
	v3 =	vadd.f32 v3, v60  }
.Ltmp17:
0x190: {  	v1 =	vand.u32 $0xFFFF0000, v1;
	[tilespmem:s25+$0x4050] =	vst v7;
	v63 =	vmax.f32 v6, $0.0e+00;
	v4 =	vadd.f32 v61, v4;
	(pc) =	sbr.rel .LBB2_22-.Ltmp17, $4  }
0x191: {  	[tilespmem:s25+$0x4020] =	vst v63;
	v2 =	vmax.f32 v2, $0.0e+00;
	v1 =	vadd.f32 v1, v3  }
0x192: {  	[tilespmem:s25+$0x4060] =	vst v2;
	v2 =	vmax.f32 v4, $0.0e+00  }
0x193: {  	[tilespmem:s25+$0x4030] =	vst v2;
	v1 =	vmax.f32 v1, $0.0e+00  }
0x194: {  	[tilespmem:s25+$0x4070] =	vst v1;
	s25 =	simm.s32 $0x3000  }
.LBB2_12:
0x195: {  	_ =	swait.ge [sflag:s18], $0x1400  }
0x196: {  	[sflag:s18] =	ssyncset.done $0x0  }
0x197: {  	s25 =	simm.s32 $0x0;
	[sflag:s18] =	ssyncadd.s32 $0xFFFFEC00  }
0x198: {  	v9 =	vld [tilespmem:s25+$0xA400]  }
0x199: {  	v10 =	vld [tilespmem:s25+$0xA410]  }
0x19a: {  	v2 =	vld [tilespmem:s25+$0xA420]  }
0x19b: {  	v1 =	vld [tilespmem:s25+$0xA430]  }
0x19c: {  	v12 =	vld [tilespmem:s25+$0x5400]  }
0x19d: {  	v14 =	vld [tilespmem:s25+$0x5440]  }
0x19e: {  	v8 =	vld [tilespmem:s25+$0x5410]  }
0x19f: {  	v7 =	vld [tilespmem:s25+$0x5450]  }
0x1a0: {  	v6 =	vld [tilespmem:s25+$0x5420]  }
0x1a1: {  	v5 =	vld [tilespmem:s25+$0x5460]  }
0x1a2: {  	v4 =	vld [tilespmem:s25+$0x5430]  }
0x1a3: {  	v3 =	vld [tilespmem:s25+$0x5470]  }
0x1a4: {  	v15 =	vld [tilespmem:s25+$0x4000]  }
0x1a5: {  	p1 =	por $0x0, $0x0;
	v19 =	vld [tilespmem:s25+$0x4040]  }
.Ltmp18:
0x1a6: {  	v16 =	vld [tilespmem:s25+$0x4010];
	(pc) =	sbr.rel @p1 .LBB2_14-.Ltmp18, $4  }
0x1a7: {  	v13 =	vld [tilespmem:s25+$0x4050]  }
0x1a8: {  	v11 =	vld [tilespmem:s25+$0x4020];
	v18 =	vshll.u32 v9, $0x10  }
0x1a9: {  	v17 =	vand.u32 $0xFFFF0000, v9;
	v20 =	vadd.f32 v12, v15;
	v15 =	vshll.u32 v10, $0x10;
	v12 =	vld [tilespmem:s25+$0x4060]  }
0x1aa: {  	s26 =	simm.s32 $0x200;
	v19 =	vadd.f32 v14, v19;
	v14 =	vand.u32 $0xFFFF0000, v10;
	v9 =	vshll.u32 v2, $0x10;
	v10 =	vld [tilespmem:s25+$0x4030]  }
.LBB2_13:
0x1ab: {  	s10 =	sshra.s32 s26, $0x2;
	p1 =	seq.s32 s26, $0x4E00;
	v18 =	vadd.f32 v18, v20;
	v8 =	vadd.f32 v8, v16;
	v16 =	vand.u32 $0xFFFF0000, v2;
	v20 =	vld [tilespmem:s25+$0x4070]  }
0x1ac: {  	v21 =	vld [tilespmem:s10+$0xA400];
	v17 =	vadd.f32 v17, v19;
	v7 =	vadd.f32 v7, v13;
	v13 =	vshll.u32 v1, $0x10  }
0x1ad: {  	v22 =	vld [tilespmem:s10+$0xA410];
	v18 =	vmax.f32 v18, $0.0e+00;
	v8 =	vadd.f32 v15, v8;
	v6 =	vadd.f32 v6, v11  }
0x1ae: {  	v2 =	vld [tilespmem:s10+$0xA420];
	[tilespmem:s25+$0x4000] =	vst v18;
	v11 =	vmax.f32 v17, $0.0e+00;
	v7 =	vadd.f32 v14, v7;
	v5 =	vadd.f32 v5, v12  }
0x1af: {  	v12 =	vld [tilespmem:s10+$0xA430];
	[tilespmem:s25+$0x4040] =	vst v11;
	v8 =	vmax.f32 v8, $0.0e+00;
	v6 =	vadd.f32 v9, v6;
	v4 =	vadd.f32 v4, v10  }
0x1b0: {  	v9 =	vld [tilespmem:s10+$0x5400];
	[tilespmem:s25+$0x4010] =	vst v8;
	v7 =	vmax.f32 v7, $0.0e+00;
	v5 =	vadd.f32 v16, v5;
	v3 =	vadd.f32 v3, v20  }
0x1b1: {  	v1 =	vand.u32 $0xFFFF0000, v1;
	v10 =	vld [tilespmem:s10+$0x5440];
	[tilespmem:s25+$0x4050] =	vst v7;
	v6 =	vmax.f32 v6, $0.0e+00;
	v4 =	vadd.f32 v13, v4  }
0x1b2: {  	v8 =	vld [tilespmem:s10+$0x5410];
	[tilespmem:s25+$0x4020] =	vst v6;
	v5 =	vmax.f32 v5, $0.0e+00;
	v11 =	vadd.f32 v1, v3  }
0x1b3: {  	v7 =	vld [tilespmem:s10+$0x5450];
	[tilespmem:s25+$0x4060] =	vst v5;
	v3 =	vmax.f32 v4, $0.0e+00  }
0x1b4: {  	v6 =	vld [tilespmem:s10+$0x5420];
	[tilespmem:s25+$0x4030] =	vst v3;
	v3 =	vmax.f32 v11, $0.0e+00;
	v1 =	vmov v12  }
0x1b5: {  	v5 =	vld [tilespmem:s10+$0x5460];
	[tilespmem:s25+$0x4070] =	vst v3;
	s25 =	smov.u32 s10  }
0x1b6: {  	v4 =	vld [tilespmem:s25+$0x5430]  }
0x1b7: {  	v3 =	vld [tilespmem:s25+$0x5470]  }
0x1b8: {  	v12 =	vld [tilespmem:s25+$0x4000]  }
0x1b9: {  	v14 =	vld [tilespmem:s25+$0x4040]  }
.Ltmp19:
0x1ba: {  	v16 =	vld [tilespmem:s25+$0x4010];
	(pc) =	sbr.rel @!p1 .LBB2_13-.Ltmp19, $4  }
0x1bb: {  	v13 =	vld [tilespmem:s25+$0x4050]  }
0x1bc: {  	v18 =	vshll.u32 v21, $0x10;
	v11 =	vld [tilespmem:s25+$0x4020]  }
0x1bd: {  	v17 =	vand.u32 $0xFFFF0000, v21;
	v15 =	vshll.u32 v22, $0x10;
	v20 =	vadd.f32 v9, v12;
	v12 =	vld [tilespmem:s25+$0x4060]  }
0x1be: {  	s26 =	sadd.s32 $0x200, s26;
	v9 =	vshll.u32 v2, $0x10;
	v19 =	vadd.f32 v10, v14;
	v14 =	vand.u32 $0xFFFF0000, v22;
	v10 =	vld [tilespmem:s25+$0x4030]  }
.LBB2_14:
0x1bf: {  	v18 =	vadd.f32 v18, v20;
	v8 =	vadd.f32 v8, v16;
	v2 =	vand.u32 $0xFFFF0000, v2;
	v60 =	vld [tilespmem:s25+$0x4070]  }
0x1c0: {  	v61 =	vshll.u32 v1, $0x10;
	v17 =	vadd.f32 v17, v19;
	v7 =	vadd.f32 v7, v13  }
0x1c1: {  	v18 =	vmax.f32 v18, $0.0e+00;
	v8 =	vadd.f32 v15, v8;
	v6 =	vadd.f32 v6, v11  }
0x1c2: {  	[tilespmem:s25+$0x4000] =	vst v18;
	v62 =	vmax.f32 v17, $0.0e+00;
	v7 =	vadd.f32 v14, v7;
	v5 =	vadd.f32 v5, v12  }
0x1c3: {  	[tilespmem:s25+$0x4040] =	vst v62;
	v8 =	vmax.f32 v8, $0.0e+00;
	v6 =	vadd.f32 v9, v6;
	v4 =	vadd.f32 v4, v10  }
0x1c4: {  	[tilespmem:s25+$0x4010] =	vst v8;
	v7 =	vmax.f32 v7, $0.0e+00;
	v2 =	vadd.f32 v2, v5;
	v3 =	vadd.f32 v3, v60  }
0x1c5: {  	v1 =	vand.u32 $0xFFFF0000, v1;
	[tilespmem:s25+$0x4050] =	vst v7;
	v63 =	vmax.f32 v6, $0.0e+00;
	v4 =	vadd.f32 v61, v4  }
0x1c6: {  	[tilespmem:s25+$0x4020] =	vst v63;
	v2 =	vmax.f32 v2, $0.0e+00;
	v1 =	vadd.f32 v1, v3  }
0x1c7: {  	[tilespmem:s25+$0x4060] =	vst v2;
	v2 =	vmax.f32 v4, $0.0e+00  }
0x1c8: {  	[tilespmem:s25+$0x4030] =	vst v2;
	v1 =	vmax.f32 v1, $0.0e+00  }
0x1c9: {  	[tilespmem:s25+$0x4070] =	vst v1;
	s25 =	simm.s32 $0x1000  }
.LBB2_22:
0x1ca: {  	s10 =	sshll.u32 s22, $0x7  }
0x1cb: {  	s10 =	sadd.s32 s10, s25  }
0x1cc: {  	[spmem:s2] =	stream.indirect.scatter.add.f32 [tilespmem:s0], [sflag:$0x8], $0x80, s10, s11, $0xb8;
	[tilespmem:$0x1F800] =	vst v63  }
0x1cd: {  	_ =	swait.ge [sflag:s19], $0x1400  }
0x1ce: {  	[sflag:s19] =	ssyncset.done $0x0  }
0x1cf: {  	[sflag:s19] =	ssyncadd.s32 $0xFFFFEC00  }
.LBB2_23:
.Ltmp20:
0x1d0: {  	(pc) =	sbr.rel @!p0 .LBB2_41-.Ltmp20, $1  }
0x1d1: {  	_ =	sdelay $0x3  }
0x1d2: {  	s10 =	smulhi.u32 $0x51EB851F, s23;
	_ =	sdelay $0x1  }
0x1d3: {  	s10 =	sshrl.u32 s10, $0x3  }
0x1d4: {  	s10 =	sand.u32 $0x1, s10  }
0x1d5: {  	_ =	swait.ge [sflag:s20], $0x1400;
	p1 =	seq.s32 s10, $0x1  }
.Ltmp21:
0x1d6: {  	[sflag:s20] =	ssyncset.done $0x0;
	(pc) =	sbr.rel @!p1 .LBB2_25-.Ltmp21, $4  }
0x1d7: {  	[sflag:s20] =	ssyncadd.s32 $0xFFFFEC00  }
0x1d8: {  	_ =	swait.ge [sflag:s21], $0x1400  }
0x1d9: {  	s31 =	sand.u32 $0x2, s23;
	[sflag:s21] =	ssyncset.done $0x0  }
0x1da: {  	s23 =	simm.s32 $0x70;
	p0 =	sne.s32 s31, $0x0;
	[sflag:s21] =	ssyncadd.s32 $0xFFFFEC00  }
.Ltmp22:
0x1db: {  	(pc) =	sbr.rel @p0 .LBB2_37-.Ltmp22, $1  }
0x1dc: {  	_ =	sdelay $0x3  }
0x1dd: {  	v9 =	vld [tilespmem:s23+$0x8FD0]  }
0x1de: {  	v10 =	vld [tilespmem:s23+$0x8FE0]  }
0x1df: {  	v2 =	vld [tilespmem:s23+$0x8FF0]  }
0x1e0: {  	v1 =	vld [tilespmem:s23+$0x9000]  }
0x1e1: {  	v12 =	vld [tilespmem:s23+$0x7B90]  }
0x1e2: {  	v14 =	vld [tilespmem:s23+$0x7BD0]  }
0x1e3: {  	v8 =	vld [tilespmem:s23+$0x7BA0]  }
0x1e4: {  	v7 =	vld [tilespmem:s23+$0x7BE0]  }
0x1e5: {  	v6 =	vld [tilespmem:s23+$0x7BB0]  }
0x1e6: {  	v5 =	vld [tilespmem:s23+$0x7BF0]  }
0x1e7: {  	v4 =	vld [tilespmem:s23+$0x7BC0]  }
0x1e8: {  	v3 =	vld [tilespmem:s23+$0x7C00]  }
0x1e9: {  	v15 =	vld [tilespmem:s23+$0x6790]  }
0x1ea: {  	v19 =	vld [tilespmem:s23+$0x67D0];
	p0 =	por $0x0, $0x0  }
.Ltmp23:
0x1eb: {  	v16 =	vld [tilespmem:s23+$0x67A0];
	(pc) =	sbr.rel @p0 .LBB2_36-.Ltmp23, $4  }
0x1ec: {  	v13 =	vld [tilespmem:s23+$0x67E0]  }
0x1ed: {  	v11 =	vld [tilespmem:s23+$0x67B0];
	v18 =	vshll.u32 v9, $0x10  }
0x1ee: {  	v17 =	vand.u32 $0xFFFF0000, v9;
	v20 =	vadd.f32 v12, v15;
	v15 =	vshll.u32 v10, $0x10;
	v12 =	vld [tilespmem:s23+$0x67F0]  }
0x1ef: {  	s25 =	simm.s32 $0x3C0;
	v19 =	vadd.f32 v14, v19;
	v14 =	vand.u32 $0xFFFF0000, v10;
	v9 =	vshll.u32 v2, $0x10;
	v10 =	vld [tilespmem:s23+$0x67C0]  }
.LBB2_35:
0x1f0: {  	s10 =	sshra.s32 s25, $0x2;
	p0 =	seq.s32 s25, $0x4FC0;
	v18 =	vadd.f32 v18, v20;
	v8 =	vadd.f32 v8, v16;
	v16 =	vand.u32 $0xFFFF0000, v2;
	v20 =	vld [tilespmem:s23+$0x6800]  }
0x1f1: {  	v21 =	vld [tilespmem:s10+$0x8FD0];
	v17 =	vadd.f32 v17, v19;
	v7 =	vadd.f32 v7, v13;
	v13 =	vshll.u32 v1, $0x10  }
0x1f2: {  	v22 =	vld [tilespmem:s10+$0x8FE0];
	v18 =	vmax.f32 v18, $0.0e+00;
	v8 =	vadd.f32 v15, v8;
	v6 =	vadd.f32 v6, v11  }
0x1f3: {  	v2 =	vld [tilespmem:s10+$0x8FF0];
	[tilespmem:s23+$0x6790] =	vst v18;
	v11 =	vmax.f32 v17, $0.0e+00;
	v7 =	vadd.f32 v14, v7;
	v5 =	vadd.f32 v5, v12  }
0x1f4: {  	v12 =	vld [tilespmem:s10+$0x9000];
	[tilespmem:s23+$0x67D0] =	vst v11;
	v8 =	vmax.f32 v8, $0.0e+00;
	v6 =	vadd.f32 v9, v6;
	v4 =	vadd.f32 v4, v10  }
0x1f5: {  	v9 =	vld [tilespmem:s10+$0x7B90];
	[tilespmem:s23+$0x67A0] =	vst v8;
	v7 =	vmax.f32 v7, $0.0e+00;
	v5 =	vadd.f32 v16, v5;
	v3 =	vadd.f32 v3, v20  }
0x1f6: {  	v1 =	vand.u32 $0xFFFF0000, v1;
	v10 =	vld [tilespmem:s10+$0x7BD0];
	[tilespmem:s23+$0x67E0] =	vst v7;
	v6 =	vmax.f32 v6, $0.0e+00;
	v4 =	vadd.f32 v13, v4  }
0x1f7: {  	v8 =	vld [tilespmem:s10+$0x7BA0];
	[tilespmem:s23+$0x67B0] =	vst v6;
	v5 =	vmax.f32 v5, $0.0e+00;
	v11 =	vadd.f32 v1, v3  }
0x1f8: {  	v7 =	vld [tilespmem:s10+$0x7BE0];
	[tilespmem:s23+$0x67F0] =	vst v5;
	v3 =	vmax.f32 v4, $0.0e+00  }
0x1f9: {  	v6 =	vld [tilespmem:s10+$0x7BB0];
	[tilespmem:s23+$0x67C0] =	vst v3;
	v3 =	vmax.f32 v11, $0.0e+00;
	v1 =	vmov v12  }
0x1fa: {  	v5 =	vld [tilespmem:s10+$0x7BF0];
	[tilespmem:s23+$0x6800] =	vst v3;
	s23 =	smov.u32 s10  }
0x1fb: {  	v4 =	vld [tilespmem:s23+$0x7BC0]  }
0x1fc: {  	v3 =	vld [tilespmem:s23+$0x7C00]  }
0x1fd: {  	v12 =	vld [tilespmem:s23+$0x6790]  }
0x1fe: {  	v14 =	vld [tilespmem:s23+$0x67D0]  }
.Ltmp24:
0x1ff: {  	v16 =	vld [tilespmem:s23+$0x67A0];
	(pc) =	sbr.rel @!p0 .LBB2_35-.Ltmp24, $4  }
0x200: {  	v13 =	vld [tilespmem:s23+$0x67E0]  }
0x201: {  	v18 =	vshll.u32 v21, $0x10;
	v11 =	vld [tilespmem:s23+$0x67B0]  }
0x202: {  	v17 =	vand.u32 $0xFFFF0000, v21;
	v15 =	vshll.u32 v22, $0x10;
	v20 =	vadd.f32 v9, v12;
	v12 =	vld [tilespmem:s23+$0x67F0]  }
0x203: {  	s25 =	sadd.s32 $0x200, s25;
	v9 =	vshll.u32 v2, $0x10;
	v19 =	vadd.f32 v10, v14;
	v14 =	vand.u32 $0xFFFF0000, v22;
	v10 =	vld [tilespmem:s23+$0x67C0]  }
.LBB2_36:
0x204: {  	v18 =	vadd.f32 v18, v20;
	v8 =	vadd.f32 v8, v16;
	v2 =	vand.u32 $0xFFFF0000, v2;
	v60 =	vld [tilespmem:s23+$0x6800]  }
0x205: {  	v61 =	vshll.u32 v1, $0x10;
	v17 =	vadd.f32 v17, v19;
	v7 =	vadd.f32 v7, v13  }
0x206: {  	v18 =	vmax.f32 v18, $0.0e+00;
	v8 =	vadd.f32 v15, v8;
	v6 =	vadd.f32 v6, v11  }
0x207: {  	[tilespmem:s23+$0x6790] =	vst v18;
	v62 =	vmax.f32 v17, $0.0e+00;
	v7 =	vadd.f32 v14, v7;
	v5 =	vadd.f32 v5, v12  }
0x208: {  	[tilespmem:s23+$0x67D0] =	vst v62;
	v8 =	vmax.f32 v8, $0.0e+00;
	v6 =	vadd.f32 v9, v6;
	v4 =	vadd.f32 v4, v10  }
0x209: {  	[tilespmem:s23+$0x67A0] =	vst v8;
	v7 =	vmax.f32 v7, $0.0e+00;
	v2 =	vadd.f32 v2, v5;
	v3 =	vadd.f32 v3, v60  }
.Ltmp25:
0x20a: {  	v1 =	vand.u32 $0xFFFF0000, v1;
	[tilespmem:s23+$0x67E0] =	vst v7;
	v63 =	vmax.f32 v6, $0.0e+00;
	v4 =	vadd.f32 v61, v4;
	(pc) =	sbr.rel .LBB2_40-.Ltmp25, $4  }
0x20b: {  	[tilespmem:s23+$0x67B0] =	vst v63;
	v2 =	vmax.f32 v2, $0.0e+00;
	v1 =	vadd.f32 v1, v3  }
0x20c: {  	[tilespmem:s23+$0x67F0] =	vst v2;
	v2 =	vmax.f32 v4, $0.0e+00  }
0x20d: {  	[tilespmem:s23+$0x67C0] =	vst v2;
	v1 =	vmax.f32 v1, $0.0e+00  }
0x20e: {  	s25 =	simm.s32 $0x3000;
	[tilespmem:s23+$0x6800] =	vst v1;
	s23 =	simm.s32 $0x7  }
.LBB2_25:
.Ltmp26:
0x20f: {  	(pc) =	sbr.rel @p0 .LBB2_29-.Ltmp26, $1  }
0x210: {  	_ =	sdelay $0x3  }
0x211: {  	v9 =	vld [tilespmem:s23+$0x8FD0]  }
0x212: {  	v10 =	vld [tilespmem:s23+$0x8FE0]  }
0x213: {  	v2 =	vld [tilespmem:s23+$0x8FF0]  }
0x214: {  	v1 =	vld [tilespmem:s23+$0x9000]  }
0x215: {  	v11 =	vld [tilespmem:s23+$0x7B90]  }
0x216: {  	v14 =	vld [tilespmem:s23+$0x7BD0]  }
0x217: {  	v8 =	vld [tilespmem:s23+$0x7BA0]  }
0x218: {  	v7 =	vld [tilespmem:s23+$0x7BE0]  }
0x219: {  	v6 =	vld [tilespmem:s23+$0x7BB0]  }
0x21a: {  	v5 =	vld [tilespmem:s23+$0x7BF0]  }
0x21b: {  	v4 =	vld [tilespmem:s23+$0x7BC0]  }
0x21c: {  	v3 =	vld [tilespmem:s23+$0x7C00]  }
0x21d: {  	v15 =	vld [tilespmem:s23+$0x6790]  }
0x21e: {  	v19 =	vld [tilespmem:s23+$0x67D0]  }
0x21f: {  	v16 =	vld [tilespmem:s23+$0x67A0]  }
0x220: {  	v13 =	vld [tilespmem:s23+$0x67E0]  }
0x221: {  	v12 =	vld [tilespmem:s23+$0x67B0];
	v18 =	vshll.u32 v9, $0x10  }
0x222: {  	v17 =	vand.u32 $0xFFFF0000, v9;
	v20 =	vadd.f32 v11, v15;
	v15 =	vshll.u32 v10, $0x10;
	v11 =	vld [tilespmem:s23+$0x67F0]  }
0x223: {  	s25 =	simm.s32 $0x3C0;
	v19 =	vadd.f32 v14, v19;
	v14 =	vand.u32 $0xFFFF0000, v10;
	v9 =	vshll.u32 v2, $0x10;
	v10 =	vld [tilespmem:s23+$0x67C0]  }
.LBB2_27:
0x224: {  	s10 =	sshra.s32 s25, $0x2;
	p0 =	seq.s32 s25, $0x4FC0;
	v18 =	vadd.f32 v18, v20;
	v8 =	vadd.f32 v8, v16;
	v16 =	vand.u32 $0xFFFF0000, v2;
	v20 =	vld [tilespmem:s23+$0x6800]  }
0x225: {  	v21 =	vld [tilespmem:s10+$0x8FD0];
	v17 =	vadd.f32 v17, v19;
	v7 =	vadd.f32 v7, v13;
	v13 =	vshll.u32 v1, $0x10  }
0x226: {  	v22 =	vld [tilespmem:s10+$0x8FE0];
	v18 =	vmax.f32 v18, $0.0e+00;
	v8 =	vadd.f32 v15, v8;
	v6 =	vadd.f32 v6, v12  }
0x227: {  	v2 =	vld [tilespmem:s10+$0x8FF0];
	[tilespmem:s23+$0x6790] =	vst v18;
	v12 =	vmax.f32 v17, $0.0e+00;
	v7 =	vadd.f32 v14, v7;
	v5 =	vadd.f32 v5, v11  }
0x228: {  	v11 =	vld [tilespmem:s10+$0x9000];
	[tilespmem:s23+$0x67D0] =	vst v12;
	v8 =	vmax.f32 v8, $0.0e+00;
	v6 =	vadd.f32 v9, v6;
	v4 =	vadd.f32 v4, v10  }
0x229: {  	v9 =	vld [tilespmem:s10+$0x7B90];
	[tilespmem:s23+$0x67A0] =	vst v8;
	v7 =	vmax.f32 v7, $0.0e+00;
	v5 =	vadd.f32 v16, v5;
	v3 =	vadd.f32 v3, v20  }
0x22a: {  	v1 =	vand.u32 $0xFFFF0000, v1;
	v10 =	vld [tilespmem:s10+$0x7BD0];
	[tilespmem:s23+$0x67E0] =	vst v7;
	v6 =	vmax.f32 v6, $0.0e+00;
	v4 =	vadd.f32 v13, v4  }
0x22b: {  	v8 =	vld [tilespmem:s10+$0x7BA0];
	[tilespmem:s23+$0x67B0] =	vst v6;
	v5 =	vmax.f32 v5, $0.0e+00;
	v12 =	vadd.f32 v1, v3  }
0x22c: {  	v7 =	vld [tilespmem:s10+$0x7BE0];
	[tilespmem:s23+$0x67F0] =	vst v5;
	v3 =	vmax.f32 v4, $0.0e+00  }
0x22d: {  	v6 =	vld [tilespmem:s10+$0x7BB0];
	[tilespmem:s23+$0x67C0] =	vst v3;
	v3 =	vmax.f32 v12, $0.0e+00;
	v1 =	vmov v11  }
0x22e: {  	v5 =	vld [tilespmem:s10+$0x7BF0];
	[tilespmem:s23+$0x6800] =	vst v3;
	s23 =	smov.u32 s10  }
0x22f: {  	v4 =	vld [tilespmem:s23+$0x7BC0]  }
0x230: {  	v3 =	vld [tilespmem:s23+$0x7C00]  }
0x231: {  	v11 =	vld [tilespmem:s23+$0x6790]  }
0x232: {  	v14 =	vld [tilespmem:s23+$0x67D0]  }
.Ltmp27:
0x233: {  	v16 =	vld [tilespmem:s23+$0x67A0];
	(pc) =	sbr.rel @!p0 .LBB2_27-.Ltmp27, $4  }
0x234: {  	v13 =	vld [tilespmem:s23+$0x67E0]  }
0x235: {  	v18 =	vshll.u32 v21, $0x10;
	v12 =	vld [tilespmem:s23+$0x67B0]  }
0x236: {  	v17 =	vand.u32 $0xFFFF0000, v21;
	v15 =	vshll.u32 v22, $0x10;
	v20 =	vadd.f32 v9, v11;
	v11 =	vld [tilespmem:s23+$0x67F0]  }
0x237: {  	s25 =	sadd.s32 $0x200, s25;
	v9 =	vshll.u32 v2, $0x10;
	v19 =	vadd.f32 v10, v14;
	v14 =	vand.u32 $0xFFFF0000, v22;
	v10 =	vld [tilespmem:s23+$0x67C0]  }
0x238: {  	v18 =	vadd.f32 v18, v20;
	v8 =	vadd.f32 v8, v16;
	v2 =	vand.u32 $0xFFFF0000, v2;
	v60 =	vld [tilespmem:s23+$0x6800]  }
0x239: {  	v61 =	vshll.u32 v1, $0x10;
	v17 =	vadd.f32 v17, v19;
	v7 =	vadd.f32 v7, v13  }
0x23a: {  	v18 =	vmax.f32 v18, $0.0e+00;
	v8 =	vadd.f32 v15, v8;
	v6 =	vadd.f32 v6, v12  }
0x23b: {  	[tilespmem:s23+$0x6790] =	vst v18;
	v62 =	vmax.f32 v17, $0.0e+00;
	v7 =	vadd.f32 v14, v7;
	v5 =	vadd.f32 v5, v11  }
0x23c: {  	[tilespmem:s23+$0x67D0] =	vst v62;
	v8 =	vmax.f32 v8, $0.0e+00;
	v6 =	vadd.f32 v9, v6;
	v4 =	vadd.f32 v4, v10  }
0x23d: {  	[tilespmem:s23+$0x67A0] =	vst v8;
	v7 =	vmax.f32 v7, $0.0e+00;
	v2 =	vadd.f32 v2, v5;
	v3 =	vadd.f32 v3, v60  }
.Ltmp28:
0x23e: {  	v1 =	vand.u32 $0xFFFF0000, v1;
	[tilespmem:s23+$0x67E0] =	vst v7;
	v63 =	vmax.f32 v6, $0.0e+00;
	v4 =	vadd.f32 v61, v4;
	(pc) =	sbr.rel .LBB2_32-.Ltmp28, $4  }
0x23f: {  	[tilespmem:s23+$0x67B0] =	vst v63;
	v2 =	vmax.f32 v2, $0.0e+00;
	v1 =	vadd.f32 v1, v3  }
0x240: {  	[tilespmem:s23+$0x67F0] =	vst v2;
	v2 =	vmax.f32 v4, $0.0e+00  }
0x241: {  	[tilespmem:s23+$0x67C0] =	vst v2;
	v1 =	vmax.f32 v1, $0.0e+00  }
0x242: {  	[tilespmem:s23+$0x6800] =	vst v1  }
.LBB2_37:
0x243: {  	v9 =	vld [tilespmem:s23+$0xA3D0]  }
0x244: {  	v10 =	vld [tilespmem:s23+$0xA3E0]  }
0x245: {  	v2 =	vld [tilespmem:s23+$0xA3F0]  }
0x246: {  	v1 =	vld [tilespmem:s23+$0xA400]  }
0x247: {  	v11 =	vld [tilespmem:s23+$0x7B90]  }
0x248: {  	v14 =	vld [tilespmem:s23+$0x7BD0]  }
0x249: {  	v8 =	vld [tilespmem:s23+$0x7BA0]  }
0x24a: {  	v7 =	vld [tilespmem:s23+$0x7BE0]  }
0x24b: {  	v6 =	vld [tilespmem:s23+$0x7BB0]  }
0x24c: {  	v5 =	vld [tilespmem:s23+$0x7BF0]  }
0x24d: {  	v4 =	vld [tilespmem:s23+$0x7BC0]  }
0x24e: {  	v3 =	vld [tilespmem:s23+$0x7C00]  }
0x24f: {  	v15 =	vld [tilespmem:s23+$0x6790]  }
0x250: {  	v19 =	vld [tilespmem:s23+$0x67D0]  }
0x251: {  	v16 =	vld [tilespmem:s23+$0x67A0]  }
0x252: {  	v13 =	vld [tilespmem:s23+$0x67E0]  }
0x253: {  	v12 =	vld [tilespmem:s23+$0x67B0];
	v18 =	vshll.u32 v9, $0x10  }
0x254: {  	v17 =	vand.u32 $0xFFFF0000, v9;
	v20 =	vadd.f32 v11, v15;
	v15 =	vshll.u32 v10, $0x10;
	v11 =	vld [tilespmem:s23+$0x67F0]  }
0x255: {  	s25 =	simm.s32 $0x3C0;
	v19 =	vadd.f32 v14, v19;
	v14 =	vand.u32 $0xFFFF0000, v10;
	v9 =	vshll.u32 v2, $0x10;
	v10 =	vld [tilespmem:s23+$0x67C0]  }
.LBB2_38:
0x256: {  	s10 =	sshra.s32 s25, $0x2;
	p0 =	sne.s32 s25, $0x4FC0;
	v18 =	vadd.f32 v18, v20;
	v8 =	vadd.f32 v8, v16;
	v16 =	vand.u32 $0xFFFF0000, v2;
	v20 =	vld [tilespmem:s23+$0x6800]  }
0x257: {  	v21 =	vld [tilespmem:s10+$0xA3D0];
	v17 =	vadd.f32 v17, v19;
	v7 =	vadd.f32 v7, v13;
	v13 =	vshll.u32 v1, $0x10  }
0x258: {  	v22 =	vld [tilespmem:s10+$0xA3E0];
	v18 =	vmax.f32 v18, $0.0e+00;
	v8 =	vadd.f32 v15, v8;
	v6 =	vadd.f32 v6, v12  }
0x259: {  	v2 =	vld [tilespmem:s10+$0xA3F0];
	[tilespmem:s23+$0x6790] =	vst v18;
	v12 =	vmax.f32 v17, $0.0e+00;
	v7 =	vadd.f32 v14, v7;
	v5 =	vadd.f32 v5, v11  }
0x25a: {  	v11 =	vld [tilespmem:s10+$0xA400];
	[tilespmem:s23+$0x67D0] =	vst v12;
	v8 =	vmax.f32 v8, $0.0e+00;
	v6 =	vadd.f32 v9, v6;
	v4 =	vadd.f32 v4, v10  }
0x25b: {  	v9 =	vld [tilespmem:s10+$0x7B90];
	[tilespmem:s23+$0x67A0] =	vst v8;
	v7 =	vmax.f32 v7, $0.0e+00;
	v5 =	vadd.f32 v16, v5;
	v3 =	vadd.f32 v3, v20  }
0x25c: {  	v1 =	vand.u32 $0xFFFF0000, v1;
	v10 =	vld [tilespmem:s10+$0x7BD0];
	[tilespmem:s23+$0x67E0] =	vst v7;
	v6 =	vmax.f32 v6, $0.0e+00;
	v4 =	vadd.f32 v13, v4  }
0x25d: {  	v8 =	vld [tilespmem:s10+$0x7BA0];
	[tilespmem:s23+$0x67B0] =	vst v6;
	v5 =	vmax.f32 v5, $0.0e+00;
	v12 =	vadd.f32 v1, v3  }
0x25e: {  	v7 =	vld [tilespmem:s10+$0x7BE0];
	[tilespmem:s23+$0x67F0] =	vst v5;
	v3 =	vmax.f32 v4, $0.0e+00  }
0x25f: {  	v6 =	vld [tilespmem:s10+$0x7BB0];
	[tilespmem:s23+$0x67C0] =	vst v3;
	v3 =	vmax.f32 v12, $0.0e+00;
	v1 =	vmov v11  }
0x260: {  	v5 =	vld [tilespmem:s10+$0x7BF0];
	[tilespmem:s23+$0x6800] =	vst v3;
	s23 =	smov.u32 s10  }
0x261: {  	v4 =	vld [tilespmem:s23+$0x7BC0]  }
0x262: {  	v3 =	vld [tilespmem:s23+$0x7C00]  }
0x263: {  	v11 =	vld [tilespmem:s23+$0x6790]  }
0x264: {  	v14 =	vld [tilespmem:s23+$0x67D0]  }
.Ltmp29:
0x265: {  	v16 =	vld [tilespmem:s23+$0x67A0];
	(pc) =	sbr.rel @p0 .LBB2_38-.Ltmp29, $4  }
0x266: {  	v13 =	vld [tilespmem:s23+$0x67E0]  }
0x267: {  	v18 =	vshll.u32 v21, $0x10;
	v12 =	vld [tilespmem:s23+$0x67B0]  }
0x268: {  	v17 =	vand.u32 $0xFFFF0000, v21;
	v15 =	vshll.u32 v22, $0x10;
	v20 =	vadd.f32 v9, v11;
	v11 =	vld [tilespmem:s23+$0x67F0]  }
0x269: {  	s25 =	sadd.s32 $0x200, s25;
	v9 =	vshll.u32 v2, $0x10;
	v19 =	vadd.f32 v10, v14;
	v14 =	vand.u32 $0xFFFF0000, v22;
	v10 =	vld [tilespmem:s23+$0x67C0]  }
0x26a: {  	v18 =	vadd.f32 v18, v20;
	v8 =	vadd.f32 v8, v16;
	v2 =	vand.u32 $0xFFFF0000, v2;
	v60 =	vld [tilespmem:s23+$0x6800]  }
0x26b: {  	v61 =	vshll.u32 v1, $0x10;
	v17 =	vadd.f32 v17, v19;
	v7 =	vadd.f32 v7, v13  }
0x26c: {  	v18 =	vmax.f32 v18, $0.0e+00;
	v8 =	vadd.f32 v15, v8;
	v6 =	vadd.f32 v6, v12  }
0x26d: {  	[tilespmem:s23+$0x6790] =	vst v18;
	v62 =	vmax.f32 v17, $0.0e+00;
	v7 =	vadd.f32 v14, v7;
	v5 =	vadd.f32 v5, v11  }
0x26e: {  	[tilespmem:s23+$0x67D0] =	vst v62;
	v8 =	vmax.f32 v8, $0.0e+00;
	v6 =	vadd.f32 v9, v6;
	v4 =	vadd.f32 v4, v10  }
0x26f: {  	[tilespmem:s23+$0x67A0] =	vst v8;
	v7 =	vmax.f32 v7, $0.0e+00;
	v2 =	vadd.f32 v2, v5;
	v3 =	vadd.f32 v3, v60  }
.Ltmp30:
0x270: {  	v1 =	vand.u32 $0xFFFF0000, v1;
	[tilespmem:s23+$0x67E0] =	vst v7;
	v63 =	vmax.f32 v6, $0.0e+00;
	v4 =	vadd.f32 v61, v4;
	(pc) =	sbr.rel .LBB2_40-.Ltmp30, $4  }
0x271: {  	[tilespmem:s23+$0x67B0] =	vst v63;
	v2 =	vmax.f32 v2, $0.0e+00;
	v1 =	vadd.f32 v1, v3  }
0x272: {  	[tilespmem:s23+$0x67F0] =	vst v2;
	v2 =	vmax.f32 v4, $0.0e+00  }
0x273: {  	[tilespmem:s23+$0x67C0] =	vst v2;
	v1 =	vmax.f32 v1, $0.0e+00  }
0x274: {  	s25 =	simm.s32 $0x3000;
	[tilespmem:s23+$0x6800] =	vst v1;
	s23 =	simm.s32 $0x7  }
.LBB2_29:
0x275: {  	v9 =	vld [tilespmem:s23+$0xA3D0]  }
0x276: {  	v10 =	vld [tilespmem:s23+$0xA3E0]  }
0x277: {  	v2 =	vld [tilespmem:s23+$0xA3F0]  }
0x278: {  	v1 =	vld [tilespmem:s23+$0xA400]  }
0x279: {  	v11 =	vld [tilespmem:s23+$0x7B90]  }
0x27a: {  	v14 =	vld [tilespmem:s23+$0x7BD0]  }
0x27b: {  	v8 =	vld [tilespmem:s23+$0x7BA0]  }
0x27c: {  	v7 =	vld [tilespmem:s23+$0x7BE0]  }
0x27d: {  	v6 =	vld [tilespmem:s23+$0x7BB0]  }
0x27e: {  	v5 =	vld [tilespmem:s23+$0x7BF0]  }
0x27f: {  	v4 =	vld [tilespmem:s23+$0x7BC0]  }
0x280: {  	v3 =	vld [tilespmem:s23+$0x7C00]  }
0x281: {  	v15 =	vld [tilespmem:s23+$0x6790]  }
0x282: {  	v19 =	vld [tilespmem:s23+$0x67D0]  }
0x283: {  	v16 =	vld [tilespmem:s23+$0x67A0]  }
0x284: {  	v13 =	vld [tilespmem:s23+$0x67E0]  }
0x285: {  	v12 =	vld [tilespmem:s23+$0x67B0];
	v18 =	vshll.u32 v9, $0x10  }
0x286: {  	v17 =	vand.u32 $0xFFFF0000, v9;
	v20 =	vadd.f32 v11, v15;
	v15 =	vshll.u32 v10, $0x10;
	v11 =	vld [tilespmem:s23+$0x67F0]  }
0x287: {  	s25 =	simm.s32 $0x3C0;
	v19 =	vadd.f32 v14, v19;
	v14 =	vand.u32 $0xFFFF0000, v10;
	v9 =	vshll.u32 v2, $0x10;
	v10 =	vld [tilespmem:s23+$0x67C0]  }
.LBB2_30:
0x288: {  	s10 =	sshra.s32 s25, $0x2;
	p0 =	sne.s32 s25, $0x4FC0;
	v18 =	vadd.f32 v18, v20;
	v8 =	vadd.f32 v8, v16;
	v16 =	vand.u32 $0xFFFF0000, v2;
	v20 =	vld [tilespmem:s23+$0x6800]  }
0x289: {  	v17 =	vadd.f32 v17, v19;
	v7 =	vadd.f32 v7, v13;
	v13 =	vshll.u32 v1, $0x10;
	v21 =	vld [tilespmem:s10+$0xA3D0]  }
0x28a: {  	v6 =	vadd.f32 v6, v12;
	v22 =	vld [tilespmem:s10+$0xA3E0];
	v18 =	vmax.f32 v18, $0.0e+00;
	v8 =	vadd.f32 v15, v8  }
0x28b: {  	v5 =	vadd.f32 v5, v11;
	v12 =	vmax.f32 v17, $0.0e+00;
	v7 =	vadd.f32 v14, v7;
	v2 =	vld [tilespmem:s10+$0xA3F0];
	[tilespmem:s23+$0x6790] =	vst v18  }
0x28c: {  	v4 =	vadd.f32 v4, v10;
	v6 =	vadd.f32 v9, v6;
	v11 =	vld [tilespmem:s10+$0xA400];
	[tilespmem:s23+$0x67D0] =	vst v12;
	v8 =	vmax.f32 v8, $0.0e+00  }
0x28d: {  	v5 =	vadd.f32 v16, v5;
	v7 =	vmax.f32 v7, $0.0e+00;
	v9 =	vld [tilespmem:s10+$0x7B90];
	[tilespmem:s23+$0x67A0] =	vst v8;
	v3 =	vadd.f32 v3, v20  }
0x28e: {  	v1 =	vand.u32 $0xFFFF0000, v1;
	v4 =	vadd.f32 v13, v4;
	v6 =	vmax.f32 v6, $0.0e+00;
	v10 =	vld [tilespmem:s10+$0x7BD0];
	[tilespmem:s23+$0x67E0] =	vst v7  }
0x28f: {  	v5 =	vmax.f32 v5, $0.0e+00;
	v8 =	vld [tilespmem:s10+$0x7BA0];
	[tilespmem:s23+$0x67B0] =	vst v6;
	v12 =	vadd.f32 v1, v3  }
0x290: {  	v3 =	vmax.f32 v4, $0.0e+00;
	v7 =	vld [tilespmem:s10+$0x7BE0];
	[tilespmem:s23+$0x67F0] =	vst v5  }
0x291: {  	v6 =	vld [tilespmem:s10+$0x7BB0];
	[tilespmem:s23+$0x67C0] =	vst v3;
	v3 =	vmax.f32 v12, $0.0e+00;
	v1 =	vmov v11  }
0x292: {  	v5 =	vld [tilespmem:s10+$0x7BF0];
	[tilespmem:s23+$0x6800] =	vst v3;
	s23 =	smov.u32 s10  }
0x293: {  	v4 =	vld [tilespmem:s23+$0x7BC0]  }
0x294: {  	v3 =	vld [tilespmem:s23+$0x7C00]  }
0x295: {  	v11 =	vld [tilespmem:s23+$0x6790]  }
0x296: {  	v14 =	vld [tilespmem:s23+$0x67D0]  }
.Ltmp31:
0x297: {  	v16 =	vld [tilespmem:s23+$0x67A0];
	(pc) =	sbr.rel @p0 .LBB2_30-.Ltmp31, $4  }
0x298: {  	v13 =	vld [tilespmem:s23+$0x67E0]  }
0x299: {  	v18 =	vshll.u32 v21, $0x10;
	v12 =	vld [tilespmem:s23+$0x67B0]  }
0x29a: {  	v17 =	vand.u32 $0xFFFF0000, v21;
	v15 =	vshll.u32 v22, $0x10;
	v20 =	vadd.f32 v9, v11;
	v11 =	vld [tilespmem:s23+$0x67F0]  }
0x29b: {  	s25 =	sadd.s32 $0x200, s25;
	v9 =	vshll.u32 v2, $0x10;
	v19 =	vadd.f32 v10, v14;
	v14 =	vand.u32 $0xFFFF0000, v22;
	v10 =	vld [tilespmem:s23+$0x67C0]  }
.Ltmp32:
0x29c: {  	_ = 	snop;
	(pc) =	sbr.rel .LBB2_31-.Ltmp32, $1  }
0x29d: {  	_ =	sdelay $0x3  }
.LBB2_43:
0x29e: {  	_ =	sfence.sel $0x180000  }
0x29f: {  	[bflag:$0x0] =	sbarrier.arrive $0xFFFF  }
0x2a0: {  	_ =	strace $0x90000047  }
0x2a1: {  	s0 =	stileid.u32;
	[bflag:$0x2] =	sbarrier.arrive $0xFFFF  }
0x2a2: {  	p0 =	sne.s32 s0, $0x0;
	s0 =	rddreg [dreg:$0x3]  }
0x2a3: {  	s0 =	sadd.s32 @!p0 $0x100000, s0  }
0x2a4: {  	[sflag:s0] =	ssyncadd.tile.s32 @!p0 $0x1;
	_ =	shalt  }
.Lfunc_end2:
_tile_overlayer_lowered:
.L_overlay_start_2:
0x2a5: {  	(tag) =	ssettag $0x2  }
0x2a6: {  	s0 =	rddreg [dreg:$0x0];
	s2 =	stileid.u32  }
0x2a7: {  	s1 =	rddreg [dreg:$0x1];
	p0 =	sne.s32 s2, $0x0  }
0x2a8: {  	s3 =	rddreg [dreg:$0x2];
	[bflag:$0x3] =	sbarrier.arrive $0xFFFF;
	s2 =	simm.s32 @!p0 $0x1C07  }
0x2a9: {  	[timem:s3], [sflag:s2] =	dma.local @!p0 [hbm:s0], s1  }
0x2aa: {  	s0 =	simm.s32 @!p0 $0x7  }
0x2ab: {  	_ =	swait.ge @!p0 [sflag:s0], s1  }
0x2ac: {  	s1 =	ssub.s32 @!p0 $0x0, s1;
	[sflag:s0] =	ssyncset.done @!p0 $0x0  }
0x2ad: {  	[sflag:s0] =	ssyncadd.s32 @!p0 s1  }
0x2ae: {  	[bflag:$0x3] =	sbarrier.arrive $0xFFFF  }
0x2af: {  	_ =	shalt  }

</sc_bundles>
